<compile_context>
chip_gen: v7x
topology: tpu7x:2x2x1
jax: 0.10.2.dev20260603
libtpu: 0.0.44.dev20260713+nightly
codegen_flags: <defaults>
</compile_context>

<pallas_src>
import functools

import jax
import jax.numpy as jnp
from jax import lax
from jax.experimental import pallas as pl
from jax.experimental.pallas import tpu as pltpu
from jax.experimental.pallas import tpu_sc as plsc

N = 512
E = 4096
H = 16
NC = 2
NS = 16
NW = NC * NS
SRC_PER_W = N // NW


def _sc_body(eu_hbm, ev_hbm, ea_hbm, w_hbm, b_hbm, out_hbm,
             eu_v, ev_v, ea_v, w_v, b_v, cnt_v, ptr_v, wptr_v, col_v,
             enc_v, enc_t, lvl_v, s_t, norm_v, recip_v):
    wid = lax.axis_index("s") * NC + lax.axis_index("c")
    lane = lax.iota(jnp.int32, H)
    mask0 = lane == 0
    lane01 = jnp.minimum(lane, 1)
    lane03 = jnp.minimum(lane, 3)

    def sload(ref, idx):
        return plsc.load_gather(ref, [jnp.full((H,), idx, jnp.int32)])[0]

    def sstore(ref, idx, val):
        plsc.store_scatter(ref, [jnp.full((H,), idx, jnp.int32)],
                           jnp.full((H,), val), mask=mask0)

    def row16(ref, r):
        return plsc.load_gather(ref, [r * H + lane])

    pltpu.sync_copy(eu_hbm, eu_v)
    pltpu.sync_copy(ev_hbm, ev_v)
    pltpu.sync_copy(ea_hbm, ea_v)
    pltpu.sync_copy(w_hbm, w_v)
    pltpu.sync_copy(b_hbm, b_v)

    zeros16i = jnp.zeros((H,), jnp.int32)
    ones16i = jnp.ones((H,), jnp.int32)
    zerof = jnp.zeros((H,), jnp.float32)
    minus1 = jnp.full((H,), -1, jnp.int32)

    for k in range(N // H):
        cnt_v[pl.ds(k * H, H)] = zeros16i

    def count_body(eb, _):
        u_vec = plsc.load_gather(eu_v, [eb * H + lane])
        plsc.addupdate_scatter(cnt_v, [u_vec], ones16i)
        return 0
    lax.fori_loop(0, E // H, count_body, 0)

    sstore(ptr_v, 0, jnp.int32(0))

    def prefix_body(k, carry):
        c = plsc.load_gather(cnt_v, [k * H + lane])
        incl = plsc.cumsum(c) + carry
        plsc.store_scatter(ptr_v, [k * H + 1 + lane], incl)
        plsc.store_scatter(wptr_v, [k * H + lane], incl - c)
        return incl[H - 1]
    lax.fori_loop(0, N // H, prefix_body, jnp.int32(0))

    def place_body(kb, _):
        uv = plsc.load_gather(eu_v, [kb * H + lane])
        vv = plsc.load_gather(ev_v, [kb * H + lane])
        occ, lastm = plsc.scan_count(uv)
        pos = plsc.load_gather(wptr_v, [uv]) + occ - 1
        plsc.store_scatter(col_v, [pos], vv)
        plsc.store_scatter(wptr_v, [uv], pos + 1, mask=lastm)
        return 0
    lax.fori_loop(0, E // H, place_body, 0)

    bb = b_v[:]
    wr0 = w_v[pl.ds(0 * H, H)]
    wr1 = w_v[pl.ds(1 * H, H)]
    wr2 = w_v[pl.ds(2 * H, H)]
    wr3 = w_v[pl.ds(3 * H, H)]

    def enc_body(j, _):
        av = plsc.load_gather(ea_v, [4 * j + lane03])
        row = bb + av[0] * wr0 + av[1] * wr1 + av[2] * wr2 + av[3] * wr3
        plsc.store_scatter(enc_v, [j * H + lane], row)
        plsc.store_scatter(enc_t, [lane * N + j], row)
        return 0
    lax.fori_loop(0, N, enc_body, 0)

    def recip_body(k, _):
        d = k * H + lane
        r = 1.0 / (d + 1).astype(jnp.float32)
        plsc.store_scatter(recip_v, [d], r)
        return 0
    lax.fori_loop(0, N // H, recip_body, 0)

    def pop_node(p, e0, e1, wvec):

        def blk(base):
            eidx = jnp.minimum(base + lane, E - 1)
            valid = (base + lane) < e1
            jv = plsc.load_gather(col_v, [eidx])
            lvj = plsc.load_gather(lvl_v, [jv])
            cand = jnp.logical_and(valid, lvj < 0)
            plsc.store_scatter(lvl_v, [jv], wvec, mask=cand)

        blk(e0)

        @pl.when(e1 - e0 > H)
        def _():
            def blk_body(t, _):
                blk(e0 + t * H)
                return 0
            nb = (e1 - e0 + (H - 1)) // H
            lax.fori_loop(1, nb, blk_body, 0)

    def src_body(s, _):
        i = wid * SRC_PER_W + s

        for k in range(N // H):
            lvl_v[pl.ds(k * H, H)] = minus1

        sstore(lvl_v, i, jnp.int32(0))
        plsc.store_scatter(s_t, [lane * N + i], row16(enc_v, i))

        pe_i = plsc.load_gather(ptr_v, [i + lane01])
        pop_node(i, pe_i[0], pe_i[1], jnp.full((H,), (1 << 16) + i))

        def lvl_cond(c):
            level, found = c
            return found

        def lvl_body(c):
            level, _ = c
            wbase = level * 65536
            lm1 = level - 1

            def scan_body(k, found):
                nodes = k * H + lane
                lv = plsc.load_gather(lvl_v, [nodes])
                fm = (lv >> 16) == lm1
                anyf = jnp.any(fm)

                def have(_):
                    lp0 = plsc.all_reduce_ffs(fm)[0]
                    fm1 = jnp.logical_and(fm, lane != lp0)
                    p0 = k * H + lp0
                    pep0 = plsc.load_gather(ptr_v, [p0 + lane01])
                    jv0 = plsc.load_gather(
                        col_v, [jnp.minimum(pep0[0] + lane, E - 1)])

                    def pop_cond(c2):
                        return c2[0]

                    def pop_body(c2):
                        _, fmm, p, e0, e1, jv = c2
                        nxt = jnp.any(fmm)
                        lpn = plsc.all_reduce_ffs(fmm)[0]
                        fmm2 = jnp.logical_and(fmm, lane != lpn)
                        pn = jnp.minimum(k * H + lpn, N - 1)
                        pepn = plsc.load_gather(ptr_v, [pn + lane01])
                        jvn = plsc.load_gather(
                            col_v, [jnp.minimum(pepn[0] + lane, E - 1)])

                        valid = (e0 + lane) < e1
                        lvj = plsc.load_gather(lvl_v, [jv])
                        cand = jnp.logical_and(valid, lvj < 0)
                        plsc.store_scatter(lvl_v, [jv],
                                           jnp.full((H,), wbase + p),
                                           mask=cand)

                        @pl.when(e1 - e0 > H)
                        def _():
                            def blk_body(t, _):
                                base = e0 + t * H
                                eidx = jnp.minimum(base + lane, E - 1)
                                vld2 = (base + lane) < e1
                                jv2 = plsc.load_gather(col_v, [eidx])
                                lvj2 = plsc.load_gather(lvl_v, [jv2])
                                cnd2 = jnp.logical_and(vld2, lvj2 < 0)
                                plsc.store_scatter(
                                    lvl_v, [jv2],
                                    jnp.full((H,), wbase + p), mask=cnd2)
                                return 0
                            nb = (e1 - e0 + (H - 1)) // H
                            lax.fori_loop(1, nb, blk_body, 0)

                        return nxt, fmm2, pn, pepn[0], pepn[1], jvn

                    lax.while_loop(pop_cond, pop_body,
                                   (True, fm1, p0, pep0[0], pep0[1], jv0))
                    return 0

                lax.cond(anyf, have, lambda _: 0, 0)
                return jnp.logical_or(found, anyf)

            found = lax.fori_loop(0, N // H, scan_body, False)
            return level + 1, found

        lvlf, _ = lax.while_loop(lvl_cond, lvl_body, (jnp.int32(2), True))
        maxlev = lvlf - 2

        for k in range(H * N // H):
            norm_v[pl.ds(k * H, H)] = zerof
        plsc.store_scatter(norm_v, [lane * N + i], row16(enc_v, i))

        def rec_body(l, _):
            rl = sload(recip_v, l)

            def scan_body(k, _):
                nodes = k * H + lane
                lv = plsc.load_gather(lvl_v, [nodes])
                fm = (lv >> 16) == l

                def have(_):
                    bpv = lv & 511
                    nidx = [h * N + nodes for h in range(H)]
                    sphs = [plsc.load_gather(s_t, [h * N + bpv])
                            for h in range(H)]
                    ehs = [plsc.load_gather(enc_t, [nidx[h]])
                           for h in range(H)]
                    snews = [sphs[h] + ehs[h] for h in range(H)]
                    for h in range(H):
                        plsc.store_scatter(s_t, [nidx[h]], snews[h],
                                           mask=fm)
                    for h in range(H):
                        plsc.store_scatter(norm_v, [nidx[h]],
                                           snews[h] * rl, mask=fm)
                    return 0

                return lax.cond(jnp.any(fm), have, lambda _: 0, 0)

            lax.fori_loop(0, N // H, scan_body, 0)
            return 0
        lax.fori_loop(1, maxlev + 1, rec_body, 0)

        pltpu.sync_copy(norm_v, out_hbm.at[i])
        return 0

    lax.fori_loop(0, SRC_PER_W, src_body, 0)


@jax.jit
def _launch(eu, ev, ea_flat, w_flat, b):
    mesh = plsc.VectorSubcoreMesh(core_axis_name="c", subcore_axis_name="s",
                                  num_cores=NC, num_subcores=NS)
    f = pl.kernel(
        _sc_body,
        out_type=jax.ShapeDtypeStruct((N, H * N), jnp.float32),
        mesh=mesh,
        compiler_params=pltpu.CompilerParams(needs_layout_passes=False),
        scratch_types=[
            pltpu.VMEM((E,), jnp.int32),
            pltpu.VMEM((E,), jnp.int32),
            pltpu.VMEM((4 * N,), jnp.float32),
            pltpu.VMEM((4 * H,), jnp.float32),
            pltpu.VMEM((H,), jnp.float32),
            pltpu.VMEM((N,), jnp.int32),
            pltpu.VMEM((N + 8,), jnp.int32),
            pltpu.VMEM((N,), jnp.int32),
            pltpu.VMEM((E,), jnp.int32),
            pltpu.VMEM((N * H,), jnp.float32),
            pltpu.VMEM((H * N,), jnp.float32),
            pltpu.VMEM((N,), jnp.int32),
            pltpu.VMEM((H * N,), jnp.float32),
            pltpu.VMEM((H * N,), jnp.float32),
            pltpu.VMEM((N,), jnp.float32),
        ],
    )
    return f(eu, ev, ea_flat, w_flat, b)


def kernel(x, edge_idx, edge_attr, W, b):
    del x
    eu = edge_idx[0]
    ev = edge_idx[1]
    ea_flat = edge_attr[:N].reshape(-1)
    w_flat = W.reshape(-1)
    out = _launch(eu, ev, ea_flat, w_flat, b)
    return jnp.transpose(out.reshape(N, H, N), (1, 0, 2))

# --- scband reference (transcript-rebuilt; emitter-appended) ---
"""Pipeline reference for scband-edge-encoding-17935783428481 (READ-ONLY COPY).

The authoritative reference and input builder live on the scoring server;
editing this copy changes nothing except your own understanding.
"""

import jax, jax.numpy as jnp
from jax import lax
import numpy as np

N = 512
E = 4096
D_FEAT = 256
HEADS = 16


def setup_inputs(seed: int = 0) -> dict:
    key = jax.random.key(seed)
    k1, k2, k3, k4 = jax.random.split(key, 4)
    x = jax.random.normal(k1, (N, D_FEAT), dtype=jnp.float32)
    edge_idx = jax.random.randint(k2, (2, E), 0, N, dtype=jnp.int32)
    edge_attr = jax.random.normal(k3, (E, 4), dtype=jnp.float32)
    W = jax.random.normal(k4, (4, HEADS), dtype=jnp.float32) * 0.5
    b = jnp.zeros((HEADS,), dtype=jnp.float32)
    return {"x": x, "edge_idx": edge_idx, "edge_attr": edge_attr, "W": W, "b": b}


def _bfs_all_pairs(A):
    # All-pairs unweighted directed BFS with deterministic smallest-index parent.
    n = A.shape[0]
    Af = A.astype(jnp.float32)
    eye = jnp.eye(n, dtype=bool)
    dist0 = jnp.where(eye, 0, -1).astype(jnp.int32)
    parent0 = jnp.full((n, n), -1, dtype=jnp.int32)
    frontier0 = eye
    visited0 = eye

    def cond(carry):
        dist, parent, visited, frontier, level = carry
        reach = (frontier.astype(jnp.float32) @ Af) > 0.5
        return jnp.any(reach & (~visited))

    def body(carry):
        dist, parent, visited, frontier, level = carry
        reach = (frontier.astype(jnp.float32) @ Af) > 0.5
        new = reach & (~visited)
        pcand = jnp.argmax(frontier[:, :, None] & A[None, :, :], axis=1).astype(jnp.int32)
        parent = jnp.where(new, pcand, parent)
        dist = jnp.where(new, level, dist)
        visited = visited | new
        return dist, parent, visited, new, level + jnp.int32(1)

    dist, parent, _, _, _ = lax.while_loop(
        cond, body, (dist0, parent0, visited0, frontier0, jnp.int32(1))
    )
    return dist, parent


def _path_levels(edge_idx, n):
    A = jnp.zeros((n, n), dtype=bool).at[edge_idx[0], edge_idx[1]].set(True)
    dist, parent = _bfs_all_pairs(A)
    return dist, parent


def reference(x, edge_idx, edge_attr, W, b):
    n = x.shape[0]
    dist, parent = _path_levels(edge_idx, n)
    # enc[node] = edge_encoder(edge_attr[node])  (faithful to the original, which
    # indexes edge_attr by node ids along the shortest path)
    enc = edge_attr @ W + b
    heads = enc.shape[1]
    idx = jnp.arange(n)
    S = jnp.zeros((n, n, heads), dtype=jnp.float32)
    S = S.at[idx, idx].set(enc[:n])
    enc_n = enc[:n]
    pidx = jnp.maximum(parent, 0)[:, :, None]

    def level_body(l, S):
        Sp = jnp.take_along_axis(S, pidx, axis=1)
        return jnp.where((dist == l)[:, :, None], Sp + enc_n[None, :, :], S)

    maxlev = jnp.max(dist)
    S = lax.fori_loop(1, maxlev + 1, level_body, S)
    reach = dist >= 0
    lens = jnp.where(reach, dist + 1, 1).astype(jnp.float32)
    out = jnp.where(reach[:, :, None], S / lens[:, :, None], 0.0)
    return jnp.transpose(out, (2, 0, 1))

if __name__ == "__main__":
    import jax
    _d = setup_inputs()
    print(jax.jit(kernel)(*tuple(_d.values())))

</pallas_src>

<mosaic_0001>
#map = affine_map<(d0, d1) -> (0)>
#map1 = affine_map<(d0, d1) -> (0, 0)>
module attributes {stable_mosaic.version = 14 : i64} {
  func.func @_sc_body(%arg0: i32, %arg1: i32, %arg2: memref<4096xi32, #tpu.memory_space<hbm>>, %arg3: memref<4096xi32, #tpu.memory_space<hbm>>, %arg4: memref<2048xf32, #tpu.memory_space<hbm>>, %arg5: memref<64xf32, #tpu.memory_space<hbm>>, %arg6: memref<16xf32, #tpu.memory_space<hbm>>, %arg7: memref<512x8192xf32, #tpu.memory_space<hbm>>, %arg8: memref<4096xi32, #tpu.memory_space<vmem>>, %arg9: memref<4096xi32, #tpu.memory_space<vmem>>, %arg10: memref<2048xf32, #tpu.memory_space<vmem>>, %arg11: memref<64xf32, #tpu.memory_space<vmem>>, %arg12: memref<16xf32, #tpu.memory_space<vmem>>, %arg13: memref<512xi32, #tpu.memory_space<vmem>>, %arg14: memref<520xi32, #tpu.memory_space<vmem>>, %arg15: memref<512xi32, #tpu.memory_space<vmem>>, %arg16: memref<4096xi32, #tpu.memory_space<vmem>>, %arg17: memref<8192xf32, #tpu.memory_space<vmem>>, %arg18: memref<8192xf32, #tpu.memory_space<vmem>>, %arg19: memref<512xi32, #tpu.memory_space<vmem>>, %arg20: memref<8192xf32, #tpu.memory_space<vmem>>, %arg21: memref<8192xf32, #tpu.memory_space<vmem>>, %arg22: memref<512xf32, #tpu.memory_space<vmem>>) attributes {dimension_semantics = [#tpu.dimension_semantics<core_parallel>, #tpu.dimension_semantics<subcore_parallel>], iteration_bounds = array<i64: 2, 16>, scalar_prefetch = 0 : i64, scratch_operands = 15 : i64, tpu.core_type = #tpu.core_type<sc_vector_subcore>, window_params = [{transform_indices = #map}, {transform_indices = #map}, {transform_indices = #map}, {transform_indices = #map}, {transform_indices = #map}, {transform_indices = #map1}]} {
    %mul3A = arith.constant 2 : i32
    %mul3A_0 = arith.muli %arg1, %mul3A : i32
    %add3A = arith.addi %mul3A_0, %arg0 : i32
    %iota3A = tpu.iota {dimensions = array<i32: 0>} : vector<16xi32>
    %eq3A = arith.constant 0 : i32
    %eq3A_1 = vector.broadcast %eq3A : i32 to vector<16xi32>
    %eq3A_2 = arith.cmpi eq, %iota3A, %eq3A_1 : vector<16xi32>
    %min3A = arith.constant 1 : i32
    %min3A_3 = vector.broadcast %min3A : i32 to vector<16xi32>
    %min3A_4 = arith.minsi %iota3A, %min3A_3 : vector<16xi32>
    %min3A_5 = arith.constant 3 : i32
    %min3A_6 = vector.broadcast %min3A_5 : i32 to vector<16xi32>
    %min3A_7 = arith.minsi %iota3A, %min3A_6 : vector<16xi32>
    "tpu.region"() ({
      %run_scoped3A = tpu.sem_alloc : memref<!tpu.dma_semaphore, #tpu.memory_space<semaphore_mem>>
      tpu.enqueue_dma source(%arg2 : memref<4096xi32, #tpu.memory_space<hbm>>) target(%arg8 : memref<4096xi32, #tpu.memory_space<vmem>>) target_semaphore(%run_scoped3A : memref<!tpu.dma_semaphore, #tpu.memory_space<semaphore_mem>>)
      tpu.wait_dma2 semaphore(%run_scoped3A : memref<!tpu.dma_semaphore, #tpu.memory_space<semaphore_mem>>) src(%arg2 : memref<4096xi32, #tpu.memory_space<hbm>>) dst(%arg8 : memref<4096xi32, #tpu.memory_space<vmem>>)
      tpu.yield
    }) : () -> ()
    "tpu.region"() ({
      %run_scoped3A = tpu.sem_alloc : memref<!tpu.dma_semaphore, #tpu.memory_space<semaphore_mem>>
      tpu.enqueue_dma source(%arg3 : memref<4096xi32, #tpu.memory_space<hbm>>) target(%arg9 : memref<4096xi32, #tpu.memory_space<vmem>>) target_semaphore(%run_scoped3A : memref<!tpu.dma_semaphore, #tpu.memory_space<semaphore_mem>>)
      tpu.wait_dma2 semaphore(%run_scoped3A : memref<!tpu.dma_semaphore, #tpu.memory_space<semaphore_mem>>) src(%arg3 : memref<4096xi32, #tpu.memory_space<hbm>>) dst(%arg9 : memref<4096xi32, #tpu.memory_space<vmem>>)
      tpu.yield
    }) : () -> ()
    "tpu.region"() ({
      %run_scoped3A = tpu.sem_alloc : memref<!tpu.dma_semaphore, #tpu.memory_space<semaphore_mem>>
      tpu.enqueue_dma source(%arg4 : memref<2048xf32, #tpu.memory_space<hbm>>) target(%arg10 : memref<2048xf32, #tpu.memory_space<vmem>>) target_semaphore(%run_scoped3A : memref<!tpu.dma_semaphore, #tpu.memory_space<semaphore_mem>>)
      tpu.wait_dma2 semaphore(%run_scoped3A : memref<!tpu.dma_semaphore, #tpu.memory_space<semaphore_mem>>) src(%arg4 : memref<2048xf32, #tpu.memory_space<hbm>>) dst(%arg10 : memref<2048xf32, #tpu.memory_space<vmem>>)
      tpu.yield
    }) : () -> ()
    "tpu.region"() ({
      %run_scoped3A = tpu.sem_alloc : memref<!tpu.dma_semaphore, #tpu.memory_space<semaphore_mem>>
      tpu.enqueue_dma source(%arg5 : memref<64xf32, #tpu.memory_space<hbm>>) target(%arg11 : memref<64xf32, #tpu.memory_space<vmem>>) target_semaphore(%run_scoped3A : memref<!tpu.dma_semaphore, #tpu.memory_space<semaphore_mem>>)
      tpu.wait_dma2 semaphore(%run_scoped3A : memref<!tpu.dma_semaphore, #tpu.memory_space<semaphore_mem>>) src(%arg5 : memref<64xf32, #tpu.memory_space<hbm>>) dst(%arg11 : memref<64xf32, #tpu.memory_space<vmem>>)
      tpu.yield
    }) : () -> ()
    "tpu.region"() ({
      %run_scoped3A = tpu.sem_alloc : memref<!tpu.dma_semaphore, #tpu.memory_space<semaphore_mem>>
      tpu.enqueue_dma source(%arg6 : memref<16xf32, #tpu.memory_space<hbm>>) target(%arg12 : memref<16xf32, #tpu.memory_space<vmem>>) target_semaphore(%run_scoped3A : memref<!tpu.dma_semaphore, #tpu.memory_space<semaphore_mem>>)
      tpu.wait_dma2 semaphore(%run_scoped3A : memref<!tpu.dma_semaphore, #tpu.memory_space<semaphore_mem>>) src(%arg6 : memref<16xf32, #tpu.memory_space<hbm>>) dst(%arg12 : memref<16xf32, #tpu.memory_space<vmem>>)
      tpu.yield
    }) : () -> ()
    %broadcast_in_dim3A = arith.constant 0 : i32
    %broadcast_in_dim3A_8 = vector.broadcast %broadcast_in_dim3A : i32 to vector<16xi32>
    %broadcast_in_dim3A_9 = arith.constant 1 : i32
    %broadcast_in_dim3A_10 = vector.broadcast %broadcast_in_dim3A_9 : i32 to vector<16xi32>
    %broadcast_in_dim3A_11 = arith.constant 0.000000e+00 : f32
    %broadcast_in_dim3A_12 = vector.broadcast %broadcast_in_dim3A_11 : f32 to vector<16xf32>
    %broadcast_in_dim3A_13 = arith.constant -1 : i32
    %broadcast_in_dim3A_14 = vector.broadcast %broadcast_in_dim3A_13 : i32 to vector<16xi32>
    %swap3A = arith.constant 0 : index
    %swap3A_15 = tpu.vector_load %arg13[%swap3A] {strides = array<i32>} : memref<512xi32, #tpu.memory_space<vmem>>, vector<16xi32>,
    tpu.vector_store %arg13[%swap3A], %broadcast_in_dim3A_8 {strides = array<i32>} : memref<512xi32, #tpu.memory_space<vmem>>, vector<16xi32>,
    %swap3A_16 = arith.constant 16 : index
    %swap3A_17 = tpu.vector_load %arg13[%swap3A_16] {strides = array<i32>} : memref<512xi32, #tpu.memory_space<vmem>>, vector<16xi32>,
    tpu.vector_store %arg13[%swap3A_16], %broadcast_in_dim3A_8 {strides = array<i32>} : memref<512xi32, #tpu.memory_space<vmem>>, vector<16xi32>,
    %swap3A_18 = arith.constant 32 : index
    %swap3A_19 = tpu.vector_load %arg13[%swap3A_18] {strides = array<i32>} : memref<512xi32, #tpu.memory_space<vmem>>, vector<16xi32>,
    tpu.vector_store %arg13[%swap3A_18], %broadcast_in_dim3A_8 {strides = array<i32>} : memref<512xi32, #tpu.memory_space<vmem>>, vector<16xi32>,
    %swap3A_20 = arith.constant 48 : index
    %swap3A_21 = tpu.vector_load %arg13[%swap3A_20] {strides = array<i32>} : memref<512xi32, #tpu.memory_space<vmem>>, vector<16xi32>,
    tpu.vector_store %arg13[%swap3A_20], %broadcast_in_dim3A_8 {strides = array<i32>} : memref<512xi32, #tpu.memory_space<vmem>>, vector<16xi32>,
    %swap3A_22 = arith.constant 64 : index
    %swap3A_23 = tpu.vector_load %arg13[%swap3A_22] {strides = array<i32>} : memref<512xi32, #tpu.memory_space<vmem>>, vector<16xi32>,
    tpu.vector_store %arg13[%swap3A_22], %broadcast_in_dim3A_8 {strides = array<i32>} : memref<512xi32, #tpu.memory_space<vmem>>, vector<16xi32>,
    %swap3A_24 = arith.constant 80 : index
    %swap3A_25 = tpu.vector_load %arg13[%swap3A_24] {strides = array<i32>} : memref<512xi32, #tpu.memory_space<vmem>>, vector<16xi32>,
    tpu.vector_store %arg13[%swap3A_24], %broadcast_in_dim3A_8 {strides = array<i32>} : memref<512xi32, #tpu.memory_space<vmem>>, vector<16xi32>,
    %swap3A_26 = arith.constant 96 : index
    %swap3A_27 = tpu.vector_load %arg13[%swap3A_26] {strides = array<i32>} : memref<512xi32, #tpu.memory_space<vmem>>, vector<16xi32>,
    tpu.vector_store %arg13[%swap3A_26], %broadcast_in_dim3A_8 {strides = array<i32>} : memref<512xi32, #tpu.memory_space<vmem>>, vector<16xi32>,
    %swap3A_28 = arith.constant 112 : index
    %swap3A_29 = tpu.vector_load %arg13[%swap3A_28] {strides = array<i32>} : memref<512xi32, #tpu.memory_space<vmem>>, vector<16xi32>,
    tpu.vector_store %arg13[%swap3A_28], %broadcast_in_dim3A_8 {strides = array<i32>} : memref<512xi32, #tpu.memory_space<vmem>>, vector<16xi32>,
    %swap3A_30 = arith.constant 128 : index
    %swap3A_31 = tpu.vector_load %arg13[%swap3A_30] {strides = array<i32>} : memref<512xi32, #tpu.memory_space<vmem>>, vector<16xi32>,
    tpu.vector_store %arg13[%swap3A_30], %broadcast_in_dim3A_8 {strides = array<i32>} : memref<512xi32, #tpu.memory_space<vmem>>, vector<16xi32>,
    %swap3A_32 = arith.constant 144 : index
    %swap3A_33 = tpu.vector_load %arg13[%swap3A_32] {strides = array<i32>} : memref<512xi32, #tpu.memory_space<vmem>>, vector<16xi32>,
    tpu.vector_store %arg13[%swap3A_32], %broadcast_in_dim3A_8 {strides = array<i32>} : memref<512xi32, #tpu.memory_space<vmem>>, vector<16xi32>,
    %swap3A_34 = arith.constant 160 : index
    %swap3A_35 = tpu.vector_load %arg13[%swap3A_34] {strides = array<i32>} : memref<512xi32, #tpu.memory_space<vmem>>, vector<16xi32>,
    tpu.vector_store %arg13[%swap3A_34], %broadcast_in_dim3A_8 {strides = array<i32>} : memref<512xi32, #tpu.memory_space<vmem>>, vector<16xi32>,
    %swap3A_36 = arith.constant 176 : index
    %swap3A_37 = tpu.vector_load %arg13[%swap3A_36] {strides = array<i32>} : memref<512xi32, #tpu.memory_space<vmem>>, vector<16xi32>,
    tpu.vector_store %arg13[%swap3A_36], %broadcast_in_dim3A_8 {strides = array<i32>} : memref<512xi32, #tpu.memory_space<vmem>>, vector<16xi32>,
    %swap3A_38 = arith.constant 192 : index
    %swap3A_39 = tpu.vector_load %arg13[%swap3A_38] {strides = array<i32>} : memref<512xi32, #tpu.memory_space<vmem>>, vector<16xi32>,
    tpu.vector_store %arg13[%swap3A_38], %broadcast_in_dim3A_8 {strides = array<i32>} : memref<512xi32, #tpu.memory_space<vmem>>, vector<16xi32>,
    %swap3A_40 = arith.constant 208 : index
    %swap3A_41 = tpu.vector_load %arg13[%swap3A_40] {strides = array<i32>} : memref<512xi32, #tpu.memory_space<vmem>>, vector<16xi32>,
    tpu.vector_store %arg13[%swap3A_40], %broadcast_in_dim3A_8 {strides = array<i32>} : memref<512xi32, #tpu.memory_space<vmem>>, vector<16xi32>,
    %swap3A_42 = arith.constant 224 : index
    %swap3A_43 = tpu.vector_load %arg13[%swap3A_42] {strides = array<i32>} : memref<512xi32, #tpu.memory_space<vmem>>, vector<16xi32>,
    tpu.vector_store %arg13[%swap3A_42], %broadcast_in_dim3A_8 {strides = array<i32>} : memref<512xi32, #tpu.memory_space<vmem>>, vector<16xi32>,
    %swap3A_44 = arith.constant 240 : index
    %swap3A_45 = tpu.vector_load %arg13[%swap3A_44] {strides = array<i32>} : memref<512xi32, #tpu.memory_space<vmem>>, vector<16xi32>,
    tpu.vector_store %arg13[%swap3A_44], %broadcast_in_dim3A_8 {strides = array<i32>} : memref<512xi32, #tpu.memory_space<vmem>>, vector<16xi32>,
    %swap3A_46 = arith.constant 256 : index
    %swap3A_47 = tpu.vector_load %arg13[%swap3A_46] {strides = array<i32>} : memref<512xi32, #tpu.memory_space<vmem>>, vector<16xi32>,
    tpu.vector_store %arg13[%swap3A_46], %broadcast_in_dim3A_8 {strides = array<i32>} : memref<512xi32, #tpu.memory_space<vmem>>, vector<16xi32>,
    %swap3A_48 = arith.constant 272 : index
    %swap3A_49 = tpu.vector_load %arg13[%swap3A_48] {strides = array<i32>} : memref<512xi32, #tpu.memory_space<vmem>>, vector<16xi32>,
    tpu.vector_store %arg13[%swap3A_48], %broadcast_in_dim3A_8 {strides = array<i32>} : memref<512xi32, #tpu.memory_space<vmem>>, vector<16xi32>,
    %swap3A_50 = arith.constant 288 : index
    %swap3A_51 = tpu.vector_load %arg13[%swap3A_50] {strides = array<i32>} : memref<512xi32, #tpu.memory_space<vmem>>, vector<16xi32>,
    tpu.vector_store %arg13[%swap3A_50], %broadcast_in_dim3A_8 {strides = array<i32>} : memref<512xi32, #tpu.memory_space<vmem>>, vector<16xi32>,
    %swap3A_52 = arith.constant 304 : index
    %swap3A_53 = tpu.vector_load %arg13[%swap3A_52] {strides = array<i32>} : memref<512xi32, #tpu.memory_space<vmem>>, vector<16xi32>,
    tpu.vector_store %arg13[%swap3A_52], %broadcast_in_dim3A_8 {strides = array<i32>} : memref<512xi32, #tpu.memory_space<vmem>>, vector<16xi32>,
    %swap3A_54 = arith.constant 320 : index
    %swap3A_55 = tpu.vector_load %arg13[%swap3A_54] {strides = array<i32>} : memref<512xi32, #tpu.memory_space<vmem>>, vector<16xi32>,
    tpu.vector_store %arg13[%swap3A_54], %broadcast_in_dim3A_8 {strides = array<i32>} : memref<512xi32, #tpu.memory_space<vmem>>, vector<16xi32>,
    %swap3A_56 = arith.constant 336 : index
    %swap3A_57 = tpu.vector_load %arg13[%swap3A_56] {strides = array<i32>} : memref<512xi32, #tpu.memory_space<vmem>>, vector<16xi32>,
    tpu.vector_store %arg13[%swap3A_56], %broadcast_in_dim3A_8 {strides = array<i32>} : memref<512xi32, #tpu.memory_space<vmem>>, vector<16xi32>,
    %swap3A_58 = arith.constant 352 : index
    %swap3A_59 = tpu.vector_load %arg13[%swap3A_58] {strides = array<i32>} : memref<512xi32, #tpu.memory_space<vmem>>, vector<16xi32>,
    tpu.vector_store %arg13[%swap3A_58], %broadcast_in_dim3A_8 {strides = array<i32>} : memref<512xi32, #tpu.memory_space<vmem>>, vector<16xi32>,
    %swap3A_60 = arith.constant 368 : index
    %swap3A_61 = tpu.vector_load %arg13[%swap3A_60] {strides = array<i32>} : memref<512xi32, #tpu.memory_space<vmem>>, vector<16xi32>,
    tpu.vector_store %arg13[%swap3A_60], %broadcast_in_dim3A_8 {strides = array<i32>} : memref<512xi32, #tpu.memory_space<vmem>>, vector<16xi32>,
    %swap3A_62 = arith.constant 384 : index
    %swap3A_63 = tpu.vector_load %arg13[%swap3A_62] {strides = array<i32>} : memref<512xi32, #tpu.memory_space<vmem>>, vector<16xi32>,
    tpu.vector_store %arg13[%swap3A_62], %broadcast_in_dim3A_8 {strides = array<i32>} : memref<512xi32, #tpu.memory_space<vmem>>, vector<16xi32>,
    %swap3A_64 = arith.constant 400 : index
    %swap3A_65 = tpu.vector_load %arg13[%swap3A_64] {strides = array<i32>} : memref<512xi32, #tpu.memory_space<vmem>>, vector<16xi32>,
    tpu.vector_store %arg13[%swap3A_64], %broadcast_in_dim3A_8 {strides = array<i32>} : memref<512xi32, #tpu.memory_space<vmem>>, vector<16xi32>,
    %swap3A_66 = arith.constant 416 : index
    %swap3A_67 = tpu.vector_load %arg13[%swap3A_66] {strides = array<i32>} : memref<512xi32, #tpu.memory_space<vmem>>, vector<16xi32>,
    tpu.vector_store %arg13[%swap3A_66], %broadcast_in_dim3A_8 {strides = array<i32>} : memref<512xi32, #tpu.memory_space<vmem>>, vector<16xi32>,
    %swap3A_68 = arith.constant 432 : index
    %swap3A_69 = tpu.vector_load %arg13[%swap3A_68] {strides = array<i32>} : memref<512xi32, #tpu.memory_space<vmem>>, vector<16xi32>,
    tpu.vector_store %arg13[%swap3A_68], %broadcast_in_dim3A_8 {strides = array<i32>} : memref<512xi32, #tpu.memory_space<vmem>>, vector<16xi32>,
    %swap3A_70 = arith.constant 448 : index
    %swap3A_71 = tpu.vector_load %arg13[%swap3A_70] {strides = array<i32>} : memref<512xi32, #tpu.memory_space<vmem>>, vector<16xi32>,
    tpu.vector_store %arg13[%swap3A_70], %broadcast_in_dim3A_8 {strides = array<i32>} : memref<512xi32, #tpu.memory_space<vmem>>, vector<16xi32>,
    %swap3A_72 = arith.constant 464 : index
    %swap3A_73 = tpu.vector_load %arg13[%swap3A_72] {strides = array<i32>} : memref<512xi32, #tpu.memory_space<vmem>>, vector<16xi32>,
    tpu.vector_store %arg13[%swap3A_72], %broadcast_in_dim3A_8 {strides = array<i32>} : memref<512xi32, #tpu.memory_space<vmem>>, vector<16xi32>,
    %swap3A_74 = arith.constant 480 : index
    %swap3A_75 = tpu.vector_load %arg13[%swap3A_74] {strides = array<i32>} : memref<512xi32, #tpu.memory_space<vmem>>, vector<16xi32>,
    tpu.vector_store %arg13[%swap3A_74], %broadcast_in_dim3A_8 {strides = array<i32>} : memref<512xi32, #tpu.memory_space<vmem>>, vector<16xi32>,
    %swap3A_76 = arith.constant 496 : index
    %swap3A_77 = tpu.vector_load %arg13[%swap3A_76] {strides = array<i32>} : memref<512xi32, #tpu.memory_space<vmem>>, vector<16xi32>,
    tpu.vector_store %arg13[%swap3A_76], %broadcast_in_dim3A_8 {strides = array<i32>} : memref<512xi32, #tpu.memory_space<vmem>>, vector<16xi32>,
    %scan3A = arith.constant 0 : i32
    %scan3A_78 = arith.constant 0 : i32
    %scan3A_79 = arith.constant 256 : i32
    %scan3A_80 = arith.addi %scan3A_78, %scan3A_79 : i32
    %scan3A_81 = arith.constant 1 : i32
    %scan3A_82 = scf.for %scan3A_132 = %scan3A_78 to %scan3A_80 step %scan3A_81 iter_args(%scan3A_133 = %scan3A) -> (i32)  : i32 {
      %mul3A_134 = arith.constant 16 : i32
      %mul3A_135 = arith.muli %scan3A_132, %mul3A_134 : i32
      %add3A_136 = vector.broadcast %mul3A_135 : i32 to vector<16xi32>
      %add3A_137 = arith.addi %add3A_136, %iota3A : vector<16xi32>
      %gather3A = tpu.vector_load_idx %arg8[%add3A_137] : memref<4096xi32, #tpu.memory_space<vmem>>[vector<16xi32>], vector<16xi32>,
      tpu.vector_store_idx %arg13[%gather3A], %broadcast_in_dim3A_10 {add = true} : memref<512xi32, #tpu.memory_space<vmem>>[vector<16xi32>], vector<16xi32>,
      %scan3A_138 = arith.constant 0 : i32
      scf.yield %scan3A_138 : i32
    }
    %scan3A_83 = arith.constant 256 : i32
    %broadcast_in_dim3A_84 = arith.constant 0 : i32
    %broadcast_in_dim3A_85 = vector.broadcast %broadcast_in_dim3A_84 : i32 to vector<16xi32>
    %broadcast_in_dim3A_86 = arith.constant 0 : i32
    %broadcast_in_dim3A_87 = vector.broadcast %broadcast_in_dim3A_86 : i32 to vector<16xi32>
    tpu.vector_store_idx %arg14[%broadcast_in_dim3A_85], %broadcast_in_dim3A_87 masked %eq3A_2 : memref<520xi32, #tpu.memory_space<vmem>>[vector<16xi32>], vector<16xi32>, vector<16xi1>
    %scan3A_88 = arith.constant 0 : i32
    %scan3A_89 = arith.constant 0 : i32
    %scan3A_90 = arith.constant 32 : i32
    %scan3A_91 = arith.addi %scan3A_89, %scan3A_90 : i32
    %scan3A_92 = arith.constant 1 : i32
    %scan3A_93 = scf.for %scan3A_132 = %scan3A_89 to %scan3A_91 step %scan3A_92 iter_args(%scan3A_133 = %scan3A_88) -> (i32)  : i32 {
      %mul3A_134 = arith.constant 16 : i32
      %mul3A_135 = arith.muli %scan3A_132, %mul3A_134 : i32
      %add3A_136 = vector.broadcast %mul3A_135 : i32 to vector<16xi32>
      %add3A_137 = arith.addi %add3A_136, %iota3A : vector<16xi32>
      %gather3A = tpu.vector_load_idx %arg13[%add3A_137] : memref<512xi32, #tpu.memory_space<vmem>>[vector<16xi32>], vector<16xi32>,
      %broadcast_in_dim3A_138 = arith.constant true
      %broadcast_in_dim3A_139 = vector.broadcast %broadcast_in_dim3A_138 : i1 to vector<16xi1>
      %masked_cumsum3A = tpu.scan <sum>, %gather3A masked %broadcast_in_dim3A_139 : vector<16xi32>, vector<16xi1> -> vector<16xi32>
      %add3A_140 = vector.broadcast %scan3A_133 : i32 to vector<16xi32>
      %add3A_141 = arith.addi %masked_cumsum3A, %add3A_140 : vector<16xi32>
      %mul3A_142 = arith.constant 16 : i32
      %mul3A_143 = arith.muli %scan3A_132, %mul3A_142 : i32
      %add3A_144 = arith.constant 1 : i32
      %add3A_145 = arith.addi %mul3A_143, %add3A_144 : i32
      %add3A_146 = vector.broadcast %add3A_145 : i32 to vector<16xi32>
      %add3A_147 = arith.addi %add3A_146, %iota3A : vector<16xi32>
      tpu.vector_store_idx %arg14[%add3A_147], %add3A_141 : memref<520xi32, #tpu.memory_space<vmem>>[vector<16xi32>], vector<16xi32>,
      %mul3A_148 = arith.constant 16 : i32
      %mul3A_149 = arith.muli %scan3A_132, %mul3A_148 : i32
      %add3A_150 = vector.broadcast %mul3A_149 : i32 to vector<16xi32>
      %add3A_151 = arith.addi %add3A_150, %iota3A : vector<16xi32>
      %sub3A = arith.subi %add3A_141, %gather3A : vector<16xi32>
      tpu.vector_store_idx %arg15[%add3A_151], %sub3A : memref<512xi32, #tpu.memory_space<vmem>>[vector<16xi32>], vector<16xi32>,
      %slice3A = vector.extract_strided_slice %add3A_141 {offsets = [15], sizes = [1], strides = [1]} : vector<16xi32> to vector<1xi32>
      %squeeze3A = vector.extract %slice3A[0] : i32 from vector<1xi32>
      scf.yield %squeeze3A : i32
    }
    %scan3A_94 = arith.constant 32 : i32
    %scan3A_95 = arith.constant 0 : i32
    %scan3A_96 = arith.constant 0 : i32
    %scan3A_97 = arith.constant 256 : i32
    %scan3A_98 = arith.addi %scan3A_96, %scan3A_97 : i32
    %scan3A_99 = arith.constant 1 : i32
    %scan3A_100 = scf.for %scan3A_132 = %scan3A_96 to %scan3A_98 step %scan3A_99 iter_args(%scan3A_133 = %scan3A_95) -> (i32)  : i32 {
      %mul3A_134 = arith.constant 16 : i32
      %mul3A_135 = arith.muli %scan3A_132, %mul3A_134 : i32
      %add3A_136 = vector.broadcast %mul3A_135 : i32 to vector<16xi32>
      %add3A_137 = arith.addi %add3A_136, %iota3A : vector<16xi32>
      %gather3A = tpu.vector_load_idx %arg8[%add3A_137] : memref<4096xi32, #tpu.memory_space<vmem>>[vector<16xi32>], vector<16xi32>,
      %mul3A_138 = arith.constant 16 : i32
      %mul3A_139 = arith.muli %scan3A_132, %mul3A_138 : i32
      %add3A_140 = vector.broadcast %mul3A_139 : i32 to vector<16xi32>
      %add3A_141 = arith.addi %add3A_140, %iota3A : vector<16xi32>
      %gather3A_142 = tpu.vector_load_idx %arg9[%add3A_141] : memref<4096xi32, #tpu.memory_space<vmem>>[vector<16xi32>], vector<16xi32>,
      %broadcast_in_dim3A_143 = arith.constant true
      %broadcast_in_dim3A_144 = vector.broadcast %broadcast_in_dim3A_143 : i1 to vector<16xi1>
      %unique3A, %unique3A_145 = tpu.scan_count mask(%broadcast_in_dim3A_144 : vector<16xi1>) value(%gather3A : vector<16xi32>) : vector<16xi1>, vector<16xi32>
      %gather3A_146 = tpu.vector_load_idx %arg15[%gather3A] : memref<512xi32, #tpu.memory_space<vmem>>[vector<16xi32>], vector<16xi32>,
      %add3A_147 = arith.addi %gather3A_146, %unique3A_145 : vector<16xi32>
      %sub3A = arith.constant 1 : i32
      %sub3A_148 = vector.broadcast %sub3A : i32 to vector<16xi32>
      %sub3A_149 = arith.subi %add3A_147, %sub3A_148 : vector<16xi32>
      tpu.vector_store_idx %arg16[%sub3A_149], %gather3A_142 : memref<4096xi32, #tpu.memory_space<vmem>>[vector<16xi32>], vector<16xi32>,
      %add3A_150 = arith.constant 1 : i32
      %add3A_151 = vector.broadcast %add3A_150 : i32 to vector<16xi32>
      %add3A_152 = arith.addi %sub3A_149, %add3A_151 : vector<16xi32>
      tpu.vector_store_idx %arg15[%gather3A], %add3A_152 masked %unique3A : memref<512xi32, #tpu.memory_space<vmem>>[vector<16xi32>], vector<16xi32>, vector<16xi1>
      %scan3A_153 = arith.constant 0 : i32
      scf.yield %scan3A_153 : i32
    }
    %scan3A_101 = arith.constant 256 : i32
    %get3A = arith.constant 0 : index
    %get3A_102 = tpu.vector_load %arg12[%get3A] {strides = array<i32>} : memref<16xf32, #tpu.memory_space<vmem>>, vector<16xf32>,
    %get3A_103 = arith.constant 0 : index
    %get3A_104 = tpu.vector_load %arg11[%get3A_103] {strides = array<i32>} : memref<64xf32, #tpu.memory_space<vmem>>, vector<16xf32>,
    %get3A_105 = arith.constant 16 : index
    %get3A_106 = tpu.vector_load %arg11[%get3A_105] {strides = array<i32>} : memref<64xf32, #tpu.memory_space<vmem>>, vector<16xf32>,
    %get3A_107 = arith.constant 32 : index
    %get3A_108 = tpu.vector_load %arg11[%get3A_107] {strides = array<i32>} : memref<64xf32, #tpu.memory_space<vmem>>, vector<16xf32>,
    %get3A_109 = arith.constant 48 : index
    %get3A_110 = tpu.vector_load %arg11[%get3A_109] {strides = array<i32>} : memref<64xf32, #tpu.memory_space<vmem>>, vector<16xf32>,
    %scan3A_111 = arith.constant 0 : i32
    %scan3A_112 = arith.constant 0 : i32
    %scan3A_113 = arith.constant 512 : i32
    %scan3A_114 = arith.addi %scan3A_112, %scan3A_113 : i32
    %scan3A_115 = arith.constant 1 : i32
    %scan3A_116 = scf.for %scan3A_132 = %scan3A_112 to %scan3A_114 step %scan3A_115 iter_args(%scan3A_133 = %scan3A_111) -> (i32)  : i32 {
      %mul3A_134 = arith.constant 4 : i32
      %mul3A_135 = arith.muli %mul3A_134, %scan3A_132 : i32
      %add3A_136 = vector.broadcast %mul3A_135 : i32 to vector<16xi32>
      %add3A_137 = arith.addi %add3A_136, %min3A_7 : vector<16xi32>
      %gather3A = tpu.vector_load_idx %arg10[%add3A_137] : memref<2048xf32, #tpu.memory_space<vmem>>[vector<16xi32>], vector<16xf32>,
      %slice3A = vector.extract_strided_slice %gather3A {offsets = [0], sizes = [1], strides = [1]} : vector<16xf32> to vector<1xf32>
      %squeeze3A = vector.extract %slice3A[0] : f32 from vector<1xf32>
      %mul3A_138 = vector.broadcast %squeeze3A : f32 to vector<16xf32>
      %mul3A_139 = arith.mulf %mul3A_138, %get3A_104 : vector<16xf32>
      %add3A_140 = arith.addf %get3A_102, %mul3A_139 : vector<16xf32>
      %slice3A_141 = vector.extract_strided_slice %gather3A {offsets = [1], sizes = [1], strides = [1]} : vector<16xf32> to vector<1xf32>
      %squeeze3A_142 = vector.extract %slice3A_141[0] : f32 from vector<1xf32>
      %mul3A_143 = vector.broadcast %squeeze3A_142 : f32 to vector<16xf32>
      %mul3A_144 = arith.mulf %mul3A_143, %get3A_106 : vector<16xf32>
      %add3A_145 = arith.addf %add3A_140, %mul3A_144 : vector<16xf32>
      %slice3A_146 = vector.extract_strided_slice %gather3A {offsets = [2], sizes = [1], strides = [1]} : vector<16xf32> to vector<1xf32>
      %squeeze3A_147 = vector.extract %slice3A_146[0] : f32 from vector<1xf32>
      %mul3A_148 = vector.broadcast %squeeze3A_147 : f32 to vector<16xf32>
      %mul3A_149 = arith.mulf %mul3A_148, %get3A_108 : vector<16xf32>
      %add3A_150 = arith.addf %add3A_145, %mul3A_149 : vector<16xf32>
      %slice3A_151 = vector.extract_strided_slice %gather3A {offsets = [3], sizes = [1], strides = [1]} : vector<16xf32> to vector<1xf32>
      %squeeze3A_152 = vector.extract %slice3A_151[0] : f32 from vector<1xf32>
      %mul3A_153 = vector.broadcast %squeeze3A_152 : f32 to vector<16xf32>
      %mul3A_154 = arith.mulf %mul3A_153, %get3A_110 : vector<16xf32>
      %add3A_155 = arith.addf %add3A_150, %mul3A_154 : vector<16xf32>
      %mul3A_156 = arith.constant 16 : i32
      %mul3A_157 = arith.muli %scan3A_132, %mul3A_156 : i32
      %add3A_158 = vector.broadcast %mul3A_157 : i32 to vector<16xi32>
      %add3A_159 = arith.addi %add3A_158, %iota3A : vector<16xi32>
      tpu.vector_store_idx %arg17[%add3A_159], %add3A_155 : memref<8192xf32, #tpu.memory_space<vmem>>[vector<16xi32>], vector<16xf32>,
      %mul3A_160 = arith.constant 512 : i32
      %mul3A_161 = vector.broadcast %mul3A_160 : i32 to vector<16xi32>
      %mul3A_162 = arith.muli %iota3A, %mul3A_161 : vector<16xi32>
      %add3A_163 = vector.broadcast %scan3A_132 : i32 to vector<16xi32>
      %add3A_164 = arith.addi %mul3A_162, %add3A_163 : vector<16xi32>
      tpu.vector_store_idx %arg18[%add3A_164], %add3A_155 : memref<8192xf32, #tpu.memory_space<vmem>>[vector<16xi32>], vector<16xf32>,
      %scan3A_165 = arith.constant 0 : i32
      scf.yield %scan3A_165 : i32
    }
    %scan3A_117 = arith.constant 512 : i32
    %scan3A_118 = arith.constant 0 : i32
    %scan3A_119 = arith.constant 0 : i32
    %scan3A_120 = arith.constant 32 : i32
    %scan3A_121 = arith.addi %scan3A_119, %scan3A_120 : i32
    %scan3A_122 = arith.constant 1 : i32
    %scan3A_123 = scf.for %scan3A_132 = %scan3A_119 to %scan3A_121 step %scan3A_122 iter_args(%scan3A_133 = %scan3A_118) -> (i32)  : i32 {
      %mul3A_134 = arith.constant 16 : i32
      %mul3A_135 = arith.muli %scan3A_132, %mul3A_134 : i32
      %add3A_136 = vector.broadcast %mul3A_135 : i32 to vector<16xi32>
      %add3A_137 = arith.addi %add3A_136, %iota3A : vector<16xi32>
      %add3A_138 = arith.constant 1 : i32
      %add3A_139 = vector.broadcast %add3A_138 : i32 to vector<16xi32>
      %add3A_140 = arith.addi %add3A_137, %add3A_139 : vector<16xi32>
      %convert_element_type3A = arith.sitofp %add3A_140 : vector<16xi32> to vector<16xf32>
      %div3A = arith.constant 1.000000e+00 : f32
      %div3A_141 = vector.broadcast %div3A : f32 to vector<16xf32>
      %div3A_142 = arith.divf %div3A_141, %convert_element_type3A : vector<16xf32>
      tpu.vector_store_idx %arg22[%add3A_137], %div3A_142 : memref<512xf32, #tpu.memory_space<vmem>>[vector<16xi32>], vector<16xf32>,
      %scan3A_143 = arith.constant 0 : i32
      scf.yield %scan3A_143 : i32
    }
    %scan3A_124 = arith.constant 32 : i32
    %scan3A_125 = arith.constant 0 : i32
    %scan3A_126 = arith.constant 0 : i32
    %scan3A_127 = arith.constant 16 : i32
    %scan3A_128 = arith.addi %scan3A_126, %scan3A_127 : i32
    %scan3A_129 = arith.constant 1 : i32
    %scan3A_130 = scf.for %scan3A_132 = %scan3A_126 to %scan3A_128 step %scan3A_129 iter_args(%scan3A_133 = %scan3A_125) -> (i32)  : i32 {
      %mul3A_134 = arith.constant 16 : i32
      %mul3A_135 = arith.muli %add3A, %mul3A_134 : i32
      %add3A_136 = arith.addi %mul3A_135, %scan3A_132 : i32
      %swap3A_137 = arith.constant 0 : index
      %swap3A_138 = tpu.vector_load %arg19[%swap3A_137] {strides = array<i32>} : memref<512xi32, #tpu.memory_space<vmem>>, vector<16xi32>,
      tpu.vector_store %arg19[%swap3A_137], %broadcast_in_dim3A_14 {strides = array<i32>} : memref<512xi32, #tpu.memory_space<vmem>>, vector<16xi32>,
      %swap3A_139 = arith.constant 16 : index
      %swap3A_140 = tpu.vector_load %arg19[%swap3A_139] {strides = array<i32>} : memref<512xi32, #tpu.memory_space<vmem>>, vector<16xi32>,
      tpu.vector_store %arg19[%swap3A_139], %broadcast_in_dim3A_14 {strides = array<i32>} : memref<512xi32, #tpu.memory_space<vmem>>, vector<16xi32>,
      %swap3A_141 = arith.constant 32 : index
      %swap3A_142 = tpu.vector_load %arg19[%swap3A_141] {strides = array<i32>} : memref<512xi32, #tpu.memory_space<vmem>>, vector<16xi32>,
      tpu.vector_store %arg19[%swap3A_141], %broadcast_in_dim3A_14 {strides = array<i32>} : memref<512xi32, #tpu.memory_space<vmem>>, vector<16xi32>,
      %swap3A_143 = arith.constant 48 : index
      %swap3A_144 = tpu.vector_load %arg19[%swap3A_143] {strides = array<i32>} : memref<512xi32, #tpu.memory_space<vmem>>, vector<16xi32>,
      tpu.vector_store %arg19[%swap3A_143], %broadcast_in_dim3A_14 {strides = array<i32>} : memref<512xi32, #tpu.memory_space<vmem>>, vector<16xi32>,
      %swap3A_145 = arith.constant 64 : index
      %swap3A_146 = tpu.vector_load %arg19[%swap3A_145] {strides = array<i32>} : memref<512xi32, #tpu.memory_space<vmem>>, vector<16xi32>,
      tpu.vector_store %arg19[%swap3A_145], %broadcast_in_dim3A_14 {strides = array<i32>} : memref<512xi32, #tpu.memory_space<vmem>>, vector<16xi32>,
      %swap3A_147 = arith.constant 80 : index
      %swap3A_148 = tpu.vector_load %arg19[%swap3A_147] {strides = array<i32>} : memref<512xi32, #tpu.memory_space<vmem>>, vector<16xi32>,
      tpu.vector_store %arg19[%swap3A_147], %broadcast_in_dim3A_14 {strides = array<i32>} : memref<512xi32, #tpu.memory_space<vmem>>, vector<16xi32>,
      %swap3A_149 = arith.constant 96 : index
      %swap3A_150 = tpu.vector_load %arg19[%swap3A_149] {strides = array<i32>} : memref<512xi32, #tpu.memory_space<vmem>>, vector<16xi32>,
      tpu.vector_store %arg19[%swap3A_149], %broadcast_in_dim3A_14 {strides = array<i32>} : memref<512xi32, #tpu.memory_space<vmem>>, vector<16xi32>,
      %swap3A_151 = arith.constant 112 : index
      %swap3A_152 = tpu.vector_load %arg19[%swap3A_151] {strides = array<i32>} : memref<512xi32, #tpu.memory_space<vmem>>, vector<16xi32>,
      tpu.vector_store %arg19[%swap3A_151], %broadcast_in_dim3A_14 {strides = array<i32>} : memref<512xi32, #tpu.memory_space<vmem>>, vector<16xi32>,
      %swap3A_153 = arith.constant 128 : index
      %swap3A_154 = tpu.vector_load %arg19[%swap3A_153] {strides = array<i32>} : memref<512xi32, #tpu.memory_space<vmem>>, vector<16xi32>,
      tpu.vector_store %arg19[%swap3A_153], %broadcast_in_dim3A_14 {strides = array<i32>} : memref<512xi32, #tpu.memory_space<vmem>>, vector<16xi32>,
      %swap3A_155 = arith.constant 144 : index
      %swap3A_156 = tpu.vector_load %arg19[%swap3A_155] {strides = array<i32>} : memref<512xi32, #tpu.memory_space<vmem>>, vector<16xi32>,
      tpu.vector_store %arg19[%swap3A_155], %broadcast_in_dim3A_14 {strides = array<i32>} : memref<512xi32, #tpu.memory_space<vmem>>, vector<16xi32>,
      %swap3A_157 = arith.constant 160 : index
      %swap3A_158 = tpu.vector_load %arg19[%swap3A_157] {strides = array<i32>} : memref<512xi32, #tpu.memory_space<vmem>>, vector<16xi32>,
      tpu.vector_store %arg19[%swap3A_157], %broadcast_in_dim3A_14 {strides = array<i32>} : memref<512xi32, #tpu.memory_space<vmem>>, vector<16xi32>,
      %swap3A_159 = arith.constant 176 : index
      %swap3A_160 = tpu.vector_load %arg19[%swap3A_159] {strides = array<i32>} : memref<512xi32, #tpu.memory_space<vmem>>, vector<16xi32>,
      tpu.vector_store %arg19[%swap3A_159], %broadcast_in_dim3A_14 {strides = array<i32>} : memref<512xi32, #tpu.memory_space<vmem>>, vector<16xi32>,
      %swap3A_161 = arith.constant 192 : index
      %swap3A_162 = tpu.vector_load %arg19[%swap3A_161] {strides = array<i32>} : memref<512xi32, #tpu.memory_space<vmem>>, vector<16xi32>,
      tpu.vector_store %arg19[%swap3A_161], %broadcast_in_dim3A_14 {strides = array<i32>} : memref<512xi32, #tpu.memory_space<vmem>>, vector<16xi32>,
      %swap3A_163 = arith.constant 208 : index
      %swap3A_164 = tpu.vector_load %arg19[%swap3A_163] {strides = array<i32>} : memref<512xi32, #tpu.memory_space<vmem>>, vector<16xi32>,
      tpu.vector_store %arg19[%swap3A_163], %broadcast_in_dim3A_14 {strides = array<i32>} : memref<512xi32, #tpu.memory_space<vmem>>, vector<16xi32>,
      %swap3A_165 = arith.constant 224 : index
      %swap3A_166 = tpu.vector_load %arg19[%swap3A_165] {strides = array<i32>} : memref<512xi32, #tpu.memory_space<vmem>>, vector<16xi32>,
      tpu.vector_store %arg19[%swap3A_165], %broadcast_in_dim3A_14 {strides = array<i32>} : memref<512xi32, #tpu.memory_space<vmem>>, vector<16xi32>,
      %swap3A_167 = arith.constant 240 : index
      %swap3A_168 = tpu.vector_load %arg19[%swap3A_167] {strides = array<i32>} : memref<512xi32, #tpu.memory_space<vmem>>, vector<16xi32>,
      tpu.vector_store %arg19[%swap3A_167], %broadcast_in_dim3A_14 {strides = array<i32>} : memref<512xi32, #tpu.memory_space<vmem>>, vector<16xi32>,
      %swap3A_169 = arith.constant 256 : index
      %swap3A_170 = tpu.vector_load %arg19[%swap3A_169] {strides = array<i32>} : memref<512xi32, #tpu.memory_space<vmem>>, vector<16xi32>,
      tpu.vector_store %arg19[%swap3A_169], %broadcast_in_dim3A_14 {strides = array<i32>} : memref<512xi32, #tpu.memory_space<vmem>>, vector<16xi32>,
      %swap3A_171 = arith.constant 272 : index
      %swap3A_172 = tpu.vector_load %arg19[%swap3A_171] {strides = array<i32>} : memref<512xi32, #tpu.memory_space<vmem>>, vector<16xi32>,
      tpu.vector_store %arg19[%swap3A_171], %broadcast_in_dim3A_14 {strides = array<i32>} : memref<512xi32, #tpu.memory_space<vmem>>, vector<16xi32>,
      %swap3A_173 = arith.constant 288 : index
      %swap3A_174 = tpu.vector_load %arg19[%swap3A_173] {strides = array<i32>} : memref<512xi32, #tpu.memory_space<vmem>>, vector<16xi32>,
      tpu.vector_store %arg19[%swap3A_173], %broadcast_in_dim3A_14 {strides = array<i32>} : memref<512xi32, #tpu.memory_space<vmem>>, vector<16xi32>,
      %swap3A_175 = arith.constant 304 : index
      %swap3A_176 = tpu.vector_load %arg19[%swap3A_175] {strides = array<i32>} : memref<512xi32, #tpu.memory_space<vmem>>, vector<16xi32>,
      tpu.vector_store %arg19[%swap3A_175], %broadcast_in_dim3A_14 {strides = array<i32>} : memref<512xi32, #tpu.memory_space<vmem>>, vector<16xi32>,
      %swap3A_177 = arith.constant 320 : index
      %swap3A_178 = tpu.vector_load %arg19[%swap3A_177] {strides = array<i32>} : memref<512xi32, #tpu.memory_space<vmem>>, vector<16xi32>,
      tpu.vector_store %arg19[%swap3A_177], %broadcast_in_dim3A_14 {strides = array<i32>} : memref<512xi32, #tpu.memory_space<vmem>>, vector<16xi32>,
      %swap3A_179 = arith.constant 336 : index
      %swap3A_180 = tpu.vector_load %arg19[%swap3A_179] {strides = array<i32>} : memref<512xi32, #tpu.memory_space<vmem>>, vector<16xi32>,
      tpu.vector_store %arg19[%swap3A_179], %broadcast_in_dim3A_14 {strides = array<i32>} : memref<512xi32, #tpu.memory_space<vmem>>, vector<16xi32>,
      %swap3A_181 = arith.constant 352 : index
      %swap3A_182 = tpu.vector_load %arg19[%swap3A_181] {strides = array<i32>} : memref<512xi32, #tpu.memory_space<vmem>>, vector<16xi32>,
      tpu.vector_store %arg19[%swap3A_181], %broadcast_in_dim3A_14 {strides = array<i32>} : memref<512xi32, #tpu.memory_space<vmem>>, vector<16xi32>,
      %swap3A_183 = arith.constant 368 : index
      %swap3A_184 = tpu.vector_load %arg19[%swap3A_183] {strides = array<i32>} : memref<512xi32, #tpu.memory_space<vmem>>, vector<16xi32>,
      tpu.vector_store %arg19[%swap3A_183], %broadcast_in_dim3A_14 {strides = array<i32>} : memref<512xi32, #tpu.memory_space<vmem>>, vector<16xi32>,
      %swap3A_185 = arith.constant 384 : index
      %swap3A_186 = tpu.vector_load %arg19[%swap3A_185] {strides = array<i32>} : memref<512xi32, #tpu.memory_space<vmem>>, vector<16xi32>,
      tpu.vector_store %arg19[%swap3A_185], %broadcast_in_dim3A_14 {strides = array<i32>} : memref<512xi32, #tpu.memory_space<vmem>>, vector<16xi32>,
      %swap3A_187 = arith.constant 400 : index
      %swap3A_188 = tpu.vector_load %arg19[%swap3A_187] {strides = array<i32>} : memref<512xi32, #tpu.memory_space<vmem>>, vector<16xi32>,
      tpu.vector_store %arg19[%swap3A_187], %broadcast_in_dim3A_14 {strides = array<i32>} : memref<512xi32, #tpu.memory_space<vmem>>, vector<16xi32>,
      %swap3A_189 = arith.constant 416 : index
      %swap3A_190 = tpu.vector_load %arg19[%swap3A_189] {strides = array<i32>} : memref<512xi32, #tpu.memory_space<vmem>>, vector<16xi32>,
      tpu.vector_store %arg19[%swap3A_189], %broadcast_in_dim3A_14 {strides = array<i32>} : memref<512xi32, #tpu.memory_space<vmem>>, vector<16xi32>,
      %swap3A_191 = arith.constant 432 : index
      %swap3A_192 = tpu.vector_load %arg19[%swap3A_191] {strides = array<i32>} : memref<512xi32, #tpu.memory_space<vmem>>, vector<16xi32>,
      tpu.vector_store %arg19[%swap3A_191], %broadcast_in_dim3A_14 {strides = array<i32>} : memref<512xi32, #tpu.memory_space<vmem>>, vector<16xi32>,
      %swap3A_193 = arith.constant 448 : index
      %swap3A_194 = tpu.vector_load %arg19[%swap3A_193] {strides = array<i32>} : memref<512xi32, #tpu.memory_space<vmem>>, vector<16xi32>,
      tpu.vector_store %arg19[%swap3A_193], %broadcast_in_dim3A_14 {strides = array<i32>} : memref<512xi32, #tpu.memory_space<vmem>>, vector<16xi32>,
      %swap3A_195 = arith.constant 464 : index
      %swap3A_196 = tpu.vector_load %arg19[%swap3A_195] {strides = array<i32>} : memref<512xi32, #tpu.memory_space<vmem>>, vector<16xi32>,
      tpu.vector_store %arg19[%swap3A_195], %broadcast_in_dim3A_14 {strides = array<i32>} : memref<512xi32, #tpu.memory_space<vmem>>, vector<16xi32>,
      %swap3A_197 = arith.constant 480 : index
      %swap3A_198 = tpu.vector_load %arg19[%swap3A_197] {strides = array<i32>} : memref<512xi32, #tpu.memory_space<vmem>>, vector<16xi32>,
      tpu.vector_store %arg19[%swap3A_197], %broadcast_in_dim3A_14 {strides = array<i32>} : memref<512xi32, #tpu.memory_space<vmem>>, vector<16xi32>,
      %swap3A_199 = arith.constant 496 : index
      %swap3A_200 = tpu.vector_load %arg19[%swap3A_199] {strides = array<i32>} : memref<512xi32, #tpu.memory_space<vmem>>, vector<16xi32>,
      tpu.vector_store %arg19[%swap3A_199], %broadcast_in_dim3A_14 {strides = array<i32>} : memref<512xi32, #tpu.memory_space<vmem>>, vector<16xi32>,
      %broadcast_in_dim3A_201 = vector.broadcast %add3A_136 : i32 to vector<16xi32>
      %broadcast_in_dim3A_202 = arith.constant 0 : i32
      %broadcast_in_dim3A_203 = vector.broadcast %broadcast_in_dim3A_202 : i32 to vector<16xi32>
      tpu.vector_store_idx %arg19[%broadcast_in_dim3A_201], %broadcast_in_dim3A_203 masked %eq3A_2 : memref<512xi32, #tpu.memory_space<vmem>>[vector<16xi32>], vector<16xi32>, vector<16xi1>
      %mul3A_204 = arith.constant 512 : i32
      %mul3A_205 = vector.broadcast %mul3A_204 : i32 to vector<16xi32>
      %mul3A_206 = arith.muli %iota3A, %mul3A_205 : vector<16xi32>
      %add3A_207 = vector.broadcast %add3A_136 : i32 to vector<16xi32>
      %add3A_208 = arith.addi %mul3A_206, %add3A_207 : vector<16xi32>
      %mul3A_209 = arith.constant 16 : i32
      %mul3A_210 = arith.muli %add3A_136, %mul3A_209 : i32
      %add3A_211 = vector.broadcast %mul3A_210 : i32 to vector<16xi32>
      %add3A_212 = arith.addi %add3A_211, %iota3A : vector<16xi32>
      %gather3A = tpu.vector_load_idx %arg17[%add3A_212] : memref<8192xf32, #tpu.memory_space<vmem>>[vector<16xi32>], vector<16xf32>,
      tpu.vector_store_idx %arg20[%add3A_208], %gather3A : memref<8192xf32, #tpu.memory_space<vmem>>[vector<16xi32>], vector<16xf32>,
      %add3A_213 = vector.broadcast %add3A_136 : i32 to vector<16xi32>
      %add3A_214 = arith.addi %add3A_213, %min3A_4 : vector<16xi32>
      %gather3A_215 = tpu.vector_load_idx %arg14[%add3A_214] : memref<520xi32, #tpu.memory_space<vmem>>[vector<16xi32>], vector<16xi32>,
      %slice3A = vector.extract_strided_slice %gather3A_215 {offsets = [0], sizes = [1], strides = [1]} : vector<16xi32> to vector<1xi32>
      %squeeze3A = vector.extract %slice3A[0] : i32 from vector<1xi32>
      %slice3A_216 = vector.extract_strided_slice %gather3A_215 {offsets = [1], sizes = [1], strides = [1]} : vector<16xi32> to vector<1xi32>
      %squeeze3A_217 = vector.extract %slice3A_216[0] : i32 from vector<1xi32>
      %add3A_218 = arith.constant 65536 : i32
      %add3A_219 = arith.addi %add3A_218, %add3A_136 : i32
      %broadcast_in_dim3A_220 = vector.broadcast %add3A_219 : i32 to vector<16xi32>
      %add3A_221 = vector.broadcast %squeeze3A : i32 to vector<16xi32>
      %add3A_222 = arith.addi %add3A_221, %iota3A : vector<16xi32>
      %min3A_223 = arith.constant 4095 : i32
      %min3A_224 = vector.broadcast %min3A_223 : i32 to vector<16xi32>
      %min3A_225 = arith.minsi %add3A_222, %min3A_224 : vector<16xi32>
      %add3A_226 = vector.broadcast %squeeze3A : i32 to vector<16xi32>
      %add3A_227 = arith.addi %add3A_226, %iota3A : vector<16xi32>
      %lt3A = vector.broadcast %squeeze3A_217 : i32 to vector<16xi32>
      %lt3A_228 = arith.cmpi slt, %add3A_227, %lt3A : vector<16xi32>
      %gather3A_229 = tpu.vector_load_idx %arg16[%min3A_225] : memref<4096xi32, #tpu.memory_space<vmem>>[vector<16xi32>], vector<16xi32>,
      %gather3A_230 = tpu.vector_load_idx %arg19[%gather3A_229] : memref<512xi32, #tpu.memory_space<vmem>>[vector<16xi32>], vector<16xi32>,
      %lt3A_231 = arith.constant 0 : i32
      %lt3A_232 = vector.broadcast %lt3A_231 : i32 to vector<16xi32>
      %lt3A_233 = arith.cmpi slt, %gather3A_230, %lt3A_232 : vector<16xi32>
      %and3A = arith.andi %lt3A_228, %lt3A_233 : vector<16xi1>
      tpu.vector_store_idx %arg19[%gather3A_229], %broadcast_in_dim3A_220 masked %and3A : memref<512xi32, #tpu.memory_space<vmem>>[vector<16xi32>], vector<16xi32>, vector<16xi1>
      %sub3A = arith.subi %squeeze3A_217, %squeeze3A : i32
      %gt3A = arith.constant 16 : i32
      %gt3A_234 = arith.cmpi sgt, %sub3A, %gt3A : i32
      %convert_element_type3A = arith.extui %gt3A_234 : i1 to i32
      %cond3A = arith.constant 0 : i32
      %cond3A_235 = arith.cmpi ne, %convert_element_type3A, %cond3A : i32
      scf.if %cond3A_235 {
        %sub3A_1289 = arith.subi %squeeze3A_217, %squeeze3A : i32
        %add3A_1290 = arith.constant 15 : i32
        %add3A_1291 = arith.addi %sub3A_1289, %add3A_1290 : i32
        %jit3A = arith.constant 16 : i32
        %div3A = arith.divsi %add3A_1291, %jit3A : i32
        %sign3A = arith.constant 0 : i32
        %sign3A_1292 = arith.cmpi sgt, %add3A_1291, %sign3A : i32
        %sign3A_1293 = arith.extui %sign3A_1292 : i1 to i32
        %sign3A_1294 = arith.constant 0 : i32
        %sign3A_1295 = arith.cmpi slt, %add3A_1291, %sign3A_1294 : i32
        %sign3A_1296 = arith.extui %sign3A_1295 : i1 to i32
        %sign3A_1297 = arith.subi %sign3A_1293, %sign3A_1296 : i32
        %sign3A_1298 = arith.constant 0 : i32
        %sign3A_1299 = arith.cmpi sgt, %jit3A, %sign3A_1298 : i32
        %sign3A_1300 = arith.extui %sign3A_1299 : i1 to i32
        %sign3A_1301 = arith.constant 0 : i32
        %sign3A_1302 = arith.cmpi slt, %jit3A, %sign3A_1301 : i32
        %sign3A_1303 = arith.extui %sign3A_1302 : i1 to i32
        %sign3A_1304 = arith.subi %sign3A_1300, %sign3A_1303 : i32
        %ne3A = arith.cmpi ne, %sign3A_1297, %sign3A_1304 : i32
        %rem3A = arith.remsi %add3A_1291, %jit3A : i32
        %ne3A_1305 = arith.constant 0 : i32
        %ne3A_1306 = arith.cmpi ne, %rem3A, %ne3A_1305 : i32
        %and3A_1307 = arith.andi %ne3A, %ne3A_1306 : i1
        %sub3A_1308 = arith.constant 1 : i32
        %sub3A_1309 = arith.subi %div3A, %sub3A_1308 : i32
        %select_n3A = arith.select %and3A_1307, %sub3A_1309, %div3A : i32
        %while3A_1310 = arith.constant 1 : i32
        %while3A_1311 = arith.constant 0 : i32
        %while3A_1312 = arith.subi %select_n3A, %while3A_1310 : i32
        %while3A_1313 = arith.addi %while3A_1310, %while3A_1312 : i32
        %while3A_1314 = arith.constant 1 : i32
        %while3A_1315 = arith.divsi %while3A_1312, %while3A_1314 : i32
        %while3A_1316 = arith.muli %while3A_1315, %while3A_1314 : i32
        %while3A_1317 = arith.addi %while3A_1310, %while3A_1316 : i32
        %while3A_1318 = arith.constant 1 : i32
        %while3A_1319 = scf.for %while3A_1322 = %while3A_1310 to %while3A_1317 step %while3A_1318 iter_args(%while3A_1323 = %while3A_1311) -> (i32)  : i32 {
          %mul3A_1324 = arith.constant 16 : i32
          %mul3A_1325 = arith.muli %while3A_1322, %mul3A_1324 : i32
          %add3A_1326 = arith.addi %squeeze3A, %mul3A_1325 : i32
          %add3A_1327 = vector.broadcast %add3A_1326 : i32 to vector<16xi32>
          %add3A_1328 = arith.addi %add3A_1327, %iota3A : vector<16xi32>
          %min3A_1329 = arith.constant 4095 : i32
          %min3A_1330 = vector.broadcast %min3A_1329 : i32 to vector<16xi32>
          %min3A_1331 = arith.minsi %add3A_1328, %min3A_1330 : vector<16xi32>
          %add3A_1332 = vector.broadcast %add3A_1326 : i32 to vector<16xi32>
          %add3A_1333 = arith.addi %add3A_1332, %iota3A : vector<16xi32>
          %lt3A_1334 = vector.broadcast %squeeze3A_217 : i32 to vector<16xi32>
          %lt3A_1335 = arith.cmpi slt, %add3A_1333, %lt3A_1334 : vector<16xi32>
          %gather3A_1336 = tpu.vector_load_idx %arg16[%min3A_1331] : memref<4096xi32, #tpu.memory_space<vmem>>[vector<16xi32>], vector<16xi32>,
          %gather3A_1337 = tpu.vector_load_idx %arg19[%gather3A_1336] : memref<512xi32, #tpu.memory_space<vmem>>[vector<16xi32>], vector<16xi32>,
          %lt3A_1338 = arith.constant 0 : i32
          %lt3A_1339 = vector.broadcast %lt3A_1338 : i32 to vector<16xi32>
          %lt3A_1340 = arith.cmpi slt, %gather3A_1337, %lt3A_1339 : vector<16xi32>
          %and3A_1341 = arith.andi %lt3A_1335, %lt3A_1340 : vector<16xi1>
          tpu.vector_store_idx %arg19[%gather3A_1336], %broadcast_in_dim3A_220 masked %and3A_1341 : memref<512xi32, #tpu.memory_space<vmem>>[vector<16xi32>], vector<16xi32>, vector<16xi1>
          %while3A_1342 = arith.constant 0 : i32
          scf.yield %while3A_1342 : i32
        }
        %while3A_1320 = arith.constant 1 : i32
        %while3A_1321 = scf.for %while3A_1322 = %while3A_1317 to %while3A_1313 step %while3A_1320 iter_args(%while3A_1323 = %while3A_1319) -> (i32)  : i32 {
          %mul3A_1324 = arith.constant 16 : i32
          %mul3A_1325 = arith.muli %while3A_1322, %mul3A_1324 : i32
          %add3A_1326 = arith.addi %squeeze3A, %mul3A_1325 : i32
          %add3A_1327 = vector.broadcast %add3A_1326 : i32 to vector<16xi32>
          %add3A_1328 = arith.addi %add3A_1327, %iota3A : vector<16xi32>
          %min3A_1329 = arith.constant 4095 : i32
          %min3A_1330 = vector.broadcast %min3A_1329 : i32 to vector<16xi32>
          %min3A_1331 = arith.minsi %add3A_1328, %min3A_1330 : vector<16xi32>
          %add3A_1332 = vector.broadcast %add3A_1326 : i32 to vector<16xi32>
          %add3A_1333 = arith.addi %add3A_1332, %iota3A : vector<16xi32>
          %lt3A_1334 = vector.broadcast %squeeze3A_217 : i32 to vector<16xi32>
          %lt3A_1335 = arith.cmpi slt, %add3A_1333, %lt3A_1334 : vector<16xi32>
          %gather3A_1336 = tpu.vector_load_idx %arg16[%min3A_1331] : memref<4096xi32, #tpu.memory_space<vmem>>[vector<16xi32>], vector<16xi32>,
          %gather3A_1337 = tpu.vector_load_idx %arg19[%gather3A_1336] : memref<512xi32, #tpu.memory_space<vmem>>[vector<16xi32>], vector<16xi32>,
          %lt3A_1338 = arith.constant 0 : i32
          %lt3A_1339 = vector.broadcast %lt3A_1338 : i32 to vector<16xi32>
          %lt3A_1340 = arith.cmpi slt, %gather3A_1337, %lt3A_1339 : vector<16xi32>
          %and3A_1341 = arith.andi %lt3A_1335, %lt3A_1340 : vector<16xi1>
          tpu.vector_store_idx %arg19[%gather3A_1336], %broadcast_in_dim3A_220 masked %and3A_1341 : memref<512xi32, #tpu.memory_space<vmem>>[vector<16xi32>], vector<16xi32>, vector<16xi1>
          %while3A_1342 = arith.constant 0 : i32
          scf.yield %while3A_1342 : i32
        }
      } else {
      }
      %while3A = arith.constant 2 : i32
      %while3A_236 = arith.constant true
      %while3A_237:2 = scf.while (%while3A_1289 = %while3A, %while3A_1290 = %while3A_236) : (i32, i1) -> (i32, i1) {
        scf.condition(%while3A_1290) %while3A_1289, %while3A_1290 : i32, i1
      } do {
      ^bb0(%while3A_1289: i32, %while3A_1290: i1):
        %mul3A_1291 = arith.constant 65536 : i32
        %mul3A_1292 = arith.muli %while3A_1289, %mul3A_1291 : i32
        %sub3A_1293 = arith.constant 1 : i32
        %sub3A_1294 = arith.subi %while3A_1289, %sub3A_1293 : i32
        %scan3A_1295 = arith.constant false
        %scan3A_1296 = arith.constant 0 : i32
        %scan3A_1297 = arith.constant 32 : i32
        %scan3A_1298 = arith.addi %scan3A_1296, %scan3A_1297 : i32
        %scan3A_1299 = arith.constant 1 : i32
        %scan3A_1300 = scf.for %scan3A_1304 = %scan3A_1296 to %scan3A_1298 step %scan3A_1299 iter_args(%scan3A_1305 = %scan3A_1295) -> (i1)  : i32 {
          %mul3A_1306 = arith.constant 16 : i32
          %mul3A_1307 = arith.muli %scan3A_1304, %mul3A_1306 : i32
          %add3A_1308 = vector.broadcast %mul3A_1307 : i32 to vector<16xi32>
          %add3A_1309 = arith.addi %add3A_1308, %iota3A : vector<16xi32>
          %gather3A_1310 = tpu.vector_load_idx %arg19[%add3A_1309] : memref<512xi32, #tpu.memory_space<vmem>>[vector<16xi32>], vector<16xi32>,
          %shift_right_arithmetic3A = arith.constant 16 : i32
          %shift_right_arithmetic3A_1311 = vector.broadcast %shift_right_arithmetic3A : i32 to vector<16xi32>
          %shift_right_arithmetic3A_1312 = arith.shrsi %gather3A_1310, %shift_right_arithmetic3A_1311 : vector<16xi32>
          %eq3A_1313 = vector.broadcast %sub3A_1294 : i32 to vector<16xi32>
          %eq3A_1314 = arith.cmpi eq, %shift_right_arithmetic3A_1312, %eq3A_1313 : vector<16xi32>
          %reduce_or3A = arith.constant 1.000000e+00 : f32
          %reduce_or3A_1315 = arith.constant 0.000000e+00 : f32
          %reduce_or3A_1316 = vector.broadcast %reduce_or3A : f32 to vector<16xf32>
          %reduce_or3A_1317 = vector.broadcast %reduce_or3A_1315 : f32 to vector<16xf32>
          %reduce_or3A_1318 = arith.select %eq3A_1314, %reduce_or3A_1316, %reduce_or3A_1317 : vector<16xi1>, vector<16xf32>
          %reduce_or3A_1319 = arith.constant true
          %reduce_or3A_1320 = vector.broadcast %reduce_or3A_1319 : i1 to vector<16xi1>
          %reduce_or3A_1321 = tpu.scan <max>, %reduce_or3A_1318 masked %reduce_or3A_1320 : vector<16xf32>, vector<16xi1> -> vector<16xf32>
          %reduce_or3A_1322 = vector.extract %reduce_or3A_1321[15] : f32 from vector<16xf32>
          %reduce_or3A_1323 = arith.constant 0.000000e+00 : f32
          %reduce_or3A_1324 = arith.cmpf ogt, %reduce_or3A_1322, %reduce_or3A_1323 : f32
          %convert_element_type3A_1325 = arith.extui %reduce_or3A_1324 : i1 to i32
          %cond3A_1326 = arith.constant 0 : i32
          %cond3A_1327 = arith.constant 0 : i32
          %cond3A_1328 = arith.cmpi ne, %convert_element_type3A_1325, %cond3A_1327 : i32
          %cond3A_1329 = scf.if %cond3A_1328 -> (i32) {
            %all_reduce_ffs3A = tpu.all_reduce %eq3A_1314 {dim = 0 : i64, kind = #tpu.reduction_kind<find_first_set>} : vector<16xi1> -> vector<16xi32>
            %slice3A_1330 = vector.extract_strided_slice %all_reduce_ffs3A {offsets = [0], sizes = [1], strides = [1]} : vector<16xi32> to vector<1xi32>
            %squeeze3A_1331 = vector.extract %slice3A_1330[0] : i32 from vector<1xi32>
            %ne3A = vector.broadcast %squeeze3A_1331 : i32 to vector<16xi32>
            %ne3A_1332 = arith.cmpi ne, %iota3A, %ne3A : vector<16xi32>
            %and3A_1333 = arith.andi %eq3A_1314, %ne3A_1332 : vector<16xi1>
            %mul3A_1334 = arith.constant 16 : i32
            %mul3A_1335 = arith.muli %scan3A_1304, %mul3A_1334 : i32
            %add3A_1336 = arith.addi %mul3A_1335, %squeeze3A_1331 : i32
            %add3A_1337 = vector.broadcast %add3A_1336 : i32 to vector<16xi32>
            %add3A_1338 = arith.addi %add3A_1337, %min3A_4 : vector<16xi32>
            %gather3A_1339 = tpu.vector_load_idx %arg14[%add3A_1338] : memref<520xi32, #tpu.memory_space<vmem>>[vector<16xi32>], vector<16xi32>,
            %slice3A_1340 = vector.extract_strided_slice %gather3A_1339 {offsets = [0], sizes = [1], strides = [1]} : vector<16xi32> to vector<1xi32>
            %squeeze3A_1341 = vector.extract %slice3A_1340[0] : i32 from vector<1xi32>
            %add3A_1342 = vector.broadcast %squeeze3A_1341 : i32 to vector<16xi32>
            %add3A_1343 = arith.addi %add3A_1342, %iota3A : vector<16xi32>
            %min3A_1344 = arith.constant 4095 : i32
            %min3A_1345 = vector.broadcast %min3A_1344 : i32 to vector<16xi32>
            %min3A_1346 = arith.minsi %add3A_1343, %min3A_1345 : vector<16xi32>
            %gather3A_1347 = tpu.vector_load_idx %arg16[%min3A_1346] : memref<4096xi32, #tpu.memory_space<vmem>>[vector<16xi32>], vector<16xi32>,
            %slice3A_1348 = vector.extract_strided_slice %gather3A_1339 {offsets = [0], sizes = [1], strides = [1]} : vector<16xi32> to vector<1xi32>
            %squeeze3A_1349 = vector.extract %slice3A_1348[0] : i32 from vector<1xi32>
            %slice3A_1350 = vector.extract_strided_slice %gather3A_1339 {offsets = [1], sizes = [1], strides = [1]} : vector<16xi32> to vector<1xi32>
            %squeeze3A_1351 = vector.extract %slice3A_1350[0] : i32 from vector<1xi32>
            %while3A_1352 = arith.constant true
            %while3A_1353:6 = scf.while (%while3A_1355 = %while3A_1352, %while3A_1356 = %and3A_1333, %while3A_1357 = %add3A_1336, %while3A_1358 = %squeeze3A_1349, %while3A_1359 = %squeeze3A_1351, %while3A_1360 = %gather3A_1347) : (i1, vector<16xi1>, i32, i32, i32, vector<16xi32>) -> (i1, vector<16xi1>, i32, i32, i32, vector<16xi32>) {
              scf.condition(%while3A_1355) %while3A_1355, %while3A_1356, %while3A_1357, %while3A_1358, %while3A_1359, %while3A_1360 : i1, vector<16xi1>, i32, i32, i32, vector<16xi32>
            } do {
            ^bb0(%while3A_1355: i1, %while3A_1356: vector<16xi1>, %while3A_1357: i32, %while3A_1358: i32, %while3A_1359: i32, %while3A_1360: vector<16xi32>):
              %reduce_or3A_1361 = arith.constant 1.000000e+00 : f32
              %reduce_or3A_1362 = arith.constant 0.000000e+00 : f32
              %reduce_or3A_1363 = vector.broadcast %reduce_or3A_1361 : f32 to vector<16xf32>
              %reduce_or3A_1364 = vector.broadcast %reduce_or3A_1362 : f32 to vector<16xf32>
              %reduce_or3A_1365 = arith.select %while3A_1356, %reduce_or3A_1363, %reduce_or3A_1364 : vector<16xi1>, vector<16xf32>
              %reduce_or3A_1366 = arith.constant true
              %reduce_or3A_1367 = vector.broadcast %reduce_or3A_1366 : i1 to vector<16xi1>
              %reduce_or3A_1368 = tpu.scan <max>, %reduce_or3A_1365 masked %reduce_or3A_1367 : vector<16xf32>, vector<16xi1> -> vector<16xf32>
              %reduce_or3A_1369 = vector.extract %reduce_or3A_1368[15] : f32 from vector<16xf32>
              %reduce_or3A_1370 = arith.constant 0.000000e+00 : f32
              %reduce_or3A_1371 = arith.cmpf ogt, %reduce_or3A_1369, %reduce_or3A_1370 : f32
              %all_reduce_ffs3A_1372 = tpu.all_reduce %while3A_1356 {dim = 0 : i64, kind = #tpu.reduction_kind<find_first_set>} : vector<16xi1> -> vector<16xi32>
              %slice3A_1373 = vector.extract_strided_slice %all_reduce_ffs3A_1372 {offsets = [0], sizes = [1], strides = [1]} : vector<16xi32> to vector<1xi32>
              %squeeze3A_1374 = vector.extract %slice3A_1373[0] : i32 from vector<1xi32>
              %ne3A_1375 = vector.broadcast %squeeze3A_1374 : i32 to vector<16xi32>
              %ne3A_1376 = arith.cmpi ne, %iota3A, %ne3A_1375 : vector<16xi32>
              %and3A_1377 = arith.andi %while3A_1356, %ne3A_1376 : vector<16xi1>
              %mul3A_1378 = arith.constant 16 : i32
              %mul3A_1379 = arith.muli %scan3A_1304, %mul3A_1378 : i32
              %add3A_1380 = arith.addi %mul3A_1379, %squeeze3A_1374 : i32
              %min3A_1381 = arith.constant 511 : i32
              %min3A_1382 = arith.minsi %add3A_1380, %min3A_1381 : i32
              %add3A_1383 = vector.broadcast %min3A_1382 : i32 to vector<16xi32>
              %add3A_1384 = arith.addi %add3A_1383, %min3A_4 : vector<16xi32>
              %gather3A_1385 = tpu.vector_load_idx %arg14[%add3A_1384] : memref<520xi32, #tpu.memory_space<vmem>>[vector<16xi32>], vector<16xi32>,
              %slice3A_1386 = vector.extract_strided_slice %gather3A_1385 {offsets = [0], sizes = [1], strides = [1]} : vector<16xi32> to vector<1xi32>
              %squeeze3A_1387 = vector.extract %slice3A_1386[0] : i32 from vector<1xi32>
              %add3A_1388 = vector.broadcast %squeeze3A_1387 : i32 to vector<16xi32>
              %add3A_1389 = arith.addi %add3A_1388, %iota3A : vector<16xi32>
              %min3A_1390 = arith.constant 4095 : i32
              %min3A_1391 = vector.broadcast %min3A_1390 : i32 to vector<16xi32>
              %min3A_1392 = arith.minsi %add3A_1389, %min3A_1391 : vector<16xi32>
              %gather3A_1393 = tpu.vector_load_idx %arg16[%min3A_1392] : memref<4096xi32, #tpu.memory_space<vmem>>[vector<16xi32>], vector<16xi32>,
              %add3A_1394 = vector.broadcast %while3A_1358 : i32 to vector<16xi32>
              %add3A_1395 = arith.addi %add3A_1394, %iota3A : vector<16xi32>
              %lt3A_1396 = vector.broadcast %while3A_1359 : i32 to vector<16xi32>
              %lt3A_1397 = arith.cmpi slt, %add3A_1395, %lt3A_1396 : vector<16xi32>
              %gather3A_1398 = tpu.vector_load_idx %arg19[%while3A_1360] : memref<512xi32, #tpu.memory_space<vmem>>[vector<16xi32>], vector<16xi32>,
              %lt3A_1399 = arith.constant 0 : i32
              %lt3A_1400 = vector.broadcast %lt3A_1399 : i32 to vector<16xi32>
              %lt3A_1401 = arith.cmpi slt, %gather3A_1398, %lt3A_1400 : vector<16xi32>
              %and3A_1402 = arith.andi %lt3A_1397, %lt3A_1401 : vector<16xi1>
              %add3A_1403 = arith.addi %mul3A_1292, %while3A_1357 : i32
              %broadcast_in_dim3A_1404 = vector.broadcast %add3A_1403 : i32 to vector<16xi32>
              tpu.vector_store_idx %arg19[%while3A_1360], %broadcast_in_dim3A_1404 masked %and3A_1402 : memref<512xi32, #tpu.memory_space<vmem>>[vector<16xi32>], vector<16xi32>, vector<16xi1>
              %sub3A_1405 = arith.subi %while3A_1359, %while3A_1358 : i32
              %gt3A_1406 = arith.constant 16 : i32
              %gt3A_1407 = arith.cmpi sgt, %sub3A_1405, %gt3A_1406 : i32
              %convert_element_type3A_1408 = arith.extui %gt3A_1407 : i1 to i32
              %cond3A_1409 = arith.constant 0 : i32
              %cond3A_1410 = arith.cmpi ne, %convert_element_type3A_1408, %cond3A_1409 : i32
              scf.if %cond3A_1410 {
                %sub3A_1415 = arith.subi %while3A_1359, %while3A_1358 : i32
                %add3A_1416 = arith.constant 15 : i32
                %add3A_1417 = arith.addi %sub3A_1415, %add3A_1416 : i32
                %jit3A = arith.constant 16 : i32
                %div3A = arith.divsi %add3A_1417, %jit3A : i32
                %sign3A = arith.constant 0 : i32
                %sign3A_1418 = arith.cmpi sgt, %add3A_1417, %sign3A : i32
                %sign3A_1419 = arith.extui %sign3A_1418 : i1 to i32
                %sign3A_1420 = arith.constant 0 : i32
                %sign3A_1421 = arith.cmpi slt, %add3A_1417, %sign3A_1420 : i32
                %sign3A_1422 = arith.extui %sign3A_1421 : i1 to i32
                %sign3A_1423 = arith.subi %sign3A_1419, %sign3A_1422 : i32
                %sign3A_1424 = arith.constant 0 : i32
                %sign3A_1425 = arith.cmpi sgt, %jit3A, %sign3A_1424 : i32
                %sign3A_1426 = arith.extui %sign3A_1425 : i1 to i32
                %sign3A_1427 = arith.constant 0 : i32
                %sign3A_1428 = arith.cmpi slt, %jit3A, %sign3A_1427 : i32
                %sign3A_1429 = arith.extui %sign3A_1428 : i1 to i32
                %sign3A_1430 = arith.subi %sign3A_1426, %sign3A_1429 : i32
                %ne3A_1431 = arith.cmpi ne, %sign3A_1423, %sign3A_1430 : i32
                %rem3A = arith.remsi %add3A_1417, %jit3A : i32
                %ne3A_1432 = arith.constant 0 : i32
                %ne3A_1433 = arith.cmpi ne, %rem3A, %ne3A_1432 : i32
                %and3A_1434 = arith.andi %ne3A_1431, %ne3A_1433 : i1
                %sub3A_1435 = arith.constant 1 : i32
                %sub3A_1436 = arith.subi %div3A, %sub3A_1435 : i32
                %select_n3A = arith.select %and3A_1434, %sub3A_1436, %div3A : i32
                %while3A_1437 = arith.constant 1 : i32
                %while3A_1438 = arith.constant 0 : i32
                %while3A_1439 = arith.subi %select_n3A, %while3A_1437 : i32
                %while3A_1440 = arith.addi %while3A_1437, %while3A_1439 : i32
                %while3A_1441 = arith.constant 1 : i32
                %while3A_1442 = arith.divsi %while3A_1439, %while3A_1441 : i32
                %while3A_1443 = arith.muli %while3A_1442, %while3A_1441 : i32
                %while3A_1444 = arith.addi %while3A_1437, %while3A_1443 : i32
                %while3A_1445 = arith.constant 1 : i32
                %while3A_1446 = scf.for %while3A_1449 = %while3A_1437 to %while3A_1444 step %while3A_1445 iter_args(%while3A_1450 = %while3A_1438) -> (i32)  : i32 {
                  %mul3A_1451 = arith.constant 16 : i32
                  %mul3A_1452 = arith.muli %while3A_1449, %mul3A_1451 : i32
                  %add3A_1453 = arith.addi %while3A_1358, %mul3A_1452 : i32
                  %add3A_1454 = vector.broadcast %add3A_1453 : i32 to vector<16xi32>
                  %add3A_1455 = arith.addi %add3A_1454, %iota3A : vector<16xi32>
                  %min3A_1456 = arith.constant 4095 : i32
                  %min3A_1457 = vector.broadcast %min3A_1456 : i32 to vector<16xi32>
                  %min3A_1458 = arith.minsi %add3A_1455, %min3A_1457 : vector<16xi32>
                  %add3A_1459 = vector.broadcast %add3A_1453 : i32 to vector<16xi32>
                  %add3A_1460 = arith.addi %add3A_1459, %iota3A : vector<16xi32>
                  %lt3A_1461 = vector.broadcast %while3A_1359 : i32 to vector<16xi32>
                  %lt3A_1462 = arith.cmpi slt, %add3A_1460, %lt3A_1461 : vector<16xi32>
                  %gather3A_1463 = tpu.vector_load_idx %arg16[%min3A_1458] : memref<4096xi32, #tpu.memory_space<vmem>>[vector<16xi32>], vector<16xi32>,
                  %gather3A_1464 = tpu.vector_load_idx %arg19[%gather3A_1463] : memref<512xi32, #tpu.memory_space<vmem>>[vector<16xi32>], vector<16xi32>,
                  %lt3A_1465 = arith.constant 0 : i32
                  %lt3A_1466 = vector.broadcast %lt3A_1465 : i32 to vector<16xi32>
                  %lt3A_1467 = arith.cmpi slt, %gather3A_1464, %lt3A_1466 : vector<16xi32>
                  %and3A_1468 = arith.andi %lt3A_1462, %lt3A_1467 : vector<16xi1>
                  %add3A_1469 = arith.addi %mul3A_1292, %while3A_1357 : i32
                  %broadcast_in_dim3A_1470 = vector.broadcast %add3A_1469 : i32 to vector<16xi32>
                  tpu.vector_store_idx %arg19[%gather3A_1463], %broadcast_in_dim3A_1470 masked %and3A_1468 : memref<512xi32, #tpu.memory_space<vmem>>[vector<16xi32>], vector<16xi32>, vector<16xi1>
                  %while3A_1471 = arith.constant 0 : i32
                  scf.yield %while3A_1471 : i32
                }
                %while3A_1447 = arith.constant 1 : i32
                %while3A_1448 = scf.for %while3A_1449 = %while3A_1444 to %while3A_1440 step %while3A_1447 iter_args(%while3A_1450 = %while3A_1446) -> (i32)  : i32 {
                  %mul3A_1451 = arith.constant 16 : i32
                  %mul3A_1452 = arith.muli %while3A_1449, %mul3A_1451 : i32
                  %add3A_1453 = arith.addi %while3A_1358, %mul3A_1452 : i32
                  %add3A_1454 = vector.broadcast %add3A_1453 : i32 to vector<16xi32>
                  %add3A_1455 = arith.addi %add3A_1454, %iota3A : vector<16xi32>
                  %min3A_1456 = arith.constant 4095 : i32
                  %min3A_1457 = vector.broadcast %min3A_1456 : i32 to vector<16xi32>
                  %min3A_1458 = arith.minsi %add3A_1455, %min3A_1457 : vector<16xi32>
                  %add3A_1459 = vector.broadcast %add3A_1453 : i32 to vector<16xi32>
                  %add3A_1460 = arith.addi %add3A_1459, %iota3A : vector<16xi32>
                  %lt3A_1461 = vector.broadcast %while3A_1359 : i32 to vector<16xi32>
                  %lt3A_1462 = arith.cmpi slt, %add3A_1460, %lt3A_1461 : vector<16xi32>
                  %gather3A_1463 = tpu.vector_load_idx %arg16[%min3A_1458] : memref<4096xi32, #tpu.memory_space<vmem>>[vector<16xi32>], vector<16xi32>,
                  %gather3A_1464 = tpu.vector_load_idx %arg19[%gather3A_1463] : memref<512xi32, #tpu.memory_space<vmem>>[vector<16xi32>], vector<16xi32>,
                  %lt3A_1465 = arith.constant 0 : i32
                  %lt3A_1466 = vector.broadcast %lt3A_1465 : i32 to vector<16xi32>
                  %lt3A_1467 = arith.cmpi slt, %gather3A_1464, %lt3A_1466 : vector<16xi32>
                  %and3A_1468 = arith.andi %lt3A_1462, %lt3A_1467 : vector<16xi1>
                  %add3A_1469 = arith.addi %mul3A_1292, %while3A_1357 : i32
                  %broadcast_in_dim3A_1470 = vector.broadcast %add3A_1469 : i32 to vector<16xi32>
                  tpu.vector_store_idx %arg19[%gather3A_1463], %broadcast_in_dim3A_1470 masked %and3A_1468 : memref<512xi32, #tpu.memory_space<vmem>>[vector<16xi32>], vector<16xi32>, vector<16xi1>
                  %while3A_1471 = arith.constant 0 : i32
                  scf.yield %while3A_1471 : i32
                }
              } else {
              }
              %slice3A_1411 = vector.extract_strided_slice %gather3A_1385 {offsets = [0], sizes = [1], strides = [1]} : vector<16xi32> to vector<1xi32>
              %squeeze3A_1412 = vector.extract %slice3A_1411[0] : i32 from vector<1xi32>
              %slice3A_1413 = vector.extract_strided_slice %gather3A_1385 {offsets = [1], sizes = [1], strides = [1]} : vector<16xi32> to vector<1xi32>
              %squeeze3A_1414 = vector.extract %slice3A_1413[0] : i32 from vector<1xi32>
              scf.yield %reduce_or3A_1371, %and3A_1377, %min3A_1382, %squeeze3A_1412, %squeeze3A_1414, %gather3A_1393 : i1, vector<16xi1>, i32, i32, i32, vector<16xi32>
            }
            %cond3A_1354 = arith.constant 0 : i32
            scf.yield %cond3A_1354 : i32
          } else {
            %cond3A_1330 = arith.constant 0 : i32
            scf.yield %cond3A_1330 : i32
          }
          %or3A = arith.ori %scan3A_1305, %reduce_or3A_1324 : i1
          scf.yield %or3A : i1
        }
        %scan3A_1301 = arith.constant 32 : i32
        %add3A_1302 = arith.constant 1 : i32
        %add3A_1303 = arith.addi %while3A_1289, %add3A_1302 : i32
        scf.yield %add3A_1303, %scan3A_1300 : i32, i1
      }
      %sub3A_238 = arith.constant 2 : i32
      %sub3A_239 = arith.subi %while3A_237#0, %sub3A_238 : i32
      %swap3A_240 = arith.constant 0 : index
      %swap3A_241 = tpu.vector_load %arg21[%swap3A_240] {strides = array<i32>} : memref<8192xf32, #tpu.memory_space<vmem>>, vector<16xf32>,
      tpu.vector_store %arg21[%swap3A_240], %broadcast_in_dim3A_12 {strides = array<i32>} : memref<8192xf32, #tpu.memory_space<vmem>>, vector<16xf32>,
      %swap3A_242 = arith.constant 16 : index
      %swap3A_243 = tpu.vector_load %arg21[%swap3A_242] {strides = array<i32>} : memref<8192xf32, #tpu.memory_space<vmem>>, vector<16xf32>,
      tpu.vector_store %arg21[%swap3A_242], %broadcast_in_dim3A_12 {strides = array<i32>} : memref<8192xf32, #tpu.memory_space<vmem>>, vector<16xf32>,
      %swap3A_244 = arith.constant 32 : index
      %swap3A_245 = tpu.vector_load %arg21[%swap3A_244] {strides = array<i32>} : memref<8192xf32, #tpu.memory_space<vmem>>, vector<16xf32>,
      tpu.vector_store %arg21[%swap3A_244], %broadcast_in_dim3A_12 {strides = array<i32>} : memref<8192xf32, #tpu.memory_space<vmem>>, vector<16xf32>,
      %swap3A_246 = arith.constant 48 : index
      %swap3A_247 = tpu.vector_load %arg21[%swap3A_246] {strides = array<i32>} : memref<8192xf32, #tpu.memory_space<vmem>>, vector<16xf32>,
      tpu.vector_store %arg21[%swap3A_246], %broadcast_in_dim3A_12 {strides = array<i32>} : memref<8192xf32, #tpu.memory_space<vmem>>, vector<16xf32>,
      %swap3A_248 = arith.constant 64 : index
      %swap3A_249 = tpu.vector_load %arg21[%swap3A_248] {strides = array<i32>} : memref<8192xf32, #tpu.memory_space<vmem>>, vector<16xf32>,
      tpu.vector_store %arg21[%swap3A_248], %broadcast_in_dim3A_12 {strides = array<i32>} : memref<8192xf32, #tpu.memory_space<vmem>>, vector<16xf32>,
      %swap3A_250 = arith.constant 80 : index
      %swap3A_251 = tpu.vector_load %arg21[%swap3A_250] {strides = array<i32>} : memref<8192xf32, #tpu.memory_space<vmem>>, vector<16xf32>,
      tpu.vector_store %arg21[%swap3A_250], %broadcast_in_dim3A_12 {strides = array<i32>} : memref<8192xf32, #tpu.memory_space<vmem>>, vector<16xf32>,
      %swap3A_252 = arith.constant 96 : index
      %swap3A_253 = tpu.vector_load %arg21[%swap3A_252] {strides = array<i32>} : memref<8192xf32, #tpu.memory_space<vmem>>, vector<16xf32>,
      tpu.vector_store %arg21[%swap3A_252], %broadcast_in_dim3A_12 {strides = array<i32>} : memref<8192xf32, #tpu.memory_space<vmem>>, vector<16xf32>,
      %swap3A_254 = arith.constant 112 : index
      %swap3A_255 = tpu.vector_load %arg21[%swap3A_254] {strides = array<i32>} : memref<8192xf32, #tpu.memory_space<vmem>>, vector<16xf32>,
      tpu.vector_store %arg21[%swap3A_254], %broadcast_in_dim3A_12 {strides = array<i32>} : memref<8192xf32, #tpu.memory_space<vmem>>, vector<16xf32>,
      %swap3A_256 = arith.constant 128 : index
      %swap3A_257 = tpu.vector_load %arg21[%swap3A_256] {strides = array<i32>} : memref<8192xf32, #tpu.memory_space<vmem>>, vector<16xf32>,
      tpu.vector_store %arg21[%swap3A_256], %broadcast_in_dim3A_12 {strides = array<i32>} : memref<8192xf32, #tpu.memory_space<vmem>>, vector<16xf32>,
      %swap3A_258 = arith.constant 144 : index
      %swap3A_259 = tpu.vector_load %arg21[%swap3A_258] {strides = array<i32>} : memref<8192xf32, #tpu.memory_space<vmem>>, vector<16xf32>,
      tpu.vector_store %arg21[%swap3A_258], %broadcast_in_dim3A_12 {strides = array<i32>} : memref<8192xf32, #tpu.memory_space<vmem>>, vector<16xf32>,
      %swap3A_260 = arith.constant 160 : index
      %swap3A_261 = tpu.vector_load %arg21[%swap3A_260] {strides = array<i32>} : memref<8192xf32, #tpu.memory_space<vmem>>, vector<16xf32>,
      tpu.vector_store %arg21[%swap3A_260], %broadcast_in_dim3A_12 {strides = array<i32>} : memref<8192xf32, #tpu.memory_space<vmem>>, vector<16xf32>,
      %swap3A_262 = arith.constant 176 : index
      %swap3A_263 = tpu.vector_load %arg21[%swap3A_262] {strides = array<i32>} : memref<8192xf32, #tpu.memory_space<vmem>>, vector<16xf32>,
      tpu.vector_store %arg21[%swap3A_262], %broadcast_in_dim3A_12 {strides = array<i32>} : memref<8192xf32, #tpu.memory_space<vmem>>, vector<16xf32>,
      %swap3A_264 = arith.constant 192 : index
      %swap3A_265 = tpu.vector_load %arg21[%swap3A_264] {strides = array<i32>} : memref<8192xf32, #tpu.memory_space<vmem>>, vector<16xf32>,
      tpu.vector_store %arg21[%swap3A_264], %broadcast_in_dim3A_12 {strides = array<i32>} : memref<8192xf32, #tpu.memory_space<vmem>>, vector<16xf32>,
      %swap3A_266 = arith.constant 208 : index
      %swap3A_267 = tpu.vector_load %arg21[%swap3A_266] {strides = array<i32>} : memref<8192xf32, #tpu.memory_space<vmem>>, vector<16xf32>,
      tpu.vector_store %arg21[%swap3A_266], %broadcast_in_dim3A_12 {strides = array<i32>} : memref<8192xf32, #tpu.memory_space<vmem>>, vector<16xf32>,
      %swap3A_268 = arith.constant 224 : index
      %swap3A_269 = tpu.vector_load %arg21[%swap3A_268] {strides = array<i32>} : memref<8192xf32, #tpu.memory_space<vmem>>, vector<16xf32>,
      tpu.vector_store %arg21[%swap3A_268], %broadcast_in_dim3A_12 {strides = array<i32>} : memref<8192xf32, #tpu.memory_space<vmem>>, vector<16xf32>,
      %swap3A_270 = arith.constant 240 : index
      %swap3A_271 = tpu.vector_load %arg21[%swap3A_270] {strides = array<i32>} : memref<8192xf32, #tpu.memory_space<vmem>>, vector<16xf32>,
      tpu.vector_store %arg21[%swap3A_270], %broadcast_in_dim3A_12 {strides = array<i32>} : memref<8192xf32, #tpu.memory_space<vmem>>, vector<16xf32>,
      %swap3A_272 = arith.constant 256 : index
      %swap3A_273 = tpu.vector_load %arg21[%swap3A_272] {strides = array<i32>} : memref<8192xf32, #tpu.memory_space<vmem>>, vector<16xf32>,
      tpu.vector_store %arg21[%swap3A_272], %broadcast_in_dim3A_12 {strides = array<i32>} : memref<8192xf32, #tpu.memory_space<vmem>>, vector<16xf32>,
      %swap3A_274 = arith.constant 272 : index
      %swap3A_275 = tpu.vector_load %arg21[%swap3A_274] {strides = array<i32>} : memref<8192xf32, #tpu.memory_space<vmem>>, vector<16xf32>,
      tpu.vector_store %arg21[%swap3A_274], %broadcast_in_dim3A_12 {strides = array<i32>} : memref<8192xf32, #tpu.memory_space<vmem>>, vector<16xf32>,
      %swap3A_276 = arith.constant 288 : index
      %swap3A_277 = tpu.vector_load %arg21[%swap3A_276] {strides = array<i32>} : memref<8192xf32, #tpu.memory_space<vmem>>, vector<16xf32>,
      tpu.vector_store %arg21[%swap3A_276], %broadcast_in_dim3A_12 {strides = array<i32>} : memref<8192xf32, #tpu.memory_space<vmem>>, vector<16xf32>,
      %swap3A_278 = arith.constant 304 : index
      %swap3A_279 = tpu.vector_load %arg21[%swap3A_278] {strides = array<i32>} : memref<8192xf32, #tpu.memory_space<vmem>>, vector<16xf32>,
      tpu.vector_store %arg21[%swap3A_278], %broadcast_in_dim3A_12 {strides = array<i32>} : memref<8192xf32, #tpu.memory_space<vmem>>, vector<16xf32>,
      %swap3A_280 = arith.constant 320 : index
      %swap3A_281 = tpu.vector_load %arg21[%swap3A_280] {strides = array<i32>} : memref<8192xf32, #tpu.memory_space<vmem>>, vector<16xf32>,
      tpu.vector_store %arg21[%swap3A_280], %broadcast_in_dim3A_12 {strides = array<i32>} : memref<8192xf32, #tpu.memory_space<vmem>>, vector<16xf32>,
      %swap3A_282 = arith.constant 336 : index
      %swap3A_283 = tpu.vector_load %arg21[%swap3A_282] {strides = array<i32>} : memref<8192xf32, #tpu.memory_space<vmem>>, vector<16xf32>,
      tpu.vector_store %arg21[%swap3A_282], %broadcast_in_dim3A_12 {strides = array<i32>} : memref<8192xf32, #tpu.memory_space<vmem>>, vector<16xf32>,
      %swap3A_284 = arith.constant 352 : index
      %swap3A_285 = tpu.vector_load %arg21[%swap3A_284] {strides = array<i32>} : memref<8192xf32, #tpu.memory_space<vmem>>, vector<16xf32>,
      tpu.vector_store %arg21[%swap3A_284], %broadcast_in_dim3A_12 {strides = array<i32>} : memref<8192xf32, #tpu.memory_space<vmem>>, vector<16xf32>,
      %swap3A_286 = arith.constant 368 : index
      %swap3A_287 = tpu.vector_load %arg21[%swap3A_286] {strides = array<i32>} : memref<8192xf32, #tpu.memory_space<vmem>>, vector<16xf32>,
      tpu.vector_store %arg21[%swap3A_286], %broadcast_in_dim3A_12 {strides = array<i32>} : memref<8192xf32, #tpu.memory_space<vmem>>, vector<16xf32>,
      %swap3A_288 = arith.constant 384 : index
      %swap3A_289 = tpu.vector_load %arg21[%swap3A_288] {strides = array<i32>} : memref<8192xf32, #tpu.memory_space<vmem>>, vector<16xf32>,
      tpu.vector_store %arg21[%swap3A_288], %broadcast_in_dim3A_12 {strides = array<i32>} : memref<8192xf32, #tpu.memory_space<vmem>>, vector<16xf32>,
      %swap3A_290 = arith.constant 400 : index
      %swap3A_291 = tpu.vector_load %arg21[%swap3A_290] {strides = array<i32>} : memref<8192xf32, #tpu.memory_space<vmem>>, vector<16xf32>,
      tpu.vector_store %arg21[%swap3A_290], %broadcast_in_dim3A_12 {strides = array<i32>} : memref<8192xf32, #tpu.memory_space<vmem>>, vector<16xf32>,
      %swap3A_292 = arith.constant 416 : index
      %swap3A_293 = tpu.vector_load %arg21[%swap3A_292] {strides = array<i32>} : memref<8192xf32, #tpu.memory_space<vmem>>, vector<16xf32>,
      tpu.vector_store %arg21[%swap3A_292], %broadcast_in_dim3A_12 {strides = array<i32>} : memref<8192xf32, #tpu.memory_space<vmem>>, vector<16xf32>,
      %swap3A_294 = arith.constant 432 : index
      %swap3A_295 = tpu.vector_load %arg21[%swap3A_294] {strides = array<i32>} : memref<8192xf32, #tpu.memory_space<vmem>>, vector<16xf32>,
      tpu.vector_store %arg21[%swap3A_294], %broadcast_in_dim3A_12 {strides = array<i32>} : memref<8192xf32, #tpu.memory_space<vmem>>, vector<16xf32>,
      %swap3A_296 = arith.constant 448 : index
      %swap3A_297 = tpu.vector_load %arg21[%swap3A_296] {strides = array<i32>} : memref<8192xf32, #tpu.memory_space<vmem>>, vector<16xf32>,
      tpu.vector_store %arg21[%swap3A_296], %broadcast_in_dim3A_12 {strides = array<i32>} : memref<8192xf32, #tpu.memory_space<vmem>>, vector<16xf32>,
      %swap3A_298 = arith.constant 464 : index
      %swap3A_299 = tpu.vector_load %arg21[%swap3A_298] {strides = array<i32>} : memref<8192xf32, #tpu.memory_space<vmem>>, vector<16xf32>,
      tpu.vector_store %arg21[%swap3A_298], %broadcast_in_dim3A_12 {strides = array<i32>} : memref<8192xf32, #tpu.memory_space<vmem>>, vector<16xf32>,
      %swap3A_300 = arith.constant 480 : index
      %swap3A_301 = tpu.vector_load %arg21[%swap3A_300] {strides = array<i32>} : memref<8192xf32, #tpu.memory_space<vmem>>, vector<16xf32>,
      tpu.vector_store %arg21[%swap3A_300], %broadcast_in_dim3A_12 {strides = array<i32>} : memref<8192xf32, #tpu.memory_space<vmem>>, vector<16xf32>,
      %swap3A_302 = arith.constant 496 : index
      %swap3A_303 = tpu.vector_load %arg21[%swap3A_302] {strides = array<i32>} : memref<8192xf32, #tpu.memory_space<vmem>>, vector<16xf32>,
      tpu.vector_store %arg21[%swap3A_302], %broadcast_in_dim3A_12 {strides = array<i32>} : memref<8192xf32, #tpu.memory_space<vmem>>, vector<16xf32>,
      %swap3A_304 = arith.constant 512 : index
      %swap3A_305 = tpu.vector_load %arg21[%swap3A_304] {strides = array<i32>} : memref<8192xf32, #tpu.memory_space<vmem>>, vector<16xf32>,
      tpu.vector_store %arg21[%swap3A_304], %broadcast_in_dim3A_12 {strides = array<i32>} : memref<8192xf32, #tpu.memory_space<vmem>>, vector<16xf32>,
      %swap3A_306 = arith.constant 528 : index
      %swap3A_307 = tpu.vector_load %arg21[%swap3A_306] {strides = array<i32>} : memref<8192xf32, #tpu.memory_space<vmem>>, vector<16xf32>,
      tpu.vector_store %arg21[%swap3A_306], %broadcast_in_dim3A_12 {strides = array<i32>} : memref<8192xf32, #tpu.memory_space<vmem>>, vector<16xf32>,
      %swap3A_308 = arith.constant 544 : index
      %swap3A_309 = tpu.vector_load %arg21[%swap3A_308] {strides = array<i32>} : memref<8192xf32, #tpu.memory_space<vmem>>, vector<16xf32>,
      tpu.vector_store %arg21[%swap3A_308], %broadcast_in_dim3A_12 {strides = array<i32>} : memref<8192xf32, #tpu.memory_space<vmem>>, vector<16xf32>,
      %swap3A_310 = arith.constant 560 : index
      %swap3A_311 = tpu.vector_load %arg21[%swap3A_310] {strides = array<i32>} : memref<8192xf32, #tpu.memory_space<vmem>>, vector<16xf32>,
      tpu.vector_store %arg21[%swap3A_310], %broadcast_in_dim3A_12 {strides = array<i32>} : memref<8192xf32, #tpu.memory_space<vmem>>, vector<16xf32>,
      %swap3A_312 = arith.constant 576 : index
      %swap3A_313 = tpu.vector_load %arg21[%swap3A_312] {strides = array<i32>} : memref<8192xf32, #tpu.memory_space<vmem>>, vector<16xf32>,
      tpu.vector_store %arg21[%swap3A_312], %broadcast_in_dim3A_12 {strides = array<i32>} : memref<8192xf32, #tpu.memory_space<vmem>>, vector<16xf32>,
      %swap3A_314 = arith.constant 592 : index
      %swap3A_315 = tpu.vector_load %arg21[%swap3A_314] {strides = array<i32>} : memref<8192xf32, #tpu.memory_space<vmem>>, vector<16xf32>,
      tpu.vector_store %arg21[%swap3A_314], %broadcast_in_dim3A_12 {strides = array<i32>} : memref<8192xf32, #tpu.memory_space<vmem>>, vector<16xf32>,
      %swap3A_316 = arith.constant 608 : index
      %swap3A_317 = tpu.vector_load %arg21[%swap3A_316] {strides = array<i32>} : memref<8192xf32, #tpu.memory_space<vmem>>, vector<16xf32>,
      tpu.vector_store %arg21[%swap3A_316], %broadcast_in_dim3A_12 {strides = array<i32>} : memref<8192xf32, #tpu.memory_space<vmem>>, vector<16xf32>,
      %swap3A_318 = arith.constant 624 : index
      %swap3A_319 = tpu.vector_load %arg21[%swap3A_318] {strides = array<i32>} : memref<8192xf32, #tpu.memory_space<vmem>>, vector<16xf32>,
      tpu.vector_store %arg21[%swap3A_318], %broadcast_in_dim3A_12 {strides = array<i32>} : memref<8192xf32, #tpu.memory_space<vmem>>, vector<16xf32>,
      %swap3A_320 = arith.constant 640 : index
      %swap3A_321 = tpu.vector_load %arg21[%swap3A_320] {strides = array<i32>} : memref<8192xf32, #tpu.memory_space<vmem>>, vector<16xf32>,
      tpu.vector_store %arg21[%swap3A_320], %broadcast_in_dim3A_12 {strides = array<i32>} : memref<8192xf32, #tpu.memory_space<vmem>>, vector<16xf32>,
      %swap3A_322 = arith.constant 656 : index
      %swap3A_323 = tpu.vector_load %arg21[%swap3A_322] {strides = array<i32>} : memref<8192xf32, #tpu.memory_space<vmem>>, vector<16xf32>,
      tpu.vector_store %arg21[%swap3A_322], %broadcast_in_dim3A_12 {strides = array<i32>} : memref<8192xf32, #tpu.memory_space<vmem>>, vector<16xf32>,
      %swap3A_324 = arith.constant 672 : index
      %swap3A_325 = tpu.vector_load %arg21[%swap3A_324] {strides = array<i32>} : memref<8192xf32, #tpu.memory_space<vmem>>, vector<16xf32>,
      tpu.vector_store %arg21[%swap3A_324], %broadcast_in_dim3A_12 {strides = array<i32>} : memref<8192xf32, #tpu.memory_space<vmem>>, vector<16xf32>,
      %swap3A_326 = arith.constant 688 : index
      %swap3A_327 = tpu.vector_load %arg21[%swap3A_326] {strides = array<i32>} : memref<8192xf32, #tpu.memory_space<vmem>>, vector<16xf32>,
      tpu.vector_store %arg21[%swap3A_326], %broadcast_in_dim3A_12 {strides = array<i32>} : memref<8192xf32, #tpu.memory_space<vmem>>, vector<16xf32>,
      %swap3A_328 = arith.constant 704 : index
      %swap3A_329 = tpu.vector_load %arg21[%swap3A_328] {strides = array<i32>} : memref<8192xf32, #tpu.memory_space<vmem>>, vector<16xf32>,
      tpu.vector_store %arg21[%swap3A_328], %broadcast_in_dim3A_12 {strides = array<i32>} : memref<8192xf32, #tpu.memory_space<vmem>>, vector<16xf32>,
      %swap3A_330 = arith.constant 720 : index
      %swap3A_331 = tpu.vector_load %arg21[%swap3A_330] {strides = array<i32>} : memref<8192xf32, #tpu.memory_space<vmem>>, vector<16xf32>,
      tpu.vector_store %arg21[%swap3A_330], %broadcast_in_dim3A_12 {strides = array<i32>} : memref<8192xf32, #tpu.memory_space<vmem>>, vector<16xf32>,
      %swap3A_332 = arith.constant 736 : index
      %swap3A_333 = tpu.vector_load %arg21[%swap3A_332] {strides = array<i32>} : memref<8192xf32, #tpu.memory_space<vmem>>, vector<16xf32>,
      tpu.vector_store %arg21[%swap3A_332], %broadcast_in_dim3A_12 {strides = array<i32>} : memref<8192xf32, #tpu.memory_space<vmem>>, vector<16xf32>,
      %swap3A_334 = arith.constant 752 : index
      %swap3A_335 = tpu.vector_load %arg21[%swap3A_334] {strides = array<i32>} : memref<8192xf32, #tpu.memory_space<vmem>>, vector<16xf32>,
      tpu.vector_store %arg21[%swap3A_334], %broadcast_in_dim3A_12 {strides = array<i32>} : memref<8192xf32, #tpu.memory_space<vmem>>, vector<16xf32>,
      %swap3A_336 = arith.constant 768 : index
      %swap3A_337 = tpu.vector_load %arg21[%swap3A_336] {strides = array<i32>} : memref<8192xf32, #tpu.memory_space<vmem>>, vector<16xf32>,
      tpu.vector_store %arg21[%swap3A_336], %broadcast_in_dim3A_12 {strides = array<i32>} : memref<8192xf32, #tpu.memory_space<vmem>>, vector<16xf32>,
      %swap3A_338 = arith.constant 784 : index
      %swap3A_339 = tpu.vector_load %arg21[%swap3A_338] {strides = array<i32>} : memref<8192xf32, #tpu.memory_space<vmem>>, vector<16xf32>,
      tpu.vector_store %arg21[%swap3A_338], %broadcast_in_dim3A_12 {strides = array<i32>} : memref<8192xf32, #tpu.memory_space<vmem>>, vector<16xf32>,
      %swap3A_340 = arith.constant 800 : index
      %swap3A_341 = tpu.vector_load %arg21[%swap3A_340] {strides = array<i32>} : memref<8192xf32, #tpu.memory_space<vmem>>, vector<16xf32>,
      tpu.vector_store %arg21[%swap3A_340], %broadcast_in_dim3A_12 {strides = array<i32>} : memref<8192xf32, #tpu.memory_space<vmem>>, vector<16xf32>,
      %swap3A_342 = arith.constant 816 : index
      %swap3A_343 = tpu.vector_load %arg21[%swap3A_342] {strides = array<i32>} : memref<8192xf32, #tpu.memory_space<vmem>>, vector<16xf32>,
      tpu.vector_store %arg21[%swap3A_342], %broadcast_in_dim3A_12 {strides = array<i32>} : memref<8192xf32, #tpu.memory_space<vmem>>, vector<16xf32>,
      %swap3A_344 = arith.constant 832 : index
      %swap3A_345 = tpu.vector_load %arg21[%swap3A_344] {strides = array<i32>} : memref<8192xf32, #tpu.memory_space<vmem>>, vector<16xf32>,
      tpu.vector_store %arg21[%swap3A_344], %broadcast_in_dim3A_12 {strides = array<i32>} : memref<8192xf32, #tpu.memory_space<vmem>>, vector<16xf32>,
      %swap3A_346 = arith.constant 848 : index
      %swap3A_347 = tpu.vector_load %arg21[%swap3A_346] {strides = array<i32>} : memref<8192xf32, #tpu.memory_space<vmem>>, vector<16xf32>,
      tpu.vector_store %arg21[%swap3A_346], %broadcast_in_dim3A_12 {strides = array<i32>} : memref<8192xf32, #tpu.memory_space<vmem>>, vector<16xf32>,
      %swap3A_348 = arith.constant 864 : index
      %swap3A_349 = tpu.vector_load %arg21[%swap3A_348] {strides = array<i32>} : memref<8192xf32, #tpu.memory_space<vmem>>, vector<16xf32>,
      tpu.vector_store %arg21[%swap3A_348], %broadcast_in_dim3A_12 {strides = array<i32>} : memref<8192xf32, #tpu.memory_space<vmem>>, vector<16xf32>,
      %swap3A_350 = arith.constant 880 : index
      %swap3A_351 = tpu.vector_load %arg21[%swap3A_350] {strides = array<i32>} : memref<8192xf32, #tpu.memory_space<vmem>>, vector<16xf32>,
      tpu.vector_store %arg21[%swap3A_350], %broadcast_in_dim3A_12 {strides = array<i32>} : memref<8192xf32, #tpu.memory_space<vmem>>, vector<16xf32>,
      %swap3A_352 = arith.constant 896 : index
      %swap3A_353 = tpu.vector_load %arg21[%swap3A_352] {strides = array<i32>} : memref<8192xf32, #tpu.memory_space<vmem>>, vector<16xf32>,
      tpu.vector_store %arg21[%swap3A_352], %broadcast_in_dim3A_12 {strides = array<i32>} : memref<8192xf32, #tpu.memory_space<vmem>>, vector<16xf32>,
      %swap3A_354 = arith.constant 912 : index
      %swap3A_355 = tpu.vector_load %arg21[%swap3A_354] {strides = array<i32>} : memref<8192xf32, #tpu.memory_space<vmem>>, vector<16xf32>,
      tpu.vector_store %arg21[%swap3A_354], %broadcast_in_dim3A_12 {strides = array<i32>} : memref<8192xf32, #tpu.memory_space<vmem>>, vector<16xf32>,
      %swap3A_356 = arith.constant 928 : index
      %swap3A_357 = tpu.vector_load %arg21[%swap3A_356] {strides = array<i32>} : memref<8192xf32, #tpu.memory_space<vmem>>, vector<16xf32>,
      tpu.vector_store %arg21[%swap3A_356], %broadcast_in_dim3A_12 {strides = array<i32>} : memref<8192xf32, #tpu.memory_space<vmem>>, vector<16xf32>,
      %swap3A_358 = arith.constant 944 : index
      %swap3A_359 = tpu.vector_load %arg21[%swap3A_358] {strides = array<i32>} : memref<8192xf32, #tpu.memory_space<vmem>>, vector<16xf32>,
      tpu.vector_store %arg21[%swap3A_358], %broadcast_in_dim3A_12 {strides = array<i32>} : memref<8192xf32, #tpu.memory_space<vmem>>, vector<16xf32>,
      %swap3A_360 = arith.constant 960 : index
      %swap3A_361 = tpu.vector_load %arg21[%swap3A_360] {strides = array<i32>} : memref<8192xf32, #tpu.memory_space<vmem>>, vector<16xf32>,
      tpu.vector_store %arg21[%swap3A_360], %broadcast_in_dim3A_12 {strides = array<i32>} : memref<8192xf32, #tpu.memory_space<vmem>>, vector<16xf32>,
      %swap3A_362 = arith.constant 976 : index
      %swap3A_363 = tpu.vector_load %arg21[%swap3A_362] {strides = array<i32>} : memref<8192xf32, #tpu.memory_space<vmem>>, vector<16xf32>,
      tpu.vector_store %arg21[%swap3A_362], %broadcast_in_dim3A_12 {strides = array<i32>} : memref<8192xf32, #tpu.memory_space<vmem>>, vector<16xf32>,
      %swap3A_364 = arith.constant 992 : index
      %swap3A_365 = tpu.vector_load %arg21[%swap3A_364] {strides = array<i32>} : memref<8192xf32, #tpu.memory_space<vmem>>, vector<16xf32>,
      tpu.vector_store %arg21[%swap3A_364], %broadcast_in_dim3A_12 {strides = array<i32>} : memref<8192xf32, #tpu.memory_space<vmem>>, vector<16xf32>,
      %swap3A_366 = arith.constant 1008 : index
      %swap3A_367 = tpu.vector_load %arg21[%swap3A_366] {strides = array<i32>} : memref<8192xf32, #tpu.memory_space<vmem>>, vector<16xf32>,
      tpu.vector_store %arg21[%swap3A_366], %broadcast_in_dim3A_12 {strides = array<i32>} : memref<8192xf32, #tpu.memory_space<vmem>>, vector<16xf32>,
      %swap3A_368 = arith.constant 1024 : index
      %swap3A_369 = tpu.vector_load %arg21[%swap3A_368] {strides = array<i32>} : memref<8192xf32, #tpu.memory_space<vmem>>, vector<16xf32>,
      tpu.vector_store %arg21[%swap3A_368], %broadcast_in_dim3A_12 {strides = array<i32>} : memref<8192xf32, #tpu.memory_space<vmem>>, vector<16xf32>,
      %swap3A_370 = arith.constant 1040 : index
      %swap3A_371 = tpu.vector_load %arg21[%swap3A_370] {strides = array<i32>} : memref<8192xf32, #tpu.memory_space<vmem>>, vector<16xf32>,
      tpu.vector_store %arg21[%swap3A_370], %broadcast_in_dim3A_12 {strides = array<i32>} : memref<8192xf32, #tpu.memory_space<vmem>>, vector<16xf32>,
      %swap3A_372 = arith.constant 1056 : index
      %swap3A_373 = tpu.vector_load %arg21[%swap3A_372] {strides = array<i32>} : memref<8192xf32, #tpu.memory_space<vmem>>, vector<16xf32>,
      tpu.vector_store %arg21[%swap3A_372], %broadcast_in_dim3A_12 {strides = array<i32>} : memref<8192xf32, #tpu.memory_space<vmem>>, vector<16xf32>,
      %swap3A_374 = arith.constant 1072 : index
      %swap3A_375 = tpu.vector_load %arg21[%swap3A_374] {strides = array<i32>} : memref<8192xf32, #tpu.memory_space<vmem>>, vector<16xf32>,
      tpu.vector_store %arg21[%swap3A_374], %broadcast_in_dim3A_12 {strides = array<i32>} : memref<8192xf32, #tpu.memory_space<vmem>>, vector<16xf32>,
      %swap3A_376 = arith.constant 1088 : index
      %swap3A_377 = tpu.vector_load %arg21[%swap3A_376] {strides = array<i32>} : memref<8192xf32, #tpu.memory_space<vmem>>, vector<16xf32>,
      tpu.vector_store %arg21[%swap3A_376], %broadcast_in_dim3A_12 {strides = array<i32>} : memref<8192xf32, #tpu.memory_space<vmem>>, vector<16xf32>,
      %swap3A_378 = arith.constant 1104 : index
      %swap3A_379 = tpu.vector_load %arg21[%swap3A_378] {strides = array<i32>} : memref<8192xf32, #tpu.memory_space<vmem>>, vector<16xf32>,
      tpu.vector_store %arg21[%swap3A_378], %broadcast_in_dim3A_12 {strides = array<i32>} : memref<8192xf32, #tpu.memory_space<vmem>>, vector<16xf32>,
      %swap3A_380 = arith.constant 1120 : index
      %swap3A_381 = tpu.vector_load %arg21[%swap3A_380] {strides = array<i32>} : memref<8192xf32, #tpu.memory_space<vmem>>, vector<16xf32>,
      tpu.vector_store %arg21[%swap3A_380], %broadcast_in_dim3A_12 {strides = array<i32>} : memref<8192xf32, #tpu.memory_space<vmem>>, vector<16xf32>,
      %swap3A_382 = arith.constant 1136 : index
      %swap3A_383 = tpu.vector_load %arg21[%swap3A_382] {strides = array<i32>} : memref<8192xf32, #tpu.memory_space<vmem>>, vector<16xf32>,
      tpu.vector_store %arg21[%swap3A_382], %broadcast_in_dim3A_12 {strides = array<i32>} : memref<8192xf32, #tpu.memory_space<vmem>>, vector<16xf32>,
      %swap3A_384 = arith.constant 1152 : index
      %swap3A_385 = tpu.vector_load %arg21[%swap3A_384] {strides = array<i32>} : memref<8192xf32, #tpu.memory_space<vmem>>, vector<16xf32>,
      tpu.vector_store %arg21[%swap3A_384], %broadcast_in_dim3A_12 {strides = array<i32>} : memref<8192xf32, #tpu.memory_space<vmem>>, vector<16xf32>,
      %swap3A_386 = arith.constant 1168 : index
      %swap3A_387 = tpu.vector_load %arg21[%swap3A_386] {strides = array<i32>} : memref<8192xf32, #tpu.memory_space<vmem>>, vector<16xf32>,
      tpu.vector_store %arg21[%swap3A_386], %broadcast_in_dim3A_12 {strides = array<i32>} : memref<8192xf32, #tpu.memory_space<vmem>>, vector<16xf32>,
      %swap3A_388 = arith.constant 1184 : index
      %swap3A_389 = tpu.vector_load %arg21[%swap3A_388] {strides = array<i32>} : memref<8192xf32, #tpu.memory_space<vmem>>, vector<16xf32>,
      tpu.vector_store %arg21[%swap3A_388], %broadcast_in_dim3A_12 {strides = array<i32>} : memref<8192xf32, #tpu.memory_space<vmem>>, vector<16xf32>,
      %swap3A_390 = arith.constant 1200 : index
      %swap3A_391 = tpu.vector_load %arg21[%swap3A_390] {strides = array<i32>} : memref<8192xf32, #tpu.memory_space<vmem>>, vector<16xf32>,
      tpu.vector_store %arg21[%swap3A_390], %broadcast_in_dim3A_12 {strides = array<i32>} : memref<8192xf32, #tpu.memory_space<vmem>>, vector<16xf32>,
      %swap3A_392 = arith.constant 1216 : index
      %swap3A_393 = tpu.vector_load %arg21[%swap3A_392] {strides = array<i32>} : memref<8192xf32, #tpu.memory_space<vmem>>, vector<16xf32>,
      tpu.vector_store %arg21[%swap3A_392], %broadcast_in_dim3A_12 {strides = array<i32>} : memref<8192xf32, #tpu.memory_space<vmem>>, vector<16xf32>,
      %swap3A_394 = arith.constant 1232 : index
      %swap3A_395 = tpu.vector_load %arg21[%swap3A_394] {strides = array<i32>} : memref<8192xf32, #tpu.memory_space<vmem>>, vector<16xf32>,
      tpu.vector_store %arg21[%swap3A_394], %broadcast_in_dim3A_12 {strides = array<i32>} : memref<8192xf32, #tpu.memory_space<vmem>>, vector<16xf32>,
      %swap3A_396 = arith.constant 1248 : index
      %swap3A_397 = tpu.vector_load %arg21[%swap3A_396] {strides = array<i32>} : memref<8192xf32, #tpu.memory_space<vmem>>, vector<16xf32>,
      tpu.vector_store %arg21[%swap3A_396], %broadcast_in_dim3A_12 {strides = array<i32>} : memref<8192xf32, #tpu.memory_space<vmem>>, vector<16xf32>,
      %swap3A_398 = arith.constant 1264 : index
      %swap3A_399 = tpu.vector_load %arg21[%swap3A_398] {strides = array<i32>} : memref<8192xf32, #tpu.memory_space<vmem>>, vector<16xf32>,
      tpu.vector_store %arg21[%swap3A_398], %broadcast_in_dim3A_12 {strides = array<i32>} : memref<8192xf32, #tpu.memory_space<vmem>>, vector<16xf32>,
      %swap3A_400 = arith.constant 1280 : index
      %swap3A_401 = tpu.vector_load %arg21[%swap3A_400] {strides = array<i32>} : memref<8192xf32, #tpu.memory_space<vmem>>, vector<16xf32>,
      tpu.vector_store %arg21[%swap3A_400], %broadcast_in_dim3A_12 {strides = array<i32>} : memref<8192xf32, #tpu.memory_space<vmem>>, vector<16xf32>,
      %swap3A_402 = arith.constant 1296 : index
      %swap3A_403 = tpu.vector_load %arg21[%swap3A_402] {strides = array<i32>} : memref<8192xf32, #tpu.memory_space<vmem>>, vector<16xf32>,
      tpu.vector_store %arg21[%swap3A_402], %broadcast_in_dim3A_12 {strides = array<i32>} : memref<8192xf32, #tpu.memory_space<vmem>>, vector<16xf32>,
      %swap3A_404 = arith.constant 1312 : index
      %swap3A_405 = tpu.vector_load %arg21[%swap3A_404] {strides = array<i32>} : memref<8192xf32, #tpu.memory_space<vmem>>, vector<16xf32>,
      tpu.vector_store %arg21[%swap3A_404], %broadcast_in_dim3A_12 {strides = array<i32>} : memref<8192xf32, #tpu.memory_space<vmem>>, vector<16xf32>,
      %swap3A_406 = arith.constant 1328 : index
      %swap3A_407 = tpu.vector_load %arg21[%swap3A_406] {strides = array<i32>} : memref<8192xf32, #tpu.memory_space<vmem>>, vector<16xf32>,
      tpu.vector_store %arg21[%swap3A_406], %broadcast_in_dim3A_12 {strides = array<i32>} : memref<8192xf32, #tpu.memory_space<vmem>>, vector<16xf32>,
      %swap3A_408 = arith.constant 1344 : index
      %swap3A_409 = tpu.vector_load %arg21[%swap3A_408] {strides = array<i32>} : memref<8192xf32, #tpu.memory_space<vmem>>, vector<16xf32>,
      tpu.vector_store %arg21[%swap3A_408], %broadcast_in_dim3A_12 {strides = array<i32>} : memref<8192xf32, #tpu.memory_space<vmem>>, vector<16xf32>,
      %swap3A_410 = arith.constant 1360 : index
      %swap3A_411 = tpu.vector_load %arg21[%swap3A_410] {strides = array<i32>} : memref<8192xf32, #tpu.memory_space<vmem>>, vector<16xf32>,
      tpu.vector_store %arg21[%swap3A_410], %broadcast_in_dim3A_12 {strides = array<i32>} : memref<8192xf32, #tpu.memory_space<vmem>>, vector<16xf32>,
      %swap3A_412 = arith.constant 1376 : index
      %swap3A_413 = tpu.vector_load %arg21[%swap3A_412] {strides = array<i32>} : memref<8192xf32, #tpu.memory_space<vmem>>, vector<16xf32>,
      tpu.vector_store %arg21[%swap3A_412], %broadcast_in_dim3A_12 {strides = array<i32>} : memref<8192xf32, #tpu.memory_space<vmem>>, vector<16xf32>,
      %swap3A_414 = arith.constant 1392 : index
      %swap3A_415 = tpu.vector_load %arg21[%swap3A_414] {strides = array<i32>} : memref<8192xf32, #tpu.memory_space<vmem>>, vector<16xf32>,
      tpu.vector_store %arg21[%swap3A_414], %broadcast_in_dim3A_12 {strides = array<i32>} : memref<8192xf32, #tpu.memory_space<vmem>>, vector<16xf32>,
      %swap3A_416 = arith.constant 1408 : index
      %swap3A_417 = tpu.vector_load %arg21[%swap3A_416] {strides = array<i32>} : memref<8192xf32, #tpu.memory_space<vmem>>, vector<16xf32>,
      tpu.vector_store %arg21[%swap3A_416], %broadcast_in_dim3A_12 {strides = array<i32>} : memref<8192xf32, #tpu.memory_space<vmem>>, vector<16xf32>,
      %swap3A_418 = arith.constant 1424 : index
      %swap3A_419 = tpu.vector_load %arg21[%swap3A_418] {strides = array<i32>} : memref<8192xf32, #tpu.memory_space<vmem>>, vector<16xf32>,
      tpu.vector_store %arg21[%swap3A_418], %broadcast_in_dim3A_12 {strides = array<i32>} : memref<8192xf32, #tpu.memory_space<vmem>>, vector<16xf32>,
      %swap3A_420 = arith.constant 1440 : index
      %swap3A_421 = tpu.vector_load %arg21[%swap3A_420] {strides = array<i32>} : memref<8192xf32, #tpu.memory_space<vmem>>, vector<16xf32>,
      tpu.vector_store %arg21[%swap3A_420], %broadcast_in_dim3A_12 {strides = array<i32>} : memref<8192xf32, #tpu.memory_space<vmem>>, vector<16xf32>,
      %swap3A_422 = arith.constant 1456 : index
      %swap3A_423 = tpu.vector_load %arg21[%swap3A_422] {strides = array<i32>} : memref<8192xf32, #tpu.memory_space<vmem>>, vector<16xf32>,
      tpu.vector_store %arg21[%swap3A_422], %broadcast_in_dim3A_12 {strides = array<i32>} : memref<8192xf32, #tpu.memory_space<vmem>>, vector<16xf32>,
      %swap3A_424 = arith.constant 1472 : index
      %swap3A_425 = tpu.vector_load %arg21[%swap3A_424] {strides = array<i32>} : memref<8192xf32, #tpu.memory_space<vmem>>, vector<16xf32>,
      tpu.vector_store %arg21[%swap3A_424], %broadcast_in_dim3A_12 {strides = array<i32>} : memref<8192xf32, #tpu.memory_space<vmem>>, vector<16xf32>,
      %swap3A_426 = arith.constant 1488 : index
      %swap3A_427 = tpu.vector_load %arg21[%swap3A_426] {strides = array<i32>} : memref<8192xf32, #tpu.memory_space<vmem>>, vector<16xf32>,
      tpu.vector_store %arg21[%swap3A_426], %broadcast_in_dim3A_12 {strides = array<i32>} : memref<8192xf32, #tpu.memory_space<vmem>>, vector<16xf32>,
      %swap3A_428 = arith.constant 1504 : index
      %swap3A_429 = tpu.vector_load %arg21[%swap3A_428] {strides = array<i32>} : memref<8192xf32, #tpu.memory_space<vmem>>, vector<16xf32>,
      tpu.vector_store %arg21[%swap3A_428], %broadcast_in_dim3A_12 {strides = array<i32>} : memref<8192xf32, #tpu.memory_space<vmem>>, vector<16xf32>,
      %swap3A_430 = arith.constant 1520 : index
      %swap3A_431 = tpu.vector_load %arg21[%swap3A_430] {strides = array<i32>} : memref<8192xf32, #tpu.memory_space<vmem>>, vector<16xf32>,
      tpu.vector_store %arg21[%swap3A_430], %broadcast_in_dim3A_12 {strides = array<i32>} : memref<8192xf32, #tpu.memory_space<vmem>>, vector<16xf32>,
      %swap3A_432 = arith.constant 1536 : index
      %swap3A_433 = tpu.vector_load %arg21[%swap3A_432] {strides = array<i32>} : memref<8192xf32, #tpu.memory_space<vmem>>, vector<16xf32>,
      tpu.vector_store %arg21[%swap3A_432], %broadcast_in_dim3A_12 {strides = array<i32>} : memref<8192xf32, #tpu.memory_space<vmem>>, vector<16xf32>,
      %swap3A_434 = arith.constant 1552 : index
      %swap3A_435 = tpu.vector_load %arg21[%swap3A_434] {strides = array<i32>} : memref<8192xf32, #tpu.memory_space<vmem>>, vector<16xf32>,
      tpu.vector_store %arg21[%swap3A_434], %broadcast_in_dim3A_12 {strides = array<i32>} : memref<8192xf32, #tpu.memory_space<vmem>>, vector<16xf32>,
      %swap3A_436 = arith.constant 1568 : index
      %swap3A_437 = tpu.vector_load %arg21[%swap3A_436] {strides = array<i32>} : memref<8192xf32, #tpu.memory_space<vmem>>, vector<16xf32>,
      tpu.vector_store %arg21[%swap3A_436], %broadcast_in_dim3A_12 {strides = array<i32>} : memref<8192xf32, #tpu.memory_space<vmem>>, vector<16xf32>,
      %swap3A_438 = arith.constant 1584 : index
      %swap3A_439 = tpu.vector_load %arg21[%swap3A_438] {strides = array<i32>} : memref<8192xf32, #tpu.memory_space<vmem>>, vector<16xf32>,
      tpu.vector_store %arg21[%swap3A_438], %broadcast_in_dim3A_12 {strides = array<i32>} : memref<8192xf32, #tpu.memory_space<vmem>>, vector<16xf32>,
      %swap3A_440 = arith.constant 1600 : index
      %swap3A_441 = tpu.vector_load %arg21[%swap3A_440] {strides = array<i32>} : memref<8192xf32, #tpu.memory_space<vmem>>, vector<16xf32>,
      tpu.vector_store %arg21[%swap3A_440], %broadcast_in_dim3A_12 {strides = array<i32>} : memref<8192xf32, #tpu.memory_space<vmem>>, vector<16xf32>,
      %swap3A_442 = arith.constant 1616 : index
      %swap3A_443 = tpu.vector_load %arg21[%swap3A_442] {strides = array<i32>} : memref<8192xf32, #tpu.memory_space<vmem>>, vector<16xf32>,
      tpu.vector_store %arg21[%swap3A_442], %broadcast_in_dim3A_12 {strides = array<i32>} : memref<8192xf32, #tpu.memory_space<vmem>>, vector<16xf32>,
      %swap3A_444 = arith.constant 1632 : index
      %swap3A_445 = tpu.vector_load %arg21[%swap3A_444] {strides = array<i32>} : memref<8192xf32, #tpu.memory_space<vmem>>, vector<16xf32>,
      tpu.vector_store %arg21[%swap3A_444], %broadcast_in_dim3A_12 {strides = array<i32>} : memref<8192xf32, #tpu.memory_space<vmem>>, vector<16xf32>,
      %swap3A_446 = arith.constant 1648 : index
      %swap3A_447 = tpu.vector_load %arg21[%swap3A_446] {strides = array<i32>} : memref<8192xf32, #tpu.memory_space<vmem>>, vector<16xf32>,
      tpu.vector_store %arg21[%swap3A_446], %broadcast_in_dim3A_12 {strides = array<i32>} : memref<8192xf32, #tpu.memory_space<vmem>>, vector<16xf32>,
      %swap3A_448 = arith.constant 1664 : index
      %swap3A_449 = tpu.vector_load %arg21[%swap3A_448] {strides = array<i32>} : memref<8192xf32, #tpu.memory_space<vmem>>, vector<16xf32>,
      tpu.vector_store %arg21[%swap3A_448], %broadcast_in_dim3A_12 {strides = array<i32>} : memref<8192xf32, #tpu.memory_space<vmem>>, vector<16xf32>,
      %swap3A_450 = arith.constant 1680 : index
      %swap3A_451 = tpu.vector_load %arg21[%swap3A_450] {strides = array<i32>} : memref<8192xf32, #tpu.memory_space<vmem>>, vector<16xf32>,
      tpu.vector_store %arg21[%swap3A_450], %broadcast_in_dim3A_12 {strides = array<i32>} : memref<8192xf32, #tpu.memory_space<vmem>>, vector<16xf32>,
      %swap3A_452 = arith.constant 1696 : index
      %swap3A_453 = tpu.vector_load %arg21[%swap3A_452] {strides = array<i32>} : memref<8192xf32, #tpu.memory_space<vmem>>, vector<16xf32>,
      tpu.vector_store %arg21[%swap3A_452], %broadcast_in_dim3A_12 {strides = array<i32>} : memref<8192xf32, #tpu.memory_space<vmem>>, vector<16xf32>,
      %swap3A_454 = arith.constant 1712 : index
      %swap3A_455 = tpu.vector_load %arg21[%swap3A_454] {strides = array<i32>} : memref<8192xf32, #tpu.memory_space<vmem>>, vector<16xf32>,
      tpu.vector_store %arg21[%swap3A_454], %broadcast_in_dim3A_12 {strides = array<i32>} : memref<8192xf32, #tpu.memory_space<vmem>>, vector<16xf32>,
      %swap3A_456 = arith.constant 1728 : index
      %swap3A_457 = tpu.vector_load %arg21[%swap3A_456] {strides = array<i32>} : memref<8192xf32, #tpu.memory_space<vmem>>, vector<16xf32>,
      tpu.vector_store %arg21[%swap3A_456], %broadcast_in_dim3A_12 {strides = array<i32>} : memref<8192xf32, #tpu.memory_space<vmem>>, vector<16xf32>,
      %swap3A_458 = arith.constant 1744 : index
      %swap3A_459 = tpu.vector_load %arg21[%swap3A_458] {strides = array<i32>} : memref<8192xf32, #tpu.memory_space<vmem>>, vector<16xf32>,
      tpu.vector_store %arg21[%swap3A_458], %broadcast_in_dim3A_12 {strides = array<i32>} : memref<8192xf32, #tpu.memory_space<vmem>>, vector<16xf32>,
      %swap3A_460 = arith.constant 1760 : index
      %swap3A_461 = tpu.vector_load %arg21[%swap3A_460] {strides = array<i32>} : memref<8192xf32, #tpu.memory_space<vmem>>, vector<16xf32>,
      tpu.vector_store %arg21[%swap3A_460], %broadcast_in_dim3A_12 {strides = array<i32>} : memref<8192xf32, #tpu.memory_space<vmem>>, vector<16xf32>,
      %swap3A_462 = arith.constant 1776 : index
      %swap3A_463 = tpu.vector_load %arg21[%swap3A_462] {strides = array<i32>} : memref<8192xf32, #tpu.memory_space<vmem>>, vector<16xf32>,
      tpu.vector_store %arg21[%swap3A_462], %broadcast_in_dim3A_12 {strides = array<i32>} : memref<8192xf32, #tpu.memory_space<vmem>>, vector<16xf32>,
      %swap3A_464 = arith.constant 1792 : index
      %swap3A_465 = tpu.vector_load %arg21[%swap3A_464] {strides = array<i32>} : memref<8192xf32, #tpu.memory_space<vmem>>, vector<16xf32>,
      tpu.vector_store %arg21[%swap3A_464], %broadcast_in_dim3A_12 {strides = array<i32>} : memref<8192xf32, #tpu.memory_space<vmem>>, vector<16xf32>,
      %swap3A_466 = arith.constant 1808 : index
      %swap3A_467 = tpu.vector_load %arg21[%swap3A_466] {strides = array<i32>} : memref<8192xf32, #tpu.memory_space<vmem>>, vector<16xf32>,
      tpu.vector_store %arg21[%swap3A_466], %broadcast_in_dim3A_12 {strides = array<i32>} : memref<8192xf32, #tpu.memory_space<vmem>>, vector<16xf32>,
      %swap3A_468 = arith.constant 1824 : index
      %swap3A_469 = tpu.vector_load %arg21[%swap3A_468] {strides = array<i32>} : memref<8192xf32, #tpu.memory_space<vmem>>, vector<16xf32>,
      tpu.vector_store %arg21[%swap3A_468], %broadcast_in_dim3A_12 {strides = array<i32>} : memref<8192xf32, #tpu.memory_space<vmem>>, vector<16xf32>,
      %swap3A_470 = arith.constant 1840 : index
      %swap3A_471 = tpu.vector_load %arg21[%swap3A_470] {strides = array<i32>} : memref<8192xf32, #tpu.memory_space<vmem>>, vector<16xf32>,
      tpu.vector_store %arg21[%swap3A_470], %broadcast_in_dim3A_12 {strides = array<i32>} : memref<8192xf32, #tpu.memory_space<vmem>>, vector<16xf32>,
      %swap3A_472 = arith.constant 1856 : index
      %swap3A_473 = tpu.vector_load %arg21[%swap3A_472] {strides = array<i32>} : memref<8192xf32, #tpu.memory_space<vmem>>, vector<16xf32>,
      tpu.vector_store %arg21[%swap3A_472], %broadcast_in_dim3A_12 {strides = array<i32>} : memref<8192xf32, #tpu.memory_space<vmem>>, vector<16xf32>,
      %swap3A_474 = arith.constant 1872 : index
      %swap3A_475 = tpu.vector_load %arg21[%swap3A_474] {strides = array<i32>} : memref<8192xf32, #tpu.memory_space<vmem>>, vector<16xf32>,
      tpu.vector_store %arg21[%swap3A_474], %broadcast_in_dim3A_12 {strides = array<i32>} : memref<8192xf32, #tpu.memory_space<vmem>>, vector<16xf32>,
      %swap3A_476 = arith.constant 1888 : index
      %swap3A_477 = tpu.vector_load %arg21[%swap3A_476] {strides = array<i32>} : memref<8192xf32, #tpu.memory_space<vmem>>, vector<16xf32>,
      tpu.vector_store %arg21[%swap3A_476], %broadcast_in_dim3A_12 {strides = array<i32>} : memref<8192xf32, #tpu.memory_space<vmem>>, vector<16xf32>,
      %swap3A_478 = arith.constant 1904 : index
      %swap3A_479 = tpu.vector_load %arg21[%swap3A_478] {strides = array<i32>} : memref<8192xf32, #tpu.memory_space<vmem>>, vector<16xf32>,
      tpu.vector_store %arg21[%swap3A_478], %broadcast_in_dim3A_12 {strides = array<i32>} : memref<8192xf32, #tpu.memory_space<vmem>>, vector<16xf32>,
      %swap3A_480 = arith.constant 1920 : index
      %swap3A_481 = tpu.vector_load %arg21[%swap3A_480] {strides = array<i32>} : memref<8192xf32, #tpu.memory_space<vmem>>, vector<16xf32>,
      tpu.vector_store %arg21[%swap3A_480], %broadcast_in_dim3A_12 {strides = array<i32>} : memref<8192xf32, #tpu.memory_space<vmem>>, vector<16xf32>,
      %swap3A_482 = arith.constant 1936 : index
      %swap3A_483 = tpu.vector_load %arg21[%swap3A_482] {strides = array<i32>} : memref<8192xf32, #tpu.memory_space<vmem>>, vector<16xf32>,
      tpu.vector_store %arg21[%swap3A_482], %broadcast_in_dim3A_12 {strides = array<i32>} : memref<8192xf32, #tpu.memory_space<vmem>>, vector<16xf32>,
      %swap3A_484 = arith.constant 1952 : index
      %swap3A_485 = tpu.vector_load %arg21[%swap3A_484] {strides = array<i32>} : memref<8192xf32, #tpu.memory_space<vmem>>, vector<16xf32>,
      tpu.vector_store %arg21[%swap3A_484], %broadcast_in_dim3A_12 {strides = array<i32>} : memref<8192xf32, #tpu.memory_space<vmem>>, vector<16xf32>,
      %swap3A_486 = arith.constant 1968 : index
      %swap3A_487 = tpu.vector_load %arg21[%swap3A_486] {strides = array<i32>} : memref<8192xf32, #tpu.memory_space<vmem>>, vector<16xf32>,
      tpu.vector_store %arg21[%swap3A_486], %broadcast_in_dim3A_12 {strides = array<i32>} : memref<8192xf32, #tpu.memory_space<vmem>>, vector<16xf32>,
      %swap3A_488 = arith.constant 1984 : index
      %swap3A_489 = tpu.vector_load %arg21[%swap3A_488] {strides = array<i32>} : memref<8192xf32, #tpu.memory_space<vmem>>, vector<16xf32>,
      tpu.vector_store %arg21[%swap3A_488], %broadcast_in_dim3A_12 {strides = array<i32>} : memref<8192xf32, #tpu.memory_space<vmem>>, vector<16xf32>,
      %swap3A_490 = arith.constant 2000 : index
      %swap3A_491 = tpu.vector_load %arg21[%swap3A_490] {strides = array<i32>} : memref<8192xf32, #tpu.memory_space<vmem>>, vector<16xf32>,
      tpu.vector_store %arg21[%swap3A_490], %broadcast_in_dim3A_12 {strides = array<i32>} : memref<8192xf32, #tpu.memory_space<vmem>>, vector<16xf32>,
      %swap3A_492 = arith.constant 2016 : index
      %swap3A_493 = tpu.vector_load %arg21[%swap3A_492] {strides = array<i32>} : memref<8192xf32, #tpu.memory_space<vmem>>, vector<16xf32>,
      tpu.vector_store %arg21[%swap3A_492], %broadcast_in_dim3A_12 {strides = array<i32>} : memref<8192xf32, #tpu.memory_space<vmem>>, vector<16xf32>,
      %swap3A_494 = arith.constant 2032 : index
      %swap3A_495 = tpu.vector_load %arg21[%swap3A_494] {strides = array<i32>} : memref<8192xf32, #tpu.memory_space<vmem>>, vector<16xf32>,
      tpu.vector_store %arg21[%swap3A_494], %broadcast_in_dim3A_12 {strides = array<i32>} : memref<8192xf32, #tpu.memory_space<vmem>>, vector<16xf32>,
      %swap3A_496 = arith.constant 2048 : index
      %swap3A_497 = tpu.vector_load %arg21[%swap3A_496] {strides = array<i32>} : memref<8192xf32, #tpu.memory_space<vmem>>, vector<16xf32>,
      tpu.vector_store %arg21[%swap3A_496], %broadcast_in_dim3A_12 {strides = array<i32>} : memref<8192xf32, #tpu.memory_space<vmem>>, vector<16xf32>,
      %swap3A_498 = arith.constant 2064 : index
      %swap3A_499 = tpu.vector_load %arg21[%swap3A_498] {strides = array<i32>} : memref<8192xf32, #tpu.memory_space<vmem>>, vector<16xf32>,
      tpu.vector_store %arg21[%swap3A_498], %broadcast_in_dim3A_12 {strides = array<i32>} : memref<8192xf32, #tpu.memory_space<vmem>>, vector<16xf32>,
      %swap3A_500 = arith.constant 2080 : index
      %swap3A_501 = tpu.vector_load %arg21[%swap3A_500] {strides = array<i32>} : memref<8192xf32, #tpu.memory_space<vmem>>, vector<16xf32>,
      tpu.vector_store %arg21[%swap3A_500], %broadcast_in_dim3A_12 {strides = array<i32>} : memref<8192xf32, #tpu.memory_space<vmem>>, vector<16xf32>,
      %swap3A_502 = arith.constant 2096 : index
      %swap3A_503 = tpu.vector_load %arg21[%swap3A_502] {strides = array<i32>} : memref<8192xf32, #tpu.memory_space<vmem>>, vector<16xf32>,
      tpu.vector_store %arg21[%swap3A_502], %broadcast_in_dim3A_12 {strides = array<i32>} : memref<8192xf32, #tpu.memory_space<vmem>>, vector<16xf32>,
      %swap3A_504 = arith.constant 2112 : index
      %swap3A_505 = tpu.vector_load %arg21[%swap3A_504] {strides = array<i32>} : memref<8192xf32, #tpu.memory_space<vmem>>, vector<16xf32>,
      tpu.vector_store %arg21[%swap3A_504], %broadcast_in_dim3A_12 {strides = array<i32>} : memref<8192xf32, #tpu.memory_space<vmem>>, vector<16xf32>,
      %swap3A_506 = arith.constant 2128 : index
      %swap3A_507 = tpu.vector_load %arg21[%swap3A_506] {strides = array<i32>} : memref<8192xf32, #tpu.memory_space<vmem>>, vector<16xf32>,
      tpu.vector_store %arg21[%swap3A_506], %broadcast_in_dim3A_12 {strides = array<i32>} : memref<8192xf32, #tpu.memory_space<vmem>>, vector<16xf32>,
      %swap3A_508 = arith.constant 2144 : index
      %swap3A_509 = tpu.vector_load %arg21[%swap3A_508] {strides = array<i32>} : memref<8192xf32, #tpu.memory_space<vmem>>, vector<16xf32>,
      tpu.vector_store %arg21[%swap3A_508], %broadcast_in_dim3A_12 {strides = array<i32>} : memref<8192xf32, #tpu.memory_space<vmem>>, vector<16xf32>,
      %swap3A_510 = arith.constant 2160 : index
      %swap3A_511 = tpu.vector_load %arg21[%swap3A_510] {strides = array<i32>} : memref<8192xf32, #tpu.memory_space<vmem>>, vector<16xf32>,
      tpu.vector_store %arg21[%swap3A_510], %broadcast_in_dim3A_12 {strides = array<i32>} : memref<8192xf32, #tpu.memory_space<vmem>>, vector<16xf32>,
      %swap3A_512 = arith.constant 2176 : index
      %swap3A_513 = tpu.vector_load %arg21[%swap3A_512] {strides = array<i32>} : memref<8192xf32, #tpu.memory_space<vmem>>, vector<16xf32>,
      tpu.vector_store %arg21[%swap3A_512], %broadcast_in_dim3A_12 {strides = array<i32>} : memref<8192xf32, #tpu.memory_space<vmem>>, vector<16xf32>,
      %swap3A_514 = arith.constant 2192 : index
      %swap3A_515 = tpu.vector_load %arg21[%swap3A_514] {strides = array<i32>} : memref<8192xf32, #tpu.memory_space<vmem>>, vector<16xf32>,
      tpu.vector_store %arg21[%swap3A_514], %broadcast_in_dim3A_12 {strides = array<i32>} : memref<8192xf32, #tpu.memory_space<vmem>>, vector<16xf32>,
      %swap3A_516 = arith.constant 2208 : index
      %swap3A_517 = tpu.vector_load %arg21[%swap3A_516] {strides = array<i32>} : memref<8192xf32, #tpu.memory_space<vmem>>, vector<16xf32>,
      tpu.vector_store %arg21[%swap3A_516], %broadcast_in_dim3A_12 {strides = array<i32>} : memref<8192xf32, #tpu.memory_space<vmem>>, vector<16xf32>,
      %swap3A_518 = arith.constant 2224 : index
      %swap3A_519 = tpu.vector_load %arg21[%swap3A_518] {strides = array<i32>} : memref<8192xf32, #tpu.memory_space<vmem>>, vector<16xf32>,
      tpu.vector_store %arg21[%swap3A_518], %broadcast_in_dim3A_12 {strides = array<i32>} : memref<8192xf32, #tpu.memory_space<vmem>>, vector<16xf32>,
      %swap3A_520 = arith.constant 2240 : index
      %swap3A_521 = tpu.vector_load %arg21[%swap3A_520] {strides = array<i32>} : memref<8192xf32, #tpu.memory_space<vmem>>, vector<16xf32>,
      tpu.vector_store %arg21[%swap3A_520], %broadcast_in_dim3A_12 {strides = array<i32>} : memref<8192xf32, #tpu.memory_space<vmem>>, vector<16xf32>,
      %swap3A_522 = arith.constant 2256 : index
      %swap3A_523 = tpu.vector_load %arg21[%swap3A_522] {strides = array<i32>} : memref<8192xf32, #tpu.memory_space<vmem>>, vector<16xf32>,
      tpu.vector_store %arg21[%swap3A_522], %broadcast_in_dim3A_12 {strides = array<i32>} : memref<8192xf32, #tpu.memory_space<vmem>>, vector<16xf32>,
      %swap3A_524 = arith.constant 2272 : index
      %swap3A_525 = tpu.vector_load %arg21[%swap3A_524] {strides = array<i32>} : memref<8192xf32, #tpu.memory_space<vmem>>, vector<16xf32>,
      tpu.vector_store %arg21[%swap3A_524], %broadcast_in_dim3A_12 {strides = array<i32>} : memref<8192xf32, #tpu.memory_space<vmem>>, vector<16xf32>,
      %swap3A_526 = arith.constant 2288 : index
      %swap3A_527 = tpu.vector_load %arg21[%swap3A_526] {strides = array<i32>} : memref<8192xf32, #tpu.memory_space<vmem>>, vector<16xf32>,
      tpu.vector_store %arg21[%swap3A_526], %broadcast_in_dim3A_12 {strides = array<i32>} : memref<8192xf32, #tpu.memory_space<vmem>>, vector<16xf32>,
      %swap3A_528 = arith.constant 2304 : index
      %swap3A_529 = tpu.vector_load %arg21[%swap3A_528] {strides = array<i32>} : memref<8192xf32, #tpu.memory_space<vmem>>, vector<16xf32>,
      tpu.vector_store %arg21[%swap3A_528], %broadcast_in_dim3A_12 {strides = array<i32>} : memref<8192xf32, #tpu.memory_space<vmem>>, vector<16xf32>,
      %swap3A_530 = arith.constant 2320 : index
      %swap3A_531 = tpu.vector_load %arg21[%swap3A_530] {strides = array<i32>} : memref<8192xf32, #tpu.memory_space<vmem>>, vector<16xf32>,
      tpu.vector_store %arg21[%swap3A_530], %broadcast_in_dim3A_12 {strides = array<i32>} : memref<8192xf32, #tpu.memory_space<vmem>>, vector<16xf32>,
      %swap3A_532 = arith.constant 2336 : index
      %swap3A_533 = tpu.vector_load %arg21[%swap3A_532] {strides = array<i32>} : memref<8192xf32, #tpu.memory_space<vmem>>, vector<16xf32>,
      tpu.vector_store %arg21[%swap3A_532], %broadcast_in_dim3A_12 {strides = array<i32>} : memref<8192xf32, #tpu.memory_space<vmem>>, vector<16xf32>,
      %swap3A_534 = arith.constant 2352 : index
      %swap3A_535 = tpu.vector_load %arg21[%swap3A_534] {strides = array<i32>} : memref<8192xf32, #tpu.memory_space<vmem>>, vector<16xf32>,
      tpu.vector_store %arg21[%swap3A_534], %broadcast_in_dim3A_12 {strides = array<i32>} : memref<8192xf32, #tpu.memory_space<vmem>>, vector<16xf32>,
      %swap3A_536 = arith.constant 2368 : index
      %swap3A_537 = tpu.vector_load %arg21[%swap3A_536] {strides = array<i32>} : memref<8192xf32, #tpu.memory_space<vmem>>, vector<16xf32>,
      tpu.vector_store %arg21[%swap3A_536], %broadcast_in_dim3A_12 {strides = array<i32>} : memref<8192xf32, #tpu.memory_space<vmem>>, vector<16xf32>,
      %swap3A_538 = arith.constant 2384 : index
      %swap3A_539 = tpu.vector_load %arg21[%swap3A_538] {strides = array<i32>} : memref<8192xf32, #tpu.memory_space<vmem>>, vector<16xf32>,
      tpu.vector_store %arg21[%swap3A_538], %broadcast_in_dim3A_12 {strides = array<i32>} : memref<8192xf32, #tpu.memory_space<vmem>>, vector<16xf32>,
      %swap3A_540 = arith.constant 2400 : index
      %swap3A_541 = tpu.vector_load %arg21[%swap3A_540] {strides = array<i32>} : memref<8192xf32, #tpu.memory_space<vmem>>, vector<16xf32>,
      tpu.vector_store %arg21[%swap3A_540], %broadcast_in_dim3A_12 {strides = array<i32>} : memref<8192xf32, #tpu.memory_space<vmem>>, vector<16xf32>,
      %swap3A_542 = arith.constant 2416 : index
      %swap3A_543 = tpu.vector_load %arg21[%swap3A_542] {strides = array<i32>} : memref<8192xf32, #tpu.memory_space<vmem>>, vector<16xf32>,
      tpu.vector_store %arg21[%swap3A_542], %broadcast_in_dim3A_12 {strides = array<i32>} : memref<8192xf32, #tpu.memory_space<vmem>>, vector<16xf32>,
      %swap3A_544 = arith.constant 2432 : index
      %swap3A_545 = tpu.vector_load %arg21[%swap3A_544] {strides = array<i32>} : memref<8192xf32, #tpu.memory_space<vmem>>, vector<16xf32>,
      tpu.vector_store %arg21[%swap3A_544], %broadcast_in_dim3A_12 {strides = array<i32>} : memref<8192xf32, #tpu.memory_space<vmem>>, vector<16xf32>,
      %swap3A_546 = arith.constant 2448 : index
      %swap3A_547 = tpu.vector_load %arg21[%swap3A_546] {strides = array<i32>} : memref<8192xf32, #tpu.memory_space<vmem>>, vector<16xf32>,
      tpu.vector_store %arg21[%swap3A_546], %broadcast_in_dim3A_12 {strides = array<i32>} : memref<8192xf32, #tpu.memory_space<vmem>>, vector<16xf32>,
      %swap3A_548 = arith.constant 2464 : index
      %swap3A_549 = tpu.vector_load %arg21[%swap3A_548] {strides = array<i32>} : memref<8192xf32, #tpu.memory_space<vmem>>, vector<16xf32>,
      tpu.vector_store %arg21[%swap3A_548], %broadcast_in_dim3A_12 {strides = array<i32>} : memref<8192xf32, #tpu.memory_space<vmem>>, vector<16xf32>,
      %swap3A_550 = arith.constant 2480 : index
      %swap3A_551 = tpu.vector_load %arg21[%swap3A_550] {strides = array<i32>} : memref<8192xf32, #tpu.memory_space<vmem>>, vector<16xf32>,
      tpu.vector_store %arg21[%swap3A_550], %broadcast_in_dim3A_12 {strides = array<i32>} : memref<8192xf32, #tpu.memory_space<vmem>>, vector<16xf32>,
      %swap3A_552 = arith.constant 2496 : index
      %swap3A_553 = tpu.vector_load %arg21[%swap3A_552] {strides = array<i32>} : memref<8192xf32, #tpu.memory_space<vmem>>, vector<16xf32>,
      tpu.vector_store %arg21[%swap3A_552], %broadcast_in_dim3A_12 {strides = array<i32>} : memref<8192xf32, #tpu.memory_space<vmem>>, vector<16xf32>,
      %swap3A_554 = arith.constant 2512 : index
      %swap3A_555 = tpu.vector_load %arg21[%swap3A_554] {strides = array<i32>} : memref<8192xf32, #tpu.memory_space<vmem>>, vector<16xf32>,
      tpu.vector_store %arg21[%swap3A_554], %broadcast_in_dim3A_12 {strides = array<i32>} : memref<8192xf32, #tpu.memory_space<vmem>>, vector<16xf32>,
      %swap3A_556 = arith.constant 2528 : index
      %swap3A_557 = tpu.vector_load %arg21[%swap3A_556] {strides = array<i32>} : memref<8192xf32, #tpu.memory_space<vmem>>, vector<16xf32>,
      tpu.vector_store %arg21[%swap3A_556], %broadcast_in_dim3A_12 {strides = array<i32>} : memref<8192xf32, #tpu.memory_space<vmem>>, vector<16xf32>,
      %swap3A_558 = arith.constant 2544 : index
      %swap3A_559 = tpu.vector_load %arg21[%swap3A_558] {strides = array<i32>} : memref<8192xf32, #tpu.memory_space<vmem>>, vector<16xf32>,
      tpu.vector_store %arg21[%swap3A_558], %broadcast_in_dim3A_12 {strides = array<i32>} : memref<8192xf32, #tpu.memory_space<vmem>>, vector<16xf32>,
      %swap3A_560 = arith.constant 2560 : index
      %swap3A_561 = tpu.vector_load %arg21[%swap3A_560] {strides = array<i32>} : memref<8192xf32, #tpu.memory_space<vmem>>, vector<16xf32>,
      tpu.vector_store %arg21[%swap3A_560], %broadcast_in_dim3A_12 {strides = array<i32>} : memref<8192xf32, #tpu.memory_space<vmem>>, vector<16xf32>,
      %swap3A_562 = arith.constant 2576 : index
      %swap3A_563 = tpu.vector_load %arg21[%swap3A_562] {strides = array<i32>} : memref<8192xf32, #tpu.memory_space<vmem>>, vector<16xf32>,
      tpu.vector_store %arg21[%swap3A_562], %broadcast_in_dim3A_12 {strides = array<i32>} : memref<8192xf32, #tpu.memory_space<vmem>>, vector<16xf32>,
      %swap3A_564 = arith.constant 2592 : index
      %swap3A_565 = tpu.vector_load %arg21[%swap3A_564] {strides = array<i32>} : memref<8192xf32, #tpu.memory_space<vmem>>, vector<16xf32>,
      tpu.vector_store %arg21[%swap3A_564], %broadcast_in_dim3A_12 {strides = array<i32>} : memref<8192xf32, #tpu.memory_space<vmem>>, vector<16xf32>,
      %swap3A_566 = arith.constant 2608 : index
      %swap3A_567 = tpu.vector_load %arg21[%swap3A_566] {strides = array<i32>} : memref<8192xf32, #tpu.memory_space<vmem>>, vector<16xf32>,
      tpu.vector_store %arg21[%swap3A_566], %broadcast_in_dim3A_12 {strides = array<i32>} : memref<8192xf32, #tpu.memory_space<vmem>>, vector<16xf32>,
      %swap3A_568 = arith.constant 2624 : index
      %swap3A_569 = tpu.vector_load %arg21[%swap3A_568] {strides = array<i32>} : memref<8192xf32, #tpu.memory_space<vmem>>, vector<16xf32>,
      tpu.vector_store %arg21[%swap3A_568], %broadcast_in_dim3A_12 {strides = array<i32>} : memref<8192xf32, #tpu.memory_space<vmem>>, vector<16xf32>,
      %swap3A_570 = arith.constant 2640 : index
      %swap3A_571 = tpu.vector_load %arg21[%swap3A_570] {strides = array<i32>} : memref<8192xf32, #tpu.memory_space<vmem>>, vector<16xf32>,
      tpu.vector_store %arg21[%swap3A_570], %broadcast_in_dim3A_12 {strides = array<i32>} : memref<8192xf32, #tpu.memory_space<vmem>>, vector<16xf32>,
      %swap3A_572 = arith.constant 2656 : index
      %swap3A_573 = tpu.vector_load %arg21[%swap3A_572] {strides = array<i32>} : memref<8192xf32, #tpu.memory_space<vmem>>, vector<16xf32>,
      tpu.vector_store %arg21[%swap3A_572], %broadcast_in_dim3A_12 {strides = array<i32>} : memref<8192xf32, #tpu.memory_space<vmem>>, vector<16xf32>,
      %swap3A_574 = arith.constant 2672 : index
      %swap3A_575 = tpu.vector_load %arg21[%swap3A_574] {strides = array<i32>} : memref<8192xf32, #tpu.memory_space<vmem>>, vector<16xf32>,
      tpu.vector_store %arg21[%swap3A_574], %broadcast_in_dim3A_12 {strides = array<i32>} : memref<8192xf32, #tpu.memory_space<vmem>>, vector<16xf32>,
      %swap3A_576 = arith.constant 2688 : index
      %swap3A_577 = tpu.vector_load %arg21[%swap3A_576] {strides = array<i32>} : memref<8192xf32, #tpu.memory_space<vmem>>, vector<16xf32>,
      tpu.vector_store %arg21[%swap3A_576], %broadcast_in_dim3A_12 {strides = array<i32>} : memref<8192xf32, #tpu.memory_space<vmem>>, vector<16xf32>,
      %swap3A_578 = arith.constant 2704 : index
      %swap3A_579 = tpu.vector_load %arg21[%swap3A_578] {strides = array<i32>} : memref<8192xf32, #tpu.memory_space<vmem>>, vector<16xf32>,
      tpu.vector_store %arg21[%swap3A_578], %broadcast_in_dim3A_12 {strides = array<i32>} : memref<8192xf32, #tpu.memory_space<vmem>>, vector<16xf32>,
      %swap3A_580 = arith.constant 2720 : index
      %swap3A_581 = tpu.vector_load %arg21[%swap3A_580] {strides = array<i32>} : memref<8192xf32, #tpu.memory_space<vmem>>, vector<16xf32>,
      tpu.vector_store %arg21[%swap3A_580], %broadcast_in_dim3A_12 {strides = array<i32>} : memref<8192xf32, #tpu.memory_space<vmem>>, vector<16xf32>,
      %swap3A_582 = arith.constant 2736 : index
      %swap3A_583 = tpu.vector_load %arg21[%swap3A_582] {strides = array<i32>} : memref<8192xf32, #tpu.memory_space<vmem>>, vector<16xf32>,
      tpu.vector_store %arg21[%swap3A_582], %broadcast_in_dim3A_12 {strides = array<i32>} : memref<8192xf32, #tpu.memory_space<vmem>>, vector<16xf32>,
      %swap3A_584 = arith.constant 2752 : index
      %swap3A_585 = tpu.vector_load %arg21[%swap3A_584] {strides = array<i32>} : memref<8192xf32, #tpu.memory_space<vmem>>, vector<16xf32>,
      tpu.vector_store %arg21[%swap3A_584], %broadcast_in_dim3A_12 {strides = array<i32>} : memref<8192xf32, #tpu.memory_space<vmem>>, vector<16xf32>,
      %swap3A_586 = arith.constant 2768 : index
      %swap3A_587 = tpu.vector_load %arg21[%swap3A_586] {strides = array<i32>} : memref<8192xf32, #tpu.memory_space<vmem>>, vector<16xf32>,
      tpu.vector_store %arg21[%swap3A_586], %broadcast_in_dim3A_12 {strides = array<i32>} : memref<8192xf32, #tpu.memory_space<vmem>>, vector<16xf32>,
      %swap3A_588 = arith.constant 2784 : index
      %swap3A_589 = tpu.vector_load %arg21[%swap3A_588] {strides = array<i32>} : memref<8192xf32, #tpu.memory_space<vmem>>, vector<16xf32>,
      tpu.vector_store %arg21[%swap3A_588], %broadcast_in_dim3A_12 {strides = array<i32>} : memref<8192xf32, #tpu.memory_space<vmem>>, vector<16xf32>,
      %swap3A_590 = arith.constant 2800 : index
      %swap3A_591 = tpu.vector_load %arg21[%swap3A_590] {strides = array<i32>} : memref<8192xf32, #tpu.memory_space<vmem>>, vector<16xf32>,
      tpu.vector_store %arg21[%swap3A_590], %broadcast_in_dim3A_12 {strides = array<i32>} : memref<8192xf32, #tpu.memory_space<vmem>>, vector<16xf32>,
      %swap3A_592 = arith.constant 2816 : index
      %swap3A_593 = tpu.vector_load %arg21[%swap3A_592] {strides = array<i32>} : memref<8192xf32, #tpu.memory_space<vmem>>, vector<16xf32>,
      tpu.vector_store %arg21[%swap3A_592], %broadcast_in_dim3A_12 {strides = array<i32>} : memref<8192xf32, #tpu.memory_space<vmem>>, vector<16xf32>,
      %swap3A_594 = arith.constant 2832 : index
      %swap3A_595 = tpu.vector_load %arg21[%swap3A_594] {strides = array<i32>} : memref<8192xf32, #tpu.memory_space<vmem>>, vector<16xf32>,
      tpu.vector_store %arg21[%swap3A_594], %broadcast_in_dim3A_12 {strides = array<i32>} : memref<8192xf32, #tpu.memory_space<vmem>>, vector<16xf32>,
      %swap3A_596 = arith.constant 2848 : index
      %swap3A_597 = tpu.vector_load %arg21[%swap3A_596] {strides = array<i32>} : memref<8192xf32, #tpu.memory_space<vmem>>, vector<16xf32>,
      tpu.vector_store %arg21[%swap3A_596], %broadcast_in_dim3A_12 {strides = array<i32>} : memref<8192xf32, #tpu.memory_space<vmem>>, vector<16xf32>,
      %swap3A_598 = arith.constant 2864 : index
      %swap3A_599 = tpu.vector_load %arg21[%swap3A_598] {strides = array<i32>} : memref<8192xf32, #tpu.memory_space<vmem>>, vector<16xf32>,
      tpu.vector_store %arg21[%swap3A_598], %broadcast_in_dim3A_12 {strides = array<i32>} : memref<8192xf32, #tpu.memory_space<vmem>>, vector<16xf32>,
      %swap3A_600 = arith.constant 2880 : index
      %swap3A_601 = tpu.vector_load %arg21[%swap3A_600] {strides = array<i32>} : memref<8192xf32, #tpu.memory_space<vmem>>, vector<16xf32>,
      tpu.vector_store %arg21[%swap3A_600], %broadcast_in_dim3A_12 {strides = array<i32>} : memref<8192xf32, #tpu.memory_space<vmem>>, vector<16xf32>,
      %swap3A_602 = arith.constant 2896 : index
      %swap3A_603 = tpu.vector_load %arg21[%swap3A_602] {strides = array<i32>} : memref<8192xf32, #tpu.memory_space<vmem>>, vector<16xf32>,
      tpu.vector_store %arg21[%swap3A_602], %broadcast_in_dim3A_12 {strides = array<i32>} : memref<8192xf32, #tpu.memory_space<vmem>>, vector<16xf32>,
      %swap3A_604 = arith.constant 2912 : index
      %swap3A_605 = tpu.vector_load %arg21[%swap3A_604] {strides = array<i32>} : memref<8192xf32, #tpu.memory_space<vmem>>, vector<16xf32>,
      tpu.vector_store %arg21[%swap3A_604], %broadcast_in_dim3A_12 {strides = array<i32>} : memref<8192xf32, #tpu.memory_space<vmem>>, vector<16xf32>,
      %swap3A_606 = arith.constant 2928 : index
      %swap3A_607 = tpu.vector_load %arg21[%swap3A_606] {strides = array<i32>} : memref<8192xf32, #tpu.memory_space<vmem>>, vector<16xf32>,
      tpu.vector_store %arg21[%swap3A_606], %broadcast_in_dim3A_12 {strides = array<i32>} : memref<8192xf32, #tpu.memory_space<vmem>>, vector<16xf32>,
      %swap3A_608 = arith.constant 2944 : index
      %swap3A_609 = tpu.vector_load %arg21[%swap3A_608] {strides = array<i32>} : memref<8192xf32, #tpu.memory_space<vmem>>, vector<16xf32>,
      tpu.vector_store %arg21[%swap3A_608], %broadcast_in_dim3A_12 {strides = array<i32>} : memref<8192xf32, #tpu.memory_space<vmem>>, vector<16xf32>,
      %swap3A_610 = arith.constant 2960 : index
      %swap3A_611 = tpu.vector_load %arg21[%swap3A_610] {strides = array<i32>} : memref<8192xf32, #tpu.memory_space<vmem>>, vector<16xf32>,
      tpu.vector_store %arg21[%swap3A_610], %broadcast_in_dim3A_12 {strides = array<i32>} : memref<8192xf32, #tpu.memory_space<vmem>>, vector<16xf32>,
      %swap3A_612 = arith.constant 2976 : index
      %swap3A_613 = tpu.vector_load %arg21[%swap3A_612] {strides = array<i32>} : memref<8192xf32, #tpu.memory_space<vmem>>, vector<16xf32>,
      tpu.vector_store %arg21[%swap3A_612], %broadcast_in_dim3A_12 {strides = array<i32>} : memref<8192xf32, #tpu.memory_space<vmem>>, vector<16xf32>,
      %swap3A_614 = arith.constant 2992 : index
      %swap3A_615 = tpu.vector_load %arg21[%swap3A_614] {strides = array<i32>} : memref<8192xf32, #tpu.memory_space<vmem>>, vector<16xf32>,
      tpu.vector_store %arg21[%swap3A_614], %broadcast_in_dim3A_12 {strides = array<i32>} : memref<8192xf32, #tpu.memory_space<vmem>>, vector<16xf32>,
      %swap3A_616 = arith.constant 3008 : index
      %swap3A_617 = tpu.vector_load %arg21[%swap3A_616] {strides = array<i32>} : memref<8192xf32, #tpu.memory_space<vmem>>, vector<16xf32>,
      tpu.vector_store %arg21[%swap3A_616], %broadcast_in_dim3A_12 {strides = array<i32>} : memref<8192xf32, #tpu.memory_space<vmem>>, vector<16xf32>,
      %swap3A_618 = arith.constant 3024 : index
      %swap3A_619 = tpu.vector_load %arg21[%swap3A_618] {strides = array<i32>} : memref<8192xf32, #tpu.memory_space<vmem>>, vector<16xf32>,
      tpu.vector_store %arg21[%swap3A_618], %broadcast_in_dim3A_12 {strides = array<i32>} : memref<8192xf32, #tpu.memory_space<vmem>>, vector<16xf32>,
      %swap3A_620 = arith.constant 3040 : index
      %swap3A_621 = tpu.vector_load %arg21[%swap3A_620] {strides = array<i32>} : memref<8192xf32, #tpu.memory_space<vmem>>, vector<16xf32>,
      tpu.vector_store %arg21[%swap3A_620], %broadcast_in_dim3A_12 {strides = array<i32>} : memref<8192xf32, #tpu.memory_space<vmem>>, vector<16xf32>,
      %swap3A_622 = arith.constant 3056 : index
      %swap3A_623 = tpu.vector_load %arg21[%swap3A_622] {strides = array<i32>} : memref<8192xf32, #tpu.memory_space<vmem>>, vector<16xf32>,
      tpu.vector_store %arg21[%swap3A_622], %broadcast_in_dim3A_12 {strides = array<i32>} : memref<8192xf32, #tpu.memory_space<vmem>>, vector<16xf32>,
      %swap3A_624 = arith.constant 3072 : index
      %swap3A_625 = tpu.vector_load %arg21[%swap3A_624] {strides = array<i32>} : memref<8192xf32, #tpu.memory_space<vmem>>, vector<16xf32>,
      tpu.vector_store %arg21[%swap3A_624], %broadcast_in_dim3A_12 {strides = array<i32>} : memref<8192xf32, #tpu.memory_space<vmem>>, vector<16xf32>,
      %swap3A_626 = arith.constant 3088 : index
      %swap3A_627 = tpu.vector_load %arg21[%swap3A_626] {strides = array<i32>} : memref<8192xf32, #tpu.memory_space<vmem>>, vector<16xf32>,
      tpu.vector_store %arg21[%swap3A_626], %broadcast_in_dim3A_12 {strides = array<i32>} : memref<8192xf32, #tpu.memory_space<vmem>>, vector<16xf32>,
      %swap3A_628 = arith.constant 3104 : index
      %swap3A_629 = tpu.vector_load %arg21[%swap3A_628] {strides = array<i32>} : memref<8192xf32, #tpu.memory_space<vmem>>, vector<16xf32>,
      tpu.vector_store %arg21[%swap3A_628], %broadcast_in_dim3A_12 {strides = array<i32>} : memref<8192xf32, #tpu.memory_space<vmem>>, vector<16xf32>,
      %swap3A_630 = arith.constant 3120 : index
      %swap3A_631 = tpu.vector_load %arg21[%swap3A_630] {strides = array<i32>} : memref<8192xf32, #tpu.memory_space<vmem>>, vector<16xf32>,
      tpu.vector_store %arg21[%swap3A_630], %broadcast_in_dim3A_12 {strides = array<i32>} : memref<8192xf32, #tpu.memory_space<vmem>>, vector<16xf32>,
      %swap3A_632 = arith.constant 3136 : index
      %swap3A_633 = tpu.vector_load %arg21[%swap3A_632] {strides = array<i32>} : memref<8192xf32, #tpu.memory_space<vmem>>, vector<16xf32>,
      tpu.vector_store %arg21[%swap3A_632], %broadcast_in_dim3A_12 {strides = array<i32>} : memref<8192xf32, #tpu.memory_space<vmem>>, vector<16xf32>,
      %swap3A_634 = arith.constant 3152 : index
      %swap3A_635 = tpu.vector_load %arg21[%swap3A_634] {strides = array<i32>} : memref<8192xf32, #tpu.memory_space<vmem>>, vector<16xf32>,
      tpu.vector_store %arg21[%swap3A_634], %broadcast_in_dim3A_12 {strides = array<i32>} : memref<8192xf32, #tpu.memory_space<vmem>>, vector<16xf32>,
      %swap3A_636 = arith.constant 3168 : index
      %swap3A_637 = tpu.vector_load %arg21[%swap3A_636] {strides = array<i32>} : memref<8192xf32, #tpu.memory_space<vmem>>, vector<16xf32>,
      tpu.vector_store %arg21[%swap3A_636], %broadcast_in_dim3A_12 {strides = array<i32>} : memref<8192xf32, #tpu.memory_space<vmem>>, vector<16xf32>,
      %swap3A_638 = arith.constant 3184 : index
      %swap3A_639 = tpu.vector_load %arg21[%swap3A_638] {strides = array<i32>} : memref<8192xf32, #tpu.memory_space<vmem>>, vector<16xf32>,
      tpu.vector_store %arg21[%swap3A_638], %broadcast_in_dim3A_12 {strides = array<i32>} : memref<8192xf32, #tpu.memory_space<vmem>>, vector<16xf32>,
      %swap3A_640 = arith.constant 3200 : index
      %swap3A_641 = tpu.vector_load %arg21[%swap3A_640] {strides = array<i32>} : memref<8192xf32, #tpu.memory_space<vmem>>, vector<16xf32>,
      tpu.vector_store %arg21[%swap3A_640], %broadcast_in_dim3A_12 {strides = array<i32>} : memref<8192xf32, #tpu.memory_space<vmem>>, vector<16xf32>,
      %swap3A_642 = arith.constant 3216 : index
      %swap3A_643 = tpu.vector_load %arg21[%swap3A_642] {strides = array<i32>} : memref<8192xf32, #tpu.memory_space<vmem>>, vector<16xf32>,
      tpu.vector_store %arg21[%swap3A_642], %broadcast_in_dim3A_12 {strides = array<i32>} : memref<8192xf32, #tpu.memory_space<vmem>>, vector<16xf32>,
      %swap3A_644 = arith.constant 3232 : index
      %swap3A_645 = tpu.vector_load %arg21[%swap3A_644] {strides = array<i32>} : memref<8192xf32, #tpu.memory_space<vmem>>, vector<16xf32>,
      tpu.vector_store %arg21[%swap3A_644], %broadcast_in_dim3A_12 {strides = array<i32>} : memref<8192xf32, #tpu.memory_space<vmem>>, vector<16xf32>,
      %swap3A_646 = arith.constant 3248 : index
      %swap3A_647 = tpu.vector_load %arg21[%swap3A_646] {strides = array<i32>} : memref<8192xf32, #tpu.memory_space<vmem>>, vector<16xf32>,
      tpu.vector_store %arg21[%swap3A_646], %broadcast_in_dim3A_12 {strides = array<i32>} : memref<8192xf32, #tpu.memory_space<vmem>>, vector<16xf32>,
      %swap3A_648 = arith.constant 3264 : index
      %swap3A_649 = tpu.vector_load %arg21[%swap3A_648] {strides = array<i32>} : memref<8192xf32, #tpu.memory_space<vmem>>, vector<16xf32>,
      tpu.vector_store %arg21[%swap3A_648], %broadcast_in_dim3A_12 {strides = array<i32>} : memref<8192xf32, #tpu.memory_space<vmem>>, vector<16xf32>,
      %swap3A_650 = arith.constant 3280 : index
      %swap3A_651 = tpu.vector_load %arg21[%swap3A_650] {strides = array<i32>} : memref<8192xf32, #tpu.memory_space<vmem>>, vector<16xf32>,
      tpu.vector_store %arg21[%swap3A_650], %broadcast_in_dim3A_12 {strides = array<i32>} : memref<8192xf32, #tpu.memory_space<vmem>>, vector<16xf32>,
      %swap3A_652 = arith.constant 3296 : index
      %swap3A_653 = tpu.vector_load %arg21[%swap3A_652] {strides = array<i32>} : memref<8192xf32, #tpu.memory_space<vmem>>, vector<16xf32>,
      tpu.vector_store %arg21[%swap3A_652], %broadcast_in_dim3A_12 {strides = array<i32>} : memref<8192xf32, #tpu.memory_space<vmem>>, vector<16xf32>,
      %swap3A_654 = arith.constant 3312 : index
      %swap3A_655 = tpu.vector_load %arg21[%swap3A_654] {strides = array<i32>} : memref<8192xf32, #tpu.memory_space<vmem>>, vector<16xf32>,
      tpu.vector_store %arg21[%swap3A_654], %broadcast_in_dim3A_12 {strides = array<i32>} : memref<8192xf32, #tpu.memory_space<vmem>>, vector<16xf32>,
      %swap3A_656 = arith.constant 3328 : index
      %swap3A_657 = tpu.vector_load %arg21[%swap3A_656] {strides = array<i32>} : memref<8192xf32, #tpu.memory_space<vmem>>, vector<16xf32>,
      tpu.vector_store %arg21[%swap3A_656], %broadcast_in_dim3A_12 {strides = array<i32>} : memref<8192xf32, #tpu.memory_space<vmem>>, vector<16xf32>,
      %swap3A_658 = arith.constant 3344 : index
      %swap3A_659 = tpu.vector_load %arg21[%swap3A_658] {strides = array<i32>} : memref<8192xf32, #tpu.memory_space<vmem>>, vector<16xf32>,
      tpu.vector_store %arg21[%swap3A_658], %broadcast_in_dim3A_12 {strides = array<i32>} : memref<8192xf32, #tpu.memory_space<vmem>>, vector<16xf32>,
      %swap3A_660 = arith.constant 3360 : index
      %swap3A_661 = tpu.vector_load %arg21[%swap3A_660] {strides = array<i32>} : memref<8192xf32, #tpu.memory_space<vmem>>, vector<16xf32>,
      tpu.vector_store %arg21[%swap3A_660], %broadcast_in_dim3A_12 {strides = array<i32>} : memref<8192xf32, #tpu.memory_space<vmem>>, vector<16xf32>,
      %swap3A_662 = arith.constant 3376 : index
      %swap3A_663 = tpu.vector_load %arg21[%swap3A_662] {strides = array<i32>} : memref<8192xf32, #tpu.memory_space<vmem>>, vector<16xf32>,
      tpu.vector_store %arg21[%swap3A_662], %broadcast_in_dim3A_12 {strides = array<i32>} : memref<8192xf32, #tpu.memory_space<vmem>>, vector<16xf32>,
      %swap3A_664 = arith.constant 3392 : index
      %swap3A_665 = tpu.vector_load %arg21[%swap3A_664] {strides = array<i32>} : memref<8192xf32, #tpu.memory_space<vmem>>, vector<16xf32>,
      tpu.vector_store %arg21[%swap3A_664], %broadcast_in_dim3A_12 {strides = array<i32>} : memref<8192xf32, #tpu.memory_space<vmem>>, vector<16xf32>,
      %swap3A_666 = arith.constant 3408 : index
      %swap3A_667 = tpu.vector_load %arg21[%swap3A_666] {strides = array<i32>} : memref<8192xf32, #tpu.memory_space<vmem>>, vector<16xf32>,
      tpu.vector_store %arg21[%swap3A_666], %broadcast_in_dim3A_12 {strides = array<i32>} : memref<8192xf32, #tpu.memory_space<vmem>>, vector<16xf32>,
      %swap3A_668 = arith.constant 3424 : index
      %swap3A_669 = tpu.vector_load %arg21[%swap3A_668] {strides = array<i32>} : memref<8192xf32, #tpu.memory_space<vmem>>, vector<16xf32>,
      tpu.vector_store %arg21[%swap3A_668], %broadcast_in_dim3A_12 {strides = array<i32>} : memref<8192xf32, #tpu.memory_space<vmem>>, vector<16xf32>,
      %swap3A_670 = arith.constant 3440 : index
      %swap3A_671 = tpu.vector_load %arg21[%swap3A_670] {strides = array<i32>} : memref<8192xf32, #tpu.memory_space<vmem>>, vector<16xf32>,
      tpu.vector_store %arg21[%swap3A_670], %broadcast_in_dim3A_12 {strides = array<i32>} : memref<8192xf32, #tpu.memory_space<vmem>>, vector<16xf32>,
      %swap3A_672 = arith.constant 3456 : index
      %swap3A_673 = tpu.vector_load %arg21[%swap3A_672] {strides = array<i32>} : memref<8192xf32, #tpu.memory_space<vmem>>, vector<16xf32>,
      tpu.vector_store %arg21[%swap3A_672], %broadcast_in_dim3A_12 {strides = array<i32>} : memref<8192xf32, #tpu.memory_space<vmem>>, vector<16xf32>,
      %swap3A_674 = arith.constant 3472 : index
      %swap3A_675 = tpu.vector_load %arg21[%swap3A_674] {strides = array<i32>} : memref<8192xf32, #tpu.memory_space<vmem>>, vector<16xf32>,
      tpu.vector_store %arg21[%swap3A_674], %broadcast_in_dim3A_12 {strides = array<i32>} : memref<8192xf32, #tpu.memory_space<vmem>>, vector<16xf32>,
      %swap3A_676 = arith.constant 3488 : index
      %swap3A_677 = tpu.vector_load %arg21[%swap3A_676] {strides = array<i32>} : memref<8192xf32, #tpu.memory_space<vmem>>, vector<16xf32>,
      tpu.vector_store %arg21[%swap3A_676], %broadcast_in_dim3A_12 {strides = array<i32>} : memref<8192xf32, #tpu.memory_space<vmem>>, vector<16xf32>,
      %swap3A_678 = arith.constant 3504 : index
      %swap3A_679 = tpu.vector_load %arg21[%swap3A_678] {strides = array<i32>} : memref<8192xf32, #tpu.memory_space<vmem>>, vector<16xf32>,
      tpu.vector_store %arg21[%swap3A_678], %broadcast_in_dim3A_12 {strides = array<i32>} : memref<8192xf32, #tpu.memory_space<vmem>>, vector<16xf32>,
      %swap3A_680 = arith.constant 3520 : index
      %swap3A_681 = tpu.vector_load %arg21[%swap3A_680] {strides = array<i32>} : memref<8192xf32, #tpu.memory_space<vmem>>, vector<16xf32>,
      tpu.vector_store %arg21[%swap3A_680], %broadcast_in_dim3A_12 {strides = array<i32>} : memref<8192xf32, #tpu.memory_space<vmem>>, vector<16xf32>,
      %swap3A_682 = arith.constant 3536 : index
      %swap3A_683 = tpu.vector_load %arg21[%swap3A_682] {strides = array<i32>} : memref<8192xf32, #tpu.memory_space<vmem>>, vector<16xf32>,
      tpu.vector_store %arg21[%swap3A_682], %broadcast_in_dim3A_12 {strides = array<i32>} : memref<8192xf32, #tpu.memory_space<vmem>>, vector<16xf32>,
      %swap3A_684 = arith.constant 3552 : index
      %swap3A_685 = tpu.vector_load %arg21[%swap3A_684] {strides = array<i32>} : memref<8192xf32, #tpu.memory_space<vmem>>, vector<16xf32>,
      tpu.vector_store %arg21[%swap3A_684], %broadcast_in_dim3A_12 {strides = array<i32>} : memref<8192xf32, #tpu.memory_space<vmem>>, vector<16xf32>,
      %swap3A_686 = arith.constant 3568 : index
      %swap3A_687 = tpu.vector_load %arg21[%swap3A_686] {strides = array<i32>} : memref<8192xf32, #tpu.memory_space<vmem>>, vector<16xf32>,
      tpu.vector_store %arg21[%swap3A_686], %broadcast_in_dim3A_12 {strides = array<i32>} : memref<8192xf32, #tpu.memory_space<vmem>>, vector<16xf32>,
      %swap3A_688 = arith.constant 3584 : index
      %swap3A_689 = tpu.vector_load %arg21[%swap3A_688] {strides = array<i32>} : memref<8192xf32, #tpu.memory_space<vmem>>, vector<16xf32>,
      tpu.vector_store %arg21[%swap3A_688], %broadcast_in_dim3A_12 {strides = array<i32>} : memref<8192xf32, #tpu.memory_space<vmem>>, vector<16xf32>,
      %swap3A_690 = arith.constant 3600 : index
      %swap3A_691 = tpu.vector_load %arg21[%swap3A_690] {strides = array<i32>} : memref<8192xf32, #tpu.memory_space<vmem>>, vector<16xf32>,
      tpu.vector_store %arg21[%swap3A_690], %broadcast_in_dim3A_12 {strides = array<i32>} : memref<8192xf32, #tpu.memory_space<vmem>>, vector<16xf32>,
      %swap3A_692 = arith.constant 3616 : index
      %swap3A_693 = tpu.vector_load %arg21[%swap3A_692] {strides = array<i32>} : memref<8192xf32, #tpu.memory_space<vmem>>, vector<16xf32>,
      tpu.vector_store %arg21[%swap3A_692], %broadcast_in_dim3A_12 {strides = array<i32>} : memref<8192xf32, #tpu.memory_space<vmem>>, vector<16xf32>,
      %swap3A_694 = arith.constant 3632 : index
      %swap3A_695 = tpu.vector_load %arg21[%swap3A_694] {strides = array<i32>} : memref<8192xf32, #tpu.memory_space<vmem>>, vector<16xf32>,
      tpu.vector_store %arg21[%swap3A_694], %broadcast_in_dim3A_12 {strides = array<i32>} : memref<8192xf32, #tpu.memory_space<vmem>>, vector<16xf32>,
      %swap3A_696 = arith.constant 3648 : index
      %swap3A_697 = tpu.vector_load %arg21[%swap3A_696] {strides = array<i32>} : memref<8192xf32, #tpu.memory_space<vmem>>, vector<16xf32>,
      tpu.vector_store %arg21[%swap3A_696], %broadcast_in_dim3A_12 {strides = array<i32>} : memref<8192xf32, #tpu.memory_space<vmem>>, vector<16xf32>,
      %swap3A_698 = arith.constant 3664 : index
      %swap3A_699 = tpu.vector_load %arg21[%swap3A_698] {strides = array<i32>} : memref<8192xf32, #tpu.memory_space<vmem>>, vector<16xf32>,
      tpu.vector_store %arg21[%swap3A_698], %broadcast_in_dim3A_12 {strides = array<i32>} : memref<8192xf32, #tpu.memory_space<vmem>>, vector<16xf32>,
      %swap3A_700 = arith.constant 3680 : index
      %swap3A_701 = tpu.vector_load %arg21[%swap3A_700] {strides = array<i32>} : memref<8192xf32, #tpu.memory_space<vmem>>, vector<16xf32>,
      tpu.vector_store %arg21[%swap3A_700], %broadcast_in_dim3A_12 {strides = array<i32>} : memref<8192xf32, #tpu.memory_space<vmem>>, vector<16xf32>,
      %swap3A_702 = arith.constant 3696 : index
      %swap3A_703 = tpu.vector_load %arg21[%swap3A_702] {strides = array<i32>} : memref<8192xf32, #tpu.memory_space<vmem>>, vector<16xf32>,
      tpu.vector_store %arg21[%swap3A_702], %broadcast_in_dim3A_12 {strides = array<i32>} : memref<8192xf32, #tpu.memory_space<vmem>>, vector<16xf32>,
      %swap3A_704 = arith.constant 3712 : index
      %swap3A_705 = tpu.vector_load %arg21[%swap3A_704] {strides = array<i32>} : memref<8192xf32, #tpu.memory_space<vmem>>, vector<16xf32>,
      tpu.vector_store %arg21[%swap3A_704], %broadcast_in_dim3A_12 {strides = array<i32>} : memref<8192xf32, #tpu.memory_space<vmem>>, vector<16xf32>,
      %swap3A_706 = arith.constant 3728 : index
      %swap3A_707 = tpu.vector_load %arg21[%swap3A_706] {strides = array<i32>} : memref<8192xf32, #tpu.memory_space<vmem>>, vector<16xf32>,
      tpu.vector_store %arg21[%swap3A_706], %broadcast_in_dim3A_12 {strides = array<i32>} : memref<8192xf32, #tpu.memory_space<vmem>>, vector<16xf32>,
      %swap3A_708 = arith.constant 3744 : index
      %swap3A_709 = tpu.vector_load %arg21[%swap3A_708] {strides = array<i32>} : memref<8192xf32, #tpu.memory_space<vmem>>, vector<16xf32>,
      tpu.vector_store %arg21[%swap3A_708], %broadcast_in_dim3A_12 {strides = array<i32>} : memref<8192xf32, #tpu.memory_space<vmem>>, vector<16xf32>,
      %swap3A_710 = arith.constant 3760 : index
      %swap3A_711 = tpu.vector_load %arg21[%swap3A_710] {strides = array<i32>} : memref<8192xf32, #tpu.memory_space<vmem>>, vector<16xf32>,
      tpu.vector_store %arg21[%swap3A_710], %broadcast_in_dim3A_12 {strides = array<i32>} : memref<8192xf32, #tpu.memory_space<vmem>>, vector<16xf32>,
      %swap3A_712 = arith.constant 3776 : index
      %swap3A_713 = tpu.vector_load %arg21[%swap3A_712] {strides = array<i32>} : memref<8192xf32, #tpu.memory_space<vmem>>, vector<16xf32>,
      tpu.vector_store %arg21[%swap3A_712], %broadcast_in_dim3A_12 {strides = array<i32>} : memref<8192xf32, #tpu.memory_space<vmem>>, vector<16xf32>,
      %swap3A_714 = arith.constant 3792 : index
      %swap3A_715 = tpu.vector_load %arg21[%swap3A_714] {strides = array<i32>} : memref<8192xf32, #tpu.memory_space<vmem>>, vector<16xf32>,
      tpu.vector_store %arg21[%swap3A_714], %broadcast_in_dim3A_12 {strides = array<i32>} : memref<8192xf32, #tpu.memory_space<vmem>>, vector<16xf32>,
      %swap3A_716 = arith.constant 3808 : index
      %swap3A_717 = tpu.vector_load %arg21[%swap3A_716] {strides = array<i32>} : memref<8192xf32, #tpu.memory_space<vmem>>, vector<16xf32>,
      tpu.vector_store %arg21[%swap3A_716], %broadcast_in_dim3A_12 {strides = array<i32>} : memref<8192xf32, #tpu.memory_space<vmem>>, vector<16xf32>,
      %swap3A_718 = arith.constant 3824 : index
      %swap3A_719 = tpu.vector_load %arg21[%swap3A_718] {strides = array<i32>} : memref<8192xf32, #tpu.memory_space<vmem>>, vector<16xf32>,
      tpu.vector_store %arg21[%swap3A_718], %broadcast_in_dim3A_12 {strides = array<i32>} : memref<8192xf32, #tpu.memory_space<vmem>>, vector<16xf32>,
      %swap3A_720 = arith.constant 3840 : index
      %swap3A_721 = tpu.vector_load %arg21[%swap3A_720] {strides = array<i32>} : memref<8192xf32, #tpu.memory_space<vmem>>, vector<16xf32>,
      tpu.vector_store %arg21[%swap3A_720], %broadcast_in_dim3A_12 {strides = array<i32>} : memref<8192xf32, #tpu.memory_space<vmem>>, vector<16xf32>,
      %swap3A_722 = arith.constant 3856 : index
      %swap3A_723 = tpu.vector_load %arg21[%swap3A_722] {strides = array<i32>} : memref<8192xf32, #tpu.memory_space<vmem>>, vector<16xf32>,
      tpu.vector_store %arg21[%swap3A_722], %broadcast_in_dim3A_12 {strides = array<i32>} : memref<8192xf32, #tpu.memory_space<vmem>>, vector<16xf32>,
      %swap3A_724 = arith.constant 3872 : index
      %swap3A_725 = tpu.vector_load %arg21[%swap3A_724] {strides = array<i32>} : memref<8192xf32, #tpu.memory_space<vmem>>, vector<16xf32>,
      tpu.vector_store %arg21[%swap3A_724], %broadcast_in_dim3A_12 {strides = array<i32>} : memref<8192xf32, #tpu.memory_space<vmem>>, vector<16xf32>,
      %swap3A_726 = arith.constant 3888 : index
      %swap3A_727 = tpu.vector_load %arg21[%swap3A_726] {strides = array<i32>} : memref<8192xf32, #tpu.memory_space<vmem>>, vector<16xf32>,
      tpu.vector_store %arg21[%swap3A_726], %broadcast_in_dim3A_12 {strides = array<i32>} : memref<8192xf32, #tpu.memory_space<vmem>>, vector<16xf32>,
      %swap3A_728 = arith.constant 3904 : index
      %swap3A_729 = tpu.vector_load %arg21[%swap3A_728] {strides = array<i32>} : memref<8192xf32, #tpu.memory_space<vmem>>, vector<16xf32>,
      tpu.vector_store %arg21[%swap3A_728], %broadcast_in_dim3A_12 {strides = array<i32>} : memref<8192xf32, #tpu.memory_space<vmem>>, vector<16xf32>,
      %swap3A_730 = arith.constant 3920 : index
      %swap3A_731 = tpu.vector_load %arg21[%swap3A_730] {strides = array<i32>} : memref<8192xf32, #tpu.memory_space<vmem>>, vector<16xf32>,
      tpu.vector_store %arg21[%swap3A_730], %broadcast_in_dim3A_12 {strides = array<i32>} : memref<8192xf32, #tpu.memory_space<vmem>>, vector<16xf32>,
      %swap3A_732 = arith.constant 3936 : index
      %swap3A_733 = tpu.vector_load %arg21[%swap3A_732] {strides = array<i32>} : memref<8192xf32, #tpu.memory_space<vmem>>, vector<16xf32>,
      tpu.vector_store %arg21[%swap3A_732], %broadcast_in_dim3A_12 {strides = array<i32>} : memref<8192xf32, #tpu.memory_space<vmem>>, vector<16xf32>,
      %swap3A_734 = arith.constant 3952 : index
      %swap3A_735 = tpu.vector_load %arg21[%swap3A_734] {strides = array<i32>} : memref<8192xf32, #tpu.memory_space<vmem>>, vector<16xf32>,
      tpu.vector_store %arg21[%swap3A_734], %broadcast_in_dim3A_12 {strides = array<i32>} : memref<8192xf32, #tpu.memory_space<vmem>>, vector<16xf32>,
      %swap3A_736 = arith.constant 3968 : index
      %swap3A_737 = tpu.vector_load %arg21[%swap3A_736] {strides = array<i32>} : memref<8192xf32, #tpu.memory_space<vmem>>, vector<16xf32>,
      tpu.vector_store %arg21[%swap3A_736], %broadcast_in_dim3A_12 {strides = array<i32>} : memref<8192xf32, #tpu.memory_space<vmem>>, vector<16xf32>,
      %swap3A_738 = arith.constant 3984 : index
      %swap3A_739 = tpu.vector_load %arg21[%swap3A_738] {strides = array<i32>} : memref<8192xf32, #tpu.memory_space<vmem>>, vector<16xf32>,
      tpu.vector_store %arg21[%swap3A_738], %broadcast_in_dim3A_12 {strides = array<i32>} : memref<8192xf32, #tpu.memory_space<vmem>>, vector<16xf32>,
      %swap3A_740 = arith.constant 4000 : index
      %swap3A_741 = tpu.vector_load %arg21[%swap3A_740] {strides = array<i32>} : memref<8192xf32, #tpu.memory_space<vmem>>, vector<16xf32>,
      tpu.vector_store %arg21[%swap3A_740], %broadcast_in_dim3A_12 {strides = array<i32>} : memref<8192xf32, #tpu.memory_space<vmem>>, vector<16xf32>,
      %swap3A_742 = arith.constant 4016 : index
      %swap3A_743 = tpu.vector_load %arg21[%swap3A_742] {strides = array<i32>} : memref<8192xf32, #tpu.memory_space<vmem>>, vector<16xf32>,
      tpu.vector_store %arg21[%swap3A_742], %broadcast_in_dim3A_12 {strides = array<i32>} : memref<8192xf32, #tpu.memory_space<vmem>>, vector<16xf32>,
      %swap3A_744 = arith.constant 4032 : index
      %swap3A_745 = tpu.vector_load %arg21[%swap3A_744] {strides = array<i32>} : memref<8192xf32, #tpu.memory_space<vmem>>, vector<16xf32>,
      tpu.vector_store %arg21[%swap3A_744], %broadcast_in_dim3A_12 {strides = array<i32>} : memref<8192xf32, #tpu.memory_space<vmem>>, vector<16xf32>,
      %swap3A_746 = arith.constant 4048 : index
      %swap3A_747 = tpu.vector_load %arg21[%swap3A_746] {strides = array<i32>} : memref<8192xf32, #tpu.memory_space<vmem>>, vector<16xf32>,
      tpu.vector_store %arg21[%swap3A_746], %broadcast_in_dim3A_12 {strides = array<i32>} : memref<8192xf32, #tpu.memory_space<vmem>>, vector<16xf32>,
      %swap3A_748 = arith.constant 4064 : index
      %swap3A_749 = tpu.vector_load %arg21[%swap3A_748] {strides = array<i32>} : memref<8192xf32, #tpu.memory_space<vmem>>, vector<16xf32>,
      tpu.vector_store %arg21[%swap3A_748], %broadcast_in_dim3A_12 {strides = array<i32>} : memref<8192xf32, #tpu.memory_space<vmem>>, vector<16xf32>,
      %swap3A_750 = arith.constant 4080 : index
      %swap3A_751 = tpu.vector_load %arg21[%swap3A_750] {strides = array<i32>} : memref<8192xf32, #tpu.memory_space<vmem>>, vector<16xf32>,
      tpu.vector_store %arg21[%swap3A_750], %broadcast_in_dim3A_12 {strides = array<i32>} : memref<8192xf32, #tpu.memory_space<vmem>>, vector<16xf32>,
      %swap3A_752 = arith.constant 4096 : index
      %swap3A_753 = tpu.vector_load %arg21[%swap3A_752] {strides = array<i32>} : memref<8192xf32, #tpu.memory_space<vmem>>, vector<16xf32>,
      tpu.vector_store %arg21[%swap3A_752], %broadcast_in_dim3A_12 {strides = array<i32>} : memref<8192xf32, #tpu.memory_space<vmem>>, vector<16xf32>,
      %swap3A_754 = arith.constant 4112 : index
      %swap3A_755 = tpu.vector_load %arg21[%swap3A_754] {strides = array<i32>} : memref<8192xf32, #tpu.memory_space<vmem>>, vector<16xf32>,
      tpu.vector_store %arg21[%swap3A_754], %broadcast_in_dim3A_12 {strides = array<i32>} : memref<8192xf32, #tpu.memory_space<vmem>>, vector<16xf32>,
      %swap3A_756 = arith.constant 4128 : index
      %swap3A_757 = tpu.vector_load %arg21[%swap3A_756] {strides = array<i32>} : memref<8192xf32, #tpu.memory_space<vmem>>, vector<16xf32>,
      tpu.vector_store %arg21[%swap3A_756], %broadcast_in_dim3A_12 {strides = array<i32>} : memref<8192xf32, #tpu.memory_space<vmem>>, vector<16xf32>,
      %swap3A_758 = arith.constant 4144 : index
      %swap3A_759 = tpu.vector_load %arg21[%swap3A_758] {strides = array<i32>} : memref<8192xf32, #tpu.memory_space<vmem>>, vector<16xf32>,
      tpu.vector_store %arg21[%swap3A_758], %broadcast_in_dim3A_12 {strides = array<i32>} : memref<8192xf32, #tpu.memory_space<vmem>>, vector<16xf32>,
      %swap3A_760 = arith.constant 4160 : index
      %swap3A_761 = tpu.vector_load %arg21[%swap3A_760] {strides = array<i32>} : memref<8192xf32, #tpu.memory_space<vmem>>, vector<16xf32>,
      tpu.vector_store %arg21[%swap3A_760], %broadcast_in_dim3A_12 {strides = array<i32>} : memref<8192xf32, #tpu.memory_space<vmem>>, vector<16xf32>,
      %swap3A_762 = arith.constant 4176 : index
      %swap3A_763 = tpu.vector_load %arg21[%swap3A_762] {strides = array<i32>} : memref<8192xf32, #tpu.memory_space<vmem>>, vector<16xf32>,
      tpu.vector_store %arg21[%swap3A_762], %broadcast_in_dim3A_12 {strides = array<i32>} : memref<8192xf32, #tpu.memory_space<vmem>>, vector<16xf32>,
      %swap3A_764 = arith.constant 4192 : index
      %swap3A_765 = tpu.vector_load %arg21[%swap3A_764] {strides = array<i32>} : memref<8192xf32, #tpu.memory_space<vmem>>, vector<16xf32>,
      tpu.vector_store %arg21[%swap3A_764], %broadcast_in_dim3A_12 {strides = array<i32>} : memref<8192xf32, #tpu.memory_space<vmem>>, vector<16xf32>,
      %swap3A_766 = arith.constant 4208 : index
      %swap3A_767 = tpu.vector_load %arg21[%swap3A_766] {strides = array<i32>} : memref<8192xf32, #tpu.memory_space<vmem>>, vector<16xf32>,
      tpu.vector_store %arg21[%swap3A_766], %broadcast_in_dim3A_12 {strides = array<i32>} : memref<8192xf32, #tpu.memory_space<vmem>>, vector<16xf32>,
      %swap3A_768 = arith.constant 4224 : index
      %swap3A_769 = tpu.vector_load %arg21[%swap3A_768] {strides = array<i32>} : memref<8192xf32, #tpu.memory_space<vmem>>, vector<16xf32>,
      tpu.vector_store %arg21[%swap3A_768], %broadcast_in_dim3A_12 {strides = array<i32>} : memref<8192xf32, #tpu.memory_space<vmem>>, vector<16xf32>,
      %swap3A_770 = arith.constant 4240 : index
      %swap3A_771 = tpu.vector_load %arg21[%swap3A_770] {strides = array<i32>} : memref<8192xf32, #tpu.memory_space<vmem>>, vector<16xf32>,
      tpu.vector_store %arg21[%swap3A_770], %broadcast_in_dim3A_12 {strides = array<i32>} : memref<8192xf32, #tpu.memory_space<vmem>>, vector<16xf32>,
      %swap3A_772 = arith.constant 4256 : index
      %swap3A_773 = tpu.vector_load %arg21[%swap3A_772] {strides = array<i32>} : memref<8192xf32, #tpu.memory_space<vmem>>, vector<16xf32>,
      tpu.vector_store %arg21[%swap3A_772], %broadcast_in_dim3A_12 {strides = array<i32>} : memref<8192xf32, #tpu.memory_space<vmem>>, vector<16xf32>,
      %swap3A_774 = arith.constant 4272 : index
      %swap3A_775 = tpu.vector_load %arg21[%swap3A_774] {strides = array<i32>} : memref<8192xf32, #tpu.memory_space<vmem>>, vector<16xf32>,
      tpu.vector_store %arg21[%swap3A_774], %broadcast_in_dim3A_12 {strides = array<i32>} : memref<8192xf32, #tpu.memory_space<vmem>>, vector<16xf32>,
      %swap3A_776 = arith.constant 4288 : index
      %swap3A_777 = tpu.vector_load %arg21[%swap3A_776] {strides = array<i32>} : memref<8192xf32, #tpu.memory_space<vmem>>, vector<16xf32>,
      tpu.vector_store %arg21[%swap3A_776], %broadcast_in_dim3A_12 {strides = array<i32>} : memref<8192xf32, #tpu.memory_space<vmem>>, vector<16xf32>,
      %swap3A_778 = arith.constant 4304 : index
      %swap3A_779 = tpu.vector_load %arg21[%swap3A_778] {strides = array<i32>} : memref<8192xf32, #tpu.memory_space<vmem>>, vector<16xf32>,
      tpu.vector_store %arg21[%swap3A_778], %broadcast_in_dim3A_12 {strides = array<i32>} : memref<8192xf32, #tpu.memory_space<vmem>>, vector<16xf32>,
      %swap3A_780 = arith.constant 4320 : index
      %swap3A_781 = tpu.vector_load %arg21[%swap3A_780] {strides = array<i32>} : memref<8192xf32, #tpu.memory_space<vmem>>, vector<16xf32>,
      tpu.vector_store %arg21[%swap3A_780], %broadcast_in_dim3A_12 {strides = array<i32>} : memref<8192xf32, #tpu.memory_space<vmem>>, vector<16xf32>,
      %swap3A_782 = arith.constant 4336 : index
      %swap3A_783 = tpu.vector_load %arg21[%swap3A_782] {strides = array<i32>} : memref<8192xf32, #tpu.memory_space<vmem>>, vector<16xf32>,
      tpu.vector_store %arg21[%swap3A_782], %broadcast_in_dim3A_12 {strides = array<i32>} : memref<8192xf32, #tpu.memory_space<vmem>>, vector<16xf32>,
      %swap3A_784 = arith.constant 4352 : index
      %swap3A_785 = tpu.vector_load %arg21[%swap3A_784] {strides = array<i32>} : memref<8192xf32, #tpu.memory_space<vmem>>, vector<16xf32>,
      tpu.vector_store %arg21[%swap3A_784], %broadcast_in_dim3A_12 {strides = array<i32>} : memref<8192xf32, #tpu.memory_space<vmem>>, vector<16xf32>,
      %swap3A_786 = arith.constant 4368 : index
      %swap3A_787 = tpu.vector_load %arg21[%swap3A_786] {strides = array<i32>} : memref<8192xf32, #tpu.memory_space<vmem>>, vector<16xf32>,
      tpu.vector_store %arg21[%swap3A_786], %broadcast_in_dim3A_12 {strides = array<i32>} : memref<8192xf32, #tpu.memory_space<vmem>>, vector<16xf32>,
      %swap3A_788 = arith.constant 4384 : index
      %swap3A_789 = tpu.vector_load %arg21[%swap3A_788] {strides = array<i32>} : memref<8192xf32, #tpu.memory_space<vmem>>, vector<16xf32>,
      tpu.vector_store %arg21[%swap3A_788], %broadcast_in_dim3A_12 {strides = array<i32>} : memref<8192xf32, #tpu.memory_space<vmem>>, vector<16xf32>,
      %swap3A_790 = arith.constant 4400 : index
      %swap3A_791 = tpu.vector_load %arg21[%swap3A_790] {strides = array<i32>} : memref<8192xf32, #tpu.memory_space<vmem>>, vector<16xf32>,
      tpu.vector_store %arg21[%swap3A_790], %broadcast_in_dim3A_12 {strides = array<i32>} : memref<8192xf32, #tpu.memory_space<vmem>>, vector<16xf32>,
      %swap3A_792 = arith.constant 4416 : index
      %swap3A_793 = tpu.vector_load %arg21[%swap3A_792] {strides = array<i32>} : memref<8192xf32, #tpu.memory_space<vmem>>, vector<16xf32>,
      tpu.vector_store %arg21[%swap3A_792], %broadcast_in_dim3A_12 {strides = array<i32>} : memref<8192xf32, #tpu.memory_space<vmem>>, vector<16xf32>,
      %swap3A_794 = arith.constant 4432 : index
      %swap3A_795 = tpu.vector_load %arg21[%swap3A_794] {strides = array<i32>} : memref<8192xf32, #tpu.memory_space<vmem>>, vector<16xf32>,
      tpu.vector_store %arg21[%swap3A_794], %broadcast_in_dim3A_12 {strides = array<i32>} : memref<8192xf32, #tpu.memory_space<vmem>>, vector<16xf32>,
      %swap3A_796 = arith.constant 4448 : index
      %swap3A_797 = tpu.vector_load %arg21[%swap3A_796] {strides = array<i32>} : memref<8192xf32, #tpu.memory_space<vmem>>, vector<16xf32>,
      tpu.vector_store %arg21[%swap3A_796], %broadcast_in_dim3A_12 {strides = array<i32>} : memref<8192xf32, #tpu.memory_space<vmem>>, vector<16xf32>,
      %swap3A_798 = arith.constant 4464 : index
      %swap3A_799 = tpu.vector_load %arg21[%swap3A_798] {strides = array<i32>} : memref<8192xf32, #tpu.memory_space<vmem>>, vector<16xf32>,
      tpu.vector_store %arg21[%swap3A_798], %broadcast_in_dim3A_12 {strides = array<i32>} : memref<8192xf32, #tpu.memory_space<vmem>>, vector<16xf32>,
      %swap3A_800 = arith.constant 4480 : index
      %swap3A_801 = tpu.vector_load %arg21[%swap3A_800] {strides = array<i32>} : memref<8192xf32, #tpu.memory_space<vmem>>, vector<16xf32>,
      tpu.vector_store %arg21[%swap3A_800], %broadcast_in_dim3A_12 {strides = array<i32>} : memref<8192xf32, #tpu.memory_space<vmem>>, vector<16xf32>,
      %swap3A_802 = arith.constant 4496 : index
      %swap3A_803 = tpu.vector_load %arg21[%swap3A_802] {strides = array<i32>} : memref<8192xf32, #tpu.memory_space<vmem>>, vector<16xf32>,
      tpu.vector_store %arg21[%swap3A_802], %broadcast_in_dim3A_12 {strides = array<i32>} : memref<8192xf32, #tpu.memory_space<vmem>>, vector<16xf32>,
      %swap3A_804 = arith.constant 4512 : index
      %swap3A_805 = tpu.vector_load %arg21[%swap3A_804] {strides = array<i32>} : memref<8192xf32, #tpu.memory_space<vmem>>, vector<16xf32>,
      tpu.vector_store %arg21[%swap3A_804], %broadcast_in_dim3A_12 {strides = array<i32>} : memref<8192xf32, #tpu.memory_space<vmem>>, vector<16xf32>,
      %swap3A_806 = arith.constant 4528 : index
      %swap3A_807 = tpu.vector_load %arg21[%swap3A_806] {strides = array<i32>} : memref<8192xf32, #tpu.memory_space<vmem>>, vector<16xf32>,
      tpu.vector_store %arg21[%swap3A_806], %broadcast_in_dim3A_12 {strides = array<i32>} : memref<8192xf32, #tpu.memory_space<vmem>>, vector<16xf32>,
      %swap3A_808 = arith.constant 4544 : index
      %swap3A_809 = tpu.vector_load %arg21[%swap3A_808] {strides = array<i32>} : memref<8192xf32, #tpu.memory_space<vmem>>, vector<16xf32>,
      tpu.vector_store %arg21[%swap3A_808], %broadcast_in_dim3A_12 {strides = array<i32>} : memref<8192xf32, #tpu.memory_space<vmem>>, vector<16xf32>,
      %swap3A_810 = arith.constant 4560 : index
      %swap3A_811 = tpu.vector_load %arg21[%swap3A_810] {strides = array<i32>} : memref<8192xf32, #tpu.memory_space<vmem>>, vector<16xf32>,
      tpu.vector_store %arg21[%swap3A_810], %broadcast_in_dim3A_12 {strides = array<i32>} : memref<8192xf32, #tpu.memory_space<vmem>>, vector<16xf32>,
      %swap3A_812 = arith.constant 4576 : index
      %swap3A_813 = tpu.vector_load %arg21[%swap3A_812] {strides = array<i32>} : memref<8192xf32, #tpu.memory_space<vmem>>, vector<16xf32>,
      tpu.vector_store %arg21[%swap3A_812], %broadcast_in_dim3A_12 {strides = array<i32>} : memref<8192xf32, #tpu.memory_space<vmem>>, vector<16xf32>,
      %swap3A_814 = arith.constant 4592 : index
      %swap3A_815 = tpu.vector_load %arg21[%swap3A_814] {strides = array<i32>} : memref<8192xf32, #tpu.memory_space<vmem>>, vector<16xf32>,
      tpu.vector_store %arg21[%swap3A_814], %broadcast_in_dim3A_12 {strides = array<i32>} : memref<8192xf32, #tpu.memory_space<vmem>>, vector<16xf32>,
      %swap3A_816 = arith.constant 4608 : index
      %swap3A_817 = tpu.vector_load %arg21[%swap3A_816] {strides = array<i32>} : memref<8192xf32, #tpu.memory_space<vmem>>, vector<16xf32>,
      tpu.vector_store %arg21[%swap3A_816], %broadcast_in_dim3A_12 {strides = array<i32>} : memref<8192xf32, #tpu.memory_space<vmem>>, vector<16xf32>,
      %swap3A_818 = arith.constant 4624 : index
      %swap3A_819 = tpu.vector_load %arg21[%swap3A_818] {strides = array<i32>} : memref<8192xf32, #tpu.memory_space<vmem>>, vector<16xf32>,
      tpu.vector_store %arg21[%swap3A_818], %broadcast_in_dim3A_12 {strides = array<i32>} : memref<8192xf32, #tpu.memory_space<vmem>>, vector<16xf32>,
      %swap3A_820 = arith.constant 4640 : index
      %swap3A_821 = tpu.vector_load %arg21[%swap3A_820] {strides = array<i32>} : memref<8192xf32, #tpu.memory_space<vmem>>, vector<16xf32>,
      tpu.vector_store %arg21[%swap3A_820], %broadcast_in_dim3A_12 {strides = array<i32>} : memref<8192xf32, #tpu.memory_space<vmem>>, vector<16xf32>,
      %swap3A_822 = arith.constant 4656 : index
      %swap3A_823 = tpu.vector_load %arg21[%swap3A_822] {strides = array<i32>} : memref<8192xf32, #tpu.memory_space<vmem>>, vector<16xf32>,
      tpu.vector_store %arg21[%swap3A_822], %broadcast_in_dim3A_12 {strides = array<i32>} : memref<8192xf32, #tpu.memory_space<vmem>>, vector<16xf32>,
      %swap3A_824 = arith.constant 4672 : index
      %swap3A_825 = tpu.vector_load %arg21[%swap3A_824] {strides = array<i32>} : memref<8192xf32, #tpu.memory_space<vmem>>, vector<16xf32>,
      tpu.vector_store %arg21[%swap3A_824], %broadcast_in_dim3A_12 {strides = array<i32>} : memref<8192xf32, #tpu.memory_space<vmem>>, vector<16xf32>,
      %swap3A_826 = arith.constant 4688 : index
      %swap3A_827 = tpu.vector_load %arg21[%swap3A_826] {strides = array<i32>} : memref<8192xf32, #tpu.memory_space<vmem>>, vector<16xf32>,
      tpu.vector_store %arg21[%swap3A_826], %broadcast_in_dim3A_12 {strides = array<i32>} : memref<8192xf32, #tpu.memory_space<vmem>>, vector<16xf32>,
      %swap3A_828 = arith.constant 4704 : index
      %swap3A_829 = tpu.vector_load %arg21[%swap3A_828] {strides = array<i32>} : memref<8192xf32, #tpu.memory_space<vmem>>, vector<16xf32>,
      tpu.vector_store %arg21[%swap3A_828], %broadcast_in_dim3A_12 {strides = array<i32>} : memref<8192xf32, #tpu.memory_space<vmem>>, vector<16xf32>,
      %swap3A_830 = arith.constant 4720 : index
      %swap3A_831 = tpu.vector_load %arg21[%swap3A_830] {strides = array<i32>} : memref<8192xf32, #tpu.memory_space<vmem>>, vector<16xf32>,
      tpu.vector_store %arg21[%swap3A_830], %broadcast_in_dim3A_12 {strides = array<i32>} : memref<8192xf32, #tpu.memory_space<vmem>>, vector<16xf32>,
      %swap3A_832 = arith.constant 4736 : index
      %swap3A_833 = tpu.vector_load %arg21[%swap3A_832] {strides = array<i32>} : memref<8192xf32, #tpu.memory_space<vmem>>, vector<16xf32>,
      tpu.vector_store %arg21[%swap3A_832], %broadcast_in_dim3A_12 {strides = array<i32>} : memref<8192xf32, #tpu.memory_space<vmem>>, vector<16xf32>,
      %swap3A_834 = arith.constant 4752 : index
      %swap3A_835 = tpu.vector_load %arg21[%swap3A_834] {strides = array<i32>} : memref<8192xf32, #tpu.memory_space<vmem>>, vector<16xf32>,
      tpu.vector_store %arg21[%swap3A_834], %broadcast_in_dim3A_12 {strides = array<i32>} : memref<8192xf32, #tpu.memory_space<vmem>>, vector<16xf32>,
      %swap3A_836 = arith.constant 4768 : index
      %swap3A_837 = tpu.vector_load %arg21[%swap3A_836] {strides = array<i32>} : memref<8192xf32, #tpu.memory_space<vmem>>, vector<16xf32>,
      tpu.vector_store %arg21[%swap3A_836], %broadcast_in_dim3A_12 {strides = array<i32>} : memref<8192xf32, #tpu.memory_space<vmem>>, vector<16xf32>,
      %swap3A_838 = arith.constant 4784 : index
      %swap3A_839 = tpu.vector_load %arg21[%swap3A_838] {strides = array<i32>} : memref<8192xf32, #tpu.memory_space<vmem>>, vector<16xf32>,
      tpu.vector_store %arg21[%swap3A_838], %broadcast_in_dim3A_12 {strides = array<i32>} : memref<8192xf32, #tpu.memory_space<vmem>>, vector<16xf32>,
      %swap3A_840 = arith.constant 4800 : index
      %swap3A_841 = tpu.vector_load %arg21[%swap3A_840] {strides = array<i32>} : memref<8192xf32, #tpu.memory_space<vmem>>, vector<16xf32>,
      tpu.vector_store %arg21[%swap3A_840], %broadcast_in_dim3A_12 {strides = array<i32>} : memref<8192xf32, #tpu.memory_space<vmem>>, vector<16xf32>,
      %swap3A_842 = arith.constant 4816 : index
      %swap3A_843 = tpu.vector_load %arg21[%swap3A_842] {strides = array<i32>} : memref<8192xf32, #tpu.memory_space<vmem>>, vector<16xf32>,
      tpu.vector_store %arg21[%swap3A_842], %broadcast_in_dim3A_12 {strides = array<i32>} : memref<8192xf32, #tpu.memory_space<vmem>>, vector<16xf32>,
      %swap3A_844 = arith.constant 4832 : index
      %swap3A_845 = tpu.vector_load %arg21[%swap3A_844] {strides = array<i32>} : memref<8192xf32, #tpu.memory_space<vmem>>, vector<16xf32>,
      tpu.vector_store %arg21[%swap3A_844], %broadcast_in_dim3A_12 {strides = array<i32>} : memref<8192xf32, #tpu.memory_space<vmem>>, vector<16xf32>,
      %swap3A_846 = arith.constant 4848 : index
      %swap3A_847 = tpu.vector_load %arg21[%swap3A_846] {strides = array<i32>} : memref<8192xf32, #tpu.memory_space<vmem>>, vector<16xf32>,
      tpu.vector_store %arg21[%swap3A_846], %broadcast_in_dim3A_12 {strides = array<i32>} : memref<8192xf32, #tpu.memory_space<vmem>>, vector<16xf32>,
      %swap3A_848 = arith.constant 4864 : index
      %swap3A_849 = tpu.vector_load %arg21[%swap3A_848] {strides = array<i32>} : memref<8192xf32, #tpu.memory_space<vmem>>, vector<16xf32>,
      tpu.vector_store %arg21[%swap3A_848], %broadcast_in_dim3A_12 {strides = array<i32>} : memref<8192xf32, #tpu.memory_space<vmem>>, vector<16xf32>,
      %swap3A_850 = arith.constant 4880 : index
      %swap3A_851 = tpu.vector_load %arg21[%swap3A_850] {strides = array<i32>} : memref<8192xf32, #tpu.memory_space<vmem>>, vector<16xf32>,
      tpu.vector_store %arg21[%swap3A_850], %broadcast_in_dim3A_12 {strides = array<i32>} : memref<8192xf32, #tpu.memory_space<vmem>>, vector<16xf32>,
      %swap3A_852 = arith.constant 4896 : index
      %swap3A_853 = tpu.vector_load %arg21[%swap3A_852] {strides = array<i32>} : memref<8192xf32, #tpu.memory_space<vmem>>, vector<16xf32>,
      tpu.vector_store %arg21[%swap3A_852], %broadcast_in_dim3A_12 {strides = array<i32>} : memref<8192xf32, #tpu.memory_space<vmem>>, vector<16xf32>,
      %swap3A_854 = arith.constant 4912 : index
      %swap3A_855 = tpu.vector_load %arg21[%swap3A_854] {strides = array<i32>} : memref<8192xf32, #tpu.memory_space<vmem>>, vector<16xf32>,
      tpu.vector_store %arg21[%swap3A_854], %broadcast_in_dim3A_12 {strides = array<i32>} : memref<8192xf32, #tpu.memory_space<vmem>>, vector<16xf32>,
      %swap3A_856 = arith.constant 4928 : index
      %swap3A_857 = tpu.vector_load %arg21[%swap3A_856] {strides = array<i32>} : memref<8192xf32, #tpu.memory_space<vmem>>, vector<16xf32>,
      tpu.vector_store %arg21[%swap3A_856], %broadcast_in_dim3A_12 {strides = array<i32>} : memref<8192xf32, #tpu.memory_space<vmem>>, vector<16xf32>,
      %swap3A_858 = arith.constant 4944 : index
      %swap3A_859 = tpu.vector_load %arg21[%swap3A_858] {strides = array<i32>} : memref<8192xf32, #tpu.memory_space<vmem>>, vector<16xf32>,
      tpu.vector_store %arg21[%swap3A_858], %broadcast_in_dim3A_12 {strides = array<i32>} : memref<8192xf32, #tpu.memory_space<vmem>>, vector<16xf32>,
      %swap3A_860 = arith.constant 4960 : index
      %swap3A_861 = tpu.vector_load %arg21[%swap3A_860] {strides = array<i32>} : memref<8192xf32, #tpu.memory_space<vmem>>, vector<16xf32>,
      tpu.vector_store %arg21[%swap3A_860], %broadcast_in_dim3A_12 {strides = array<i32>} : memref<8192xf32, #tpu.memory_space<vmem>>, vector<16xf32>,
      %swap3A_862 = arith.constant 4976 : index
      %swap3A_863 = tpu.vector_load %arg21[%swap3A_862] {strides = array<i32>} : memref<8192xf32, #tpu.memory_space<vmem>>, vector<16xf32>,
      tpu.vector_store %arg21[%swap3A_862], %broadcast_in_dim3A_12 {strides = array<i32>} : memref<8192xf32, #tpu.memory_space<vmem>>, vector<16xf32>,
      %swap3A_864 = arith.constant 4992 : index
      %swap3A_865 = tpu.vector_load %arg21[%swap3A_864] {strides = array<i32>} : memref<8192xf32, #tpu.memory_space<vmem>>, vector<16xf32>,
      tpu.vector_store %arg21[%swap3A_864], %broadcast_in_dim3A_12 {strides = array<i32>} : memref<8192xf32, #tpu.memory_space<vmem>>, vector<16xf32>,
      %swap3A_866 = arith.constant 5008 : index
      %swap3A_867 = tpu.vector_load %arg21[%swap3A_866] {strides = array<i32>} : memref<8192xf32, #tpu.memory_space<vmem>>, vector<16xf32>,
      tpu.vector_store %arg21[%swap3A_866], %broadcast_in_dim3A_12 {strides = array<i32>} : memref<8192xf32, #tpu.memory_space<vmem>>, vector<16xf32>,
      %swap3A_868 = arith.constant 5024 : index
      %swap3A_869 = tpu.vector_load %arg21[%swap3A_868] {strides = array<i32>} : memref<8192xf32, #tpu.memory_space<vmem>>, vector<16xf32>,
      tpu.vector_store %arg21[%swap3A_868], %broadcast_in_dim3A_12 {strides = array<i32>} : memref<8192xf32, #tpu.memory_space<vmem>>, vector<16xf32>,
      %swap3A_870 = arith.constant 5040 : index
      %swap3A_871 = tpu.vector_load %arg21[%swap3A_870] {strides = array<i32>} : memref<8192xf32, #tpu.memory_space<vmem>>, vector<16xf32>,
      tpu.vector_store %arg21[%swap3A_870], %broadcast_in_dim3A_12 {strides = array<i32>} : memref<8192xf32, #tpu.memory_space<vmem>>, vector<16xf32>,
      %swap3A_872 = arith.constant 5056 : index
      %swap3A_873 = tpu.vector_load %arg21[%swap3A_872] {strides = array<i32>} : memref<8192xf32, #tpu.memory_space<vmem>>, vector<16xf32>,
      tpu.vector_store %arg21[%swap3A_872], %broadcast_in_dim3A_12 {strides = array<i32>} : memref<8192xf32, #tpu.memory_space<vmem>>, vector<16xf32>,
      %swap3A_874 = arith.constant 5072 : index
      %swap3A_875 = tpu.vector_load %arg21[%swap3A_874] {strides = array<i32>} : memref<8192xf32, #tpu.memory_space<vmem>>, vector<16xf32>,
      tpu.vector_store %arg21[%swap3A_874], %broadcast_in_dim3A_12 {strides = array<i32>} : memref<8192xf32, #tpu.memory_space<vmem>>, vector<16xf32>,
      %swap3A_876 = arith.constant 5088 : index
      %swap3A_877 = tpu.vector_load %arg21[%swap3A_876] {strides = array<i32>} : memref<8192xf32, #tpu.memory_space<vmem>>, vector<16xf32>,
      tpu.vector_store %arg21[%swap3A_876], %broadcast_in_dim3A_12 {strides = array<i32>} : memref<8192xf32, #tpu.memory_space<vmem>>, vector<16xf32>,
      %swap3A_878 = arith.constant 5104 : index
      %swap3A_879 = tpu.vector_load %arg21[%swap3A_878] {strides = array<i32>} : memref<8192xf32, #tpu.memory_space<vmem>>, vector<16xf32>,
      tpu.vector_store %arg21[%swap3A_878], %broadcast_in_dim3A_12 {strides = array<i32>} : memref<8192xf32, #tpu.memory_space<vmem>>, vector<16xf32>,
      %swap3A_880 = arith.constant 5120 : index
      %swap3A_881 = tpu.vector_load %arg21[%swap3A_880] {strides = array<i32>} : memref<8192xf32, #tpu.memory_space<vmem>>, vector<16xf32>,
      tpu.vector_store %arg21[%swap3A_880], %broadcast_in_dim3A_12 {strides = array<i32>} : memref<8192xf32, #tpu.memory_space<vmem>>, vector<16xf32>,
      %swap3A_882 = arith.constant 5136 : index
      %swap3A_883 = tpu.vector_load %arg21[%swap3A_882] {strides = array<i32>} : memref<8192xf32, #tpu.memory_space<vmem>>, vector<16xf32>,
      tpu.vector_store %arg21[%swap3A_882], %broadcast_in_dim3A_12 {strides = array<i32>} : memref<8192xf32, #tpu.memory_space<vmem>>, vector<16xf32>,
      %swap3A_884 = arith.constant 5152 : index
      %swap3A_885 = tpu.vector_load %arg21[%swap3A_884] {strides = array<i32>} : memref<8192xf32, #tpu.memory_space<vmem>>, vector<16xf32>,
      tpu.vector_store %arg21[%swap3A_884], %broadcast_in_dim3A_12 {strides = array<i32>} : memref<8192xf32, #tpu.memory_space<vmem>>, vector<16xf32>,
      %swap3A_886 = arith.constant 5168 : index
      %swap3A_887 = tpu.vector_load %arg21[%swap3A_886] {strides = array<i32>} : memref<8192xf32, #tpu.memory_space<vmem>>, vector<16xf32>,
      tpu.vector_store %arg21[%swap3A_886], %broadcast_in_dim3A_12 {strides = array<i32>} : memref<8192xf32, #tpu.memory_space<vmem>>, vector<16xf32>,
      %swap3A_888 = arith.constant 5184 : index
      %swap3A_889 = tpu.vector_load %arg21[%swap3A_888] {strides = array<i32>} : memref<8192xf32, #tpu.memory_space<vmem>>, vector<16xf32>,
      tpu.vector_store %arg21[%swap3A_888], %broadcast_in_dim3A_12 {strides = array<i32>} : memref<8192xf32, #tpu.memory_space<vmem>>, vector<16xf32>,
      %swap3A_890 = arith.constant 5200 : index
      %swap3A_891 = tpu.vector_load %arg21[%swap3A_890] {strides = array<i32>} : memref<8192xf32, #tpu.memory_space<vmem>>, vector<16xf32>,
      tpu.vector_store %arg21[%swap3A_890], %broadcast_in_dim3A_12 {strides = array<i32>} : memref<8192xf32, #tpu.memory_space<vmem>>, vector<16xf32>,
      %swap3A_892 = arith.constant 5216 : index
      %swap3A_893 = tpu.vector_load %arg21[%swap3A_892] {strides = array<i32>} : memref<8192xf32, #tpu.memory_space<vmem>>, vector<16xf32>,
      tpu.vector_store %arg21[%swap3A_892], %broadcast_in_dim3A_12 {strides = array<i32>} : memref<8192xf32, #tpu.memory_space<vmem>>, vector<16xf32>,
      %swap3A_894 = arith.constant 5232 : index
      %swap3A_895 = tpu.vector_load %arg21[%swap3A_894] {strides = array<i32>} : memref<8192xf32, #tpu.memory_space<vmem>>, vector<16xf32>,
      tpu.vector_store %arg21[%swap3A_894], %broadcast_in_dim3A_12 {strides = array<i32>} : memref<8192xf32, #tpu.memory_space<vmem>>, vector<16xf32>,
      %swap3A_896 = arith.constant 5248 : index
      %swap3A_897 = tpu.vector_load %arg21[%swap3A_896] {strides = array<i32>} : memref<8192xf32, #tpu.memory_space<vmem>>, vector<16xf32>,
      tpu.vector_store %arg21[%swap3A_896], %broadcast_in_dim3A_12 {strides = array<i32>} : memref<8192xf32, #tpu.memory_space<vmem>>, vector<16xf32>,
      %swap3A_898 = arith.constant 5264 : index
      %swap3A_899 = tpu.vector_load %arg21[%swap3A_898] {strides = array<i32>} : memref<8192xf32, #tpu.memory_space<vmem>>, vector<16xf32>,
      tpu.vector_store %arg21[%swap3A_898], %broadcast_in_dim3A_12 {strides = array<i32>} : memref<8192xf32, #tpu.memory_space<vmem>>, vector<16xf32>,
      %swap3A_900 = arith.constant 5280 : index
      %swap3A_901 = tpu.vector_load %arg21[%swap3A_900] {strides = array<i32>} : memref<8192xf32, #tpu.memory_space<vmem>>, vector<16xf32>,
      tpu.vector_store %arg21[%swap3A_900], %broadcast_in_dim3A_12 {strides = array<i32>} : memref<8192xf32, #tpu.memory_space<vmem>>, vector<16xf32>,
      %swap3A_902 = arith.constant 5296 : index
      %swap3A_903 = tpu.vector_load %arg21[%swap3A_902] {strides = array<i32>} : memref<8192xf32, #tpu.memory_space<vmem>>, vector<16xf32>,
      tpu.vector_store %arg21[%swap3A_902], %broadcast_in_dim3A_12 {strides = array<i32>} : memref<8192xf32, #tpu.memory_space<vmem>>, vector<16xf32>,
      %swap3A_904 = arith.constant 5312 : index
      %swap3A_905 = tpu.vector_load %arg21[%swap3A_904] {strides = array<i32>} : memref<8192xf32, #tpu.memory_space<vmem>>, vector<16xf32>,
      tpu.vector_store %arg21[%swap3A_904], %broadcast_in_dim3A_12 {strides = array<i32>} : memref<8192xf32, #tpu.memory_space<vmem>>, vector<16xf32>,
      %swap3A_906 = arith.constant 5328 : index
      %swap3A_907 = tpu.vector_load %arg21[%swap3A_906] {strides = array<i32>} : memref<8192xf32, #tpu.memory_space<vmem>>, vector<16xf32>,
      tpu.vector_store %arg21[%swap3A_906], %broadcast_in_dim3A_12 {strides = array<i32>} : memref<8192xf32, #tpu.memory_space<vmem>>, vector<16xf32>,
      %swap3A_908 = arith.constant 5344 : index
      %swap3A_909 = tpu.vector_load %arg21[%swap3A_908] {strides = array<i32>} : memref<8192xf32, #tpu.memory_space<vmem>>, vector<16xf32>,
      tpu.vector_store %arg21[%swap3A_908], %broadcast_in_dim3A_12 {strides = array<i32>} : memref<8192xf32, #tpu.memory_space<vmem>>, vector<16xf32>,
      %swap3A_910 = arith.constant 5360 : index
      %swap3A_911 = tpu.vector_load %arg21[%swap3A_910] {strides = array<i32>} : memref<8192xf32, #tpu.memory_space<vmem>>, vector<16xf32>,
      tpu.vector_store %arg21[%swap3A_910], %broadcast_in_dim3A_12 {strides = array<i32>} : memref<8192xf32, #tpu.memory_space<vmem>>, vector<16xf32>,
      %swap3A_912 = arith.constant 5376 : index
      %swap3A_913 = tpu.vector_load %arg21[%swap3A_912] {strides = array<i32>} : memref<8192xf32, #tpu.memory_space<vmem>>, vector<16xf32>,
      tpu.vector_store %arg21[%swap3A_912], %broadcast_in_dim3A_12 {strides = array<i32>} : memref<8192xf32, #tpu.memory_space<vmem>>, vector<16xf32>,
      %swap3A_914 = arith.constant 5392 : index
      %swap3A_915 = tpu.vector_load %arg21[%swap3A_914] {strides = array<i32>} : memref<8192xf32, #tpu.memory_space<vmem>>, vector<16xf32>,
      tpu.vector_store %arg21[%swap3A_914], %broadcast_in_dim3A_12 {strides = array<i32>} : memref<8192xf32, #tpu.memory_space<vmem>>, vector<16xf32>,
      %swap3A_916 = arith.constant 5408 : index
      %swap3A_917 = tpu.vector_load %arg21[%swap3A_916] {strides = array<i32>} : memref<8192xf32, #tpu.memory_space<vmem>>, vector<16xf32>,
      tpu.vector_store %arg21[%swap3A_916], %broadcast_in_dim3A_12 {strides = array<i32>} : memref<8192xf32, #tpu.memory_space<vmem>>, vector<16xf32>,
      %swap3A_918 = arith.constant 5424 : index
      %swap3A_919 = tpu.vector_load %arg21[%swap3A_918] {strides = array<i32>} : memref<8192xf32, #tpu.memory_space<vmem>>, vector<16xf32>,
      tpu.vector_store %arg21[%swap3A_918], %broadcast_in_dim3A_12 {strides = array<i32>} : memref<8192xf32, #tpu.memory_space<vmem>>, vector<16xf32>,
      %swap3A_920 = arith.constant 5440 : index
      %swap3A_921 = tpu.vector_load %arg21[%swap3A_920] {strides = array<i32>} : memref<8192xf32, #tpu.memory_space<vmem>>, vector<16xf32>,
      tpu.vector_store %arg21[%swap3A_920], %broadcast_in_dim3A_12 {strides = array<i32>} : memref<8192xf32, #tpu.memory_space<vmem>>, vector<16xf32>,
      %swap3A_922 = arith.constant 5456 : index
      %swap3A_923 = tpu.vector_load %arg21[%swap3A_922] {strides = array<i32>} : memref<8192xf32, #tpu.memory_space<vmem>>, vector<16xf32>,
      tpu.vector_store %arg21[%swap3A_922], %broadcast_in_dim3A_12 {strides = array<i32>} : memref<8192xf32, #tpu.memory_space<vmem>>, vector<16xf32>,
      %swap3A_924 = arith.constant 5472 : index
      %swap3A_925 = tpu.vector_load %arg21[%swap3A_924] {strides = array<i32>} : memref<8192xf32, #tpu.memory_space<vmem>>, vector<16xf32>,
      tpu.vector_store %arg21[%swap3A_924], %broadcast_in_dim3A_12 {strides = array<i32>} : memref<8192xf32, #tpu.memory_space<vmem>>, vector<16xf32>,
      %swap3A_926 = arith.constant 5488 : index
      %swap3A_927 = tpu.vector_load %arg21[%swap3A_926] {strides = array<i32>} : memref<8192xf32, #tpu.memory_space<vmem>>, vector<16xf32>,
      tpu.vector_store %arg21[%swap3A_926], %broadcast_in_dim3A_12 {strides = array<i32>} : memref<8192xf32, #tpu.memory_space<vmem>>, vector<16xf32>,
      %swap3A_928 = arith.constant 5504 : index
      %swap3A_929 = tpu.vector_load %arg21[%swap3A_928] {strides = array<i32>} : memref<8192xf32, #tpu.memory_space<vmem>>, vector<16xf32>,
      tpu.vector_store %arg21[%swap3A_928], %broadcast_in_dim3A_12 {strides = array<i32>} : memref<8192xf32, #tpu.memory_space<vmem>>, vector<16xf32>,
      %swap3A_930 = arith.constant 5520 : index
      %swap3A_931 = tpu.vector_load %arg21[%swap3A_930] {strides = array<i32>} : memref<8192xf32, #tpu.memory_space<vmem>>, vector<16xf32>,
      tpu.vector_store %arg21[%swap3A_930], %broadcast_in_dim3A_12 {strides = array<i32>} : memref<8192xf32, #tpu.memory_space<vmem>>, vector<16xf32>,
      %swap3A_932 = arith.constant 5536 : index
      %swap3A_933 = tpu.vector_load %arg21[%swap3A_932] {strides = array<i32>} : memref<8192xf32, #tpu.memory_space<vmem>>, vector<16xf32>,
      tpu.vector_store %arg21[%swap3A_932], %broadcast_in_dim3A_12 {strides = array<i32>} : memref<8192xf32, #tpu.memory_space<vmem>>, vector<16xf32>,
      %swap3A_934 = arith.constant 5552 : index
      %swap3A_935 = tpu.vector_load %arg21[%swap3A_934] {strides = array<i32>} : memref<8192xf32, #tpu.memory_space<vmem>>, vector<16xf32>,
      tpu.vector_store %arg21[%swap3A_934], %broadcast_in_dim3A_12 {strides = array<i32>} : memref<8192xf32, #tpu.memory_space<vmem>>, vector<16xf32>,
      %swap3A_936 = arith.constant 5568 : index
      %swap3A_937 = tpu.vector_load %arg21[%swap3A_936] {strides = array<i32>} : memref<8192xf32, #tpu.memory_space<vmem>>, vector<16xf32>,
      tpu.vector_store %arg21[%swap3A_936], %broadcast_in_dim3A_12 {strides = array<i32>} : memref<8192xf32, #tpu.memory_space<vmem>>, vector<16xf32>,
      %swap3A_938 = arith.constant 5584 : index
      %swap3A_939 = tpu.vector_load %arg21[%swap3A_938] {strides = array<i32>} : memref<8192xf32, #tpu.memory_space<vmem>>, vector<16xf32>,
      tpu.vector_store %arg21[%swap3A_938], %broadcast_in_dim3A_12 {strides = array<i32>} : memref<8192xf32, #tpu.memory_space<vmem>>, vector<16xf32>,
      %swap3A_940 = arith.constant 5600 : index
      %swap3A_941 = tpu.vector_load %arg21[%swap3A_940] {strides = array<i32>} : memref<8192xf32, #tpu.memory_space<vmem>>, vector<16xf32>,
      tpu.vector_store %arg21[%swap3A_940], %broadcast_in_dim3A_12 {strides = array<i32>} : memref<8192xf32, #tpu.memory_space<vmem>>, vector<16xf32>,
      %swap3A_942 = arith.constant 5616 : index
      %swap3A_943 = tpu.vector_load %arg21[%swap3A_942] {strides = array<i32>} : memref<8192xf32, #tpu.memory_space<vmem>>, vector<16xf32>,
      tpu.vector_store %arg21[%swap3A_942], %broadcast_in_dim3A_12 {strides = array<i32>} : memref<8192xf32, #tpu.memory_space<vmem>>, vector<16xf32>,
      %swap3A_944 = arith.constant 5632 : index
      %swap3A_945 = tpu.vector_load %arg21[%swap3A_944] {strides = array<i32>} : memref<8192xf32, #tpu.memory_space<vmem>>, vector<16xf32>,
      tpu.vector_store %arg21[%swap3A_944], %broadcast_in_dim3A_12 {strides = array<i32>} : memref<8192xf32, #tpu.memory_space<vmem>>, vector<16xf32>,
      %swap3A_946 = arith.constant 5648 : index
      %swap3A_947 = tpu.vector_load %arg21[%swap3A_946] {strides = array<i32>} : memref<8192xf32, #tpu.memory_space<vmem>>, vector<16xf32>,
      tpu.vector_store %arg21[%swap3A_946], %broadcast_in_dim3A_12 {strides = array<i32>} : memref<8192xf32, #tpu.memory_space<vmem>>, vector<16xf32>,
      %swap3A_948 = arith.constant 5664 : index
      %swap3A_949 = tpu.vector_load %arg21[%swap3A_948] {strides = array<i32>} : memref<8192xf32, #tpu.memory_space<vmem>>, vector<16xf32>,
      tpu.vector_store %arg21[%swap3A_948], %broadcast_in_dim3A_12 {strides = array<i32>} : memref<8192xf32, #tpu.memory_space<vmem>>, vector<16xf32>,
      %swap3A_950 = arith.constant 5680 : index
      %swap3A_951 = tpu.vector_load %arg21[%swap3A_950] {strides = array<i32>} : memref<8192xf32, #tpu.memory_space<vmem>>, vector<16xf32>,
      tpu.vector_store %arg21[%swap3A_950], %broadcast_in_dim3A_12 {strides = array<i32>} : memref<8192xf32, #tpu.memory_space<vmem>>, vector<16xf32>,
      %swap3A_952 = arith.constant 5696 : index
      %swap3A_953 = tpu.vector_load %arg21[%swap3A_952] {strides = array<i32>} : memref<8192xf32, #tpu.memory_space<vmem>>, vector<16xf32>,
      tpu.vector_store %arg21[%swap3A_952], %broadcast_in_dim3A_12 {strides = array<i32>} : memref<8192xf32, #tpu.memory_space<vmem>>, vector<16xf32>,
      %swap3A_954 = arith.constant 5712 : index
      %swap3A_955 = tpu.vector_load %arg21[%swap3A_954] {strides = array<i32>} : memref<8192xf32, #tpu.memory_space<vmem>>, vector<16xf32>,
      tpu.vector_store %arg21[%swap3A_954], %broadcast_in_dim3A_12 {strides = array<i32>} : memref<8192xf32, #tpu.memory_space<vmem>>, vector<16xf32>,
      %swap3A_956 = arith.constant 5728 : index
      %swap3A_957 = tpu.vector_load %arg21[%swap3A_956] {strides = array<i32>} : memref<8192xf32, #tpu.memory_space<vmem>>, vector<16xf32>,
      tpu.vector_store %arg21[%swap3A_956], %broadcast_in_dim3A_12 {strides = array<i32>} : memref<8192xf32, #tpu.memory_space<vmem>>, vector<16xf32>,
      %swap3A_958 = arith.constant 5744 : index
      %swap3A_959 = tpu.vector_load %arg21[%swap3A_958] {strides = array<i32>} : memref<8192xf32, #tpu.memory_space<vmem>>, vector<16xf32>,
      tpu.vector_store %arg21[%swap3A_958], %broadcast_in_dim3A_12 {strides = array<i32>} : memref<8192xf32, #tpu.memory_space<vmem>>, vector<16xf32>,
      %swap3A_960 = arith.constant 5760 : index
      %swap3A_961 = tpu.vector_load %arg21[%swap3A_960] {strides = array<i32>} : memref<8192xf32, #tpu.memory_space<vmem>>, vector<16xf32>,
      tpu.vector_store %arg21[%swap3A_960], %broadcast_in_dim3A_12 {strides = array<i32>} : memref<8192xf32, #tpu.memory_space<vmem>>, vector<16xf32>,
      %swap3A_962 = arith.constant 5776 : index
      %swap3A_963 = tpu.vector_load %arg21[%swap3A_962] {strides = array<i32>} : memref<8192xf32, #tpu.memory_space<vmem>>, vector<16xf32>,
      tpu.vector_store %arg21[%swap3A_962], %broadcast_in_dim3A_12 {strides = array<i32>} : memref<8192xf32, #tpu.memory_space<vmem>>, vector<16xf32>,
      %swap3A_964 = arith.constant 5792 : index
      %swap3A_965 = tpu.vector_load %arg21[%swap3A_964] {strides = array<i32>} : memref<8192xf32, #tpu.memory_space<vmem>>, vector<16xf32>,
      tpu.vector_store %arg21[%swap3A_964], %broadcast_in_dim3A_12 {strides = array<i32>} : memref<8192xf32, #tpu.memory_space<vmem>>, vector<16xf32>,
      %swap3A_966 = arith.constant 5808 : index
      %swap3A_967 = tpu.vector_load %arg21[%swap3A_966] {strides = array<i32>} : memref<8192xf32, #tpu.memory_space<vmem>>, vector<16xf32>,
      tpu.vector_store %arg21[%swap3A_966], %broadcast_in_dim3A_12 {strides = array<i32>} : memref<8192xf32, #tpu.memory_space<vmem>>, vector<16xf32>,
      %swap3A_968 = arith.constant 5824 : index
      %swap3A_969 = tpu.vector_load %arg21[%swap3A_968] {strides = array<i32>} : memref<8192xf32, #tpu.memory_space<vmem>>, vector<16xf32>,
      tpu.vector_store %arg21[%swap3A_968], %broadcast_in_dim3A_12 {strides = array<i32>} : memref<8192xf32, #tpu.memory_space<vmem>>, vector<16xf32>,
      %swap3A_970 = arith.constant 5840 : index
      %swap3A_971 = tpu.vector_load %arg21[%swap3A_970] {strides = array<i32>} : memref<8192xf32, #tpu.memory_space<vmem>>, vector<16xf32>,
      tpu.vector_store %arg21[%swap3A_970], %broadcast_in_dim3A_12 {strides = array<i32>} : memref<8192xf32, #tpu.memory_space<vmem>>, vector<16xf32>,
      %swap3A_972 = arith.constant 5856 : index
      %swap3A_973 = tpu.vector_load %arg21[%swap3A_972] {strides = array<i32>} : memref<8192xf32, #tpu.memory_space<vmem>>, vector<16xf32>,
      tpu.vector_store %arg21[%swap3A_972], %broadcast_in_dim3A_12 {strides = array<i32>} : memref<8192xf32, #tpu.memory_space<vmem>>, vector<16xf32>,
      %swap3A_974 = arith.constant 5872 : index
      %swap3A_975 = tpu.vector_load %arg21[%swap3A_974] {strides = array<i32>} : memref<8192xf32, #tpu.memory_space<vmem>>, vector<16xf32>,
      tpu.vector_store %arg21[%swap3A_974], %broadcast_in_dim3A_12 {strides = array<i32>} : memref<8192xf32, #tpu.memory_space<vmem>>, vector<16xf32>,
      %swap3A_976 = arith.constant 5888 : index
      %swap3A_977 = tpu.vector_load %arg21[%swap3A_976] {strides = array<i32>} : memref<8192xf32, #tpu.memory_space<vmem>>, vector<16xf32>,
      tpu.vector_store %arg21[%swap3A_976], %broadcast_in_dim3A_12 {strides = array<i32>} : memref<8192xf32, #tpu.memory_space<vmem>>, vector<16xf32>,
      %swap3A_978 = arith.constant 5904 : index
      %swap3A_979 = tpu.vector_load %arg21[%swap3A_978] {strides = array<i32>} : memref<8192xf32, #tpu.memory_space<vmem>>, vector<16xf32>,
      tpu.vector_store %arg21[%swap3A_978], %broadcast_in_dim3A_12 {strides = array<i32>} : memref<8192xf32, #tpu.memory_space<vmem>>, vector<16xf32>,
      %swap3A_980 = arith.constant 5920 : index
      %swap3A_981 = tpu.vector_load %arg21[%swap3A_980] {strides = array<i32>} : memref<8192xf32, #tpu.memory_space<vmem>>, vector<16xf32>,
      tpu.vector_store %arg21[%swap3A_980], %broadcast_in_dim3A_12 {strides = array<i32>} : memref<8192xf32, #tpu.memory_space<vmem>>, vector<16xf32>,
      %swap3A_982 = arith.constant 5936 : index
      %swap3A_983 = tpu.vector_load %arg21[%swap3A_982] {strides = array<i32>} : memref<8192xf32, #tpu.memory_space<vmem>>, vector<16xf32>,
      tpu.vector_store %arg21[%swap3A_982], %broadcast_in_dim3A_12 {strides = array<i32>} : memref<8192xf32, #tpu.memory_space<vmem>>, vector<16xf32>,
      %swap3A_984 = arith.constant 5952 : index
      %swap3A_985 = tpu.vector_load %arg21[%swap3A_984] {strides = array<i32>} : memref<8192xf32, #tpu.memory_space<vmem>>, vector<16xf32>,
      tpu.vector_store %arg21[%swap3A_984], %broadcast_in_dim3A_12 {strides = array<i32>} : memref<8192xf32, #tpu.memory_space<vmem>>, vector<16xf32>,
      %swap3A_986 = arith.constant 5968 : index
      %swap3A_987 = tpu.vector_load %arg21[%swap3A_986] {strides = array<i32>} : memref<8192xf32, #tpu.memory_space<vmem>>, vector<16xf32>,
      tpu.vector_store %arg21[%swap3A_986], %broadcast_in_dim3A_12 {strides = array<i32>} : memref<8192xf32, #tpu.memory_space<vmem>>, vector<16xf32>,
      %swap3A_988 = arith.constant 5984 : index
      %swap3A_989 = tpu.vector_load %arg21[%swap3A_988] {strides = array<i32>} : memref<8192xf32, #tpu.memory_space<vmem>>, vector<16xf32>,
      tpu.vector_store %arg21[%swap3A_988], %broadcast_in_dim3A_12 {strides = array<i32>} : memref<8192xf32, #tpu.memory_space<vmem>>, vector<16xf32>,
      %swap3A_990 = arith.constant 6000 : index
      %swap3A_991 = tpu.vector_load %arg21[%swap3A_990] {strides = array<i32>} : memref<8192xf32, #tpu.memory_space<vmem>>, vector<16xf32>,
      tpu.vector_store %arg21[%swap3A_990], %broadcast_in_dim3A_12 {strides = array<i32>} : memref<8192xf32, #tpu.memory_space<vmem>>, vector<16xf32>,
      %swap3A_992 = arith.constant 6016 : index
      %swap3A_993 = tpu.vector_load %arg21[%swap3A_992] {strides = array<i32>} : memref<8192xf32, #tpu.memory_space<vmem>>, vector<16xf32>,
      tpu.vector_store %arg21[%swap3A_992], %broadcast_in_dim3A_12 {strides = array<i32>} : memref<8192xf32, #tpu.memory_space<vmem>>, vector<16xf32>,
      %swap3A_994 = arith.constant 6032 : index
      %swap3A_995 = tpu.vector_load %arg21[%swap3A_994] {strides = array<i32>} : memref<8192xf32, #tpu.memory_space<vmem>>, vector<16xf32>,
      tpu.vector_store %arg21[%swap3A_994], %broadcast_in_dim3A_12 {strides = array<i32>} : memref<8192xf32, #tpu.memory_space<vmem>>, vector<16xf32>,
      %swap3A_996 = arith.constant 6048 : index
      %swap3A_997 = tpu.vector_load %arg21[%swap3A_996] {strides = array<i32>} : memref<8192xf32, #tpu.memory_space<vmem>>, vector<16xf32>,
      tpu.vector_store %arg21[%swap3A_996], %broadcast_in_dim3A_12 {strides = array<i32>} : memref<8192xf32, #tpu.memory_space<vmem>>, vector<16xf32>,
      %swap3A_998 = arith.constant 6064 : index
      %swap3A_999 = tpu.vector_load %arg21[%swap3A_998] {strides = array<i32>} : memref<8192xf32, #tpu.memory_space<vmem>>, vector<16xf32>,
      tpu.vector_store %arg21[%swap3A_998], %broadcast_in_dim3A_12 {strides = array<i32>} : memref<8192xf32, #tpu.memory_space<vmem>>, vector<16xf32>,
      %swap3A_1000 = arith.constant 6080 : index
      %swap3A_1001 = tpu.vector_load %arg21[%swap3A_1000] {strides = array<i32>} : memref<8192xf32, #tpu.memory_space<vmem>>, vector<16xf32>,
      tpu.vector_store %arg21[%swap3A_1000], %broadcast_in_dim3A_12 {strides = array<i32>} : memref<8192xf32, #tpu.memory_space<vmem>>, vector<16xf32>,
      %swap3A_1002 = arith.constant 6096 : index
      %swap3A_1003 = tpu.vector_load %arg21[%swap3A_1002] {strides = array<i32>} : memref<8192xf32, #tpu.memory_space<vmem>>, vector<16xf32>,
      tpu.vector_store %arg21[%swap3A_1002], %broadcast_in_dim3A_12 {strides = array<i32>} : memref<8192xf32, #tpu.memory_space<vmem>>, vector<16xf32>,
      %swap3A_1004 = arith.constant 6112 : index
      %swap3A_1005 = tpu.vector_load %arg21[%swap3A_1004] {strides = array<i32>} : memref<8192xf32, #tpu.memory_space<vmem>>, vector<16xf32>,
      tpu.vector_store %arg21[%swap3A_1004], %broadcast_in_dim3A_12 {strides = array<i32>} : memref<8192xf32, #tpu.memory_space<vmem>>, vector<16xf32>,
      %swap3A_1006 = arith.constant 6128 : index
      %swap3A_1007 = tpu.vector_load %arg21[%swap3A_1006] {strides = array<i32>} : memref<8192xf32, #tpu.memory_space<vmem>>, vector<16xf32>,
      tpu.vector_store %arg21[%swap3A_1006], %broadcast_in_dim3A_12 {strides = array<i32>} : memref<8192xf32, #tpu.memory_space<vmem>>, vector<16xf32>,
      %swap3A_1008 = arith.constant 6144 : index
      %swap3A_1009 = tpu.vector_load %arg21[%swap3A_1008] {strides = array<i32>} : memref<8192xf32, #tpu.memory_space<vmem>>, vector<16xf32>,
      tpu.vector_store %arg21[%swap3A_1008], %broadcast_in_dim3A_12 {strides = array<i32>} : memref<8192xf32, #tpu.memory_space<vmem>>, vector<16xf32>,
      %swap3A_1010 = arith.constant 6160 : index
      %swap3A_1011 = tpu.vector_load %arg21[%swap3A_1010] {strides = array<i32>} : memref<8192xf32, #tpu.memory_space<vmem>>, vector<16xf32>,
      tpu.vector_store %arg21[%swap3A_1010], %broadcast_in_dim3A_12 {strides = array<i32>} : memref<8192xf32, #tpu.memory_space<vmem>>, vector<16xf32>,
      %swap3A_1012 = arith.constant 6176 : index
      %swap3A_1013 = tpu.vector_load %arg21[%swap3A_1012] {strides = array<i32>} : memref<8192xf32, #tpu.memory_space<vmem>>, vector<16xf32>,
      tpu.vector_store %arg21[%swap3A_1012], %broadcast_in_dim3A_12 {strides = array<i32>} : memref<8192xf32, #tpu.memory_space<vmem>>, vector<16xf32>,
      %swap3A_1014 = arith.constant 6192 : index
      %swap3A_1015 = tpu.vector_load %arg21[%swap3A_1014] {strides = array<i32>} : memref<8192xf32, #tpu.memory_space<vmem>>, vector<16xf32>,
      tpu.vector_store %arg21[%swap3A_1014], %broadcast_in_dim3A_12 {strides = array<i32>} : memref<8192xf32, #tpu.memory_space<vmem>>, vector<16xf32>,
      %swap3A_1016 = arith.constant 6208 : index
      %swap3A_1017 = tpu.vector_load %arg21[%swap3A_1016] {strides = array<i32>} : memref<8192xf32, #tpu.memory_space<vmem>>, vector<16xf32>,
      tpu.vector_store %arg21[%swap3A_1016], %broadcast_in_dim3A_12 {strides = array<i32>} : memref<8192xf32, #tpu.memory_space<vmem>>, vector<16xf32>,
      %swap3A_1018 = arith.constant 6224 : index
      %swap3A_1019 = tpu.vector_load %arg21[%swap3A_1018] {strides = array<i32>} : memref<8192xf32, #tpu.memory_space<vmem>>, vector<16xf32>,
      tpu.vector_store %arg21[%swap3A_1018], %broadcast_in_dim3A_12 {strides = array<i32>} : memref<8192xf32, #tpu.memory_space<vmem>>, vector<16xf32>,
      %swap3A_1020 = arith.constant 6240 : index
      %swap3A_1021 = tpu.vector_load %arg21[%swap3A_1020] {strides = array<i32>} : memref<8192xf32, #tpu.memory_space<vmem>>, vector<16xf32>,
      tpu.vector_store %arg21[%swap3A_1020], %broadcast_in_dim3A_12 {strides = array<i32>} : memref<8192xf32, #tpu.memory_space<vmem>>, vector<16xf32>,
      %swap3A_1022 = arith.constant 6256 : index
      %swap3A_1023 = tpu.vector_load %arg21[%swap3A_1022] {strides = array<i32>} : memref<8192xf32, #tpu.memory_space<vmem>>, vector<16xf32>,
      tpu.vector_store %arg21[%swap3A_1022], %broadcast_in_dim3A_12 {strides = array<i32>} : memref<8192xf32, #tpu.memory_space<vmem>>, vector<16xf32>,
      %swap3A_1024 = arith.constant 6272 : index
      %swap3A_1025 = tpu.vector_load %arg21[%swap3A_1024] {strides = array<i32>} : memref<8192xf32, #tpu.memory_space<vmem>>, vector<16xf32>,
      tpu.vector_store %arg21[%swap3A_1024], %broadcast_in_dim3A_12 {strides = array<i32>} : memref<8192xf32, #tpu.memory_space<vmem>>, vector<16xf32>,
      %swap3A_1026 = arith.constant 6288 : index
      %swap3A_1027 = tpu.vector_load %arg21[%swap3A_1026] {strides = array<i32>} : memref<8192xf32, #tpu.memory_space<vmem>>, vector<16xf32>,
      tpu.vector_store %arg21[%swap3A_1026], %broadcast_in_dim3A_12 {strides = array<i32>} : memref<8192xf32, #tpu.memory_space<vmem>>, vector<16xf32>,
      %swap3A_1028 = arith.constant 6304 : index
      %swap3A_1029 = tpu.vector_load %arg21[%swap3A_1028] {strides = array<i32>} : memref<8192xf32, #tpu.memory_space<vmem>>, vector<16xf32>,
      tpu.vector_store %arg21[%swap3A_1028], %broadcast_in_dim3A_12 {strides = array<i32>} : memref<8192xf32, #tpu.memory_space<vmem>>, vector<16xf32>,
      %swap3A_1030 = arith.constant 6320 : index
      %swap3A_1031 = tpu.vector_load %arg21[%swap3A_1030] {strides = array<i32>} : memref<8192xf32, #tpu.memory_space<vmem>>, vector<16xf32>,
      tpu.vector_store %arg21[%swap3A_1030], %broadcast_in_dim3A_12 {strides = array<i32>} : memref<8192xf32, #tpu.memory_space<vmem>>, vector<16xf32>,
      %swap3A_1032 = arith.constant 6336 : index
      %swap3A_1033 = tpu.vector_load %arg21[%swap3A_1032] {strides = array<i32>} : memref<8192xf32, #tpu.memory_space<vmem>>, vector<16xf32>,
      tpu.vector_store %arg21[%swap3A_1032], %broadcast_in_dim3A_12 {strides = array<i32>} : memref<8192xf32, #tpu.memory_space<vmem>>, vector<16xf32>,
      %swap3A_1034 = arith.constant 6352 : index
      %swap3A_1035 = tpu.vector_load %arg21[%swap3A_1034] {strides = array<i32>} : memref<8192xf32, #tpu.memory_space<vmem>>, vector<16xf32>,
      tpu.vector_store %arg21[%swap3A_1034], %broadcast_in_dim3A_12 {strides = array<i32>} : memref<8192xf32, #tpu.memory_space<vmem>>, vector<16xf32>,
      %swap3A_1036 = arith.constant 6368 : index
      %swap3A_1037 = tpu.vector_load %arg21[%swap3A_1036] {strides = array<i32>} : memref<8192xf32, #tpu.memory_space<vmem>>, vector<16xf32>,
      tpu.vector_store %arg21[%swap3A_1036], %broadcast_in_dim3A_12 {strides = array<i32>} : memref<8192xf32, #tpu.memory_space<vmem>>, vector<16xf32>,
      %swap3A_1038 = arith.constant 6384 : index
      %swap3A_1039 = tpu.vector_load %arg21[%swap3A_1038] {strides = array<i32>} : memref<8192xf32, #tpu.memory_space<vmem>>, vector<16xf32>,
      tpu.vector_store %arg21[%swap3A_1038], %broadcast_in_dim3A_12 {strides = array<i32>} : memref<8192xf32, #tpu.memory_space<vmem>>, vector<16xf32>,
      %swap3A_1040 = arith.constant 6400 : index
      %swap3A_1041 = tpu.vector_load %arg21[%swap3A_1040] {strides = array<i32>} : memref<8192xf32, #tpu.memory_space<vmem>>, vector<16xf32>,
      tpu.vector_store %arg21[%swap3A_1040], %broadcast_in_dim3A_12 {strides = array<i32>} : memref<8192xf32, #tpu.memory_space<vmem>>, vector<16xf32>,
      %swap3A_1042 = arith.constant 6416 : index
      %swap3A_1043 = tpu.vector_load %arg21[%swap3A_1042] {strides = array<i32>} : memref<8192xf32, #tpu.memory_space<vmem>>, vector<16xf32>,
      tpu.vector_store %arg21[%swap3A_1042], %broadcast_in_dim3A_12 {strides = array<i32>} : memref<8192xf32, #tpu.memory_space<vmem>>, vector<16xf32>,
      %swap3A_1044 = arith.constant 6432 : index
      %swap3A_1045 = tpu.vector_load %arg21[%swap3A_1044] {strides = array<i32>} : memref<8192xf32, #tpu.memory_space<vmem>>, vector<16xf32>,
      tpu.vector_store %arg21[%swap3A_1044], %broadcast_in_dim3A_12 {strides = array<i32>} : memref<8192xf32, #tpu.memory_space<vmem>>, vector<16xf32>,
      %swap3A_1046 = arith.constant 6448 : index
      %swap3A_1047 = tpu.vector_load %arg21[%swap3A_1046] {strides = array<i32>} : memref<8192xf32, #tpu.memory_space<vmem>>, vector<16xf32>,
      tpu.vector_store %arg21[%swap3A_1046], %broadcast_in_dim3A_12 {strides = array<i32>} : memref<8192xf32, #tpu.memory_space<vmem>>, vector<16xf32>,
      %swap3A_1048 = arith.constant 6464 : index
      %swap3A_1049 = tpu.vector_load %arg21[%swap3A_1048] {strides = array<i32>} : memref<8192xf32, #tpu.memory_space<vmem>>, vector<16xf32>,
      tpu.vector_store %arg21[%swap3A_1048], %broadcast_in_dim3A_12 {strides = array<i32>} : memref<8192xf32, #tpu.memory_space<vmem>>, vector<16xf32>,
      %swap3A_1050 = arith.constant 6480 : index
      %swap3A_1051 = tpu.vector_load %arg21[%swap3A_1050] {strides = array<i32>} : memref<8192xf32, #tpu.memory_space<vmem>>, vector<16xf32>,
      tpu.vector_store %arg21[%swap3A_1050], %broadcast_in_dim3A_12 {strides = array<i32>} : memref<8192xf32, #tpu.memory_space<vmem>>, vector<16xf32>,
      %swap3A_1052 = arith.constant 6496 : index
      %swap3A_1053 = tpu.vector_load %arg21[%swap3A_1052] {strides = array<i32>} : memref<8192xf32, #tpu.memory_space<vmem>>, vector<16xf32>,
      tpu.vector_store %arg21[%swap3A_1052], %broadcast_in_dim3A_12 {strides = array<i32>} : memref<8192xf32, #tpu.memory_space<vmem>>, vector<16xf32>,
      %swap3A_1054 = arith.constant 6512 : index
      %swap3A_1055 = tpu.vector_load %arg21[%swap3A_1054] {strides = array<i32>} : memref<8192xf32, #tpu.memory_space<vmem>>, vector<16xf32>,
      tpu.vector_store %arg21[%swap3A_1054], %broadcast_in_dim3A_12 {strides = array<i32>} : memref<8192xf32, #tpu.memory_space<vmem>>, vector<16xf32>,
      %swap3A_1056 = arith.constant 6528 : index
      %swap3A_1057 = tpu.vector_load %arg21[%swap3A_1056] {strides = array<i32>} : memref<8192xf32, #tpu.memory_space<vmem>>, vector<16xf32>,
      tpu.vector_store %arg21[%swap3A_1056], %broadcast_in_dim3A_12 {strides = array<i32>} : memref<8192xf32, #tpu.memory_space<vmem>>, vector<16xf32>,
      %swap3A_1058 = arith.constant 6544 : index
      %swap3A_1059 = tpu.vector_load %arg21[%swap3A_1058] {strides = array<i32>} : memref<8192xf32, #tpu.memory_space<vmem>>, vector<16xf32>,
      tpu.vector_store %arg21[%swap3A_1058], %broadcast_in_dim3A_12 {strides = array<i32>} : memref<8192xf32, #tpu.memory_space<vmem>>, vector<16xf32>,
      %swap3A_1060 = arith.constant 6560 : index
      %swap3A_1061 = tpu.vector_load %arg21[%swap3A_1060] {strides = array<i32>} : memref<8192xf32, #tpu.memory_space<vmem>>, vector<16xf32>,
      tpu.vector_store %arg21[%swap3A_1060], %broadcast_in_dim3A_12 {strides = array<i32>} : memref<8192xf32, #tpu.memory_space<vmem>>, vector<16xf32>,
      %swap3A_1062 = arith.constant 6576 : index
      %swap3A_1063 = tpu.vector_load %arg21[%swap3A_1062] {strides = array<i32>} : memref<8192xf32, #tpu.memory_space<vmem>>, vector<16xf32>,
      tpu.vector_store %arg21[%swap3A_1062], %broadcast_in_dim3A_12 {strides = array<i32>} : memref<8192xf32, #tpu.memory_space<vmem>>, vector<16xf32>,
      %swap3A_1064 = arith.constant 6592 : index
      %swap3A_1065 = tpu.vector_load %arg21[%swap3A_1064] {strides = array<i32>} : memref<8192xf32, #tpu.memory_space<vmem>>, vector<16xf32>,
      tpu.vector_store %arg21[%swap3A_1064], %broadcast_in_dim3A_12 {strides = array<i32>} : memref<8192xf32, #tpu.memory_space<vmem>>, vector<16xf32>,
      %swap3A_1066 = arith.constant 6608 : index
      %swap3A_1067 = tpu.vector_load %arg21[%swap3A_1066] {strides = array<i32>} : memref<8192xf32, #tpu.memory_space<vmem>>, vector<16xf32>,
      tpu.vector_store %arg21[%swap3A_1066], %broadcast_in_dim3A_12 {strides = array<i32>} : memref<8192xf32, #tpu.memory_space<vmem>>, vector<16xf32>,
      %swap3A_1068 = arith.constant 6624 : index
      %swap3A_1069 = tpu.vector_load %arg21[%swap3A_1068] {strides = array<i32>} : memref<8192xf32, #tpu.memory_space<vmem>>, vector<16xf32>,
      tpu.vector_store %arg21[%swap3A_1068], %broadcast_in_dim3A_12 {strides = array<i32>} : memref<8192xf32, #tpu.memory_space<vmem>>, vector<16xf32>,
      %swap3A_1070 = arith.constant 6640 : index
      %swap3A_1071 = tpu.vector_load %arg21[%swap3A_1070] {strides = array<i32>} : memref<8192xf32, #tpu.memory_space<vmem>>, vector<16xf32>,
      tpu.vector_store %arg21[%swap3A_1070], %broadcast_in_dim3A_12 {strides = array<i32>} : memref<8192xf32, #tpu.memory_space<vmem>>, vector<16xf32>,
      %swap3A_1072 = arith.constant 6656 : index
      %swap3A_1073 = tpu.vector_load %arg21[%swap3A_1072] {strides = array<i32>} : memref<8192xf32, #tpu.memory_space<vmem>>, vector<16xf32>,
      tpu.vector_store %arg21[%swap3A_1072], %broadcast_in_dim3A_12 {strides = array<i32>} : memref<8192xf32, #tpu.memory_space<vmem>>, vector<16xf32>,
      %swap3A_1074 = arith.constant 6672 : index
      %swap3A_1075 = tpu.vector_load %arg21[%swap3A_1074] {strides = array<i32>} : memref<8192xf32, #tpu.memory_space<vmem>>, vector<16xf32>,
      tpu.vector_store %arg21[%swap3A_1074], %broadcast_in_dim3A_12 {strides = array<i32>} : memref<8192xf32, #tpu.memory_space<vmem>>, vector<16xf32>,
      %swap3A_1076 = arith.constant 6688 : index
      %swap3A_1077 = tpu.vector_load %arg21[%swap3A_1076] {strides = array<i32>} : memref<8192xf32, #tpu.memory_space<vmem>>, vector<16xf32>,
      tpu.vector_store %arg21[%swap3A_1076], %broadcast_in_dim3A_12 {strides = array<i32>} : memref<8192xf32, #tpu.memory_space<vmem>>, vector<16xf32>,
      %swap3A_1078 = arith.constant 6704 : index
      %swap3A_1079 = tpu.vector_load %arg21[%swap3A_1078] {strides = array<i32>} : memref<8192xf32, #tpu.memory_space<vmem>>, vector<16xf32>,
      tpu.vector_store %arg21[%swap3A_1078], %broadcast_in_dim3A_12 {strides = array<i32>} : memref<8192xf32, #tpu.memory_space<vmem>>, vector<16xf32>,
      %swap3A_1080 = arith.constant 6720 : index
      %swap3A_1081 = tpu.vector_load %arg21[%swap3A_1080] {strides = array<i32>} : memref<8192xf32, #tpu.memory_space<vmem>>, vector<16xf32>,
      tpu.vector_store %arg21[%swap3A_1080], %broadcast_in_dim3A_12 {strides = array<i32>} : memref<8192xf32, #tpu.memory_space<vmem>>, vector<16xf32>,
      %swap3A_1082 = arith.constant 6736 : index
      %swap3A_1083 = tpu.vector_load %arg21[%swap3A_1082] {strides = array<i32>} : memref<8192xf32, #tpu.memory_space<vmem>>, vector<16xf32>,
      tpu.vector_store %arg21[%swap3A_1082], %broadcast_in_dim3A_12 {strides = array<i32>} : memref<8192xf32, #tpu.memory_space<vmem>>, vector<16xf32>,
      %swap3A_1084 = arith.constant 6752 : index
      %swap3A_1085 = tpu.vector_load %arg21[%swap3A_1084] {strides = array<i32>} : memref<8192xf32, #tpu.memory_space<vmem>>, vector<16xf32>,
      tpu.vector_store %arg21[%swap3A_1084], %broadcast_in_dim3A_12 {strides = array<i32>} : memref<8192xf32, #tpu.memory_space<vmem>>, vector<16xf32>,
      %swap3A_1086 = arith.constant 6768 : index
      %swap3A_1087 = tpu.vector_load %arg21[%swap3A_1086] {strides = array<i32>} : memref<8192xf32, #tpu.memory_space<vmem>>, vector<16xf32>,
      tpu.vector_store %arg21[%swap3A_1086], %broadcast_in_dim3A_12 {strides = array<i32>} : memref<8192xf32, #tpu.memory_space<vmem>>, vector<16xf32>,
      %swap3A_1088 = arith.constant 6784 : index
      %swap3A_1089 = tpu.vector_load %arg21[%swap3A_1088] {strides = array<i32>} : memref<8192xf32, #tpu.memory_space<vmem>>, vector<16xf32>,
      tpu.vector_store %arg21[%swap3A_1088], %broadcast_in_dim3A_12 {strides = array<i32>} : memref<8192xf32, #tpu.memory_space<vmem>>, vector<16xf32>,
      %swap3A_1090 = arith.constant 6800 : index
      %swap3A_1091 = tpu.vector_load %arg21[%swap3A_1090] {strides = array<i32>} : memref<8192xf32, #tpu.memory_space<vmem>>, vector<16xf32>,
      tpu.vector_store %arg21[%swap3A_1090], %broadcast_in_dim3A_12 {strides = array<i32>} : memref<8192xf32, #tpu.memory_space<vmem>>, vector<16xf32>,
      %swap3A_1092 = arith.constant 6816 : index
      %swap3A_1093 = tpu.vector_load %arg21[%swap3A_1092] {strides = array<i32>} : memref<8192xf32, #tpu.memory_space<vmem>>, vector<16xf32>,
      tpu.vector_store %arg21[%swap3A_1092], %broadcast_in_dim3A_12 {strides = array<i32>} : memref<8192xf32, #tpu.memory_space<vmem>>, vector<16xf32>,
      %swap3A_1094 = arith.constant 6832 : index
      %swap3A_1095 = tpu.vector_load %arg21[%swap3A_1094] {strides = array<i32>} : memref<8192xf32, #tpu.memory_space<vmem>>, vector<16xf32>,
      tpu.vector_store %arg21[%swap3A_1094], %broadcast_in_dim3A_12 {strides = array<i32>} : memref<8192xf32, #tpu.memory_space<vmem>>, vector<16xf32>,
      %swap3A_1096 = arith.constant 6848 : index
      %swap3A_1097 = tpu.vector_load %arg21[%swap3A_1096] {strides = array<i32>} : memref<8192xf32, #tpu.memory_space<vmem>>, vector<16xf32>,
      tpu.vector_store %arg21[%swap3A_1096], %broadcast_in_dim3A_12 {strides = array<i32>} : memref<8192xf32, #tpu.memory_space<vmem>>, vector<16xf32>,
      %swap3A_1098 = arith.constant 6864 : index
      %swap3A_1099 = tpu.vector_load %arg21[%swap3A_1098] {strides = array<i32>} : memref<8192xf32, #tpu.memory_space<vmem>>, vector<16xf32>,
      tpu.vector_store %arg21[%swap3A_1098], %broadcast_in_dim3A_12 {strides = array<i32>} : memref<8192xf32, #tpu.memory_space<vmem>>, vector<16xf32>,
      %swap3A_1100 = arith.constant 6880 : index
      %swap3A_1101 = tpu.vector_load %arg21[%swap3A_1100] {strides = array<i32>} : memref<8192xf32, #tpu.memory_space<vmem>>, vector<16xf32>,
      tpu.vector_store %arg21[%swap3A_1100], %broadcast_in_dim3A_12 {strides = array<i32>} : memref<8192xf32, #tpu.memory_space<vmem>>, vector<16xf32>,
      %swap3A_1102 = arith.constant 6896 : index
      %swap3A_1103 = tpu.vector_load %arg21[%swap3A_1102] {strides = array<i32>} : memref<8192xf32, #tpu.memory_space<vmem>>, vector<16xf32>,
      tpu.vector_store %arg21[%swap3A_1102], %broadcast_in_dim3A_12 {strides = array<i32>} : memref<8192xf32, #tpu.memory_space<vmem>>, vector<16xf32>,
      %swap3A_1104 = arith.constant 6912 : index
      %swap3A_1105 = tpu.vector_load %arg21[%swap3A_1104] {strides = array<i32>} : memref<8192xf32, #tpu.memory_space<vmem>>, vector<16xf32>,
      tpu.vector_store %arg21[%swap3A_1104], %broadcast_in_dim3A_12 {strides = array<i32>} : memref<8192xf32, #tpu.memory_space<vmem>>, vector<16xf32>,
      %swap3A_1106 = arith.constant 6928 : index
      %swap3A_1107 = tpu.vector_load %arg21[%swap3A_1106] {strides = array<i32>} : memref<8192xf32, #tpu.memory_space<vmem>>, vector<16xf32>,
      tpu.vector_store %arg21[%swap3A_1106], %broadcast_in_dim3A_12 {strides = array<i32>} : memref<8192xf32, #tpu.memory_space<vmem>>, vector<16xf32>,
      %swap3A_1108 = arith.constant 6944 : index
      %swap3A_1109 = tpu.vector_load %arg21[%swap3A_1108] {strides = array<i32>} : memref<8192xf32, #tpu.memory_space<vmem>>, vector<16xf32>,
      tpu.vector_store %arg21[%swap3A_1108], %broadcast_in_dim3A_12 {strides = array<i32>} : memref<8192xf32, #tpu.memory_space<vmem>>, vector<16xf32>,
      %swap3A_1110 = arith.constant 6960 : index
      %swap3A_1111 = tpu.vector_load %arg21[%swap3A_1110] {strides = array<i32>} : memref<8192xf32, #tpu.memory_space<vmem>>, vector<16xf32>,
      tpu.vector_store %arg21[%swap3A_1110], %broadcast_in_dim3A_12 {strides = array<i32>} : memref<8192xf32, #tpu.memory_space<vmem>>, vector<16xf32>,
      %swap3A_1112 = arith.constant 6976 : index
      %swap3A_1113 = tpu.vector_load %arg21[%swap3A_1112] {strides = array<i32>} : memref<8192xf32, #tpu.memory_space<vmem>>, vector<16xf32>,
      tpu.vector_store %arg21[%swap3A_1112], %broadcast_in_dim3A_12 {strides = array<i32>} : memref<8192xf32, #tpu.memory_space<vmem>>, vector<16xf32>,
      %swap3A_1114 = arith.constant 6992 : index
      %swap3A_1115 = tpu.vector_load %arg21[%swap3A_1114] {strides = array<i32>} : memref<8192xf32, #tpu.memory_space<vmem>>, vector<16xf32>,
      tpu.vector_store %arg21[%swap3A_1114], %broadcast_in_dim3A_12 {strides = array<i32>} : memref<8192xf32, #tpu.memory_space<vmem>>, vector<16xf32>,
      %swap3A_1116 = arith.constant 7008 : index
      %swap3A_1117 = tpu.vector_load %arg21[%swap3A_1116] {strides = array<i32>} : memref<8192xf32, #tpu.memory_space<vmem>>, vector<16xf32>,
      tpu.vector_store %arg21[%swap3A_1116], %broadcast_in_dim3A_12 {strides = array<i32>} : memref<8192xf32, #tpu.memory_space<vmem>>, vector<16xf32>,
      %swap3A_1118 = arith.constant 7024 : index
      %swap3A_1119 = tpu.vector_load %arg21[%swap3A_1118] {strides = array<i32>} : memref<8192xf32, #tpu.memory_space<vmem>>, vector<16xf32>,
      tpu.vector_store %arg21[%swap3A_1118], %broadcast_in_dim3A_12 {strides = array<i32>} : memref<8192xf32, #tpu.memory_space<vmem>>, vector<16xf32>,
      %swap3A_1120 = arith.constant 7040 : index
      %swap3A_1121 = tpu.vector_load %arg21[%swap3A_1120] {strides = array<i32>} : memref<8192xf32, #tpu.memory_space<vmem>>, vector<16xf32>,
      tpu.vector_store %arg21[%swap3A_1120], %broadcast_in_dim3A_12 {strides = array<i32>} : memref<8192xf32, #tpu.memory_space<vmem>>, vector<16xf32>,
      %swap3A_1122 = arith.constant 7056 : index
      %swap3A_1123 = tpu.vector_load %arg21[%swap3A_1122] {strides = array<i32>} : memref<8192xf32, #tpu.memory_space<vmem>>, vector<16xf32>,
      tpu.vector_store %arg21[%swap3A_1122], %broadcast_in_dim3A_12 {strides = array<i32>} : memref<8192xf32, #tpu.memory_space<vmem>>, vector<16xf32>,
      %swap3A_1124 = arith.constant 7072 : index
      %swap3A_1125 = tpu.vector_load %arg21[%swap3A_1124] {strides = array<i32>} : memref<8192xf32, #tpu.memory_space<vmem>>, vector<16xf32>,
      tpu.vector_store %arg21[%swap3A_1124], %broadcast_in_dim3A_12 {strides = array<i32>} : memref<8192xf32, #tpu.memory_space<vmem>>, vector<16xf32>,
      %swap3A_1126 = arith.constant 7088 : index
      %swap3A_1127 = tpu.vector_load %arg21[%swap3A_1126] {strides = array<i32>} : memref<8192xf32, #tpu.memory_space<vmem>>, vector<16xf32>,
      tpu.vector_store %arg21[%swap3A_1126], %broadcast_in_dim3A_12 {strides = array<i32>} : memref<8192xf32, #tpu.memory_space<vmem>>, vector<16xf32>,
      %swap3A_1128 = arith.constant 7104 : index
      %swap3A_1129 = tpu.vector_load %arg21[%swap3A_1128] {strides = array<i32>} : memref<8192xf32, #tpu.memory_space<vmem>>, vector<16xf32>,
      tpu.vector_store %arg21[%swap3A_1128], %broadcast_in_dim3A_12 {strides = array<i32>} : memref<8192xf32, #tpu.memory_space<vmem>>, vector<16xf32>,
      %swap3A_1130 = arith.constant 7120 : index
      %swap3A_1131 = tpu.vector_load %arg21[%swap3A_1130] {strides = array<i32>} : memref<8192xf32, #tpu.memory_space<vmem>>, vector<16xf32>,
      tpu.vector_store %arg21[%swap3A_1130], %broadcast_in_dim3A_12 {strides = array<i32>} : memref<8192xf32, #tpu.memory_space<vmem>>, vector<16xf32>,
      %swap3A_1132 = arith.constant 7136 : index
      %swap3A_1133 = tpu.vector_load %arg21[%swap3A_1132] {strides = array<i32>} : memref<8192xf32, #tpu.memory_space<vmem>>, vector<16xf32>,
      tpu.vector_store %arg21[%swap3A_1132], %broadcast_in_dim3A_12 {strides = array<i32>} : memref<8192xf32, #tpu.memory_space<vmem>>, vector<16xf32>,
      %swap3A_1134 = arith.constant 7152 : index
      %swap3A_1135 = tpu.vector_load %arg21[%swap3A_1134] {strides = array<i32>} : memref<8192xf32, #tpu.memory_space<vmem>>, vector<16xf32>,
      tpu.vector_store %arg21[%swap3A_1134], %broadcast_in_dim3A_12 {strides = array<i32>} : memref<8192xf32, #tpu.memory_space<vmem>>, vector<16xf32>,
      %swap3A_1136 = arith.constant 7168 : index
      %swap3A_1137 = tpu.vector_load %arg21[%swap3A_1136] {strides = array<i32>} : memref<8192xf32, #tpu.memory_space<vmem>>, vector<16xf32>,
      tpu.vector_store %arg21[%swap3A_1136], %broadcast_in_dim3A_12 {strides = array<i32>} : memref<8192xf32, #tpu.memory_space<vmem>>, vector<16xf32>,
      %swap3A_1138 = arith.constant 7184 : index
      %swap3A_1139 = tpu.vector_load %arg21[%swap3A_1138] {strides = array<i32>} : memref<8192xf32, #tpu.memory_space<vmem>>, vector<16xf32>,
      tpu.vector_store %arg21[%swap3A_1138], %broadcast_in_dim3A_12 {strides = array<i32>} : memref<8192xf32, #tpu.memory_space<vmem>>, vector<16xf32>,
      %swap3A_1140 = arith.constant 7200 : index
      %swap3A_1141 = tpu.vector_load %arg21[%swap3A_1140] {strides = array<i32>} : memref<8192xf32, #tpu.memory_space<vmem>>, vector<16xf32>,
      tpu.vector_store %arg21[%swap3A_1140], %broadcast_in_dim3A_12 {strides = array<i32>} : memref<8192xf32, #tpu.memory_space<vmem>>, vector<16xf32>,
      %swap3A_1142 = arith.constant 7216 : index
      %swap3A_1143 = tpu.vector_load %arg21[%swap3A_1142] {strides = array<i32>} : memref<8192xf32, #tpu.memory_space<vmem>>, vector<16xf32>,
      tpu.vector_store %arg21[%swap3A_1142], %broadcast_in_dim3A_12 {strides = array<i32>} : memref<8192xf32, #tpu.memory_space<vmem>>, vector<16xf32>,
      %swap3A_1144 = arith.constant 7232 : index
      %swap3A_1145 = tpu.vector_load %arg21[%swap3A_1144] {strides = array<i32>} : memref<8192xf32, #tpu.memory_space<vmem>>, vector<16xf32>,
      tpu.vector_store %arg21[%swap3A_1144], %broadcast_in_dim3A_12 {strides = array<i32>} : memref<8192xf32, #tpu.memory_space<vmem>>, vector<16xf32>,
      %swap3A_1146 = arith.constant 7248 : index
      %swap3A_1147 = tpu.vector_load %arg21[%swap3A_1146] {strides = array<i32>} : memref<8192xf32, #tpu.memory_space<vmem>>, vector<16xf32>,
      tpu.vector_store %arg21[%swap3A_1146], %broadcast_in_dim3A_12 {strides = array<i32>} : memref<8192xf32, #tpu.memory_space<vmem>>, vector<16xf32>,
      %swap3A_1148 = arith.constant 7264 : index
      %swap3A_1149 = tpu.vector_load %arg21[%swap3A_1148] {strides = array<i32>} : memref<8192xf32, #tpu.memory_space<vmem>>, vector<16xf32>,
      tpu.vector_store %arg21[%swap3A_1148], %broadcast_in_dim3A_12 {strides = array<i32>} : memref<8192xf32, #tpu.memory_space<vmem>>, vector<16xf32>,
      %swap3A_1150 = arith.constant 7280 : index
      %swap3A_1151 = tpu.vector_load %arg21[%swap3A_1150] {strides = array<i32>} : memref<8192xf32, #tpu.memory_space<vmem>>, vector<16xf32>,
      tpu.vector_store %arg21[%swap3A_1150], %broadcast_in_dim3A_12 {strides = array<i32>} : memref<8192xf32, #tpu.memory_space<vmem>>, vector<16xf32>,
      %swap3A_1152 = arith.constant 7296 : index
      %swap3A_1153 = tpu.vector_load %arg21[%swap3A_1152] {strides = array<i32>} : memref<8192xf32, #tpu.memory_space<vmem>>, vector<16xf32>,
      tpu.vector_store %arg21[%swap3A_1152], %broadcast_in_dim3A_12 {strides = array<i32>} : memref<8192xf32, #tpu.memory_space<vmem>>, vector<16xf32>,
      %swap3A_1154 = arith.constant 7312 : index
      %swap3A_1155 = tpu.vector_load %arg21[%swap3A_1154] {strides = array<i32>} : memref<8192xf32, #tpu.memory_space<vmem>>, vector<16xf32>,
      tpu.vector_store %arg21[%swap3A_1154], %broadcast_in_dim3A_12 {strides = array<i32>} : memref<8192xf32, #tpu.memory_space<vmem>>, vector<16xf32>,
      %swap3A_1156 = arith.constant 7328 : index
      %swap3A_1157 = tpu.vector_load %arg21[%swap3A_1156] {strides = array<i32>} : memref<8192xf32, #tpu.memory_space<vmem>>, vector<16xf32>,
      tpu.vector_store %arg21[%swap3A_1156], %broadcast_in_dim3A_12 {strides = array<i32>} : memref<8192xf32, #tpu.memory_space<vmem>>, vector<16xf32>,
      %swap3A_1158 = arith.constant 7344 : index
      %swap3A_1159 = tpu.vector_load %arg21[%swap3A_1158] {strides = array<i32>} : memref<8192xf32, #tpu.memory_space<vmem>>, vector<16xf32>,
      tpu.vector_store %arg21[%swap3A_1158], %broadcast_in_dim3A_12 {strides = array<i32>} : memref<8192xf32, #tpu.memory_space<vmem>>, vector<16xf32>,
      %swap3A_1160 = arith.constant 7360 : index
      %swap3A_1161 = tpu.vector_load %arg21[%swap3A_1160] {strides = array<i32>} : memref<8192xf32, #tpu.memory_space<vmem>>, vector<16xf32>,
      tpu.vector_store %arg21[%swap3A_1160], %broadcast_in_dim3A_12 {strides = array<i32>} : memref<8192xf32, #tpu.memory_space<vmem>>, vector<16xf32>,
      %swap3A_1162 = arith.constant 7376 : index
      %swap3A_1163 = tpu.vector_load %arg21[%swap3A_1162] {strides = array<i32>} : memref<8192xf32, #tpu.memory_space<vmem>>, vector<16xf32>,
      tpu.vector_store %arg21[%swap3A_1162], %broadcast_in_dim3A_12 {strides = array<i32>} : memref<8192xf32, #tpu.memory_space<vmem>>, vector<16xf32>,
      %swap3A_1164 = arith.constant 7392 : index
      %swap3A_1165 = tpu.vector_load %arg21[%swap3A_1164] {strides = array<i32>} : memref<8192xf32, #tpu.memory_space<vmem>>, vector<16xf32>,
      tpu.vector_store %arg21[%swap3A_1164], %broadcast_in_dim3A_12 {strides = array<i32>} : memref<8192xf32, #tpu.memory_space<vmem>>, vector<16xf32>,
      %swap3A_1166 = arith.constant 7408 : index
      %swap3A_1167 = tpu.vector_load %arg21[%swap3A_1166] {strides = array<i32>} : memref<8192xf32, #tpu.memory_space<vmem>>, vector<16xf32>,
      tpu.vector_store %arg21[%swap3A_1166], %broadcast_in_dim3A_12 {strides = array<i32>} : memref<8192xf32, #tpu.memory_space<vmem>>, vector<16xf32>,
      %swap3A_1168 = arith.constant 7424 : index
      %swap3A_1169 = tpu.vector_load %arg21[%swap3A_1168] {strides = array<i32>} : memref<8192xf32, #tpu.memory_space<vmem>>, vector<16xf32>,
      tpu.vector_store %arg21[%swap3A_1168], %broadcast_in_dim3A_12 {strides = array<i32>} : memref<8192xf32, #tpu.memory_space<vmem>>, vector<16xf32>,
      %swap3A_1170 = arith.constant 7440 : index
      %swap3A_1171 = tpu.vector_load %arg21[%swap3A_1170] {strides = array<i32>} : memref<8192xf32, #tpu.memory_space<vmem>>, vector<16xf32>,
      tpu.vector_store %arg21[%swap3A_1170], %broadcast_in_dim3A_12 {strides = array<i32>} : memref<8192xf32, #tpu.memory_space<vmem>>, vector<16xf32>,
      %swap3A_1172 = arith.constant 7456 : index
      %swap3A_1173 = tpu.vector_load %arg21[%swap3A_1172] {strides = array<i32>} : memref<8192xf32, #tpu.memory_space<vmem>>, vector<16xf32>,
      tpu.vector_store %arg21[%swap3A_1172], %broadcast_in_dim3A_12 {strides = array<i32>} : memref<8192xf32, #tpu.memory_space<vmem>>, vector<16xf32>,
      %swap3A_1174 = arith.constant 7472 : index
      %swap3A_1175 = tpu.vector_load %arg21[%swap3A_1174] {strides = array<i32>} : memref<8192xf32, #tpu.memory_space<vmem>>, vector<16xf32>,
      tpu.vector_store %arg21[%swap3A_1174], %broadcast_in_dim3A_12 {strides = array<i32>} : memref<8192xf32, #tpu.memory_space<vmem>>, vector<16xf32>,
      %swap3A_1176 = arith.constant 7488 : index
      %swap3A_1177 = tpu.vector_load %arg21[%swap3A_1176] {strides = array<i32>} : memref<8192xf32, #tpu.memory_space<vmem>>, vector<16xf32>,
      tpu.vector_store %arg21[%swap3A_1176], %broadcast_in_dim3A_12 {strides = array<i32>} : memref<8192xf32, #tpu.memory_space<vmem>>, vector<16xf32>,
      %swap3A_1178 = arith.constant 7504 : index
      %swap3A_1179 = tpu.vector_load %arg21[%swap3A_1178] {strides = array<i32>} : memref<8192xf32, #tpu.memory_space<vmem>>, vector<16xf32>,
      tpu.vector_store %arg21[%swap3A_1178], %broadcast_in_dim3A_12 {strides = array<i32>} : memref<8192xf32, #tpu.memory_space<vmem>>, vector<16xf32>,
      %swap3A_1180 = arith.constant 7520 : index
      %swap3A_1181 = tpu.vector_load %arg21[%swap3A_1180] {strides = array<i32>} : memref<8192xf32, #tpu.memory_space<vmem>>, vector<16xf32>,
      tpu.vector_store %arg21[%swap3A_1180], %broadcast_in_dim3A_12 {strides = array<i32>} : memref<8192xf32, #tpu.memory_space<vmem>>, vector<16xf32>,
      %swap3A_1182 = arith.constant 7536 : index
      %swap3A_1183 = tpu.vector_load %arg21[%swap3A_1182] {strides = array<i32>} : memref<8192xf32, #tpu.memory_space<vmem>>, vector<16xf32>,
      tpu.vector_store %arg21[%swap3A_1182], %broadcast_in_dim3A_12 {strides = array<i32>} : memref<8192xf32, #tpu.memory_space<vmem>>, vector<16xf32>,
      %swap3A_1184 = arith.constant 7552 : index
      %swap3A_1185 = tpu.vector_load %arg21[%swap3A_1184] {strides = array<i32>} : memref<8192xf32, #tpu.memory_space<vmem>>, vector<16xf32>,
      tpu.vector_store %arg21[%swap3A_1184], %broadcast_in_dim3A_12 {strides = array<i32>} : memref<8192xf32, #tpu.memory_space<vmem>>, vector<16xf32>,
      %swap3A_1186 = arith.constant 7568 : index
      %swap3A_1187 = tpu.vector_load %arg21[%swap3A_1186] {strides = array<i32>} : memref<8192xf32, #tpu.memory_space<vmem>>, vector<16xf32>,
      tpu.vector_store %arg21[%swap3A_1186], %broadcast_in_dim3A_12 {strides = array<i32>} : memref<8192xf32, #tpu.memory_space<vmem>>, vector<16xf32>,
      %swap3A_1188 = arith.constant 7584 : index
      %swap3A_1189 = tpu.vector_load %arg21[%swap3A_1188] {strides = array<i32>} : memref<8192xf32, #tpu.memory_space<vmem>>, vector<16xf32>,
      tpu.vector_store %arg21[%swap3A_1188], %broadcast_in_dim3A_12 {strides = array<i32>} : memref<8192xf32, #tpu.memory_space<vmem>>, vector<16xf32>,
      %swap3A_1190 = arith.constant 7600 : index
      %swap3A_1191 = tpu.vector_load %arg21[%swap3A_1190] {strides = array<i32>} : memref<8192xf32, #tpu.memory_space<vmem>>, vector<16xf32>,
      tpu.vector_store %arg21[%swap3A_1190], %broadcast_in_dim3A_12 {strides = array<i32>} : memref<8192xf32, #tpu.memory_space<vmem>>, vector<16xf32>,
      %swap3A_1192 = arith.constant 7616 : index
      %swap3A_1193 = tpu.vector_load %arg21[%swap3A_1192] {strides = array<i32>} : memref<8192xf32, #tpu.memory_space<vmem>>, vector<16xf32>,
      tpu.vector_store %arg21[%swap3A_1192], %broadcast_in_dim3A_12 {strides = array<i32>} : memref<8192xf32, #tpu.memory_space<vmem>>, vector<16xf32>,
      %swap3A_1194 = arith.constant 7632 : index
      %swap3A_1195 = tpu.vector_load %arg21[%swap3A_1194] {strides = array<i32>} : memref<8192xf32, #tpu.memory_space<vmem>>, vector<16xf32>,
      tpu.vector_store %arg21[%swap3A_1194], %broadcast_in_dim3A_12 {strides = array<i32>} : memref<8192xf32, #tpu.memory_space<vmem>>, vector<16xf32>,
      %swap3A_1196 = arith.constant 7648 : index
      %swap3A_1197 = tpu.vector_load %arg21[%swap3A_1196] {strides = array<i32>} : memref<8192xf32, #tpu.memory_space<vmem>>, vector<16xf32>,
      tpu.vector_store %arg21[%swap3A_1196], %broadcast_in_dim3A_12 {strides = array<i32>} : memref<8192xf32, #tpu.memory_space<vmem>>, vector<16xf32>,
      %swap3A_1198 = arith.constant 7664 : index
      %swap3A_1199 = tpu.vector_load %arg21[%swap3A_1198] {strides = array<i32>} : memref<8192xf32, #tpu.memory_space<vmem>>, vector<16xf32>,
      tpu.vector_store %arg21[%swap3A_1198], %broadcast_in_dim3A_12 {strides = array<i32>} : memref<8192xf32, #tpu.memory_space<vmem>>, vector<16xf32>,
      %swap3A_1200 = arith.constant 7680 : index
      %swap3A_1201 = tpu.vector_load %arg21[%swap3A_1200] {strides = array<i32>} : memref<8192xf32, #tpu.memory_space<vmem>>, vector<16xf32>,
      tpu.vector_store %arg21[%swap3A_1200], %broadcast_in_dim3A_12 {strides = array<i32>} : memref<8192xf32, #tpu.memory_space<vmem>>, vector<16xf32>,
      %swap3A_1202 = arith.constant 7696 : index
      %swap3A_1203 = tpu.vector_load %arg21[%swap3A_1202] {strides = array<i32>} : memref<8192xf32, #tpu.memory_space<vmem>>, vector<16xf32>,
      tpu.vector_store %arg21[%swap3A_1202], %broadcast_in_dim3A_12 {strides = array<i32>} : memref<8192xf32, #tpu.memory_space<vmem>>, vector<16xf32>,
      %swap3A_1204 = arith.constant 7712 : index
      %swap3A_1205 = tpu.vector_load %arg21[%swap3A_1204] {strides = array<i32>} : memref<8192xf32, #tpu.memory_space<vmem>>, vector<16xf32>,
      tpu.vector_store %arg21[%swap3A_1204], %broadcast_in_dim3A_12 {strides = array<i32>} : memref<8192xf32, #tpu.memory_space<vmem>>, vector<16xf32>,
      %swap3A_1206 = arith.constant 7728 : index
      %swap3A_1207 = tpu.vector_load %arg21[%swap3A_1206] {strides = array<i32>} : memref<8192xf32, #tpu.memory_space<vmem>>, vector<16xf32>,
      tpu.vector_store %arg21[%swap3A_1206], %broadcast_in_dim3A_12 {strides = array<i32>} : memref<8192xf32, #tpu.memory_space<vmem>>, vector<16xf32>,
      %swap3A_1208 = arith.constant 7744 : index
      %swap3A_1209 = tpu.vector_load %arg21[%swap3A_1208] {strides = array<i32>} : memref<8192xf32, #tpu.memory_space<vmem>>, vector<16xf32>,
      tpu.vector_store %arg21[%swap3A_1208], %broadcast_in_dim3A_12 {strides = array<i32>} : memref<8192xf32, #tpu.memory_space<vmem>>, vector<16xf32>,
      %swap3A_1210 = arith.constant 7760 : index
      %swap3A_1211 = tpu.vector_load %arg21[%swap3A_1210] {strides = array<i32>} : memref<8192xf32, #tpu.memory_space<vmem>>, vector<16xf32>,
      tpu.vector_store %arg21[%swap3A_1210], %broadcast_in_dim3A_12 {strides = array<i32>} : memref<8192xf32, #tpu.memory_space<vmem>>, vector<16xf32>,
      %swap3A_1212 = arith.constant 7776 : index
      %swap3A_1213 = tpu.vector_load %arg21[%swap3A_1212] {strides = array<i32>} : memref<8192xf32, #tpu.memory_space<vmem>>, vector<16xf32>,
      tpu.vector_store %arg21[%swap3A_1212], %broadcast_in_dim3A_12 {strides = array<i32>} : memref<8192xf32, #tpu.memory_space<vmem>>, vector<16xf32>,
      %swap3A_1214 = arith.constant 7792 : index
      %swap3A_1215 = tpu.vector_load %arg21[%swap3A_1214] {strides = array<i32>} : memref<8192xf32, #tpu.memory_space<vmem>>, vector<16xf32>,
      tpu.vector_store %arg21[%swap3A_1214], %broadcast_in_dim3A_12 {strides = array<i32>} : memref<8192xf32, #tpu.memory_space<vmem>>, vector<16xf32>,
      %swap3A_1216 = arith.constant 7808 : index
      %swap3A_1217 = tpu.vector_load %arg21[%swap3A_1216] {strides = array<i32>} : memref<8192xf32, #tpu.memory_space<vmem>>, vector<16xf32>,
      tpu.vector_store %arg21[%swap3A_1216], %broadcast_in_dim3A_12 {strides = array<i32>} : memref<8192xf32, #tpu.memory_space<vmem>>, vector<16xf32>,
      %swap3A_1218 = arith.constant 7824 : index
      %swap3A_1219 = tpu.vector_load %arg21[%swap3A_1218] {strides = array<i32>} : memref<8192xf32, #tpu.memory_space<vmem>>, vector<16xf32>,
      tpu.vector_store %arg21[%swap3A_1218], %broadcast_in_dim3A_12 {strides = array<i32>} : memref<8192xf32, #tpu.memory_space<vmem>>, vector<16xf32>,
      %swap3A_1220 = arith.constant 7840 : index
      %swap3A_1221 = tpu.vector_load %arg21[%swap3A_1220] {strides = array<i32>} : memref<8192xf32, #tpu.memory_space<vmem>>, vector<16xf32>,
      tpu.vector_store %arg21[%swap3A_1220], %broadcast_in_dim3A_12 {strides = array<i32>} : memref<8192xf32, #tpu.memory_space<vmem>>, vector<16xf32>,
      %swap3A_1222 = arith.constant 7856 : index
      %swap3A_1223 = tpu.vector_load %arg21[%swap3A_1222] {strides = array<i32>} : memref<8192xf32, #tpu.memory_space<vmem>>, vector<16xf32>,
      tpu.vector_store %arg21[%swap3A_1222], %broadcast_in_dim3A_12 {strides = array<i32>} : memref<8192xf32, #tpu.memory_space<vmem>>, vector<16xf32>,
      %swap3A_1224 = arith.constant 7872 : index
      %swap3A_1225 = tpu.vector_load %arg21[%swap3A_1224] {strides = array<i32>} : memref<8192xf32, #tpu.memory_space<vmem>>, vector<16xf32>,
      tpu.vector_store %arg21[%swap3A_1224], %broadcast_in_dim3A_12 {strides = array<i32>} : memref<8192xf32, #tpu.memory_space<vmem>>, vector<16xf32>,
      %swap3A_1226 = arith.constant 7888 : index
      %swap3A_1227 = tpu.vector_load %arg21[%swap3A_1226] {strides = array<i32>} : memref<8192xf32, #tpu.memory_space<vmem>>, vector<16xf32>,
      tpu.vector_store %arg21[%swap3A_1226], %broadcast_in_dim3A_12 {strides = array<i32>} : memref<8192xf32, #tpu.memory_space<vmem>>, vector<16xf32>,
      %swap3A_1228 = arith.constant 7904 : index
      %swap3A_1229 = tpu.vector_load %arg21[%swap3A_1228] {strides = array<i32>} : memref<8192xf32, #tpu.memory_space<vmem>>, vector<16xf32>,
      tpu.vector_store %arg21[%swap3A_1228], %broadcast_in_dim3A_12 {strides = array<i32>} : memref<8192xf32, #tpu.memory_space<vmem>>, vector<16xf32>,
      %swap3A_1230 = arith.constant 7920 : index
      %swap3A_1231 = tpu.vector_load %arg21[%swap3A_1230] {strides = array<i32>} : memref<8192xf32, #tpu.memory_space<vmem>>, vector<16xf32>,
      tpu.vector_store %arg21[%swap3A_1230], %broadcast_in_dim3A_12 {strides = array<i32>} : memref<8192xf32, #tpu.memory_space<vmem>>, vector<16xf32>,
      %swap3A_1232 = arith.constant 7936 : index
      %swap3A_1233 = tpu.vector_load %arg21[%swap3A_1232] {strides = array<i32>} : memref<8192xf32, #tpu.memory_space<vmem>>, vector<16xf32>,
      tpu.vector_store %arg21[%swap3A_1232], %broadcast_in_dim3A_12 {strides = array<i32>} : memref<8192xf32, #tpu.memory_space<vmem>>, vector<16xf32>,
      %swap3A_1234 = arith.constant 7952 : index
      %swap3A_1235 = tpu.vector_load %arg21[%swap3A_1234] {strides = array<i32>} : memref<8192xf32, #tpu.memory_space<vmem>>, vector<16xf32>,
      tpu.vector_store %arg21[%swap3A_1234], %broadcast_in_dim3A_12 {strides = array<i32>} : memref<8192xf32, #tpu.memory_space<vmem>>, vector<16xf32>,
      %swap3A_1236 = arith.constant 7968 : index
      %swap3A_1237 = tpu.vector_load %arg21[%swap3A_1236] {strides = array<i32>} : memref<8192xf32, #tpu.memory_space<vmem>>, vector<16xf32>,
      tpu.vector_store %arg21[%swap3A_1236], %broadcast_in_dim3A_12 {strides = array<i32>} : memref<8192xf32, #tpu.memory_space<vmem>>, vector<16xf32>,
      %swap3A_1238 = arith.constant 7984 : index
      %swap3A_1239 = tpu.vector_load %arg21[%swap3A_1238] {strides = array<i32>} : memref<8192xf32, #tpu.memory_space<vmem>>, vector<16xf32>,
      tpu.vector_store %arg21[%swap3A_1238], %broadcast_in_dim3A_12 {strides = array<i32>} : memref<8192xf32, #tpu.memory_space<vmem>>, vector<16xf32>,
      %swap3A_1240 = arith.constant 8000 : index
      %swap3A_1241 = tpu.vector_load %arg21[%swap3A_1240] {strides = array<i32>} : memref<8192xf32, #tpu.memory_space<vmem>>, vector<16xf32>,
      tpu.vector_store %arg21[%swap3A_1240], %broadcast_in_dim3A_12 {strides = array<i32>} : memref<8192xf32, #tpu.memory_space<vmem>>, vector<16xf32>,
      %swap3A_1242 = arith.constant 8016 : index
      %swap3A_1243 = tpu.vector_load %arg21[%swap3A_1242] {strides = array<i32>} : memref<8192xf32, #tpu.memory_space<vmem>>, vector<16xf32>,
      tpu.vector_store %arg21[%swap3A_1242], %broadcast_in_dim3A_12 {strides = array<i32>} : memref<8192xf32, #tpu.memory_space<vmem>>, vector<16xf32>,
      %swap3A_1244 = arith.constant 8032 : index
      %swap3A_1245 = tpu.vector_load %arg21[%swap3A_1244] {strides = array<i32>} : memref<8192xf32, #tpu.memory_space<vmem>>, vector<16xf32>,
      tpu.vector_store %arg21[%swap3A_1244], %broadcast_in_dim3A_12 {strides = array<i32>} : memref<8192xf32, #tpu.memory_space<vmem>>, vector<16xf32>,
      %swap3A_1246 = arith.constant 8048 : index
      %swap3A_1247 = tpu.vector_load %arg21[%swap3A_1246] {strides = array<i32>} : memref<8192xf32, #tpu.memory_space<vmem>>, vector<16xf32>,
      tpu.vector_store %arg21[%swap3A_1246], %broadcast_in_dim3A_12 {strides = array<i32>} : memref<8192xf32, #tpu.memory_space<vmem>>, vector<16xf32>,
      %swap3A_1248 = arith.constant 8064 : index
      %swap3A_1249 = tpu.vector_load %arg21[%swap3A_1248] {strides = array<i32>} : memref<8192xf32, #tpu.memory_space<vmem>>, vector<16xf32>,
      tpu.vector_store %arg21[%swap3A_1248], %broadcast_in_dim3A_12 {strides = array<i32>} : memref<8192xf32, #tpu.memory_space<vmem>>, vector<16xf32>,
      %swap3A_1250 = arith.constant 8080 : index
      %swap3A_1251 = tpu.vector_load %arg21[%swap3A_1250] {strides = array<i32>} : memref<8192xf32, #tpu.memory_space<vmem>>, vector<16xf32>,
      tpu.vector_store %arg21[%swap3A_1250], %broadcast_in_dim3A_12 {strides = array<i32>} : memref<8192xf32, #tpu.memory_space<vmem>>, vector<16xf32>,
      %swap3A_1252 = arith.constant 8096 : index
      %swap3A_1253 = tpu.vector_load %arg21[%swap3A_1252] {strides = array<i32>} : memref<8192xf32, #tpu.memory_space<vmem>>, vector<16xf32>,
      tpu.vector_store %arg21[%swap3A_1252], %broadcast_in_dim3A_12 {strides = array<i32>} : memref<8192xf32, #tpu.memory_space<vmem>>, vector<16xf32>,
      %swap3A_1254 = arith.constant 8112 : index
      %swap3A_1255 = tpu.vector_load %arg21[%swap3A_1254] {strides = array<i32>} : memref<8192xf32, #tpu.memory_space<vmem>>, vector<16xf32>,
      tpu.vector_store %arg21[%swap3A_1254], %broadcast_in_dim3A_12 {strides = array<i32>} : memref<8192xf32, #tpu.memory_space<vmem>>, vector<16xf32>,
      %swap3A_1256 = arith.constant 8128 : index
      %swap3A_1257 = tpu.vector_load %arg21[%swap3A_1256] {strides = array<i32>} : memref<8192xf32, #tpu.memory_space<vmem>>, vector<16xf32>,
      tpu.vector_store %arg21[%swap3A_1256], %broadcast_in_dim3A_12 {strides = array<i32>} : memref<8192xf32, #tpu.memory_space<vmem>>, vector<16xf32>,
      %swap3A_1258 = arith.constant 8144 : index
      %swap3A_1259 = tpu.vector_load %arg21[%swap3A_1258] {strides = array<i32>} : memref<8192xf32, #tpu.memory_space<vmem>>, vector<16xf32>,
      tpu.vector_store %arg21[%swap3A_1258], %broadcast_in_dim3A_12 {strides = array<i32>} : memref<8192xf32, #tpu.memory_space<vmem>>, vector<16xf32>,
      %swap3A_1260 = arith.constant 8160 : index
      %swap3A_1261 = tpu.vector_load %arg21[%swap3A_1260] {strides = array<i32>} : memref<8192xf32, #tpu.memory_space<vmem>>, vector<16xf32>,
      tpu.vector_store %arg21[%swap3A_1260], %broadcast_in_dim3A_12 {strides = array<i32>} : memref<8192xf32, #tpu.memory_space<vmem>>, vector<16xf32>,
      %swap3A_1262 = arith.constant 8176 : index
      %swap3A_1263 = tpu.vector_load %arg21[%swap3A_1262] {strides = array<i32>} : memref<8192xf32, #tpu.memory_space<vmem>>, vector<16xf32>,
      tpu.vector_store %arg21[%swap3A_1262], %broadcast_in_dim3A_12 {strides = array<i32>} : memref<8192xf32, #tpu.memory_space<vmem>>, vector<16xf32>,
      %mul3A_1264 = arith.constant 512 : i32
      %mul3A_1265 = vector.broadcast %mul3A_1264 : i32 to vector<16xi32>
      %mul3A_1266 = arith.muli %iota3A, %mul3A_1265 : vector<16xi32>
      %add3A_1267 = vector.broadcast %add3A_136 : i32 to vector<16xi32>
      %add3A_1268 = arith.addi %mul3A_1266, %add3A_1267 : vector<16xi32>
      %mul3A_1269 = arith.constant 16 : i32
      %mul3A_1270 = arith.muli %add3A_136, %mul3A_1269 : i32
      %add3A_1271 = vector.broadcast %mul3A_1270 : i32 to vector<16xi32>
      %add3A_1272 = arith.addi %add3A_1271, %iota3A : vector<16xi32>
      %gather3A_1273 = tpu.vector_load_idx %arg17[%add3A_1272] : memref<8192xf32, #tpu.memory_space<vmem>>[vector<16xi32>], vector<16xf32>,
      tpu.vector_store_idx %arg21[%add3A_1268], %gather3A_1273 : memref<8192xf32, #tpu.memory_space<vmem>>[vector<16xi32>], vector<16xf32>,
      %add3A_1274 = arith.constant 1 : i32
      %add3A_1275 = arith.addi %sub3A_239, %add3A_1274 : i32
      %while3A_1276 = arith.constant 1 : i32
      %while3A_1277 = arith.constant 0 : i32
      %while3A_1278 = arith.subi %add3A_1275, %while3A_1276 : i32
      %while3A_1279 = arith.addi %while3A_1276, %while3A_1278 : i32
      %while3A_1280 = arith.constant 1 : i32
      %while3A_1281 = arith.divsi %while3A_1278, %while3A_1280 : i32
      %while3A_1282 = arith.muli %while3A_1281, %while3A_1280 : i32
      %while3A_1283 = arith.addi %while3A_1276, %while3A_1282 : i32
      %while3A_1284 = arith.constant 1 : i32
      %while3A_1285 = scf.for %while3A_1289 = %while3A_1276 to %while3A_1283 step %while3A_1284 iter_args(%while3A_1290 = %while3A_1277) -> (i32)  : i32 {
        %broadcast_in_dim3A_1291 = vector.broadcast %while3A_1289 : i32 to vector<16xi32>
        %gather3A_1292 = tpu.vector_load_idx %arg22[%broadcast_in_dim3A_1291] : memref<512xf32, #tpu.memory_space<vmem>>[vector<16xi32>], vector<16xf32>,
        %slice3A_1293 = vector.extract_strided_slice %gather3A_1292 {offsets = [0], sizes = [1], strides = [1]} : vector<16xf32> to vector<1xf32>
        %squeeze3A_1294 = vector.extract %slice3A_1293[0] : f32 from vector<1xf32>
        %scan3A_1295 = arith.constant 0 : i32
        %scan3A_1296 = arith.constant 0 : i32
        %scan3A_1297 = arith.constant 32 : i32
        %scan3A_1298 = arith.addi %scan3A_1296, %scan3A_1297 : i32
        %scan3A_1299 = arith.constant 1 : i32
        %scan3A_1300 = scf.for %scan3A_1303 = %scan3A_1296 to %scan3A_1298 step %scan3A_1299 iter_args(%scan3A_1304 = %scan3A_1295) -> (i32)  : i32 {
          %mul3A_1305 = arith.constant 16 : i32
          %mul3A_1306 = arith.muli %scan3A_1303, %mul3A_1305 : i32
          %add3A_1307 = vector.broadcast %mul3A_1306 : i32 to vector<16xi32>
          %add3A_1308 = arith.addi %add3A_1307, %iota3A : vector<16xi32>
          %gather3A_1309 = tpu.vector_load_idx %arg19[%add3A_1308] : memref<512xi32, #tpu.memory_space<vmem>>[vector<16xi32>], vector<16xi32>,
          %shift_right_arithmetic3A = arith.constant 16 : i32
          %shift_right_arithmetic3A_1310 = vector.broadcast %shift_right_arithmetic3A : i32 to vector<16xi32>
          %shift_right_arithmetic3A_1311 = arith.shrsi %gather3A_1309, %shift_right_arithmetic3A_1310 : vector<16xi32>
          %eq3A_1312 = vector.broadcast %while3A_1289 : i32 to vector<16xi32>
          %eq3A_1313 = arith.cmpi eq, %shift_right_arithmetic3A_1311, %eq3A_1312 : vector<16xi32>
          %reduce_or3A = arith.constant 1.000000e+00 : f32
          %reduce_or3A_1314 = arith.constant 0.000000e+00 : f32
          %reduce_or3A_1315 = vector.broadcast %reduce_or3A : f32 to vector<16xf32>
          %reduce_or3A_1316 = vector.broadcast %reduce_or3A_1314 : f32 to vector<16xf32>
          %reduce_or3A_1317 = arith.select %eq3A_1313, %reduce_or3A_1315, %reduce_or3A_1316 : vector<16xi1>, vector<16xf32>
          %reduce_or3A_1318 = arith.constant true
          %reduce_or3A_1319 = vector.broadcast %reduce_or3A_1318 : i1 to vector<16xi1>
          %reduce_or3A_1320 = tpu.scan <max>, %reduce_or3A_1317 masked %reduce_or3A_1319 : vector<16xf32>, vector<16xi1> -> vector<16xf32>
          %reduce_or3A_1321 = vector.extract %reduce_or3A_1320[15] : f32 from vector<16xf32>
          %reduce_or3A_1322 = arith.constant 0.000000e+00 : f32
          %reduce_or3A_1323 = arith.cmpf ogt, %reduce_or3A_1321, %reduce_or3A_1322 : f32
          %convert_element_type3A_1324 = arith.extui %reduce_or3A_1323 : i1 to i32
          %cond3A_1325 = arith.constant 0 : i32
          %cond3A_1326 = arith.constant 0 : i32
          %cond3A_1327 = arith.cmpi ne, %convert_element_type3A_1324, %cond3A_1326 : i32
          %cond3A_1328 = scf.if %cond3A_1327 -> (i32) {
            %and3A_1329 = arith.constant 511 : i32
            %and3A_1330 = vector.broadcast %and3A_1329 : i32 to vector<16xi32>
            %and3A_1331 = arith.andi %gather3A_1309, %and3A_1330 : vector<16xi32>
            %add3A_1332 = arith.constant 0 : i32
            %add3A_1333 = vector.broadcast %add3A_1332 : i32 to vector<16xi32>
            %add3A_1334 = arith.addi %add3A_1333, %add3A_1308 : vector<16xi32>
            %add3A_1335 = arith.constant 512 : i32
            %add3A_1336 = vector.broadcast %add3A_1335 : i32 to vector<16xi32>
            %add3A_1337 = arith.addi %add3A_1336, %add3A_1308 : vector<16xi32>
            %add3A_1338 = arith.constant 1024 : i32
            %add3A_1339 = vector.broadcast %add3A_1338 : i32 to vector<16xi32>
            %add3A_1340 = arith.addi %add3A_1339, %add3A_1308 : vector<16xi32>
            %add3A_1341 = arith.constant 1536 : i32
            %add3A_1342 = vector.broadcast %add3A_1341 : i32 to vector<16xi32>
            %add3A_1343 = arith.addi %add3A_1342, %add3A_1308 : vector<16xi32>
            %add3A_1344 = arith.constant 2048 : i32
            %add3A_1345 = vector.broadcast %add3A_1344 : i32 to vector<16xi32>
            %add3A_1346 = arith.addi %add3A_1345, %add3A_1308 : vector<16xi32>
            %add3A_1347 = arith.constant 2560 : i32
            %add3A_1348 = vector.broadcast %add3A_1347 : i32 to vector<16xi32>
            %add3A_1349 = arith.addi %add3A_1348, %add3A_1308 : vector<16xi32>
            %add3A_1350 = arith.constant 3072 : i32
            %add3A_1351 = vector.broadcast %add3A_1350 : i32 to vector<16xi32>
            %add3A_1352 = arith.addi %add3A_1351, %add3A_1308 : vector<16xi32>
            %add3A_1353 = arith.constant 3584 : i32
            %add3A_1354 = vector.broadcast %add3A_1353 : i32 to vector<16xi32>
            %add3A_1355 = arith.addi %add3A_1354, %add3A_1308 : vector<16xi32>
            %add3A_1356 = arith.constant 4096 : i32
            %add3A_1357 = vector.broadcast %add3A_1356 : i32 to vector<16xi32>
            %add3A_1358 = arith.addi %add3A_1357, %add3A_1308 : vector<16xi32>
            %add3A_1359 = arith.constant 4608 : i32
            %add3A_1360 = vector.broadcast %add3A_1359 : i32 to vector<16xi32>
            %add3A_1361 = arith.addi %add3A_1360, %add3A_1308 : vector<16xi32>
            %add3A_1362 = arith.constant 5120 : i32
            %add3A_1363 = vector.broadcast %add3A_1362 : i32 to vector<16xi32>
            %add3A_1364 = arith.addi %add3A_1363, %add3A_1308 : vector<16xi32>
            %add3A_1365 = arith.constant 5632 : i32
            %add3A_1366 = vector.broadcast %add3A_1365 : i32 to vector<16xi32>
            %add3A_1367 = arith.addi %add3A_1366, %add3A_1308 : vector<16xi32>
            %add3A_1368 = arith.constant 6144 : i32
            %add3A_1369 = vector.broadcast %add3A_1368 : i32 to vector<16xi32>
            %add3A_1370 = arith.addi %add3A_1369, %add3A_1308 : vector<16xi32>
            %add3A_1371 = arith.constant 6656 : i32
            %add3A_1372 = vector.broadcast %add3A_1371 : i32 to vector<16xi32>
            %add3A_1373 = arith.addi %add3A_1372, %add3A_1308 : vector<16xi32>
            %add3A_1374 = arith.constant 7168 : i32
            %add3A_1375 = vector.broadcast %add3A_1374 : i32 to vector<16xi32>
            %add3A_1376 = arith.addi %add3A_1375, %add3A_1308 : vector<16xi32>
            %add3A_1377 = arith.constant 7680 : i32
            %add3A_1378 = vector.broadcast %add3A_1377 : i32 to vector<16xi32>
            %add3A_1379 = arith.addi %add3A_1378, %add3A_1308 : vector<16xi32>
            %add3A_1380 = arith.constant 0 : i32
            %add3A_1381 = vector.broadcast %add3A_1380 : i32 to vector<16xi32>
            %add3A_1382 = arith.addi %add3A_1381, %and3A_1331 : vector<16xi32>
            %gather3A_1383 = tpu.vector_load_idx %arg20[%add3A_1382] : memref<8192xf32, #tpu.memory_space<vmem>>[vector<16xi32>], vector<16xf32>,
            %add3A_1384 = arith.constant 512 : i32
            %add3A_1385 = vector.broadcast %add3A_1384 : i32 to vector<16xi32>
            %add3A_1386 = arith.addi %add3A_1385, %and3A_1331 : vector<16xi32>
            %gather3A_1387 = tpu.vector_load_idx %arg20[%add3A_1386] : memref<8192xf32, #tpu.memory_space<vmem>>[vector<16xi32>], vector<16xf32>,
            %add3A_1388 = arith.constant 1024 : i32
            %add3A_1389 = vector.broadcast %add3A_1388 : i32 to vector<16xi32>
            %add3A_1390 = arith.addi %add3A_1389, %and3A_1331 : vector<16xi32>
            %gather3A_1391 = tpu.vector_load_idx %arg20[%add3A_1390] : memref<8192xf32, #tpu.memory_space<vmem>>[vector<16xi32>], vector<16xf32>,
            %add3A_1392 = arith.constant 1536 : i32
            %add3A_1393 = vector.broadcast %add3A_1392 : i32 to vector<16xi32>
            %add3A_1394 = arith.addi %add3A_1393, %and3A_1331 : vector<16xi32>
            %gather3A_1395 = tpu.vector_load_idx %arg20[%add3A_1394] : memref<8192xf32, #tpu.memory_space<vmem>>[vector<16xi32>], vector<16xf32>,
            %add3A_1396 = arith.constant 2048 : i32
            %add3A_1397 = vector.broadcast %add3A_1396 : i32 to vector<16xi32>
            %add3A_1398 = arith.addi %add3A_1397, %and3A_1331 : vector<16xi32>
            %gather3A_1399 = tpu.vector_load_idx %arg20[%add3A_1398] : memref<8192xf32, #tpu.memory_space<vmem>>[vector<16xi32>], vector<16xf32>,
            %add3A_1400 = arith.constant 2560 : i32
            %add3A_1401 = vector.broadcast %add3A_1400 : i32 to vector<16xi32>
            %add3A_1402 = arith.addi %add3A_1401, %and3A_1331 : vector<16xi32>
            %gather3A_1403 = tpu.vector_load_idx %arg20[%add3A_1402] : memref<8192xf32, #tpu.memory_space<vmem>>[vector<16xi32>], vector<16xf32>,
            %add3A_1404 = arith.constant 3072 : i32
            %add3A_1405 = vector.broadcast %add3A_1404 : i32 to vector<16xi32>
            %add3A_1406 = arith.addi %add3A_1405, %and3A_1331 : vector<16xi32>
            %gather3A_1407 = tpu.vector_load_idx %arg20[%add3A_1406] : memref<8192xf32, #tpu.memory_space<vmem>>[vector<16xi32>], vector<16xf32>,
            %add3A_1408 = arith.constant 3584 : i32
            %add3A_1409 = vector.broadcast %add3A_1408 : i32 to vector<16xi32>
            %add3A_1410 = arith.addi %add3A_1409, %and3A_1331 : vector<16xi32>
            %gather3A_1411 = tpu.vector_load_idx %arg20[%add3A_1410] : memref<8192xf32, #tpu.memory_space<vmem>>[vector<16xi32>], vector<16xf32>,
            %add3A_1412 = arith.constant 4096 : i32
            %add3A_1413 = vector.broadcast %add3A_1412 : i32 to vector<16xi32>
            %add3A_1414 = arith.addi %add3A_1413, %and3A_1331 : vector<16xi32>
            %gather3A_1415 = tpu.vector_load_idx %arg20[%add3A_1414] : memref<8192xf32, #tpu.memory_space<vmem>>[vector<16xi32>], vector<16xf32>,
            %add3A_1416 = arith.constant 4608 : i32
            %add3A_1417 = vector.broadcast %add3A_1416 : i32 to vector<16xi32>
            %add3A_1418 = arith.addi %add3A_1417, %and3A_1331 : vector<16xi32>
            %gather3A_1419 = tpu.vector_load_idx %arg20[%add3A_1418] : memref<8192xf32, #tpu.memory_space<vmem>>[vector<16xi32>], vector<16xf32>,
            %add3A_1420 = arith.constant 5120 : i32
            %add3A_1421 = vector.broadcast %add3A_1420 : i32 to vector<16xi32>
            %add3A_1422 = arith.addi %add3A_1421, %and3A_1331 : vector<16xi32>
            %gather3A_1423 = tpu.vector_load_idx %arg20[%add3A_1422] : memref<8192xf32, #tpu.memory_space<vmem>>[vector<16xi32>], vector<16xf32>,
            %add3A_1424 = arith.constant 5632 : i32
            %add3A_1425 = vector.broadcast %add3A_1424 : i32 to vector<16xi32>
            %add3A_1426 = arith.addi %add3A_1425, %and3A_1331 : vector<16xi32>
            %gather3A_1427 = tpu.vector_load_idx %arg20[%add3A_1426] : memref<8192xf32, #tpu.memory_space<vmem>>[vector<16xi32>], vector<16xf32>,
            %add3A_1428 = arith.constant 6144 : i32
            %add3A_1429 = vector.broadcast %add3A_1428 : i32 to vector<16xi32>
            %add3A_1430 = arith.addi %add3A_1429, %and3A_1331 : vector<16xi32>
            %gather3A_1431 = tpu.vector_load_idx %arg20[%add3A_1430] : memref<8192xf32, #tpu.memory_space<vmem>>[vector<16xi32>], vector<16xf32>,
            %add3A_1432 = arith.constant 6656 : i32
            %add3A_1433 = vector.broadcast %add3A_1432 : i32 to vector<16xi32>
            %add3A_1434 = arith.addi %add3A_1433, %and3A_1331 : vector<16xi32>
            %gather3A_1435 = tpu.vector_load_idx %arg20[%add3A_1434] : memref<8192xf32, #tpu.memory_space<vmem>>[vector<16xi32>], vector<16xf32>,
            %add3A_1436 = arith.constant 7168 : i32
            %add3A_1437 = vector.broadcast %add3A_1436 : i32 to vector<16xi32>
            %add3A_1438 = arith.addi %add3A_1437, %and3A_1331 : vector<16xi32>
            %gather3A_1439 = tpu.vector_load_idx %arg20[%add3A_1438] : memref<8192xf32, #tpu.memory_space<vmem>>[vector<16xi32>], vector<16xf32>,
            %add3A_1440 = arith.constant 7680 : i32
            %add3A_1441 = vector.broadcast %add3A_1440 : i32 to vector<16xi32>
            %add3A_1442 = arith.addi %add3A_1441, %and3A_1331 : vector<16xi32>
            %gather3A_1443 = tpu.vector_load_idx %arg20[%add3A_1442] : memref<8192xf32, #tpu.memory_space<vmem>>[vector<16xi32>], vector<16xf32>,
            %gather3A_1444 = tpu.vector_load_idx %arg18[%add3A_1334] : memref<8192xf32, #tpu.memory_space<vmem>>[vector<16xi32>], vector<16xf32>,
            %gather3A_1445 = tpu.vector_load_idx %arg18[%add3A_1337] : memref<8192xf32, #tpu.memory_space<vmem>>[vector<16xi32>], vector<16xf32>,
            %gather3A_1446 = tpu.vector_load_idx %arg18[%add3A_1340] : memref<8192xf32, #tpu.memory_space<vmem>>[vector<16xi32>], vector<16xf32>,
            %gather3A_1447 = tpu.vector_load_idx %arg18[%add3A_1343] : memref<8192xf32, #tpu.memory_space<vmem>>[vector<16xi32>], vector<16xf32>,
            %gather3A_1448 = tpu.vector_load_idx %arg18[%add3A_1346] : memref<8192xf32, #tpu.memory_space<vmem>>[vector<16xi32>], vector<16xf32>,
            %gather3A_1449 = tpu.vector_load_idx %arg18[%add3A_1349] : memref<8192xf32, #tpu.memory_space<vmem>>[vector<16xi32>], vector<16xf32>,
            %gather3A_1450 = tpu.vector_load_idx %arg18[%add3A_1352] : memref<8192xf32, #tpu.memory_space<vmem>>[vector<16xi32>], vector<16xf32>,
            %gather3A_1451 = tpu.vector_load_idx %arg18[%add3A_1355] : memref<8192xf32, #tpu.memory_space<vmem>>[vector<16xi32>], vector<16xf32>,
            %gather3A_1452 = tpu.vector_load_idx %arg18[%add3A_1358] : memref<8192xf32, #tpu.memory_space<vmem>>[vector<16xi32>], vector<16xf32>,
            %gather3A_1453 = tpu.vector_load_idx %arg18[%add3A_1361] : memref<8192xf32, #tpu.memory_space<vmem>>[vector<16xi32>], vector<16xf32>,
            %gather3A_1454 = tpu.vector_load_idx %arg18[%add3A_1364] : memref<8192xf32, #tpu.memory_space<vmem>>[vector<16xi32>], vector<16xf32>,
            %gather3A_1455 = tpu.vector_load_idx %arg18[%add3A_1367] : memref<8192xf32, #tpu.memory_space<vmem>>[vector<16xi32>], vector<16xf32>,
            %gather3A_1456 = tpu.vector_load_idx %arg18[%add3A_1370] : memref<8192xf32, #tpu.memory_space<vmem>>[vector<16xi32>], vector<16xf32>,
            %gather3A_1457 = tpu.vector_load_idx %arg18[%add3A_1373] : memref<8192xf32, #tpu.memory_space<vmem>>[vector<16xi32>], vector<16xf32>,
            %gather3A_1458 = tpu.vector_load_idx %arg18[%add3A_1376] : memref<8192xf32, #tpu.memory_space<vmem>>[vector<16xi32>], vector<16xf32>,
            %gather3A_1459 = tpu.vector_load_idx %arg18[%add3A_1379] : memref<8192xf32, #tpu.memory_space<vmem>>[vector<16xi32>], vector<16xf32>,
            %add3A_1460 = arith.addf %gather3A_1383, %gather3A_1444 : vector<16xf32>
            %add3A_1461 = arith.addf %gather3A_1387, %gather3A_1445 : vector<16xf32>
            %add3A_1462 = arith.addf %gather3A_1391, %gather3A_1446 : vector<16xf32>
            %add3A_1463 = arith.addf %gather3A_1395, %gather3A_1447 : vector<16xf32>
            %add3A_1464 = arith.addf %gather3A_1399, %gather3A_1448 : vector<16xf32>
            %add3A_1465 = arith.addf %gather3A_1403, %gather3A_1449 : vector<16xf32>
            %add3A_1466 = arith.addf %gather3A_1407, %gather3A_1450 : vector<16xf32>
            %add3A_1467 = arith.addf %gather3A_1411, %gather3A_1451 : vector<16xf32>
            %add3A_1468 = arith.addf %gather3A_1415, %gather3A_1452 : vector<16xf32>
            %add3A_1469 = arith.addf %gather3A_1419, %gather3A_1453 : vector<16xf32>
            %add3A_1470 = arith.addf %gather3A_1423, %gather3A_1454 : vector<16xf32>
            %add3A_1471 = arith.addf %gather3A_1427, %gather3A_1455 : vector<16xf32>
            %add3A_1472 = arith.addf %gather3A_1431, %gather3A_1456 : vector<16xf32>
            %add3A_1473 = arith.addf %gather3A_1435, %gather3A_1457 : vector<16xf32>
            %add3A_1474 = arith.addf %gather3A_1439, %gather3A_1458 : vector<16xf32>
            %add3A_1475 = arith.addf %gather3A_1443, %gather3A_1459 : vector<16xf32>
            tpu.vector_store_idx %arg20[%add3A_1334], %add3A_1460 masked %eq3A_1313 : memref<8192xf32, #tpu.memory_space<vmem>>[vector<16xi32>], vector<16xf32>, vector<16xi1>
            tpu.vector_store_idx %arg20[%add3A_1337], %add3A_1461 masked %eq3A_1313 : memref<8192xf32, #tpu.memory_space<vmem>>[vector<16xi32>], vector<16xf32>, vector<16xi1>
            tpu.vector_store_idx %arg20[%add3A_1340], %add3A_1462 masked %eq3A_1313 : memref<8192xf32, #tpu.memory_space<vmem>>[vector<16xi32>], vector<16xf32>, vector<16xi1>
            tpu.vector_store_idx %arg20[%add3A_1343], %add3A_1463 masked %eq3A_1313 : memref<8192xf32, #tpu.memory_space<vmem>>[vector<16xi32>], vector<16xf32>, vector<16xi1>
            tpu.vector_store_idx %arg20[%add3A_1346], %add3A_1464 masked %eq3A_1313 : memref<8192xf32, #tpu.memory_space<vmem>>[vector<16xi32>], vector<16xf32>, vector<16xi1>
            tpu.vector_store_idx %arg20[%add3A_1349], %add3A_1465 masked %eq3A_1313 : memref<8192xf32, #tpu.memory_space<vmem>>[vector<16xi32>], vector<16xf32>, vector<16xi1>
            tpu.vector_store_idx %arg20[%add3A_1352], %add3A_1466 masked %eq3A_1313 : memref<8192xf32, #tpu.memory_space<vmem>>[vector<16xi32>], vector<16xf32>, vector<16xi1>
            tpu.vector_store_idx %arg20[%add3A_1355], %add3A_1467 masked %eq3A_1313 : memref<8192xf32, #tpu.memory_space<vmem>>[vector<16xi32>], vector<16xf32>, vector<16xi1>
            tpu.vector_store_idx %arg20[%add3A_1358], %add3A_1468 masked %eq3A_1313 : memref<8192xf32, #tpu.memory_space<vmem>>[vector<16xi32>], vector<16xf32>, vector<16xi1>
            tpu.vector_store_idx %arg20[%add3A_1361], %add3A_1469 masked %eq3A_1313 : memref<8192xf32, #tpu.memory_space<vmem>>[vector<16xi32>], vector<16xf32>, vector<16xi1>
            tpu.vector_store_idx %arg20[%add3A_1364], %add3A_1470 masked %eq3A_1313 : memref<8192xf32, #tpu.memory_space<vmem>>[vector<16xi32>], vector<16xf32>, vector<16xi1>
            tpu.vector_store_idx %arg20[%add3A_1367], %add3A_1471 masked %eq3A_1313 : memref<8192xf32, #tpu.memory_space<vmem>>[vector<16xi32>], vector<16xf32>, vector<16xi1>
            tpu.vector_store_idx %arg20[%add3A_1370], %add3A_1472 masked %eq3A_1313 : memref<8192xf32, #tpu.memory_space<vmem>>[vector<16xi32>], vector<16xf32>, vector<16xi1>
            tpu.vector_store_idx %arg20[%add3A_1373], %add3A_1473 masked %eq3A_1313 : memref<8192xf32, #tpu.memory_space<vmem>>[vector<16xi32>], vector<16xf32>, vector<16xi1>
            tpu.vector_store_idx %arg20[%add3A_1376], %add3A_1474 masked %eq3A_1313 : memref<8192xf32, #tpu.memory_space<vmem>>[vector<16xi32>], vector<16xf32>, vector<16xi1>
            tpu.vector_store_idx %arg20[%add3A_1379], %add3A_1475 masked %eq3A_1313 : memref<8192xf32, #tpu.memory_space<vmem>>[vector<16xi32>], vector<16xf32>, vector<16xi1>
            %mul3A_1476 = vector.broadcast %squeeze3A_1294 : f32 to vector<16xf32>
            %mul3A_1477 = arith.mulf %add3A_1460, %mul3A_1476 : vector<16xf32>
            tpu.vector_store_idx %arg21[%add3A_1334], %mul3A_1477 masked %eq3A_1313 : memref<8192xf32, #tpu.memory_space<vmem>>[vector<16xi32>], vector<16xf32>, vector<16xi1>
            %mul3A_1478 = vector.broadcast %squeeze3A_1294 : f32 to vector<16xf32>
            %mul3A_1479 = arith.mulf %add3A_1461, %mul3A_1478 : vector<16xf32>
            tpu.vector_store_idx %arg21[%add3A_1337], %mul3A_1479 masked %eq3A_1313 : memref<8192xf32, #tpu.memory_space<vmem>>[vector<16xi32>], vector<16xf32>, vector<16xi1>
            %mul3A_1480 = vector.broadcast %squeeze3A_1294 : f32 to vector<16xf32>
            %mul3A_1481 = arith.mulf %add3A_1462, %mul3A_1480 : vector<16xf32>
            tpu.vector_store_idx %arg21[%add3A_1340], %mul3A_1481 masked %eq3A_1313 : memref<8192xf32, #tpu.memory_space<vmem>>[vector<16xi32>], vector<16xf32>, vector<16xi1>
            %mul3A_1482 = vector.broadcast %squeeze3A_1294 : f32 to vector<16xf32>
            %mul3A_1483 = arith.mulf %add3A_1463, %mul3A_1482 : vector<16xf32>
            tpu.vector_store_idx %arg21[%add3A_1343], %mul3A_1483 masked %eq3A_1313 : memref<8192xf32, #tpu.memory_space<vmem>>[vector<16xi32>], vector<16xf32>, vector<16xi1>
            %mul3A_1484 = vector.broadcast %squeeze3A_1294 : f32 to vector<16xf32>
            %mul3A_1485 = arith.mulf %add3A_1464, %mul3A_1484 : vector<16xf32>
            tpu.vector_store_idx %arg21[%add3A_1346], %mul3A_1485 masked %eq3A_1313 : memref<8192xf32, #tpu.memory_space<vmem>>[vector<16xi32>], vector<16xf32>, vector<16xi1>
            %mul3A_1486 = vector.broadcast %squeeze3A_1294 : f32 to vector<16xf32>
            %mul3A_1487 = arith.mulf %add3A_1465, %mul3A_1486 : vector<16xf32>
            tpu.vector_store_idx %arg21[%add3A_1349], %mul3A_1487 masked %eq3A_1313 : memref<8192xf32, #tpu.memory_space<vmem>>[vector<16xi32>], vector<16xf32>, vector<16xi1>
            %mul3A_1488 = vector.broadcast %squeeze3A_1294 : f32 to vector<16xf32>
            %mul3A_1489 = arith.mulf %add3A_1466, %mul3A_1488 : vector<16xf32>
            tpu.vector_store_idx %arg21[%add3A_1352], %mul3A_1489 masked %eq3A_1313 : memref<8192xf32, #tpu.memory_space<vmem>>[vector<16xi32>], vector<16xf32>, vector<16xi1>
            %mul3A_1490 = vector.broadcast %squeeze3A_1294 : f32 to vector<16xf32>
            %mul3A_1491 = arith.mulf %add3A_1467, %mul3A_1490 : vector<16xf32>
            tpu.vector_store_idx %arg21[%add3A_1355], %mul3A_1491 masked %eq3A_1313 : memref<8192xf32, #tpu.memory_space<vmem>>[vector<16xi32>], vector<16xf32>, vector<16xi1>
            %mul3A_1492 = vector.broadcast %squeeze3A_1294 : f32 to vector<16xf32>
            %mul3A_1493 = arith.mulf %add3A_1468, %mul3A_1492 : vector<16xf32>
            tpu.vector_store_idx %arg21[%add3A_1358], %mul3A_1493 masked %eq3A_1313 : memref<8192xf32, #tpu.memory_space<vmem>>[vector<16xi32>], vector<16xf32>, vector<16xi1>
            %mul3A_1494 = vector.broadcast %squeeze3A_1294 : f32 to vector<16xf32>
            %mul3A_1495 = arith.mulf %add3A_1469, %mul3A_1494 : vector<16xf32>
            tpu.vector_store_idx %arg21[%add3A_1361], %mul3A_1495 masked %eq3A_1313 : memref<8192xf32, #tpu.memory_space<vmem>>[vector<16xi32>], vector<16xf32>, vector<16xi1>
            %mul3A_1496 = vector.broadcast %squeeze3A_1294 : f32 to vector<16xf32>
            %mul3A_1497 = arith.mulf %add3A_1470, %mul3A_1496 : vector<16xf32>
            tpu.vector_store_idx %arg21[%add3A_1364], %mul3A_1497 masked %eq3A_1313 : memref<8192xf32, #tpu.memory_space<vmem>>[vector<16xi32>], vector<16xf32>, vector<16xi1>
            %mul3A_1498 = vector.broadcast %squeeze3A_1294 : f32 to vector<16xf32>
            %mul3A_1499 = arith.mulf %add3A_1471, %mul3A_1498 : vector<16xf32>
            tpu.vector_store_idx %arg21[%add3A_1367], %mul3A_1499 masked %eq3A_1313 : memref<8192xf32, #tpu.memory_space<vmem>>[vector<16xi32>], vector<16xf32>, vector<16xi1>
            %mul3A_1500 = vector.broadcast %squeeze3A_1294 : f32 to vector<16xf32>
            %mul3A_1501 = arith.mulf %add3A_1472, %mul3A_1500 : vector<16xf32>
            tpu.vector_store_idx %arg21[%add3A_1370], %mul3A_1501 masked %eq3A_1313 : memref<8192xf32, #tpu.memory_space<vmem>>[vector<16xi32>], vector<16xf32>, vector<16xi1>
            %mul3A_1502 = vector.broadcast %squeeze3A_1294 : f32 to vector<16xf32>
            %mul3A_1503 = arith.mulf %add3A_1473, %mul3A_1502 : vector<16xf32>
            tpu.vector_store_idx %arg21[%add3A_1373], %mul3A_1503 masked %eq3A_1313 : memref<8192xf32, #tpu.memory_space<vmem>>[vector<16xi32>], vector<16xf32>, vector<16xi1>
            %mul3A_1504 = vector.broadcast %squeeze3A_1294 : f32 to vector<16xf32>
            %mul3A_1505 = arith.mulf %add3A_1474, %mul3A_1504 : vector<16xf32>
            tpu.vector_store_idx %arg21[%add3A_1376], %mul3A_1505 masked %eq3A_1313 : memref<8192xf32, #tpu.memory_space<vmem>>[vector<16xi32>], vector<16xf32>, vector<16xi1>
            %mul3A_1506 = vector.broadcast %squeeze3A_1294 : f32 to vector<16xf32>
            %mul3A_1507 = arith.mulf %add3A_1475, %mul3A_1506 : vector<16xf32>
            tpu.vector_store_idx %arg21[%add3A_1379], %mul3A_1507 masked %eq3A_1313 : memref<8192xf32, #tpu.memory_space<vmem>>[vector<16xi32>], vector<16xf32>, vector<16xi1>
            %cond3A_1508 = arith.constant 0 : i32
            scf.yield %cond3A_1508 : i32
          } else {
            %cond3A_1329 = arith.constant 0 : i32
            scf.yield %cond3A_1329 : i32
          }
          scf.yield %cond3A_1328 : i32
        }
        %scan3A_1301 = arith.constant 32 : i32
        %while3A_1302 = arith.constant 0 : i32
        scf.yield %while3A_1302 : i32
      }
      %while3A_1286 = arith.constant 1 : i32
      %while3A_1287 = scf.for %while3A_1289 = %while3A_1283 to %while3A_1279 step %while3A_1286 iter_args(%while3A_1290 = %while3A_1285) -> (i32)  : i32 {
        %broadcast_in_dim3A_1291 = vector.broadcast %while3A_1289 : i32 to vector<16xi32>
        %gather3A_1292 = tpu.vector_load_idx %arg22[%broadcast_in_dim3A_1291] : memref<512xf32, #tpu.memory_space<vmem>>[vector<16xi32>], vector<16xf32>,
        %slice3A_1293 = vector.extract_strided_slice %gather3A_1292 {offsets = [0], sizes = [1], strides = [1]} : vector<16xf32> to vector<1xf32>
        %squeeze3A_1294 = vector.extract %slice3A_1293[0] : f32 from vector<1xf32>
        %scan3A_1295 = arith.constant 0 : i32
        %scan3A_1296 = arith.constant 0 : i32
        %scan3A_1297 = arith.constant 32 : i32
        %scan3A_1298 = arith.addi %scan3A_1296, %scan3A_1297 : i32
        %scan3A_1299 = arith.constant 1 : i32
        %scan3A_1300 = scf.for %scan3A_1303 = %scan3A_1296 to %scan3A_1298 step %scan3A_1299 iter_args(%scan3A_1304 = %scan3A_1295) -> (i32)  : i32 {
          %mul3A_1305 = arith.constant 16 : i32
          %mul3A_1306 = arith.muli %scan3A_1303, %mul3A_1305 : i32
          %add3A_1307 = vector.broadcast %mul3A_1306 : i32 to vector<16xi32>
          %add3A_1308 = arith.addi %add3A_1307, %iota3A : vector<16xi32>
          %gather3A_1309 = tpu.vector_load_idx %arg19[%add3A_1308] : memref<512xi32, #tpu.memory_space<vmem>>[vector<16xi32>], vector<16xi32>,
          %shift_right_arithmetic3A = arith.constant 16 : i32
          %shift_right_arithmetic3A_1310 = vector.broadcast %shift_right_arithmetic3A : i32 to vector<16xi32>
          %shift_right_arithmetic3A_1311 = arith.shrsi %gather3A_1309, %shift_right_arithmetic3A_1310 : vector<16xi32>
          %eq3A_1312 = vector.broadcast %while3A_1289 : i32 to vector<16xi32>
          %eq3A_1313 = arith.cmpi eq, %shift_right_arithmetic3A_1311, %eq3A_1312 : vector<16xi32>
          %reduce_or3A = arith.constant 1.000000e+00 : f32
          %reduce_or3A_1314 = arith.constant 0.000000e+00 : f32
          %reduce_or3A_1315 = vector.broadcast %reduce_or3A : f32 to vector<16xf32>
          %reduce_or3A_1316 = vector.broadcast %reduce_or3A_1314 : f32 to vector<16xf32>
          %reduce_or3A_1317 = arith.select %eq3A_1313, %reduce_or3A_1315, %reduce_or3A_1316 : vector<16xi1>, vector<16xf32>
          %reduce_or3A_1318 = arith.constant true
          %reduce_or3A_1319 = vector.broadcast %reduce_or3A_1318 : i1 to vector<16xi1>
          %reduce_or3A_1320 = tpu.scan <max>, %reduce_or3A_1317 masked %reduce_or3A_1319 : vector<16xf32>, vector<16xi1> -> vector<16xf32>
          %reduce_or3A_1321 = vector.extract %reduce_or3A_1320[15] : f32 from vector<16xf32>
          %reduce_or3A_1322 = arith.constant 0.000000e+00 : f32
          %reduce_or3A_1323 = arith.cmpf ogt, %reduce_or3A_1321, %reduce_or3A_1322 : f32
          %convert_element_type3A_1324 = arith.extui %reduce_or3A_1323 : i1 to i32
          %cond3A_1325 = arith.constant 0 : i32
          %cond3A_1326 = arith.constant 0 : i32
          %cond3A_1327 = arith.cmpi ne, %convert_element_type3A_1324, %cond3A_1326 : i32
          %cond3A_1328 = scf.if %cond3A_1327 -> (i32) {
            %and3A_1329 = arith.constant 511 : i32
            %and3A_1330 = vector.broadcast %and3A_1329 : i32 to vector<16xi32>
            %and3A_1331 = arith.andi %gather3A_1309, %and3A_1330 : vector<16xi32>
            %add3A_1332 = arith.constant 0 : i32
            %add3A_1333 = vector.broadcast %add3A_1332 : i32 to vector<16xi32>
            %add3A_1334 = arith.addi %add3A_1333, %add3A_1308 : vector<16xi32>
            %add3A_1335 = arith.constant 512 : i32
            %add3A_1336 = vector.broadcast %add3A_1335 : i32 to vector<16xi32>
            %add3A_1337 = arith.addi %add3A_1336, %add3A_1308 : vector<16xi32>
            %add3A_1338 = arith.constant 1024 : i32
            %add3A_1339 = vector.broadcast %add3A_1338 : i32 to vector<16xi32>
            %add3A_1340 = arith.addi %add3A_1339, %add3A_1308 : vector<16xi32>
            %add3A_1341 = arith.constant 1536 : i32
            %add3A_1342 = vector.broadcast %add3A_1341 : i32 to vector<16xi32>
            %add3A_1343 = arith.addi %add3A_1342, %add3A_1308 : vector<16xi32>
            %add3A_1344 = arith.constant 2048 : i32
            %add3A_1345 = vector.broadcast %add3A_1344 : i32 to vector<16xi32>
            %add3A_1346 = arith.addi %add3A_1345, %add3A_1308 : vector<16xi32>
            %add3A_1347 = arith.constant 2560 : i32
            %add3A_1348 = vector.broadcast %add3A_1347 : i32 to vector<16xi32>
            %add3A_1349 = arith.addi %add3A_1348, %add3A_1308 : vector<16xi32>
            %add3A_1350 = arith.constant 3072 : i32
            %add3A_1351 = vector.broadcast %add3A_1350 : i32 to vector<16xi32>
            %add3A_1352 = arith.addi %add3A_1351, %add3A_1308 : vector<16xi32>
            %add3A_1353 = arith.constant 3584 : i32
            %add3A_1354 = vector.broadcast %add3A_1353 : i32 to vector<16xi32>
            %add3A_1355 = arith.addi %add3A_1354, %add3A_1308 : vector<16xi32>
            %add3A_1356 = arith.constant 4096 : i32
            %add3A_1357 = vector.broadcast %add3A_1356 : i32 to vector<16xi32>
            %add3A_1358 = arith.addi %add3A_1357, %add3A_1308 : vector<16xi32>
            %add3A_1359 = arith.constant 4608 : i32
            %add3A_1360 = vector.broadcast %add3A_1359 : i32 to vector<16xi32>
            %add3A_1361 = arith.addi %add3A_1360, %add3A_1308 : vector<16xi32>
            %add3A_1362 = arith.constant 5120 : i32
            %add3A_1363 = vector.broadcast %add3A_1362 : i32 to vector<16xi32>
            %add3A_1364 = arith.addi %add3A_1363, %add3A_1308 : vector<16xi32>
            %add3A_1365 = arith.constant 5632 : i32
            %add3A_1366 = vector.broadcast %add3A_1365 : i32 to vector<16xi32>
            %add3A_1367 = arith.addi %add3A_1366, %add3A_1308 : vector<16xi32>
            %add3A_1368 = arith.constant 6144 : i32
            %add3A_1369 = vector.broadcast %add3A_1368 : i32 to vector<16xi32>
            %add3A_1370 = arith.addi %add3A_1369, %add3A_1308 : vector<16xi32>
            %add3A_1371 = arith.constant 6656 : i32
            %add3A_1372 = vector.broadcast %add3A_1371 : i32 to vector<16xi32>
            %add3A_1373 = arith.addi %add3A_1372, %add3A_1308 : vector<16xi32>
            %add3A_1374 = arith.constant 7168 : i32
            %add3A_1375 = vector.broadcast %add3A_1374 : i32 to vector<16xi32>
            %add3A_1376 = arith.addi %add3A_1375, %add3A_1308 : vector<16xi32>
            %add3A_1377 = arith.constant 7680 : i32
            %add3A_1378 = vector.broadcast %add3A_1377 : i32 to vector<16xi32>
            %add3A_1379 = arith.addi %add3A_1378, %add3A_1308 : vector<16xi32>
            %add3A_1380 = arith.constant 0 : i32
            %add3A_1381 = vector.broadcast %add3A_1380 : i32 to vector<16xi32>
            %add3A_1382 = arith.addi %add3A_1381, %and3A_1331 : vector<16xi32>
            %gather3A_1383 = tpu.vector_load_idx %arg20[%add3A_1382] : memref<8192xf32, #tpu.memory_space<vmem>>[vector<16xi32>], vector<16xf32>,
            %add3A_1384 = arith.constant 512 : i32
            %add3A_1385 = vector.broadcast %add3A_1384 : i32 to vector<16xi32>
            %add3A_1386 = arith.addi %add3A_1385, %and3A_1331 : vector<16xi32>
            %gather3A_1387 = tpu.vector_load_idx %arg20[%add3A_1386] : memref<8192xf32, #tpu.memory_space<vmem>>[vector<16xi32>], vector<16xf32>,
            %add3A_1388 = arith.constant 1024 : i32
            %add3A_1389 = vector.broadcast %add3A_1388 : i32 to vector<16xi32>
            %add3A_1390 = arith.addi %add3A_1389, %and3A_1331 : vector<16xi32>
            %gather3A_1391 = tpu.vector_load_idx %arg20[%add3A_1390] : memref<8192xf32, #tpu.memory_space<vmem>>[vector<16xi32>], vector<16xf32>,
            %add3A_1392 = arith.constant 1536 : i32
            %add3A_1393 = vector.broadcast %add3A_1392 : i32 to vector<16xi32>
            %add3A_1394 = arith.addi %add3A_1393, %and3A_1331 : vector<16xi32>
            %gather3A_1395 = tpu.vector_load_idx %arg20[%add3A_1394] : memref<8192xf32, #tpu.memory_space<vmem>>[vector<16xi32>], vector<16xf32>,
            %add3A_1396 = arith.constant 2048 : i32
            %add3A_1397 = vector.broadcast %add3A_1396 : i32 to vector<16xi32>
            %add3A_1398 = arith.addi %add3A_1397, %and3A_1331 : vector<16xi32>
            %gather3A_1399 = tpu.vector_load_idx %arg20[%add3A_1398] : memref<8192xf32, #tpu.memory_space<vmem>>[vector<16xi32>], vector<16xf32>,
            %add3A_1400 = arith.constant 2560 : i32
            %add3A_1401 = vector.broadcast %add3A_1400 : i32 to vector<16xi32>
            %add3A_1402 = arith.addi %add3A_1401, %and3A_1331 : vector<16xi32>
            %gather3A_1403 = tpu.vector_load_idx %arg20[%add3A_1402] : memref<8192xf32, #tpu.memory_space<vmem>>[vector<16xi32>], vector<16xf32>,
            %add3A_1404 = arith.constant 3072 : i32
            %add3A_1405 = vector.broadcast %add3A_1404 : i32 to vector<16xi32>
            %add3A_1406 = arith.addi %add3A_1405, %and3A_1331 : vector<16xi32>
            %gather3A_1407 = tpu.vector_load_idx %arg20[%add3A_1406] : memref<8192xf32, #tpu.memory_space<vmem>>[vector<16xi32>], vector<16xf32>,
            %add3A_1408 = arith.constant 3584 : i32
            %add3A_1409 = vector.broadcast %add3A_1408 : i32 to vector<16xi32>
            %add3A_1410 = arith.addi %add3A_1409, %and3A_1331 : vector<16xi32>
            %gather3A_1411 = tpu.vector_load_idx %arg20[%add3A_1410] : memref<8192xf32, #tpu.memory_space<vmem>>[vector<16xi32>], vector<16xf32>,
            %add3A_1412 = arith.constant 4096 : i32
            %add3A_1413 = vector.broadcast %add3A_1412 : i32 to vector<16xi32>
            %add3A_1414 = arith.addi %add3A_1413, %and3A_1331 : vector<16xi32>
            %gather3A_1415 = tpu.vector_load_idx %arg20[%add3A_1414] : memref<8192xf32, #tpu.memory_space<vmem>>[vector<16xi32>], vector<16xf32>,
            %add3A_1416 = arith.constant 4608 : i32
            %add3A_1417 = vector.broadcast %add3A_1416 : i32 to vector<16xi32>
            %add3A_1418 = arith.addi %add3A_1417, %and3A_1331 : vector<16xi32>
            %gather3A_1419 = tpu.vector_load_idx %arg20[%add3A_1418] : memref<8192xf32, #tpu.memory_space<vmem>>[vector<16xi32>], vector<16xf32>,
            %add3A_1420 = arith.constant 5120 : i32
            %add3A_1421 = vector.broadcast %add3A_1420 : i32 to vector<16xi32>
            %add3A_1422 = arith.addi %add3A_1421, %and3A_1331 : vector<16xi32>
            %gather3A_1423 = tpu.vector_load_idx %arg20[%add3A_1422] : memref<8192xf32, #tpu.memory_space<vmem>>[vector<16xi32>], vector<16xf32>,
            %add3A_1424 = arith.constant 5632 : i32
            %add3A_1425 = vector.broadcast %add3A_1424 : i32 to vector<16xi32>
            %add3A_1426 = arith.addi %add3A_1425, %and3A_1331 : vector<16xi32>
            %gather3A_1427 = tpu.vector_load_idx %arg20[%add3A_1426] : memref<8192xf32, #tpu.memory_space<vmem>>[vector<16xi32>], vector<16xf32>,
            %add3A_1428 = arith.constant 6144 : i32
            %add3A_1429 = vector.broadcast %add3A_1428 : i32 to vector<16xi32>
            %add3A_1430 = arith.addi %add3A_1429, %and3A_1331 : vector<16xi32>
            %gather3A_1431 = tpu.vector_load_idx %arg20[%add3A_1430] : memref<8192xf32, #tpu.memory_space<vmem>>[vector<16xi32>], vector<16xf32>,
            %add3A_1432 = arith.constant 6656 : i32
            %add3A_1433 = vector.broadcast %add3A_1432 : i32 to vector<16xi32>
            %add3A_1434 = arith.addi %add3A_1433, %and3A_1331 : vector<16xi32>
            %gather3A_1435 = tpu.vector_load_idx %arg20[%add3A_1434] : memref<8192xf32, #tpu.memory_space<vmem>>[vector<16xi32>], vector<16xf32>,
            %add3A_1436 = arith.constant 7168 : i32
            %add3A_1437 = vector.broadcast %add3A_1436 : i32 to vector<16xi32>
            %add3A_1438 = arith.addi %add3A_1437, %and3A_1331 : vector<16xi32>
            %gather3A_1439 = tpu.vector_load_idx %arg20[%add3A_1438] : memref<8192xf32, #tpu.memory_space<vmem>>[vector<16xi32>], vector<16xf32>,
            %add3A_1440 = arith.constant 7680 : i32
            %add3A_1441 = vector.broadcast %add3A_1440 : i32 to vector<16xi32>
            %add3A_1442 = arith.addi %add3A_1441, %and3A_1331 : vector<16xi32>
            %gather3A_1443 = tpu.vector_load_idx %arg20[%add3A_1442] : memref<8192xf32, #tpu.memory_space<vmem>>[vector<16xi32>], vector<16xf32>,
            %gather3A_1444 = tpu.vector_load_idx %arg18[%add3A_1334] : memref<8192xf32, #tpu.memory_space<vmem>>[vector<16xi32>], vector<16xf32>,
            %gather3A_1445 = tpu.vector_load_idx %arg18[%add3A_1337] : memref<8192xf32, #tpu.memory_space<vmem>>[vector<16xi32>], vector<16xf32>,
            %gather3A_1446 = tpu.vector_load_idx %arg18[%add3A_1340] : memref<8192xf32, #tpu.memory_space<vmem>>[vector<16xi32>], vector<16xf32>,
            %gather3A_1447 = tpu.vector_load_idx %arg18[%add3A_1343] : memref<8192xf32, #tpu.memory_space<vmem>>[vector<16xi32>], vector<16xf32>,
            %gather3A_1448 = tpu.vector_load_idx %arg18[%add3A_1346] : memref<8192xf32, #tpu.memory_space<vmem>>[vector<16xi32>], vector<16xf32>,
            %gather3A_1449 = tpu.vector_load_idx %arg18[%add3A_1349] : memref<8192xf32, #tpu.memory_space<vmem>>[vector<16xi32>], vector<16xf32>,
            %gather3A_1450 = tpu.vector_load_idx %arg18[%add3A_1352] : memref<8192xf32, #tpu.memory_space<vmem>>[vector<16xi32>], vector<16xf32>,
            %gather3A_1451 = tpu.vector_load_idx %arg18[%add3A_1355] : memref<8192xf32, #tpu.memory_space<vmem>>[vector<16xi32>], vector<16xf32>,
            %gather3A_1452 = tpu.vector_load_idx %arg18[%add3A_1358] : memref<8192xf32, #tpu.memory_space<vmem>>[vector<16xi32>], vector<16xf32>,
            %gather3A_1453 = tpu.vector_load_idx %arg18[%add3A_1361] : memref<8192xf32, #tpu.memory_space<vmem>>[vector<16xi32>], vector<16xf32>,
            %gather3A_1454 = tpu.vector_load_idx %arg18[%add3A_1364] : memref<8192xf32, #tpu.memory_space<vmem>>[vector<16xi32>], vector<16xf32>,
            %gather3A_1455 = tpu.vector_load_idx %arg18[%add3A_1367] : memref<8192xf32, #tpu.memory_space<vmem>>[vector<16xi32>], vector<16xf32>,
            %gather3A_1456 = tpu.vector_load_idx %arg18[%add3A_1370] : memref<8192xf32, #tpu.memory_space<vmem>>[vector<16xi32>], vector<16xf32>,
            %gather3A_1457 = tpu.vector_load_idx %arg18[%add3A_1373] : memref<8192xf32, #tpu.memory_space<vmem>>[vector<16xi32>], vector<16xf32>,
            %gather3A_1458 = tpu.vector_load_idx %arg18[%add3A_1376] : memref<8192xf32, #tpu.memory_space<vmem>>[vector<16xi32>], vector<16xf32>,
            %gather3A_1459 = tpu.vector_load_idx %arg18[%add3A_1379] : memref<8192xf32, #tpu.memory_space<vmem>>[vector<16xi32>], vector<16xf32>,
            %add3A_1460 = arith.addf %gather3A_1383, %gather3A_1444 : vector<16xf32>
            %add3A_1461 = arith.addf %gather3A_1387, %gather3A_1445 : vector<16xf32>
            %add3A_1462 = arith.addf %gather3A_1391, %gather3A_1446 : vector<16xf32>
            %add3A_1463 = arith.addf %gather3A_1395, %gather3A_1447 : vector<16xf32>
            %add3A_1464 = arith.addf %gather3A_1399, %gather3A_1448 : vector<16xf32>
            %add3A_1465 = arith.addf %gather3A_1403, %gather3A_1449 : vector<16xf32>
            %add3A_1466 = arith.addf %gather3A_1407, %gather3A_1450 : vector<16xf32>
            %add3A_1467 = arith.addf %gather3A_1411, %gather3A_1451 : vector<16xf32>
            %add3A_1468 = arith.addf %gather3A_1415, %gather3A_1452 : vector<16xf32>
            %add3A_1469 = arith.addf %gather3A_1419, %gather3A_1453 : vector<16xf32>
            %add3A_1470 = arith.addf %gather3A_1423, %gather3A_1454 : vector<16xf32>
            %add3A_1471 = arith.addf %gather3A_1427, %gather3A_1455 : vector<16xf32>
            %add3A_1472 = arith.addf %gather3A_1431, %gather3A_1456 : vector<16xf32>
            %add3A_1473 = arith.addf %gather3A_1435, %gather3A_1457 : vector<16xf32>
            %add3A_1474 = arith.addf %gather3A_1439, %gather3A_1458 : vector<16xf32>
            %add3A_1475 = arith.addf %gather3A_1443, %gather3A_1459 : vector<16xf32>
            tpu.vector_store_idx %arg20[%add3A_1334], %add3A_1460 masked %eq3A_1313 : memref<8192xf32, #tpu.memory_space<vmem>>[vector<16xi32>], vector<16xf32>, vector<16xi1>
            tpu.vector_store_idx %arg20[%add3A_1337], %add3A_1461 masked %eq3A_1313 : memref<8192xf32, #tpu.memory_space<vmem>>[vector<16xi32>], vector<16xf32>, vector<16xi1>
            tpu.vector_store_idx %arg20[%add3A_1340], %add3A_1462 masked %eq3A_1313 : memref<8192xf32, #tpu.memory_space<vmem>>[vector<16xi32>], vector<16xf32>, vector<16xi1>
            tpu.vector_store_idx %arg20[%add3A_1343], %add3A_1463 masked %eq3A_1313 : memref<8192xf32, #tpu.memory_space<vmem>>[vector<16xi32>], vector<16xf32>, vector<16xi1>
            tpu.vector_store_idx %arg20[%add3A_1346], %add3A_1464 masked %eq3A_1313 : memref<8192xf32, #tpu.memory_space<vmem>>[vector<16xi32>], vector<16xf32>, vector<16xi1>
            tpu.vector_store_idx %arg20[%add3A_1349], %add3A_1465 masked %eq3A_1313 : memref<8192xf32, #tpu.memory_space<vmem>>[vector<16xi32>], vector<16xf32>, vector<16xi1>
            tpu.vector_store_idx %arg20[%add3A_1352], %add3A_1466 masked %eq3A_1313 : memref<8192xf32, #tpu.memory_space<vmem>>[vector<16xi32>], vector<16xf32>, vector<16xi1>
            tpu.vector_store_idx %arg20[%add3A_1355], %add3A_1467 masked %eq3A_1313 : memref<8192xf32, #tpu.memory_space<vmem>>[vector<16xi32>], vector<16xf32>, vector<16xi1>
            tpu.vector_store_idx %arg20[%add3A_1358], %add3A_1468 masked %eq3A_1313 : memref<8192xf32, #tpu.memory_space<vmem>>[vector<16xi32>], vector<16xf32>, vector<16xi1>
            tpu.vector_store_idx %arg20[%add3A_1361], %add3A_1469 masked %eq3A_1313 : memref<8192xf32, #tpu.memory_space<vmem>>[vector<16xi32>], vector<16xf32>, vector<16xi1>
            tpu.vector_store_idx %arg20[%add3A_1364], %add3A_1470 masked %eq3A_1313 : memref<8192xf32, #tpu.memory_space<vmem>>[vector<16xi32>], vector<16xf32>, vector<16xi1>
            tpu.vector_store_idx %arg20[%add3A_1367], %add3A_1471 masked %eq3A_1313 : memref<8192xf32, #tpu.memory_space<vmem>>[vector<16xi32>], vector<16xf32>, vector<16xi1>
            tpu.vector_store_idx %arg20[%add3A_1370], %add3A_1472 masked %eq3A_1313 : memref<8192xf32, #tpu.memory_space<vmem>>[vector<16xi32>], vector<16xf32>, vector<16xi1>
            tpu.vector_store_idx %arg20[%add3A_1373], %add3A_1473 masked %eq3A_1313 : memref<8192xf32, #tpu.memory_space<vmem>>[vector<16xi32>], vector<16xf32>, vector<16xi1>
            tpu.vector_store_idx %arg20[%add3A_1376], %add3A_1474 masked %eq3A_1313 : memref<8192xf32, #tpu.memory_space<vmem>>[vector<16xi32>], vector<16xf32>, vector<16xi1>
            tpu.vector_store_idx %arg20[%add3A_1379], %add3A_1475 masked %eq3A_1313 : memref<8192xf32, #tpu.memory_space<vmem>>[vector<16xi32>], vector<16xf32>, vector<16xi1>
            %mul3A_1476 = vector.broadcast %squeeze3A_1294 : f32 to vector<16xf32>
            %mul3A_1477 = arith.mulf %add3A_1460, %mul3A_1476 : vector<16xf32>
            tpu.vector_store_idx %arg21[%add3A_1334], %mul3A_1477 masked %eq3A_1313 : memref<8192xf32, #tpu.memory_space<vmem>>[vector<16xi32>], vector<16xf32>, vector<16xi1>
            %mul3A_1478 = vector.broadcast %squeeze3A_1294 : f32 to vector<16xf32>
            %mul3A_1479 = arith.mulf %add3A_1461, %mul3A_1478 : vector<16xf32>
            tpu.vector_store_idx %arg21[%add3A_1337], %mul3A_1479 masked %eq3A_1313 : memref<8192xf32, #tpu.memory_space<vmem>>[vector<16xi32>], vector<16xf32>, vector<16xi1>
            %mul3A_1480 = vector.broadcast %squeeze3A_1294 : f32 to vector<16xf32>
            %mul3A_1481 = arith.mulf %add3A_1462, %mul3A_1480 : vector<16xf32>
            tpu.vector_store_idx %arg21[%add3A_1340], %mul3A_1481 masked %eq3A_1313 : memref<8192xf32, #tpu.memory_space<vmem>>[vector<16xi32>], vector<16xf32>, vector<16xi1>
            %mul3A_1482 = vector.broadcast %squeeze3A_1294 : f32 to vector<16xf32>
            %mul3A_1483 = arith.mulf %add3A_1463, %mul3A_1482 : vector<16xf32>
            tpu.vector_store_idx %arg21[%add3A_1343], %mul3A_1483 masked %eq3A_1313 : memref<8192xf32, #tpu.memory_space<vmem>>[vector<16xi32>], vector<16xf32>, vector<16xi1>
            %mul3A_1484 = vector.broadcast %squeeze3A_1294 : f32 to vector<16xf32>
            %mul3A_1485 = arith.mulf %add3A_1464, %mul3A_1484 : vector<16xf32>
            tpu.vector_store_idx %arg21[%add3A_1346], %mul3A_1485 masked %eq3A_1313 : memref<8192xf32, #tpu.memory_space<vmem>>[vector<16xi32>], vector<16xf32>, vector<16xi1>
            %mul3A_1486 = vector.broadcast %squeeze3A_1294 : f32 to vector<16xf32>
            %mul3A_1487 = arith.mulf %add3A_1465, %mul3A_1486 : vector<16xf32>
            tpu.vector_store_idx %arg21[%add3A_1349], %mul3A_1487 masked %eq3A_1313 : memref<8192xf32, #tpu.memory_space<vmem>>[vector<16xi32>], vector<16xf32>, vector<16xi1>
            %mul3A_1488 = vector.broadcast %squeeze3A_1294 : f32 to vector<16xf32>
            %mul3A_1489 = arith.mulf %add3A_1466, %mul3A_1488 : vector<16xf32>
            tpu.vector_store_idx %arg21[%add3A_1352], %mul3A_1489 masked %eq3A_1313 : memref<8192xf32, #tpu.memory_space<vmem>>[vector<16xi32>], vector<16xf32>, vector<16xi1>
            %mul3A_1490 = vector.broadcast %squeeze3A_1294 : f32 to vector<16xf32>
            %mul3A_1491 = arith.mulf %add3A_1467, %mul3A_1490 : vector<16xf32>
            tpu.vector_store_idx %arg21[%add3A_1355], %mul3A_1491 masked %eq3A_1313 : memref<8192xf32, #tpu.memory_space<vmem>>[vector<16xi32>], vector<16xf32>, vector<16xi1>
            %mul3A_1492 = vector.broadcast %squeeze3A_1294 : f32 to vector<16xf32>
            %mul3A_1493 = arith.mulf %add3A_1468, %mul3A_1492 : vector<16xf32>
            tpu.vector_store_idx %arg21[%add3A_1358], %mul3A_1493 masked %eq3A_1313 : memref<8192xf32, #tpu.memory_space<vmem>>[vector<16xi32>], vector<16xf32>, vector<16xi1>
            %mul3A_1494 = vector.broadcast %squeeze3A_1294 : f32 to vector<16xf32>
            %mul3A_1495 = arith.mulf %add3A_1469, %mul3A_1494 : vector<16xf32>
            tpu.vector_store_idx %arg21[%add3A_1361], %mul3A_1495 masked %eq3A_1313 : memref<8192xf32, #tpu.memory_space<vmem>>[vector<16xi32>], vector<16xf32>, vector<16xi1>
            %mul3A_1496 = vector.broadcast %squeeze3A_1294 : f32 to vector<16xf32>
            %mul3A_1497 = arith.mulf %add3A_1470, %mul3A_1496 : vector<16xf32>
            tpu.vector_store_idx %arg21[%add3A_1364], %mul3A_1497 masked %eq3A_1313 : memref<8192xf32, #tpu.memory_space<vmem>>[vector<16xi32>], vector<16xf32>, vector<16xi1>
            %mul3A_1498 = vector.broadcast %squeeze3A_1294 : f32 to vector<16xf32>
            %mul3A_1499 = arith.mulf %add3A_1471, %mul3A_1498 : vector<16xf32>
            tpu.vector_store_idx %arg21[%add3A_1367], %mul3A_1499 masked %eq3A_1313 : memref<8192xf32, #tpu.memory_space<vmem>>[vector<16xi32>], vector<16xf32>, vector<16xi1>
            %mul3A_1500 = vector.broadcast %squeeze3A_1294 : f32 to vector<16xf32>
            %mul3A_1501 = arith.mulf %add3A_1472, %mul3A_1500 : vector<16xf32>
            tpu.vector_store_idx %arg21[%add3A_1370], %mul3A_1501 masked %eq3A_1313 : memref<8192xf32, #tpu.memory_space<vmem>>[vector<16xi32>], vector<16xf32>, vector<16xi1>
            %mul3A_1502 = vector.broadcast %squeeze3A_1294 : f32 to vector<16xf32>
            %mul3A_1503 = arith.mulf %add3A_1473, %mul3A_1502 : vector<16xf32>
            tpu.vector_store_idx %arg21[%add3A_1373], %mul3A_1503 masked %eq3A_1313 : memref<8192xf32, #tpu.memory_space<vmem>>[vector<16xi32>], vector<16xf32>, vector<16xi1>
            %mul3A_1504 = vector.broadcast %squeeze3A_1294 : f32 to vector<16xf32>
            %mul3A_1505 = arith.mulf %add3A_1474, %mul3A_1504 : vector<16xf32>
            tpu.vector_store_idx %arg21[%add3A_1376], %mul3A_1505 masked %eq3A_1313 : memref<8192xf32, #tpu.memory_space<vmem>>[vector<16xi32>], vector<16xf32>, vector<16xi1>
            %mul3A_1506 = vector.broadcast %squeeze3A_1294 : f32 to vector<16xf32>
            %mul3A_1507 = arith.mulf %add3A_1475, %mul3A_1506 : vector<16xf32>
            tpu.vector_store_idx %arg21[%add3A_1379], %mul3A_1507 masked %eq3A_1313 : memref<8192xf32, #tpu.memory_space<vmem>>[vector<16xi32>], vector<16xf32>, vector<16xi1>
            %cond3A_1508 = arith.constant 0 : i32
            scf.yield %cond3A_1508 : i32
          } else {
            %cond3A_1329 = arith.constant 0 : i32
            scf.yield %cond3A_1329 : i32
          }
          scf.yield %cond3A_1328 : i32
        }
        %scan3A_1301 = arith.constant 32 : i32
        %while3A_1302 = arith.constant 0 : i32
        scf.yield %while3A_1302 : i32
      }
      "tpu.region"() ({
        %run_scoped3A = tpu.sem_alloc : memref<!tpu.dma_semaphore, #tpu.memory_space<semaphore_mem>>
        %dma_start3A = arith.constant 0 : i32
        %dma_start3A_1289 = tpu.memref_slice %arg7[%add3A_136, %dma_start3A] : memref<512x8192xf32, #tpu.memory_space<hbm>> -> memref<1x8192xf32, #tpu.memory_space<hbm>>
        %dma_start3A_1290 = tpu.memref_squeeze %dma_start3A_1289 : memref<1x8192xf32, #tpu.memory_space<hbm>> -> memref<8192xf32, #tpu.memory_space<hbm>>
        %dma_start3A_1291 = arith.constant 0 : i32
        %dma_start3A_1292 = tpu.memref_slice %arg7[%add3A_136, %dma_start3A_1291] : memref<512x8192xf32, #tpu.memory_space<hbm>> -> memref<1x8192xf32, #tpu.memory_space<hbm>>
        %dma_start3A_1293 = tpu.memref_squeeze %dma_start3A_1292 : memref<1x8192xf32, #tpu.memory_space<hbm>> -> memref<8192xf32, #tpu.memory_space<hbm>>
        tpu.enqueue_dma source(%arg21 : memref<8192xf32, #tpu.memory_space<vmem>>) target(%dma_start3A_1293 : memref<8192xf32, #tpu.memory_space<hbm>>) target_semaphore(%run_scoped3A : memref<!tpu.dma_semaphore, #tpu.memory_space<semaphore_mem>>)
        %dma_wait3A = arith.constant 0 : i32
        %dma_wait3A_1294 = tpu.memref_slice %arg7[%add3A_136, %dma_wait3A] : memref<512x8192xf32, #tpu.memory_space<hbm>> -> memref<1x8192xf32, #tpu.memory_space<hbm>>
        %dma_wait3A_1295 = tpu.memref_squeeze %dma_wait3A_1294 : memref<1x8192xf32, #tpu.memory_space<hbm>> -> memref<8192xf32, #tpu.memory_space<hbm>>
        %dma_wait3A_1296 = arith.constant 0 : i32
        %dma_wait3A_1297 = tpu.memref_slice %arg7[%add3A_136, %dma_wait3A_1296] : memref<512x8192xf32, #tpu.memory_space<hbm>> -> memref<1x8192xf32, #tpu.memory_space<hbm>>
        %dma_wait3A_1298 = tpu.memref_squeeze %dma_wait3A_1297 : memref<1x8192xf32, #tpu.memory_space<hbm>> -> memref<8192xf32, #tpu.memory_space<hbm>>
        tpu.wait_dma2 semaphore(%run_scoped3A : memref<!tpu.dma_semaphore, #tpu.memory_space<semaphore_mem>>) src(%arg21 : memref<8192xf32, #tpu.memory_space<vmem>>) dst(%dma_wait3A_1298 : memref<8192xf32, #tpu.memory_space<hbm>>)
        tpu.yield
      }) : () -> ()
      %scan3A_1288 = arith.constant 0 : i32
      scf.yield %scan3A_1288 : i32
    }
    %scan3A_131 = arith.constant 16 : i32
    return
  }
}

</mosaic_0001>

<sc_bundles>
// kernel: _launch.3.cloned.1.call-start
scs
__scs_entry_jumppad:
0x0: {  	(pc) =	sbr.rel $0x88, $3  }
0x1: {  	(tag) =	ssettag $0x0;
	lr =	simm.s32 $0x1  }
0x2: {  	[smem:$0x3F9C] =	sst lr;
	_ =	strace $0xD0000000  }
0x3: {  	_ = 	snop  }
0x4: {  	_ = 	snop  }
0x5: {  	_ = 	snop  }
0x6: {  	_ = 	snop  }
0x7: {  	_ = 	snop  }
__scs_overlays_trampoline_lowered:
0x8: {  	[smem:$0x3FAB] =	sst s0  }
0x9: {  	[smem:$0x3FAC] =	sst s1  }
0xa: {  	[smem:$0x3FAD] =	sst s2  }
0xb: {  	[smem:$0x3FAE] =	sst s3  }
0xc: {  	[smem:$0x3FAF] =	sst s4  }
0xd: {  	[smem:$0x3FB0] =	sst s5  }
0xe: {  	[smem:$0x3FB1] =	sst s6  }
0xf: {  	[smem:$0x3FB2] =	sst s7  }
0x10: {  	[smem:$0x3FB3] =	sst s8  }
0x11: {  	[smem:$0x3FB4] =	sst s9;
	s0 =	simm.s32 @!p0 $0x0  }
0x12: {  	s1 =	sld [smem:$0x3F9A];
	s0 =	simm.s32 @p0 $0x1  }
0x13: {  	[smem:$0x3FB5] =	sst s0;
	s0 =	simm.s32 @!p1 $0x0  }
0x14: {  	s2 =	sld [smem:$0x3F99];
	s0 =	simm.s32 @p1 $0x1  }
0x15: {  	[smem:$0x3FB6] =	sst s0;
	s0 =	simm.s32 @!p2 $0x0  }
0x16: {  	s3 =	sld [smem:$0x3FDB];
	s0 =	simm.s32 @p2 $0x1  }
0x17: {  	s4 =	simm.s32 $0x1BF5;
	[smem:$0x3FB8] =	sst s0  }
0x18: {  	s0 =	sld [smem:$0x3F9B];
	_ =	swait.ge [sflag:s4], $0x0  }
0x19: {  	s7 =	sld [smem:$0x3F9C]  }
0x1a: {  	s8 =	sadd.s32 $0xFFFFE003, lr  }
0x1b: {  	s9 =	sadd.s32 $0xFFFFFEF7, lr;
	s5 =	simm.s32 $0xFFFFFFFF;
	p2 =	slt.u32 s8, $0xFFFFF086  }
0x1c: {  	p1 =	slt.u32 s9, $0xF7A;
	s5 =	simm.s32 @!p2 $0x0  }
0x1d: {  	s5 =	simm.s32 @p1 $0x1;
	p0 =	seq.s32 s7, s2  }
0x1e: {  	s7 =	smul.u32 @!p0 $0xF7A, s2;
	p2 =	seq.s32 @!p0 s5, $0x0  }
0x1f: {  	s9 =	smul.u32 $0xF7A, s1;
	s8 =	simm.s32 @!p0 $0x1BF5;
	p2 =	por !p2, p0  }
0x20: {  	[sflag:s8] =	ssyncset.s32 @!p0 $0xFFFFF086;
	s6 =	sadd.s32 @!p0 s3, s7;
	s7 =	simm.s32 @!p0 $0x108  }
0x21: {  	s3 =	sadd.s32 s3, s9;
	s6 =	sadd.s32 @!p0 $0x88, s6;
	s7 =	simm.s32 @p2 $0x1082  }
0x22: {  	[simem:s7], [sflag:s8] =	dma.local @!p0 [hbm:s6], $0xF7A  }
0x23: {  	s9 =	sor.u32 $0xD0000000, s2;
	s6 =	simm.s32 $0x108;
	_ =	swait.ge @!p0 [sflag:s8], $0x0  }
0x24: {  	s3 =	sadd.s32 $0x88, s3;
	s6 =	simm.s32 @!p1 $0x1082;
	[sflag:s4] =	ssyncset.s32 $0xFFFFF086  }
0x25: {  	[simem:s6], [sflag:s4] =	dma.local [hbm:s3], $0xF7A  }
0x26: {  	[smem:$0x3F9C] =	sst s1;
	(tag) =	ssettag s2;
	_ =	strace s9  }
0x27: {  	s1 =	sld [smem:$0x3FAC]  }
0x28: {  	s2 =	sld [smem:$0x3FAD]  }
0x29: {  	s4 =	sld [smem:$0x3FAF]  }
0x2a: {  	p0 =	seq.s32 s5, $0x0;
	s5 =	sld [smem:$0x3FB0]  }
0x2b: {  	s6 =	sld [smem:$0x3FB1]  }
0x2c: {  	s7 =	sld [smem:$0x3FB2]  }
0x2d: {  	s3 =	simm.s32 $0x108;
	s8 =	sld [smem:$0x3FB3]  }
0x2e: {  	s3 =	simm.s32 @!p0 $0x1082;
	s9 =	sld [smem:$0x3FB4]  }
0x2f: {  	lr =	sadd.s32 s0, s3;
	s0 =	sld [smem:$0x3FAB]  }
0x30: {  	s3 =	sld [smem:$0x3FAE]  }
0x31: {  	[smem:$0x3FB7] =	sst s10  }
0x32: {  	s10 =	sld [smem:$0x3FB5];
	_ =	sdelay $0x3  }
0x33: {  	p0 =	seq.s32 s10, $0x1;
	s10 =	sld [smem:$0x3FB7];
	_ =	sdelay $0x3  }
0x34: {  	[smem:$0x3FB7] =	sst s10  }
0x35: {  	s10 =	sld [smem:$0x3FB6];
	_ =	sdelay $0x3  }
0x36: {  	p1 =	seq.s32 s10, $0x1;
	s10 =	sld [smem:$0x3FB7];
	_ =	sdelay $0x3  }
0x37: {  	[smem:$0x3FB7] =	sst s10  }
0x38: {  	s10 =	sld [smem:$0x3FB8]  }
0x39: {  	_ = 	snop;
	(pc) =	sbr.ind lr, $3  }
0x3a: {  	_ = 	snop  }
0x3b: {  	_ = 	snop  }
0x3c: {  	p2 =	seq.s32 s10, $0x1;
	s10 =	sld [smem:$0x3FB7]  }
0x3d: {  	_ =	shalt  }
0x3e: {  	_ =	shalt  }
0x3f: {  	_ =	shalt  }
0x40: {  	_ =	shalt  }
0x41: {  	_ =	shalt  }
0x42: {  	_ =	shalt  }
0x43: {  	_ =	shalt  }
0x44: {  	_ =	shalt  }
0x45: {  	_ =	shalt  }
0x46: {  	_ =	shalt  }
0x47: {  	_ =	shalt  }
0x48: {  	_ =	shalt  }
0x49: {  	_ =	shalt  }
0x4a: {  	_ =	shalt  }
0x4b: {  	_ =	shalt  }
0x4c: {  	_ =	shalt  }
0x4d: {  	_ =	shalt  }
0x4e: {  	_ =	shalt  }
0x4f: {  	_ =	shalt  }
0x50: {  	_ =	shalt  }
0x51: {  	_ =	shalt  }
0x52: {  	_ =	shalt  }
0x53: {  	_ =	shalt  }
0x54: {  	_ =	shalt  }
0x55: {  	_ =	shalt  }
0x56: {  	_ =	shalt  }
0x57: {  	_ =	shalt  }
0x58: {  	_ =	shalt  }
0x59: {  	_ =	shalt  }
0x5a: {  	_ =	shalt  }
0x5b: {  	_ =	shalt  }
0x5c: {  	_ =	shalt  }
0x5d: {  	_ =	shalt  }
0x5e: {  	_ =	shalt  }
0x5f: {  	_ =	shalt  }
0x60: {  	_ =	shalt  }
0x61: {  	_ =	shalt  }
0x62: {  	_ =	shalt  }
0x63: {  	_ =	shalt  }
0x64: {  	_ =	shalt  }
0x65: {  	_ =	shalt  }
0x66: {  	_ =	shalt  }
0x67: {  	_ =	shalt  }
0x68: {  	_ =	shalt  }
0x69: {  	_ =	shalt  }
0x6a: {  	_ =	shalt  }
0x6b: {  	_ =	shalt  }
0x6c: {  	_ =	shalt  }
0x6d: {  	_ =	shalt  }
0x6e: {  	_ =	shalt  }
0x6f: {  	_ =	shalt  }
0x70: {  	_ =	shalt  }
0x71: {  	_ =	shalt  }
0x72: {  	_ =	shalt  }
0x73: {  	_ =	shalt  }
0x74: {  	_ =	shalt  }
0x75: {  	_ =	shalt  }
0x76: {  	_ =	shalt  }
0x77: {  	_ =	shalt  }
0x78: {  	_ =	shalt  }
0x79: {  	_ =	shalt  }
0x7a: {  	_ =	shalt  }
0x7b: {  	_ =	shalt  }
0x7c: {  	_ =	shalt  }
0x7d: {  	_ =	shalt  }
0x7e: {  	_ =	shalt  }
0x7f: {  	_ =	shalt  }
0x80: {  	_ =	shalt  }
0x81: {  	_ =	shalt  }
0x82: {  	_ =	shalt  }
0x83: {  	_ =	shalt  }
0x84: {  	_ =	shalt  }
0x85: {  	_ =	shalt  }
0x86: {  	_ =	shalt  }
0x87: {  	_ =	shalt  }
.Lfunc_end0:
.L_simem_size_0:
called_computation_lowered:
.L_overlay_start_0:
0x88: {  	s2 =	sld [smem:$0x3FD9]  }
0x89: {  	s3 =	sld [smem:$0x3FFE];
	_ =	sdelay $0x1  }
0x8a: {  	s1 =	srdreg.scid  }
0x8b: {  	s0 =	sand.u32 $0x1, s1  }
0x8c: {  	s18 =	sshll.u32 s0, $0xA;
	s2 =	sadd.s32 s3, s2  }
0x8d: {  	s2 =	sadd.s32 s2, s18  }
0x8e: {  	[smem:$0x3FC3] =	sst s2  }
0x8f: {  	_ = 	snop  }
0x90: {  	s2 =	sld [smem:$0x3FC9]  }
0x91: {  	s19 =	sld [smem:$0x3FC8]  }
0x92: {  	s4 =	sld [smem:$0x3FC7]  }
0x93: {  	s5 =	sld [smem:$0x3FC6]  }
0x94: {  	s6 =	sld [smem:$0x3FC5]  }
0x95: {  	s7 =	sld [smem:$0x3FD0];
	(tm) =	ssettm $0x1  }
0x96: {  	s8 =	sld [smem:$0x3FFB];
	_ =	sdelay $0x3  }
0x97: {  	_ =	strace s8  }
0x98: {  	s8 =	sld [smem:$0x3FFC];
	_ =	sdelay $0x3  }
0x99: {  	_ =	strace s8  }
0x9a: {  	s8 =	sld [smem:$0x3FFD];
	_ =	sdelay $0x3  }
0x9b: {  	_ =	strace s8  }
0x9c: {  	_ =	strace $0x8FFFFFFF  }
0x9d: {  	s20 =	sld [smem:$0x3FDB];
	_ =	sdelay $0x1  }
0x9e: {  	s9 =	simm.s32 $_scs_section_size  }
0x9f: {  	s10 =	simm.s32 $_size__tile_overlayer_lowered;
	s11 =	simm.s32 $_tile_overlayer_lowered  }
0xa0: {  	s23 =	simm.s32 $0x1BFF;
	s22 =	sshll.u32 s11, $0x1;
	s8 =	sadd.s32 s9, s20  }
0xa1: {  	s12 =	simm.s32 $0x0;
	s21 =	sshll.u32 s10, $0x1;
	s10 =	sadd.s32 s22, s8  }
0xa2: {  	[timem:s12], [sflag:s23] =	dma.local [hbm:s10], s21  }
0xa3: {  	_ =	swait.ge [sflag:s23], s21  }
0xa4: {  	s9 =	ssub.s32 $0x0, s21;
	[sflag:s23] =	ssyncset.done $0x0  }
0xa5: {  	[sflag:s23] =	ssyncadd.s32 s9;
	_ =	sdelay $0x1  }
0xa6: {  	s24 =	simm.s32 $0x1B8B  }
0xa7: {  	_ =	swait.ge [sflag:s24], $0x1  }
0xa8: {  	[sflag:s24] =	ssyncset.done $0x0  }
0xa9: {  	s25 =	simm.s32 $0x1B8E;
	[sflag:s24] =	ssyncadd.s32 $0xFFFFFFFF  }
0xaa: {  	s26 =	simm.s32 $execute0_lowered;
	[smem:$0x3FD2] =	sst s25  }
0xab: {  	s9 =	sshll.u32 s26, $0x1;
	_ =	strace $0x80000046;
	[dreg:$0x1] =	wrdreg $0xFFFFFFFF  }
0xac: {  	s28 =	simm.s32 $_size_execute0_lowered;
	s8 =	sadd.s32 s8, s9;
	[dreg:$0x0] =	wrdreg $0x0  }
0xad: {  	s9 =	sshll.u32 s28, $0x1;
	[dreg:$0x2] =	wrdreg s8  }
0xae: {  	[dreg:$0x3] =	wrdreg s9  }
0xaf: {  	[dreg:$0x4] =	wrdreg $0xC0  }
0xb0: {  	_ =	task [dreg:s12], $0x5FFFF  }
0xb1: {  	[dreg:$0x1] =	wrdreg $0xFFFFFFFF  }
0xb2: {  	[dreg:$0x0] =	wrdreg $0x60  }
0xb3: {  	[dreg:$0x2] =	wrdreg s2  }
0xb4: {  	[dreg:$0x3] =	wrdreg s19  }
0xb5: {  	[dreg:$0x4] =	wrdreg s4  }
0xb6: {  	[dreg:$0x5] =	wrdreg s5  }
0xb7: {  	[dreg:$0x6] =	wrdreg s6  }
0xb8: {  	[dreg:$0x7] =	wrdreg s7  }
0xb9: {  	[dreg:$0x8] =	wrdreg $0x9  }
0xba: {  	_ =	task.clear_ibuf [dreg:s12], $0x9FFFF;
	_ =	strace $0x90000046  }
0xbb: {  	s29 =	simm.s32 $0x9;
	_ =	strace $0x80000048  }
0xbc: {  	_ =	swait.ge [sflag:s29], $0x1  }
0xbd: {  	[sflag:s29] =	ssyncadd.s32 $0xFFFFFFFF  }
0xbe: {  	_ =	strace $0x90000048  }
0xbf: {  	_ =	sfence  }
0xc0: {  	s30 =	sld [smem:$0x0];
	_ =	sdelay $0x2  }
0xc1: {  	s31 =	sshll.u32 s1, $0xD;
	s1 =	sshrl.u32 s1, $0x2  }
0xc2: {  	s3 =	sand.u32 $0x4000, s31;
	s1 =	sadd.s32 s1, s30  }
0xc3: {  	s0 =	sor.u32 s3, s0;
	s1 =	sshll.u32 s1, $0x11  }
0xc4: {  	s0 =	sor.u32 s1, s0  }
0xc5: {  	s0 =	sadd.s32 $0x8F2B, s0  }
0xc6: {  	[sflag:s0] =	ssyncadd.remote.s32 $0x1  }
0xc7: {  	_ =	sfence.sel $0xFFFF  }
0xc8: {  	[dreg:$0x0] =	wrdreg $0xFFFFFFFF;
	(pc) =	sbr.abs _section_cstart, $3  }
0xc9: {  	[dreg:$0x1] =	wrdreg $0xFFFFFFFF  }
0xca: {  	_ =	task.clear_ibuf [dreg:s12], $0x2FFFF;
	_ =	strace $0x9FFFFFFF  }
0xcb: {  	(tm) =	ssettm $0x7FFFFFFF  }
tec
execute0_lowered:
.L_overlay_start_1:
0x0: {  	(tag) =	ssettag $0x1  }
0x1: {  	s0 =	srdreg.scid;
	s6 =	rddreg [dreg:$0x5]  }
0x2: {  	v0 =	vimm.s32 $0x3020100;
	s8 =	simm.s32 $0x0;
	s3 =	stileid.u32;
	s11 =	simm.s32 $0x1  }
0x3: {  	vm0 =	vcmask $0xF00;
	s12 =	simm.s32 $0x1000;
	s13 =	simm.s32 $0x2000;
	s16 =	simm.s32 $0x2900  }
0x4: {  	v1 =	vlaneseq.u32;
	v2 =	vimm.s32 $0x1;
	vm15 =	vcmask $0x300;
	s17 =	simm.s32 $0x2B00;
	s18 =	simm.s32 $0x2D80;
	s19 =	simm.s32 $0x2F80  }
0x5: {  	v8 =	vimm.f32 $0.0e+00;
	s20 =	simm.s32 $0x3F80;
	s21 =	simm.s32 $0x5F80;
	v3 =	vunpack.c.0.s8.s32 v0;
	[smem:$0x7FF] =	sst s8;
	v4 =	vadd.s32 $0x1, v1  }
0x6: {  	s22 =	simm.s32 $0xC180;
	s0 =	sand.u32 $0x1, s0;
	v7 =	vsel vm15, $0x0, v2;
	v12 =	vor.u32 $0x800, v1;
	_ =	strace $0x80000047;
	[tilespmem:$0x1FFA0] =	vst v4;
	v4 =	vor.u32 $0x200, v1  }
.Ltmp0:
0x7: {  	s23 =	simm.s32 $0x7F80;
	v13 =	vor.u32 $0xA00, v1;
	v14 =	vor.u32 $0xC00, v1;
	s1 =	ssub.s32 $0x2, s0;
	[tilespmem:$0x1FFB0] =	vst v4;
	v4 =	vor.u32 $0x400, v1;
	(pc) =	sbr.rel .LBB2_1-.Ltmp0, $4  }
0x8: {  	s24 =	simm.s32 $0x8180;
	s25 =	simm.s32 $0xA180;
	v15 =	vor.u32 $0xE00, v1;
	v16 =	vor.u32 $0x1000, v1;
	s2 =	sshrl.u32 s1, $0x1;
	v0 =	vnsel vm0, $0x3, v3;
	[tilespmem:$0x1FFC0] =	vst v4  }
0x9: {  	s26 =	simm.s32 $0x80;
	s28 =	simm.s32 $0x400;
	v17 =	vor.u32 $0x1200, v1;
	v3 =	vmul.u32 $0x200, v1;
	s1 =	ssub.s32 s1, s2;
	v4 =	vor.u32 $0x600, v1;
	[tilespmem:$0x1FFE0] =	vst v0  }
0xa: {  	s30 =	sshll.u32 s3, $0x5;
	v18 =	vor.u32 $0x1400, v1;
	v19 =	vor.u32 $0x1600, v1;
	v20 =	vor.u32 $0x1800, v1;
	s0 =	sshll.u32 s0, $0x4;
	s31 =	smax.u32 s1, $0x1;
	[tilespmem:$0x1FFD0] =	vst v4  }
0xb: {  	v21 =	vor.u32 $0x1A00, v1;
	v22 =	vor.u32 $0x1C00, v1;
	v23 =	vor.u32 $0x1E00, v1;
	s9 =	sor.u32 s0, s30;
	s1 =	simm.s32 $0x0;
	[tilespmem:$0x1FFF0] =	vst v3;
	[dreg:$0x7] =	wrdreg s31  }
.LBB2_38:
0xc: {  	s1 =	rddreg [dreg:$0x8]  }
0xd: {  	s0 =	rddreg [dreg:$0x7];
	s1 =	sadd.s32 $0x1, s1  }
0xe: {  	p0 =	sne.s32 s1, s0  }
.Ltmp1:
0xf: {  	_ = 	snop;
	(pc) =	sbr.rel @!p0 .LBB2_39-.Ltmp1, $2  }
0x10: {  	_ =	sdelay $0x2  }
0x11: {  	v2 =	vimm.s32 $0x1  }
.LBB2_1:
0x12: {  	[dreg:$0x8] =	wrdreg s1  }
0x13: {  	s0 =	rddreg [dreg:$0x0]  }
0x14: {  	[tilespmem:s8], [sflag:$0x1] =	stream.linear.gather [hbm4b:s0+s8], $0x1000, $0x38;
	[tilespmem:$0xC380] =	vst v63  }
0x15: {  	_ =	swait.ge [sflag:s11], $0x1000  }
0x16: {  	[sflag:s11] =	ssyncset.done $0x0  }
0x17: {  	[sflag:s11] =	ssyncadd.s32 $0xFFFFF000  }
0x18: {  	s7 =	rddreg [dreg:$0x1]  }
0x19: {  	[tilespmem:s12], [sflag:$0x1] =	stream.linear.gather [hbm4b:s7+s8], $0x1000, $0x38;
	[tilespmem:$0xC380] =	vst v63  }
0x1a: {  	_ =	swait.ge [sflag:s11], $0x1000  }
0x1b: {  	[sflag:s11] =	ssyncset.done $0x0  }
0x1c: {  	[sflag:s11] =	ssyncadd.s32 $0xFFFFF000  }
0x1d: {  	s10 =	rddreg [dreg:$0x2]  }
0x1e: {  	[tilespmem:s13], [sflag:$0x1] =	stream.linear.gather [hbm4b:s10+s8], $0x800, $0x38;
	[tilespmem:$0xC380] =	vst v63  }
0x1f: {  	_ =	swait.ge [sflag:s11], $0x800  }
0x20: {  	[sflag:s11] =	ssyncset.done $0x0  }
0x21: {  	[sflag:s11] =	ssyncadd.s32 $0xFFFFF800  }
0x22: {  	s15 =	simm.s32 $0x2800;
	s14 =	rddreg [dreg:$0x3]  }
0x23: {  	[tilespmem:s15], [sflag:$0x1] =	stream.linear.gather [hbm4b:s14+s8], $0x80, $0x38;
	[tilespmem:$0xC380] =	vst v63  }
0x24: {  	_ =	swait.ge [sflag:s11], $0x80  }
0x25: {  	[sflag:s11] =	ssyncset.done $0x0  }
0x26: {  	[sflag:s11] =	ssyncadd.s32 $0xFFFFFF80  }
0x27: {  	s30 =	simm.s32 $0x2880;
	s29 =	rddreg [dreg:$0x4]  }
0x28: {  	[tilespmem:s30], [sflag:$0x1] =	stream.linear.gather [hbm4b:s29+s8], $0x80, $0x38;
	[tilespmem:$0xC380] =	vst v63  }
0x29: {  	_ =	swait.ge [sflag:s11], $0x80  }
0x2a: {  	[sflag:s11] =	ssyncset.done $0x0  }
0x2b: {  	v0 =	vimm.s32 $0x0;
	[sflag:s11] =	ssyncadd.s32 $0xFFFFFF80  }
0x2c: {  	[tilespmem:$0x2900] =	vst v0  }
0x2d: {  	[tilespmem:$0x2910] =	vst v0  }
0x2e: {  	[tilespmem:$0x2920] =	vst v0  }
0x2f: {  	[tilespmem:$0x2930] =	vst v0  }
0x30: {  	[tilespmem:$0x2940] =	vst v0  }
0x31: {  	[tilespmem:$0x2950] =	vst v0  }
0x32: {  	[tilespmem:$0x2960] =	vst v0  }
0x33: {  	[tilespmem:$0x2970] =	vst v0  }
0x34: {  	[tilespmem:$0x2980] =	vst v0  }
0x35: {  	[tilespmem:$0x2990] =	vst v0  }
0x36: {  	[tilespmem:$0x29A0] =	vst v0  }
0x37: {  	[tilespmem:$0x29B0] =	vst v0  }
0x38: {  	[tilespmem:$0x29C0] =	vst v0  }
0x39: {  	[tilespmem:$0x29D0] =	vst v0  }
0x3a: {  	[tilespmem:$0x29E0] =	vst v0  }
0x3b: {  	[tilespmem:$0x29F0] =	vst v0  }
0x3c: {  	[tilespmem:$0x2A00] =	vst v0  }
0x3d: {  	[tilespmem:$0x2A10] =	vst v0  }
0x3e: {  	[tilespmem:$0x2A20] =	vst v0  }
0x3f: {  	[tilespmem:$0x2A30] =	vst v0  }
0x40: {  	[tilespmem:$0x2A40] =	vst v0  }
0x41: {  	[tilespmem:$0x2A50] =	vst v0  }
0x42: {  	[tilespmem:$0x2A60] =	vst v0  }
0x43: {  	[tilespmem:$0x2A70] =	vst v0  }
0x44: {  	[tilespmem:$0x2A80] =	vst v0  }
0x45: {  	[tilespmem:$0x2A90] =	vst v0  }
0x46: {  	[tilespmem:$0x2AA0] =	vst v0  }
0x47: {  	v24 =	vor.u32 s8, v1;
	[tilespmem:$0x2AB0] =	vst v0  }
0x48: {  	[tilespmem:$0x2AC0] =	vst v0  }
0x49: {  	[tilespmem:$0x2AD0] =	vst v0  }
0x4a: {  	[tilespmem:$0x2AE0] =	vst v0  }
0x4b: {  	[tilespmem:$0x2AF0] =	vst v0  }
0x4c: {  	v24 =	vld.idx.msk [tilespmem:v24+s8+$0x0], $0xffff;
	_ =	sdelay $0x2  }
0x4d: {  	s31 =	simm.s32 $0x10  }
0x4e: {  	v25 =	vor.u32 s31, v1;
	s0 =	simm.s32 $0x20  }
.LBB2_2:
0x4f: {  	p0 =	sne.s32 s0, $0xFF0;
	_ =	sdelay $0x2  }
0x50: {  	[tilespmem:v24+s16+$0x0] =	vst.idx.add.s32.msk $0xffff, v2  }
.Ltmp2:
0x51: {  	v24 =	vld.idx.msk [tilespmem:v25+s8+$0x0], $0xffff;
	(pc) =	sbr.rel @p0 .LBB2_2-.Ltmp2, $2  }
0x52: {  	_ =	sdelay $0x2  }
0x53: {  	v25 =	vor.u32 s0, v1;
	s0 =	sadd.s32 $0x10, s0  }
0x54: {  	_ =	sdelay $0x3  }
0x55: {  	[tilespmem:v24+s16+$0x0] =	vst.idx.add.s32.msk $0xffff, v2  }
0x56: {  	v25 =	vld.idx.msk [tilespmem:v25+s8+$0x0], $0xffff;
	_ =	sdelay $0x3  }
0x57: {  	s1 =	simm.s32 $0x0;
	v0 =	vimm.s32 $0x0  }
0x58: {  	v24 =	vor.u32 s1, v1;
	_ =	sdelay $0x2  }
0x59: {  	[tilespmem:v25+s16+$0x0] =	vst.idx.add.s32.msk $0xffff, v2  }
0x5a: {  	[tilespmem:v0+s17+$0x0] =	vst.idx.msk $0x1, v0  }
0x5b: {  	v25 =	vld.idx.msk [tilespmem:v24+s16+$0x0], $0xffff;
	_ =	sdelay $0x4  }
0x5c: {  	(xrf0) =	vadd.scan.msk.s32 $0xffff, v25;
	_ =	sdelay $0x1  }
0x5d: {  	s2 =	simm.s32 $0x1  }
0x5e: {  	v27 =	vadd.s32 s2, v1;
	_ =	sdelay $0x1  }
0x5f: {  	s0 =	simm.s32 $0x10  }
0x60: {  	s3 =	simm.s32 $0x20;
	s4 =	simm.s32 $0x0;
	v26 =	vor.u32 s0, v1;
	s2 =	simm.s32 $0x10;
	v28, _, _ =	vpop (xrf0)  }
.LBB2_4:
0x61: {  	p0 =	sne.s32 s3, $0x1F0;
	v28 =	vadd.s32 s4, v28  }
0x62: {  	[tilespmem:v27+s17+$0x0] =	vst.idx.msk $0xffff, v28;
	v25 =	vsub.s32 v28, v25;
	(v2sf) =	vpush v28, $0xF  }
0x63: {  	[tilespmem:v24+s18+$0x0] =	vst.idx.msk $0xffff, v25;
	v24 =	vmov v26;
	_ =	sdelay $0x1  }
0x64: {  	v25 =	vld.idx.msk [tilespmem:v26+s16+$0x0], $0xffff;
	_ =	sdelay $0x5  }
0x65: {  	(xrf0) =	vadd.scan.msk.s32 $0xffff, v25;
	_ =	sdelay $0x1  }
.Ltmp3:
0x66: {  	s4 =	sadd.s32 $0x1, s2;
	s2 =	smov.u32 s3;
	(pc) =	sbr.rel @p0 .LBB2_4-.Ltmp3, $2  }
0x67: {  	v27 =	vadd.s32 s4, v1;
	_ =	sdelay $0x2  }
0x68: {  	s3 =	sadd.s32 $0x10, s3;
	v26 =	vor.u32 s2, v1;
	v28, _, _ =	vpop (xrf0);
	s4 =	spop (v2sf)  }
0x69: {  	_ = 	snop  }
0x6a: {  	v28 =	vadd.s32 s4, v28  }
0x6b: {  	(v2sf) =	vpush v28, $0xF;
	_ =	sdelay $0x1  }
0x6c: {  	[tilespmem:v27+s17+$0x0] =	vst.idx.msk $0xffff, v28;
	v25 =	vsub.s32 v28, v25  }
0x6d: {  	[tilespmem:v24+s18+$0x0] =	vst.idx.msk $0xffff, v25  }
0x6e: {  	v24 =	vld.idx.msk [tilespmem:v26+s16+$0x0], $0xffff;
	_ =	sdelay $0x4  }
0x6f: {  	(xrf0) =	vadd.scan.msk.s32 $0xffff, v24;
	_ =	sdelay $0x1  }
0x70: {  	s2 =	sadd.s32 $0x1, s2  }
0x71: {  	v25 =	vadd.s32 s2, v1;
	_ =	sdelay $0x1  }
0x72: {  	v27 =	vor.u32 s1, v1  }
0x73: {  	v28, _, _ =	vpop (xrf0);
	s30 =	spop (v2sf)  }
0x74: {  	v28 =	vadd.s32 s30, v28  }
0x75: {  	[tilespmem:v25+s17+$0x0] =	vst.idx.msk $0xffff, v28;
	v24 =	vsub.s32 v28, v24  }
0x76: {  	[tilespmem:v26+s18+$0x0] =	vst.idx.msk $0xffff, v24  }
0x77: {  	v24 =	vld.idx.msk [tilespmem:v27+s8+$0x0], $0xffff;
	_ =	sdelay $0x4  }
0x78: {  	(xrf1) =	vunique.msk.u32 $0xffff, v24;
	_ =	sdelay $0x3  }
0x79: {  	(v2sf) =	vpush v28, $0xF;
	_ =	sdelay $0x5  }
0x7a: {  	v25 =	vld.idx.msk [tilespmem:v24+s18+$0x0], $0xffff;
	_ =	sdelay $0x3  }
0x7b: {  	_, v26, vm0 =	vpop (xrf1)  }
0x7c: {  	v26 =	vadd.s32 v26, v25  }
0x7d: {  	v27 =	vld.idx.msk [tilespmem:v27+s12+$0x0], $0xffff;
	v28 =	vadd.s32 $0xFFFFFFFF, v26;
	_ =	sdelay $0x1  }
0x7e: {  	v25 =	vor.u32 s0, v1  }
0x7f: {  	s31 =	spop (v2sf);
	s0 =	simm.s32 $0x20  }
.LBB2_6:
0x80: {  	p0 =	sne.s32 s0, $0xFF0  }
0x81: {  	[tilespmem:v28+s19+$0x0] =	vst.idx.msk $0xffff, v27  }
0x82: {  	[tilespmem:v24+s18+$0x0] =	vst.idx.msk vm0, v26  }
0x83: {  	v24 =	vld.idx.msk [tilespmem:v25+s8+$0x0], $0xffff;
	_ =	sdelay $0x5  }
0x84: {  	(xrf1) =	vunique.msk.u32 $0xffff, v24;
	_ =	sdelay $0x8  }
0x85: {  	v26 =	vld.idx.msk [tilespmem:v24+s18+$0x0], $0xffff;
	_ =	sdelay $0x4  }
0x86: {  	_, v28, vm0 =	vpop (xrf1)  }
.Ltmp4:
0x87: {  	v27 =	vld.idx.msk [tilespmem:v25+s12+$0x0], $0xffff;
	v26 =	vadd.s32 v28, v26;
	(pc) =	sbr.rel @p0 .LBB2_6-.Ltmp4, $3  }
0x88: {  	v28 =	vadd.s32 $0xFFFFFFFF, v26;
	_ =	sdelay $0x1  }
0x89: {  	v25 =	vor.u32 s0, v1  }
0x8a: {  	s0 =	sadd.s32 $0x10, s0  }
0x8b: {  	_ =	sdelay $0x3  }
0x8c: {  	[tilespmem:v28+s19+$0x0] =	vst.idx.msk $0xffff, v27  }
0x8d: {  	[tilespmem:v24+s18+$0x0] =	vst.idx.msk vm0, v26  }
0x8e: {  	v24 =	vld.idx.msk [tilespmem:v25+s8+$0x0], $0xffff;
	_ =	sdelay $0x4  }
0x8f: {  	(xrf1) =	vunique.msk.u32 $0xffff, v24;
	_ =	sdelay $0x9  }
0x90: {  	v26 =	vld.idx.msk [tilespmem:v24+s18+$0x0], $0xffff;
	_ =	sdelay $0x2  }
0x91: {  	v0 =	vld [tilespmem:$0x1FFE0]  }
0x92: {  	_, v27, vm15 =	vpop (xrf1)  }
0x93: {  	v26 =	vadd.s32 v27, v26  }
0x94: {  	v25 =	vld.idx.msk [tilespmem:v25+s12+$0x0], $0xffff;
	v27 =	vadd.s32 $0xFFFFFFFF, v26  }
0x95: {  	s0 =	simm.s32 $0x0  }
0x96: {  	v28 =	vor.u32 s0, v0;
	_ =	sdelay $0x2  }
0x97: {  	[tilespmem:v27+s19+$0x0] =	vst.idx.msk $0xffff, v25  }
0x98: {  	[tilespmem:v24+s18+$0x0] =	vst.idx.msk vm15, v26  }
0x99: {  	v29 =	vld.idx.msk [tilespmem:v28+s13+$0x0], $0xffff;
	_ =	sdelay $0x1  }
0x9a: {  	v28 =	vld [tilespmem:$0x2800]  }
0x9b: {  	v26 =	vld [tilespmem:$0x2880]  }
0x9c: {  	v27 =	vld [tilespmem:$0x2810]  }
0x9d: {  	v24 =	vbroadcast v29, $0x0  }
0x9e: {  	v25 =	vld [tilespmem:$0x2820]  }
0x9f: {  	v31 =	vbroadcast v29, $0x1;
	v30 =	vmul.f32 v24, v28;
	v24 =	vld [tilespmem:$0x2830]  }
0xa0: {  	v2 =	vld [tilespmem:$0x1FFF0]  }
0xa1: {  	v32 =	vbroadcast v29, $0x2;
	v31 =	vmul.f32 v31, v27;
	v30 =	vadd.f32 v30, v26  }
0xa2: {  	v29 =	vbroadcast v29, $0x3  }
0xa3: {  	v30 =	vadd.f32 v30, v31;
	v31 =	vmul.f32 v32, v25  }
0xa4: {  	v33 =	vmul.f32 v29, v24;
	v29 =	vor.u32 s0, v1  }
0xa5: {  	s3 =	simm.s32 $0x4;
	v32 =	vadd.f32 v30, v31;
	v30 =	vor.u32 s0, v2  }
0xa6: {  	v31 =	vor.u32 s3, v0  }
0xa7: {  	s1 =	simm.s32 $0x1;
	s4 =	simm.s32 $0x2;
	s2 =	simm.s32 $0x0;
	v32 =	vadd.f32 v32, v33  }
.LBB2_8:
0xa8: {  	p0 =	sne.s32 s4, $0x1FF  }
0xa9: {  	[tilespmem:v29+s20+$0x0] =	vst.idx.msk $0xffff, v32  }
0xaa: {  	[tilespmem:v30+s21+$0x0] =	vst.idx.msk $0xffff, v32  }
0xab: {  	v29 =	vld.idx.msk [tilespmem:v31+s13+$0x0], $0xffff;
	_ =	sdelay $0x5  }
0xac: {  	v30 =	vbroadcast v29, $0x0;
	_ =	sdelay $0x1  }
0xad: {  	v31 =	vbroadcast v29, $0x1;
	v30 =	vmul.f32 v30, v28;
	_ =	sdelay $0x1  }
0xae: {  	v32 =	vbroadcast v29, $0x2;
	v31 =	vmul.f32 v31, v27;
	v30 =	vadd.f32 v30, v26;
	_ =	sdelay $0x1  }
.Ltmp5:
0xaf: {  	s2 =	sadd.s32 $0x10, s2;
	v30 =	vadd.f32 v30, v31;
	v31 =	vmul.f32 v32, v25;
	v32 =	vbroadcast v29, $0x3;
	(pc) =	sbr.rel @p0 .LBB2_8-.Ltmp5, $4  }
0xb0: {  	v29 =	vor.u32 s2, v1  }
0xb1: {  	s3 =	sadd.s32 $0x4, s3;
	v33 =	vadd.f32 v30, v31;
	v32 =	vmul.f32 v32, v24;
	v30 =	vor.u32 s1, v2;
	s1 =	smov.u32 s4  }
0xb2: {  	v31 =	vor.u32 s3, v0  }
0xb3: {  	s4 =	sadd.s32 $0x1, s4;
	v32 =	vadd.f32 v33, v32  }
0xb4: {  	_ =	sdelay $0x3  }
0xb5: {  	[tilespmem:v29+s20+$0x0] =	vst.idx.msk $0xffff, v32  }
0xb6: {  	[tilespmem:v30+s21+$0x0] =	vst.idx.msk $0xffff, v32  }
0xb7: {  	v29 =	vld.idx.msk [tilespmem:v31+s13+$0x0], $0xffff;
	_ =	sdelay $0x4  }
0xb8: {  	v60 =	vbroadcast v29, $0x0;
	_ =	sdelay $0x1  }
0xb9: {  	v61 =	vbroadcast v29, $0x1;
	v28 =	vmul.f32 v60, v28;
	_ =	sdelay $0x1  }
0xba: {  	v0 =	vld [tilespmem:$0x1FFA0];
	v62 =	vbroadcast v29, $0x2;
	v27 =	vmul.f32 v61, v27;
	v26 =	vadd.f32 v28, v26;
	_ =	sdelay $0x1  }
0xbb: {  	v25 =	vmul.f32 v62, v25;
	v26 =	vadd.f32 v26, v27;
	v27 =	vbroadcast v29, $0x3;
	_ =	sdelay $0x1  }
0xbc: {  	s2 =	sadd.s32 $0x10, s2;
	v25 =	vadd.f32 v26, v25;
	v24 =	vmul.f32 v27, v24  }
0xbd: {  	v63 =	vor.u32 s2, v1;
	v26 =	vor.u32 s1, v2;
	v27 =	vadd.s32 s0, v0;
	s1 =	simm.s32 $0x10  }
0xbe: {  	v24 =	vadd.f32 v25, v24;
	v25 =	vcvt.s32.f32 v27;
	v27 =	vadd.s32 s1, v0  }
0xbf: {  	v27 =	vcvt.s32.f32 v27  }
0xc0: {  	(erf) = vrcp.f32 v25  }
0xc1: {  	(erf) = vrcp.f32 v27;
	_ =	sdelay $0x1  }
0xc2: {  	[tilespmem:v63+s20+$0x0] =	vst.idx.msk $0xffff, v24  }
0xc3: {  	s2 =	simm.s32 $0x20;
	[tilespmem:v26+s21+$0x0] =	vst.idx.msk $0xffff, v24;
	v24 =	vor.u32 s0, v1  }
.LBB2_10:
0xc4: {  	p0 =	sne.s32 s2, $0x1F0  }
.Ltmp6:
0xc5: {  	_ = 	snop;
	(pc) =	sbr.rel @p0 .LBB2_10-.Ltmp6, $4  }
0xc6: {  	v25 =	vadd.s32 s2, v0  }
0xc7: {  	v25 =	vcvt.s32.f32 v25  }
0xc8: {  	v26 =	vpop (erf);
	s0 =	smov.u32 s2  }
0xc9: {  	s2 =	sadd.s32 $0x10, s2;
	[tilespmem:v24+s22+$0x0] =	vst.idx.msk $0xffff, v26;
	v24 =	vor.u32 s1, v1;
	s1 =	smov.u32 s0;
	(erf) = vrcp.f32 v25  }
0xca: {  	_ =	sdelay $0x3  }
0xcb: {  	v25 =	vor.u32 s1, v1  }
.Ltmp7:
0xcc: {  	_ = 	snop;
	(pc) =	sbr.rel .LBB2_12-.Ltmp7, $4  }
0xcd: {  	_ = 	snop  }
0xce: {  	v26 =	vpop (erf)  }
0xcf: {  	[tilespmem:v24+s22+$0x0] =	vst.idx.msk $0xffff, v26;
	v63 =	vpop (erf)  }
0xd0: {  	s30 =	simm.s32 $0x0;
	[tilespmem:v25+s22+$0x0] =	vst.idx.msk $0xffff, v63  }
.LBB2_37:
0xd1: {  	s0 =	sshll.u32 s30, $0x4  }
0xd2: {  	s1 =	sshll.u32 s31, $0xA;
	s30 =	sadd.s32 $0x1, s30;
	s0 =	sand.u32 $0x70, s0  }
0xd3: {  	s1 =	sand.u32 $0x7E000, s1;
	p0 =	sne.s32 s30, $0x10;
	s0 =	sadd.s32 s6, s0  }
.Ltmp8:
0xd4: {  	s0 =	sadd.s32 s1, s0;
	(pc) =	sbr.rel @!p0 .LBB2_38-.Ltmp8, $4  }
0xd5: {  	[hbm4b:s0+s26] =	stream.strided.scatter [tilespmem:s25], [sflag:$0x1], $0x2000, s28, s26, $0x38;
	[tilespmem:$0xC380] =	vst v63  }
0xd6: {  	_ =	swait.ge [sflag:s11], $0x2000  }
0xd7: {  	[sflag:s11] =	ssyncset.done $0x0  }
0xd8: {  	[sflag:s11] =	ssyncadd.s32 $0xFFFFE000  }
.LBB2_12:
0xd9: {  	v0 =	vimm.s32 $0xFFFFFFFF  }
0xda: {  	[tilespmem:$0x7F80] =	vst v0  }
0xdb: {  	[tilespmem:$0x7F90] =	vst v0  }
0xdc: {  	[tilespmem:$0x7FA0] =	vst v0  }
0xdd: {  	[tilespmem:$0x7FB0] =	vst v0  }
0xde: {  	[tilespmem:$0x7FC0] =	vst v0  }
0xdf: {  	[tilespmem:$0x7FD0] =	vst v0  }
0xe0: {  	[tilespmem:$0x7FE0] =	vst v0  }
0xe1: {  	[tilespmem:$0x7FF0] =	vst v0  }
0xe2: {  	[tilespmem:$0x8000] =	vst v0  }
0xe3: {  	[tilespmem:$0x8010] =	vst v0  }
0xe4: {  	[tilespmem:$0x8020] =	vst v0  }
0xe5: {  	[tilespmem:$0x8030] =	vst v0  }
0xe6: {  	[tilespmem:$0x8040] =	vst v0  }
0xe7: {  	[tilespmem:$0x8050] =	vst v0  }
0xe8: {  	[tilespmem:$0x8060] =	vst v0  }
0xe9: {  	[tilespmem:$0x8070] =	vst v0  }
0xea: {  	[tilespmem:$0x8080] =	vst v0  }
0xeb: {  	[tilespmem:$0x8090] =	vst v0  }
0xec: {  	[tilespmem:$0x80A0] =	vst v0  }
0xed: {  	[tilespmem:$0x80B0] =	vst v0  }
0xee: {  	[tilespmem:$0x80C0] =	vst v0  }
0xef: {  	[tilespmem:$0x80D0] =	vst v0  }
0xf0: {  	[tilespmem:$0x80E0] =	vst v0  }
0xf1: {  	[tilespmem:$0x80F0] =	vst v0  }
0xf2: {  	[tilespmem:$0x8100] =	vst v0  }
0xf3: {  	[tilespmem:$0x8110] =	vst v0  }
0xf4: {  	s31 =	sadd.s32 s9, s30;
	[tilespmem:$0x8120] =	vst v0  }
0xf5: {  	[tilespmem:$0x8130] =	vst v0;
	v25 =	vmov s31  }
0xf6: {  	[tilespmem:$0x8140] =	vst v0  }
0xf7: {  	[tilespmem:$0x8150] =	vst v0  }
0xf8: {  	[tilespmem:$0x8160] =	vst v0  }
0xf9: {  	s0 =	sshll.u32 s31, $0x4;
	[tilespmem:$0x8170] =	vst v0;
	v0 =	vimm.s32 $0x0  }
0xfa: {  	v24 =	vor.u32 s0, v1;
	[tilespmem:v25+s23+$0x0] =	vst.idx.msk $0x1, v0;
	v0 =	vld [tilespmem:$0x1FFF0];
	_ =	sdelay $0x4  }
0xfb: {  	v26 =	vld.idx.msk [tilespmem:v24+s20+$0x0], $0xffff;
	v25 =	vor.u32 s31, v0  }
0xfc: {  	v27 =	vadd.s32 s31, v7;
	_ =	sdelay $0x3  }
0xfd: {  	[tilespmem:v25+s24+$0x0] =	vst.idx.msk $0xffff, v26  }
0xfe: {  	v26 =	vld.idx.msk [tilespmem:v27+s17+$0x0], $0xffff;
	_ =	sdelay $0x4  }
0xff: {  	(v2sf) =	vpush v26, $0x0  }
0x100: {  	(v2sf) =	vpush v26, $0x1;
	_ =	sdelay $0x2  }
0x101: {  	v27 =	vbroadcast v26, $0x0;
	_ =	sdelay $0x1  }
0x102: {  	v27 =	vadd.s32 v1, v27  }
0x103: {  	vm0 =	vlt.s32 v27, $0xFFF  }
0x104: {  	v28 =	vnsel vm0, $0xFFF, v27;
	_ =	sdelay $0x4  }
0x105: {  	v28 =	vld.idx.msk [tilespmem:v28+s19+$0x0], $0xffff;
	_ =	sdelay $0x1  }
0x106: {  	s0 =	spop (v2sf)  }
0x107: {  	s1 =	spop (v2sf)  }
0x108: {  	s1 =	ssub.s32 s1, s0  }
0x109: {  	p0 =	slt.s32 s1, $0x11  }
0x10a: {  	s1 =	sadd.s32 @!p0 $0xF, s1  }
0x10b: {  	s2 =	sand.u32 @!p0 $0xF, s1  }
0x10c: {  	v29 =	vld.idx.msk [tilespmem:v28+s23+$0x0], $0xffff;
	p1 =	slt.s32 @!p0 s1, $0x0;
	p2 =	sne.s32 @!p0 s2, $0x0  }
0x10d: {  	s2 =	sshra.s32 @!p0 s1, $0x1F;
	p1 =	por @!p0 !p1, !p2  }
0x10e: {  	s2 =	sshrl.u32 @!p0 s2, $0x1C;
	p1 =	por @!p0 !p1, !p1  }
0x10f: {  	v26 =	vbroadcast v26, $0x1;
	s1 =	sadd.s32 @!p0 s2, s1;
	s2 =	simm.s32 @!p0 $0x1;
	p1 =	por !p1, p0  }
0x110: {  	s1 =	sshra.s32 @!p0 s1, $0x4;
	s2 =	simm.s32 @p1 $0x0  }
0x111: {  	vm15 =	vlt.s32 v27, v26;
	vm1 =	vlt.s32 v29, $0x0;
	s2 =	ssub.s32 @!p0 s1, s2  }
0x112: {  	vm0 =	vmand vm15, vm1;
	p2 =	slt.s32 @!p0 s2, $0x2  }
0x113: {  	p2 =	por p0, p2  }
.Ltmp9:
0x114: {  	_ = 	snop;
	(pc) =	sbr.rel @p2 .LBB2_18-.Ltmp9, $4  }
0x115: {  	_ = 	snop  }
0x116: {  	s29 =	sor.u32 $0x10000, s31  }
0x117: {  	v27 =	vmov s29  }
0x118: {  	[tilespmem:v28+s23+$0x0] =	vst.idx.msk vm0, v27  }
0x119: {  	s2 =	simm.s32 @!p0 $0xFFFFFFFF  }
0x11a: {  	s2 =	simm.s32 @p1 $0x0  }
0x11b: {  	s1 =	sadd.s32 s2, s1  }
0x11c: {  	s1 =	sadd.s32 $0xFFFFFFFF, s1  }
0x11d: {  	p1 =	sne.s32 s1, $0x1  }
.Ltmp10:
0x11e: {  	_ = 	snop;
	(pc) =	sbr.rel @!p1 .LBB2_14-.Ltmp10, $3  }
0x11f: {  	_ =	sdelay $0x1  }
0x120: {  	s0 =	sadd.s32 $0x10, s0  }
0x121: {  	p0 =	por $0x0, $0x0;
	v28 =	vadd.s32 s0, v1;
	s1 =	sadd.s32 $0xFFFFFFFF, s1  }
0x122: {  	vm0 =	vlt.s32 v28, $0xFFF  }
0x123: {  	v29 =	vnsel vm0, $0xFFF, v28;
	_ =	sdelay $0x4  }
0x124: {  	v29 =	vld.idx.msk [tilespmem:v29+s19+$0x0], $0xffff;
	_ =	sdelay $0x7  }
0x125: {  	v30 =	vld.idx.msk [tilespmem:v29+s23+$0x0], $0xffff  }
0x126: {  	p1 =	sne.s32 s1, $0x1  }
.Ltmp11:
0x127: {  	_ = 	snop;
	(pc) =	sbr.rel @!p1 .LBB2_17-.Ltmp11, $3  }
0x128: {  	_ =	sdelay $0x1  }
0x129: {  	s0 =	sadd.s32 $0x10, s0;
	vm0 =	vlt.s32 v28, v26;
	vm1 =	vlt.s32 v30, $0x0  }
0x12a: {  	s1 =	sadd.s32 $0xFFFFFFFF, s1;
	p0 =	por $0x1, $0x1;
	v28 =	vadd.s32 s0, v1;
	vm0 =	vmand vm0, vm1  }
.LBB2_16:
0x12b: {  	p1 =	sne.s32 s1, $0x1;
	vm1 =	vlt.s32 v28, $0xFFF  }
0x12c: {  	v30 =	vnsel vm1, $0xFFF, v28;
	_ =	sdelay $0x3  }
0x12d: {  	[tilespmem:v29+s23+$0x0] =	vst.idx.msk vm0, v27  }
0x12e: {  	v29 =	vld.idx.msk [tilespmem:v30+s19+$0x0], $0xffff;
	_ =	sdelay $0x7  }
0x12f: {  	v30 =	vld.idx.msk [tilespmem:v29+s23+$0x0], $0xffff;
	_ =	sdelay $0x2  }
.Ltmp12:
0x130: {  	(pc) =	sbr.rel @p1 .LBB2_16-.Ltmp12, $3  }
0x131: {  	_ =	sdelay $0x1  }
0x132: {  	s0 =	sadd.s32 $0x10, s0;
	vm0 =	vlt.s32 v28, v26;
	vm1 =	vlt.s32 v30, $0x0  }
0x133: {  	s1 =	sadd.s32 $0xFFFFFFFF, s1;
	v28 =	vadd.s32 s0, v1;
	vm0 =	vmand vm0, vm1  }
.LBB2_17:
0x134: {  	vm1 =	vlt.s32 v28, $0xFFF  }
0x135: {  	v30 =	vnsel vm1, $0xFFF, v28;
	_ =	sdelay $0x3  }
0x136: {  	[tilespmem:v29+s23+$0x0] =	vst.idx.msk @p0 vm0, v27  }
0x137: {  	v29 =	vld.idx.msk [tilespmem:v30+s19+$0x0], $0xffff;
	_ =	sdelay $0x7  }
0x138: {  	v30 =	vld.idx.msk [tilespmem:v29+s23+$0x0], $0xffff;
	_ =	sdelay $0x4  }
0x139: {  	vm14 =	vlt.s32 v28, v26;
	vm15 =	vlt.s32 v30, $0x0  }
0x13a: {  	vm0 =	vmand vm14, vm15;
	_ =	sdelay $0x5  }
0x13b: {  	[tilespmem:v29+s23+$0x0] =	vst.idx.msk vm0, v27  }
.LBB2_18:
.Ltmp13:
0x13c: {  	(pc) =	sbr.rel .LBB2_19-.Ltmp13, $2  }
0x13d: {  	_ =	sdelay $0x2  }
0x13e: {  	s0 =	simm.s32 $0x2  }
.LBB2_30:
.Ltmp14:
0x13f: {  	(pc) =	sbr.rel @!p0 .LBB2_31-.Ltmp14, $2  }
0x140: {  	_ =	sdelay $0x2  }
0x141: {  	s0 =	sadd.s32 $0x1, s3  }
.LBB2_19:
.Ltmp15:
0x142: {  	(pc) =	sbr.rel .LBB2_20-.Ltmp15, $3  }
0x143: {  	_ =	sdelay $0x1  }
0x144: {  	s3 =	smov.u32 s0;
	s29 =	sadd.s32 $0xFFFFFFFF, s0  }
0x145: {  	s0 =	simm.s32 $0x0;
	p0 =	por $0x0, $0x0;
	s7 =	sshll.u32 s3, $0x10;
	v26 =	vmov s29  }
.LBB2_29:
0x146: {  	s0 =	sadd.s32 $0x1, s0  }
0x147: {  	p2 =	sne.s32 s0, $0x20  }
.Ltmp16:
0x148: {  	_ = 	snop;
	(pc) =	sbr.rel @!p2 .LBB2_30-.Ltmp16, $2  }
0x149: {  	_ =	sdelay $0x2  }
0x14a: {  	p0 =	por p0, p1  }
.LBB2_20:
0x14b: {  	s1 =	sshll.u32 s0, $0x4  }
0x14c: {  	v27 =	vor.u32 s1, v1;
	_ =	sdelay $0x4  }
0x14d: {  	v27 =	vld.idx.msk [tilespmem:v27+s23+$0x0], $0xffff;
	_ =	sdelay $0x4  }
0x14e: {  	v27 =	vshra.s32 v27, $0x10  }
0x14f: {  	vm0 =	veq.s32 v27, v26  }
0x150: {  	v27 =	vsel vm0, $0x3F800000, v8  }
0x151: {  	(xrf0) =	vmax.scan.msk.f32 $0xffff, v27;
	_ =	sdelay $0x5  }
0x152: {  	v27, _, _ =	vpop (xrf0)  }
0x153: {  	(v2sf) =	vpush v27, $0xF;
	_ =	sdelay $0xe  }
0x154: {  	s2 =	spop (v2sf)  }
0x155: {  	p1 =	sgt.f32 s2, $0.0e+00  }
.Ltmp17:
0x156: {  	_ = 	snop;
	(pc) =	sbr.rel @!p1 .LBB2_29-.Ltmp17, $1  }
0x157: {  	_ =	sdelay $0x3  }
0x158: {  	v27 =	vmctz.xlane vm0;
	_ =	sdelay $0x1  }
0x159: {  	(v2sf) =	vpush v27, $0x0;
	_ =	sdelay $0xe  }
0x15a: {  	s2 =	spop (v2sf)  }
0x15b: {  	s2 =	sadd.s32 s1, s2  }
0x15c: {  	v28 =	vadd.s32 s2, v7;
	_ =	sdelay $0x4  }
0x15d: {  	v28 =	vld.idx.msk [tilespmem:v28+s17+$0x0], $0xffff;
	_ =	sdelay $0x4  }
0x15e: {  	(v2sf) =	vpush v28, $0x0  }
0x15f: {  	(v2sf) =	vpush v28, $0x1;
	_ =	sdelay $0x5  }
0x160: {  	v28 =	vbroadcast v28, $0x0;
	_ =	sdelay $0x1  }
0x161: {  	v28 =	vadd.s32 v1, v28  }
0x162: {  	vm1 =	vlt.s32 v28, $0xFFF  }
0x163: {  	v28 =	vnsel vm1, $0xFFF, v28  }
.Ltmp18:
0x164: {  	_ = 	snop;
	(pc) =	sbr.rel .LBB2_22-.Ltmp18, $3  }
0x165: {  	v27 =	vbroadcast v27, $0x0;
	_ =	sdelay $0x1  }
0x166: {  	vm1 =	vne.s32 v27, v1;
	s5 =	spop (v2sf)  }
0x167: {  	vm0 =	vmand vm0, vm1;
	v29 =	vld.idx.msk [tilespmem:v28+s19+$0x0], $0xffff;
	s15 =	spop (v2sf)  }
.LBB2_24:
0x168: {  	_ = 	snop  }
.LBB2_27:
0x169: {  	vm2 =	vlt.s32 v32, $0xFFF  }
0x16a: {  	v34 =	vnsel vm2, $0xFFF, v32;
	_ =	sdelay $0x3  }
0x16b: {  	[tilespmem:v33+s23+$0x0] =	vst.idx.msk @p2 vm1, v30  }
0x16c: {  	v33 =	vld.idx.msk [tilespmem:v34+s19+$0x0], $0xffff;
	_ =	sdelay $0x7  }
0x16d: {  	v34 =	vld.idx.msk [tilespmem:v33+s23+$0x0], $0xffff;
	_ =	sdelay $0x4  }
0x16e: {  	vm1 =	vlt.s32 v32, v31;
	vm2 =	vlt.s32 v34, $0x0  }
0x16f: {  	vm1 =	vmand vm1, vm2;
	_ =	sdelay $0x5  }
0x170: {  	[tilespmem:v33+s23+$0x0] =	vst.idx.msk vm1, v30  }
.LBB2_28:
0x171: {  	(v2sf) =	vpush v28, $0x1;
	_ =	sdelay $0x9  }
0x172: {  	p2 =	sgt.f32 s4, $0.0e+00  }
.Ltmp19:
0x173: {  	_ = 	snop;
	(pc) =	sbr.rel @!p2 .LBB2_29-.Ltmp19, $3  }
0x174: {  	v27 =	vbroadcast v27, $0x0;
	_ =	sdelay $0x1  }
0x175: {  	vm1 =	vne.s32 v27, v1  }
0x176: {  	s5 =	smov.u32 s14;
	vm0 =	vmand vm0, vm1;
	s15 =	spop (v2sf)  }
.LBB2_22:
0x177: {  	v27 =	vsel vm0, $0x3F800000, v8  }
0x178: {  	(xrf0) =	vmax.scan.msk.f32 $0xffff, v27;
	_ =	sdelay $0x5  }
0x179: {  	v27 =	vmctz.xlane vm0;
	v28, _, _ =	vpop (xrf0)  }
0x17a: {  	(v2sf) =	vpush v28, $0xF  }
0x17b: {  	(v2sf) =	vpush v27, $0x0;
	_ =	sdelay $0xd  }
0x17c: {  	s4 =	spop (v2sf)  }
0x17d: {  	s29 =	spop (v2sf)  }
0x17e: {  	s14 =	smov.u32 s2;
	s2 =	sadd.s32 s1, s29  }
0x17f: {  	p2 =	slt.s32 s2, $0x1FF  }
0x180: {  	s2 =	simm.s32 @!p2 $0x1FF  }
0x181: {  	v28 =	vadd.s32 s2, v7;
	_ =	sdelay $0x4  }
0x182: {  	v28 =	vld.idx.msk [tilespmem:v28+s17+$0x0], $0xffff;
	_ =	sdelay $0x3  }
0x183: {  	s10 =	ssub.s32 s15, s5  }
0x184: {  	p2 =	slt.s32 s10, $0x11;
	(v2sf) =	vpush v28, $0x0  }
0x185: {  	s10 =	sadd.s32 @!p2 $0xF, s10  }
0x186: {  	s29 =	sand.u32 @!p2 $0xF, s10  }
0x187: {  	v31 =	vmov v29;
	v29 =	vld.idx.msk [tilespmem:v29+s23+$0x0], $0xffff;
	p3 =	slt.s32 @!p2 s10, $0x0;
	p4 =	sne.s32 @!p2 s29, $0x0  }
0x188: {  	s29 =	sshra.s32 @!p2 s10, $0x1F;
	p3 =	por @!p2 !p3, !p4  }
0x189: {  	s29 =	sshrl.u32 @!p2 s29, $0x1C;
	p3 =	por @!p2 !p3, !p3  }
0x18a: {  	s10 =	sadd.s32 @!p2 s29, s10;
	s29 =	simm.s32 @!p2 $0x1;
	p3 =	por !p3, p2;
	v30 =	vbroadcast v28, $0x0  }
0x18b: {  	v32 =	vadd.s32 s5, v1;
	s10 =	sshra.s32 @!p2 s10, $0x4;
	s29 =	simm.s32 @p3 $0x0  }
0x18c: {  	vm1 =	vlt.s32 v32, s15;
	vm3 =	vlt.s32 v29, $0x0;
	s29 =	ssub.s32 @!p2 s10, s29;
	v30 =	vadd.s32 v1, v30  }
0x18d: {  	vm1 =	vmand vm1, vm3;
	p4 =	slt.s32 @!p2 s29, $0x2;
	vm2 =	vlt.s32 v30, $0xFFF  }
0x18e: {  	p4 =	por p2, p4;
	v29 =	vnsel vm2, $0xFFF, v30  }
.Ltmp20:
0x18f: {  	_ = 	snop;
	(pc) =	sbr.rel @p4 .LBB2_28-.Ltmp20, $4  }
0x190: {  	_ = 	snop  }
0x191: {  	s14 =	sadd.s32 s7, s14  }
0x192: {  	v30 =	vmov s14  }
0x193: {  	v29 =	vld.idx.msk [tilespmem:v29+s19+$0x0], $0xffff;
	[tilespmem:v31+s23+$0x0] =	vst.idx.msk vm1, v30;
	s14 =	spop (v2sf)  }
0x194: {  	s29 =	simm.s32 @!p2 $0xFFFFFFFF  }
0x195: {  	s29 =	simm.s32 @p3 $0x0  }
0x196: {  	s10 =	sadd.s32 s29, s10  }
0x197: {  	s10 =	sadd.s32 $0xFFFFFFFF, s10  }
0x198: {  	p3 =	sne.s32 s10, $0x1  }
.Ltmp21:
0x199: {  	_ = 	snop;
	(pc) =	sbr.rel @!p3 .LBB2_24-.Ltmp21, $3  }
0x19a: {  	_ =	sdelay $0x1  }
0x19b: {  	s5 =	sadd.s32 $0x10, s5  }
0x19c: {  	v31 =	vmov s15;
	p2 =	por $0x0, $0x0;
	v32 =	vadd.s32 s5, v1;
	s10 =	sadd.s32 $0xFFFFFFFF, s10  }
0x19d: {  	vm1 =	vlt.s32 v32, $0xFFF  }
0x19e: {  	v33 =	vnsel vm1, $0xFFF, v32;
	_ =	sdelay $0x4  }
0x19f: {  	v33 =	vld.idx.msk [tilespmem:v33+s19+$0x0], $0xffff;
	_ =	sdelay $0x7  }
0x1a0: {  	v34 =	vld.idx.msk [tilespmem:v33+s23+$0x0], $0xffff  }
0x1a1: {  	p3 =	sne.s32 s10, $0x1  }
.Ltmp22:
0x1a2: {  	_ = 	snop;
	(pc) =	sbr.rel @!p3 .LBB2_27-.Ltmp22, $3  }
0x1a3: {  	_ =	sdelay $0x1  }
0x1a4: {  	s5 =	sadd.s32 $0x10, s5;
	vm1 =	vlt.s32 v32, v31;
	vm2 =	vlt.s32 v34, $0x0  }
0x1a5: {  	s15 =	sadd.s32 $0xFFFFFFFF, s10;
	p2 =	por $0x1, $0x1;
	v32 =	vadd.s32 s5, v1;
	vm1 =	vmand vm1, vm2  }
.LBB2_26:
0x1a6: {  	p3 =	sne.s32 s15, $0x1;
	vm2 =	vlt.s32 v32, $0xFFF  }
0x1a7: {  	v34 =	vnsel vm2, $0xFFF, v32;
	_ =	sdelay $0x3  }
0x1a8: {  	[tilespmem:v33+s23+$0x0] =	vst.idx.msk vm1, v30  }
0x1a9: {  	v33 =	vld.idx.msk [tilespmem:v34+s19+$0x0], $0xffff;
	_ =	sdelay $0x7  }
0x1aa: {  	v34 =	vld.idx.msk [tilespmem:v33+s23+$0x0], $0xffff;
	_ =	sdelay $0x2  }
.Ltmp23:
0x1ab: {  	(pc) =	sbr.rel @p3 .LBB2_26-.Ltmp23, $3  }
0x1ac: {  	_ =	sdelay $0x1  }
0x1ad: {  	s5 =	sadd.s32 $0x10, s5;
	vm1 =	vlt.s32 v32, v31;
	vm2 =	vlt.s32 v34, $0x0  }
0x1ae: {  	s15 =	sadd.s32 $0xFFFFFFFF, s15;
	v32 =	vadd.s32 s5, v1;
	vm1 =	vmand vm1, vm2  }
.Ltmp24:
0x1af: {  	_ = 	snop;
	(pc) =	sbr.rel .LBB2_27-.Ltmp24, $1  }
0x1b0: {  	_ =	sdelay $0x3  }
.LBB2_31:
0x1b1: {  	[tilespmem:$0xA180] =	vst v8  }
0x1b2: {  	[tilespmem:$0xA190] =	vst v8  }
0x1b3: {  	[tilespmem:$0xA1A0] =	vst v8  }
0x1b4: {  	[tilespmem:$0xA1B0] =	vst v8  }
0x1b5: {  	[tilespmem:$0xA1C0] =	vst v8  }
0x1b6: {  	[tilespmem:$0xA1D0] =	vst v8  }
0x1b7: {  	[tilespmem:$0xA1E0] =	vst v8  }
0x1b8: {  	[tilespmem:$0xA1F0] =	vst v8  }
0x1b9: {  	[tilespmem:$0xA200] =	vst v8  }
0x1ba: {  	[tilespmem:$0xA210] =	vst v8  }
0x1bb: {  	[tilespmem:$0xA220] =	vst v8  }
0x1bc: {  	[tilespmem:$0xA230] =	vst v8  }
0x1bd: {  	[tilespmem:$0xA240] =	vst v8  }
0x1be: {  	[tilespmem:$0xA250] =	vst v8  }
0x1bf: {  	[tilespmem:$0xA260] =	vst v8  }
0x1c0: {  	[tilespmem:$0xA270] =	vst v8  }
0x1c1: {  	[tilespmem:$0xA280] =	vst v8  }
0x1c2: {  	[tilespmem:$0xA290] =	vst v8  }
0x1c3: {  	[tilespmem:$0xA2A0] =	vst v8  }
0x1c4: {  	[tilespmem:$0xA2B0] =	vst v8  }
0x1c5: {  	[tilespmem:$0xA2C0] =	vst v8  }
0x1c6: {  	[tilespmem:$0xA2D0] =	vst v8  }
0x1c7: {  	[tilespmem:$0xA2E0] =	vst v8  }
0x1c8: {  	[tilespmem:$0xA2F0] =	vst v8  }
0x1c9: {  	[tilespmem:$0xA300] =	vst v8  }
0x1ca: {  	[tilespmem:$0xA310] =	vst v8  }
0x1cb: {  	[tilespmem:$0xA320] =	vst v8  }
0x1cc: {  	[tilespmem:$0xA330] =	vst v8  }
0x1cd: {  	[tilespmem:$0xA340] =	vst v8  }
0x1ce: {  	[tilespmem:$0xA350] =	vst v8  }
0x1cf: {  	[tilespmem:$0xA360] =	vst v8  }
0x1d0: {  	[tilespmem:$0xA370] =	vst v8  }
0x1d1: {  	[tilespmem:$0xA380] =	vst v8  }
0x1d2: {  	[tilespmem:$0xA390] =	vst v8  }
0x1d3: {  	[tilespmem:$0xA3A0] =	vst v8  }
0x1d4: {  	[tilespmem:$0xA3B0] =	vst v8  }
0x1d5: {  	[tilespmem:$0xA3C0] =	vst v8  }
0x1d6: {  	[tilespmem:$0xA3D0] =	vst v8  }
0x1d7: {  	[tilespmem:$0xA3E0] =	vst v8  }
0x1d8: {  	[tilespmem:$0xA3F0] =	vst v8  }
0x1d9: {  	[tilespmem:$0xA400] =	vst v8  }
0x1da: {  	[tilespmem:$0xA410] =	vst v8  }
0x1db: {  	[tilespmem:$0xA420] =	vst v8  }
0x1dc: {  	[tilespmem:$0xA430] =	vst v8  }
0x1dd: {  	[tilespmem:$0xA440] =	vst v8  }
0x1de: {  	[tilespmem:$0xA450] =	vst v8  }
0x1df: {  	[tilespmem:$0xA460] =	vst v8  }
0x1e0: {  	[tilespmem:$0xA470] =	vst v8  }
0x1e1: {  	[tilespmem:$0xA480] =	vst v8  }
0x1e2: {  	[tilespmem:$0xA490] =	vst v8  }
0x1e3: {  	[tilespmem:$0xA4A0] =	vst v8  }
0x1e4: {  	[tilespmem:$0xA4B0] =	vst v8  }
0x1e5: {  	[tilespmem:$0xA4C0] =	vst v8  }
0x1e6: {  	[tilespmem:$0xA4D0] =	vst v8  }
0x1e7: {  	[tilespmem:$0xA4E0] =	vst v8  }
0x1e8: {  	[tilespmem:$0xA4F0] =	vst v8  }
0x1e9: {  	[tilespmem:$0xA500] =	vst v8  }
0x1ea: {  	[tilespmem:$0xA510] =	vst v8  }
0x1eb: {  	[tilespmem:$0xA520] =	vst v8  }
0x1ec: {  	[tilespmem:$0xA530] =	vst v8  }
0x1ed: {  	[tilespmem:$0xA540] =	vst v8  }
0x1ee: {  	[tilespmem:$0xA550] =	vst v8  }
0x1ef: {  	[tilespmem:$0xA560] =	vst v8  }
0x1f0: {  	[tilespmem:$0xA570] =	vst v8  }
0x1f1: {  	[tilespmem:$0xA580] =	vst v8  }
0x1f2: {  	[tilespmem:$0xA590] =	vst v8  }
0x1f3: {  	[tilespmem:$0xA5A0] =	vst v8  }
0x1f4: {  	[tilespmem:$0xA5B0] =	vst v8  }
0x1f5: {  	[tilespmem:$0xA5C0] =	vst v8  }
0x1f6: {  	[tilespmem:$0xA5D0] =	vst v8  }
0x1f7: {  	[tilespmem:$0xA5E0] =	vst v8  }
0x1f8: {  	[tilespmem:$0xA5F0] =	vst v8  }
0x1f9: {  	[tilespmem:$0xA600] =	vst v8  }
0x1fa: {  	[tilespmem:$0xA610] =	vst v8  }
0x1fb: {  	[tilespmem:$0xA620] =	vst v8  }
0x1fc: {  	[tilespmem:$0xA630] =	vst v8  }
0x1fd: {  	[tilespmem:$0xA640] =	vst v8  }
0x1fe: {  	[tilespmem:$0xA650] =	vst v8  }
0x1ff: {  	[tilespmem:$0xA660] =	vst v8  }
0x200: {  	[tilespmem:$0xA670] =	vst v8  }
0x201: {  	[tilespmem:$0xA680] =	vst v8  }
0x202: {  	[tilespmem:$0xA690] =	vst v8  }
0x203: {  	[tilespmem:$0xA6A0] =	vst v8  }
0x204: {  	[tilespmem:$0xA6B0] =	vst v8  }
0x205: {  	[tilespmem:$0xA6C0] =	vst v8  }
0x206: {  	[tilespmem:$0xA6D0] =	vst v8  }
0x207: {  	[tilespmem:$0xA6E0] =	vst v8  }
0x208: {  	[tilespmem:$0xA6F0] =	vst v8  }
0x209: {  	[tilespmem:$0xA700] =	vst v8  }
0x20a: {  	[tilespmem:$0xA710] =	vst v8  }
0x20b: {  	[tilespmem:$0xA720] =	vst v8  }
0x20c: {  	[tilespmem:$0xA730] =	vst v8  }
0x20d: {  	[tilespmem:$0xA740] =	vst v8  }
0x20e: {  	[tilespmem:$0xA750] =	vst v8  }
0x20f: {  	[tilespmem:$0xA760] =	vst v8  }
0x210: {  	[tilespmem:$0xA770] =	vst v8  }
0x211: {  	[tilespmem:$0xA780] =	vst v8  }
0x212: {  	[tilespmem:$0xA790] =	vst v8  }
0x213: {  	[tilespmem:$0xA7A0] =	vst v8  }
0x214: {  	[tilespmem:$0xA7B0] =	vst v8  }
0x215: {  	[tilespmem:$0xA7C0] =	vst v8  }
0x216: {  	[tilespmem:$0xA7D0] =	vst v8  }
0x217: {  	[tilespmem:$0xA7E0] =	vst v8  }
0x218: {  	[tilespmem:$0xA7F0] =	vst v8  }
0x219: {  	[tilespmem:$0xA800] =	vst v8  }
0x21a: {  	[tilespmem:$0xA810] =	vst v8  }
0x21b: {  	[tilespmem:$0xA820] =	vst v8  }
0x21c: {  	[tilespmem:$0xA830] =	vst v8  }
0x21d: {  	[tilespmem:$0xA840] =	vst v8  }
0x21e: {  	[tilespmem:$0xA850] =	vst v8  }
0x21f: {  	[tilespmem:$0xA860] =	vst v8  }
0x220: {  	[tilespmem:$0xA870] =	vst v8  }
0x221: {  	[tilespmem:$0xA880] =	vst v8  }
0x222: {  	[tilespmem:$0xA890] =	vst v8  }
0x223: {  	[tilespmem:$0xA8A0] =	vst v8  }
0x224: {  	[tilespmem:$0xA8B0] =	vst v8  }
0x225: {  	[tilespmem:$0xA8C0] =	vst v8  }
0x226: {  	[tilespmem:$0xA8D0] =	vst v8  }
0x227: {  	[tilespmem:$0xA8E0] =	vst v8  }
0x228: {  	[tilespmem:$0xA8F0] =	vst v8  }
0x229: {  	[tilespmem:$0xA900] =	vst v8  }
0x22a: {  	[tilespmem:$0xA910] =	vst v8  }
0x22b: {  	[tilespmem:$0xA920] =	vst v8  }
0x22c: {  	[tilespmem:$0xA930] =	vst v8  }
0x22d: {  	[tilespmem:$0xA940] =	vst v8  }
0x22e: {  	[tilespmem:$0xA950] =	vst v8  }
0x22f: {  	[tilespmem:$0xA960] =	vst v8  }
0x230: {  	[tilespmem:$0xA970] =	vst v8  }
0x231: {  	[tilespmem:$0xA980] =	vst v8  }
0x232: {  	[tilespmem:$0xA990] =	vst v8  }
0x233: {  	[tilespmem:$0xA9A0] =	vst v8  }
0x234: {  	[tilespmem:$0xA9B0] =	vst v8  }
0x235: {  	[tilespmem:$0xA9C0] =	vst v8  }
0x236: {  	[tilespmem:$0xA9D0] =	vst v8  }
0x237: {  	[tilespmem:$0xA9E0] =	vst v8  }
0x238: {  	[tilespmem:$0xA9F0] =	vst v8  }
0x239: {  	[tilespmem:$0xAA00] =	vst v8  }
0x23a: {  	[tilespmem:$0xAA10] =	vst v8  }
0x23b: {  	[tilespmem:$0xAA20] =	vst v8  }
0x23c: {  	[tilespmem:$0xAA30] =	vst v8  }
0x23d: {  	[tilespmem:$0xAA40] =	vst v8  }
0x23e: {  	[tilespmem:$0xAA50] =	vst v8  }
0x23f: {  	[tilespmem:$0xAA60] =	vst v8  }
0x240: {  	[tilespmem:$0xAA70] =	vst v8  }
0x241: {  	[tilespmem:$0xAA80] =	vst v8  }
0x242: {  	[tilespmem:$0xAA90] =	vst v8  }
0x243: {  	[tilespmem:$0xAAA0] =	vst v8  }
0x244: {  	[tilespmem:$0xAAB0] =	vst v8  }
0x245: {  	[tilespmem:$0xAAC0] =	vst v8  }
0x246: {  	[tilespmem:$0xAAD0] =	vst v8  }
0x247: {  	[tilespmem:$0xAAE0] =	vst v8  }
0x248: {  	[tilespmem:$0xAAF0] =	vst v8  }
0x249: {  	[tilespmem:$0xAB00] =	vst v8  }
0x24a: {  	[tilespmem:$0xAB10] =	vst v8  }
0x24b: {  	[tilespmem:$0xAB20] =	vst v8  }
0x24c: {  	[tilespmem:$0xAB30] =	vst v8  }
0x24d: {  	[tilespmem:$0xAB40] =	vst v8  }
0x24e: {  	[tilespmem:$0xAB50] =	vst v8  }
0x24f: {  	[tilespmem:$0xAB60] =	vst v8  }
0x250: {  	[tilespmem:$0xAB70] =	vst v8  }
0x251: {  	[tilespmem:$0xAB80] =	vst v8  }
0x252: {  	[tilespmem:$0xAB90] =	vst v8  }
0x253: {  	[tilespmem:$0xABA0] =	vst v8  }
0x254: {  	[tilespmem:$0xABB0] =	vst v8  }
0x255: {  	[tilespmem:$0xABC0] =	vst v8  }
0x256: {  	[tilespmem:$0xABD0] =	vst v8  }
0x257: {  	[tilespmem:$0xABE0] =	vst v8  }
0x258: {  	[tilespmem:$0xABF0] =	vst v8  }
0x259: {  	[tilespmem:$0xAC00] =	vst v8  }
0x25a: {  	[tilespmem:$0xAC10] =	vst v8  }
0x25b: {  	[tilespmem:$0xAC20] =	vst v8  }
0x25c: {  	[tilespmem:$0xAC30] =	vst v8  }
0x25d: {  	[tilespmem:$0xAC40] =	vst v8  }
0x25e: {  	[tilespmem:$0xAC50] =	vst v8  }
0x25f: {  	[tilespmem:$0xAC60] =	vst v8  }
0x260: {  	[tilespmem:$0xAC70] =	vst v8  }
0x261: {  	[tilespmem:$0xAC80] =	vst v8  }
0x262: {  	[tilespmem:$0xAC90] =	vst v8  }
0x263: {  	[tilespmem:$0xACA0] =	vst v8  }
0x264: {  	[tilespmem:$0xACB0] =	vst v8  }
0x265: {  	[tilespmem:$0xACC0] =	vst v8  }
0x266: {  	[tilespmem:$0xACD0] =	vst v8  }
0x267: {  	[tilespmem:$0xACE0] =	vst v8  }
0x268: {  	[tilespmem:$0xACF0] =	vst v8  }
0x269: {  	[tilespmem:$0xAD00] =	vst v8  }
0x26a: {  	[tilespmem:$0xAD10] =	vst v8  }
0x26b: {  	[tilespmem:$0xAD20] =	vst v8  }
0x26c: {  	[tilespmem:$0xAD30] =	vst v8  }
0x26d: {  	[tilespmem:$0xAD40] =	vst v8  }
0x26e: {  	[tilespmem:$0xAD50] =	vst v8  }
0x26f: {  	[tilespmem:$0xAD60] =	vst v8  }
0x270: {  	[tilespmem:$0xAD70] =	vst v8  }
0x271: {  	[tilespmem:$0xAD80] =	vst v8  }
0x272: {  	[tilespmem:$0xAD90] =	vst v8  }
0x273: {  	[tilespmem:$0xADA0] =	vst v8  }
0x274: {  	[tilespmem:$0xADB0] =	vst v8  }
0x275: {  	[tilespmem:$0xADC0] =	vst v8  }
0x276: {  	[tilespmem:$0xADD0] =	vst v8  }
0x277: {  	[tilespmem:$0xADE0] =	vst v8  }
0x278: {  	[tilespmem:$0xADF0] =	vst v8  }
0x279: {  	[tilespmem:$0xAE00] =	vst v8  }
0x27a: {  	[tilespmem:$0xAE10] =	vst v8  }
0x27b: {  	[tilespmem:$0xAE20] =	vst v8  }
0x27c: {  	[tilespmem:$0xAE30] =	vst v8  }
0x27d: {  	[tilespmem:$0xAE40] =	vst v8  }
0x27e: {  	[tilespmem:$0xAE50] =	vst v8  }
0x27f: {  	[tilespmem:$0xAE60] =	vst v8  }
0x280: {  	[tilespmem:$0xAE70] =	vst v8  }
0x281: {  	[tilespmem:$0xAE80] =	vst v8  }
0x282: {  	[tilespmem:$0xAE90] =	vst v8  }
0x283: {  	[tilespmem:$0xAEA0] =	vst v8  }
0x284: {  	[tilespmem:$0xAEB0] =	vst v8  }
0x285: {  	[tilespmem:$0xAEC0] =	vst v8  }
0x286: {  	[tilespmem:$0xAED0] =	vst v8  }
0x287: {  	[tilespmem:$0xAEE0] =	vst v8  }
0x288: {  	[tilespmem:$0xAEF0] =	vst v8  }
0x289: {  	[tilespmem:$0xAF00] =	vst v8  }
0x28a: {  	[tilespmem:$0xAF10] =	vst v8  }
0x28b: {  	[tilespmem:$0xAF20] =	vst v8  }
0x28c: {  	[tilespmem:$0xAF30] =	vst v8  }
0x28d: {  	[tilespmem:$0xAF40] =	vst v8  }
0x28e: {  	[tilespmem:$0xAF50] =	vst v8  }
0x28f: {  	[tilespmem:$0xAF60] =	vst v8  }
0x290: {  	[tilespmem:$0xAF70] =	vst v8  }
0x291: {  	[tilespmem:$0xAF80] =	vst v8  }
0x292: {  	[tilespmem:$0xAF90] =	vst v8  }
0x293: {  	[tilespmem:$0xAFA0] =	vst v8  }
0x294: {  	[tilespmem:$0xAFB0] =	vst v8  }
0x295: {  	[tilespmem:$0xAFC0] =	vst v8  }
0x296: {  	[tilespmem:$0xAFD0] =	vst v8  }
0x297: {  	[tilespmem:$0xAFE0] =	vst v8  }
0x298: {  	[tilespmem:$0xAFF0] =	vst v8  }
0x299: {  	[tilespmem:$0xB000] =	vst v8  }
0x29a: {  	[tilespmem:$0xB010] =	vst v8  }
0x29b: {  	[tilespmem:$0xB020] =	vst v8  }
0x29c: {  	[tilespmem:$0xB030] =	vst v8  }
0x29d: {  	[tilespmem:$0xB040] =	vst v8  }
0x29e: {  	[tilespmem:$0xB050] =	vst v8  }
0x29f: {  	[tilespmem:$0xB060] =	vst v8  }
0x2a0: {  	[tilespmem:$0xB070] =	vst v8  }
0x2a1: {  	[tilespmem:$0xB080] =	vst v8  }
0x2a2: {  	[tilespmem:$0xB090] =	vst v8  }
0x2a3: {  	[tilespmem:$0xB0A0] =	vst v8  }
0x2a4: {  	[tilespmem:$0xB0B0] =	vst v8  }
0x2a5: {  	[tilespmem:$0xB0C0] =	vst v8  }
0x2a6: {  	[tilespmem:$0xB0D0] =	vst v8  }
0x2a7: {  	[tilespmem:$0xB0E0] =	vst v8  }
0x2a8: {  	[tilespmem:$0xB0F0] =	vst v8  }
0x2a9: {  	[tilespmem:$0xB100] =	vst v8  }
0x2aa: {  	[tilespmem:$0xB110] =	vst v8  }
0x2ab: {  	[tilespmem:$0xB120] =	vst v8  }
0x2ac: {  	[tilespmem:$0xB130] =	vst v8  }
0x2ad: {  	[tilespmem:$0xB140] =	vst v8  }
0x2ae: {  	[tilespmem:$0xB150] =	vst v8  }
0x2af: {  	[tilespmem:$0xB160] =	vst v8  }
0x2b0: {  	[tilespmem:$0xB170] =	vst v8  }
0x2b1: {  	[tilespmem:$0xB180] =	vst v8  }
0x2b2: {  	[tilespmem:$0xB190] =	vst v8  }
0x2b3: {  	[tilespmem:$0xB1A0] =	vst v8  }
0x2b4: {  	[tilespmem:$0xB1B0] =	vst v8  }
0x2b5: {  	[tilespmem:$0xB1C0] =	vst v8  }
0x2b6: {  	[tilespmem:$0xB1D0] =	vst v8  }
0x2b7: {  	[tilespmem:$0xB1E0] =	vst v8  }
0x2b8: {  	[tilespmem:$0xB1F0] =	vst v8  }
0x2b9: {  	[tilespmem:$0xB200] =	vst v8  }
0x2ba: {  	[tilespmem:$0xB210] =	vst v8  }
0x2bb: {  	[tilespmem:$0xB220] =	vst v8  }
0x2bc: {  	[tilespmem:$0xB230] =	vst v8  }
0x2bd: {  	[tilespmem:$0xB240] =	vst v8  }
0x2be: {  	[tilespmem:$0xB250] =	vst v8  }
0x2bf: {  	[tilespmem:$0xB260] =	vst v8  }
0x2c0: {  	[tilespmem:$0xB270] =	vst v8  }
0x2c1: {  	[tilespmem:$0xB280] =	vst v8  }
0x2c2: {  	[tilespmem:$0xB290] =	vst v8  }
0x2c3: {  	[tilespmem:$0xB2A0] =	vst v8  }
0x2c4: {  	[tilespmem:$0xB2B0] =	vst v8  }
0x2c5: {  	[tilespmem:$0xB2C0] =	vst v8  }
0x2c6: {  	[tilespmem:$0xB2D0] =	vst v8  }
0x2c7: {  	[tilespmem:$0xB2E0] =	vst v8  }
0x2c8: {  	[tilespmem:$0xB2F0] =	vst v8  }
0x2c9: {  	[tilespmem:$0xB300] =	vst v8  }
0x2ca: {  	[tilespmem:$0xB310] =	vst v8  }
0x2cb: {  	[tilespmem:$0xB320] =	vst v8  }
0x2cc: {  	[tilespmem:$0xB330] =	vst v8  }
0x2cd: {  	[tilespmem:$0xB340] =	vst v8  }
0x2ce: {  	[tilespmem:$0xB350] =	vst v8  }
0x2cf: {  	[tilespmem:$0xB360] =	vst v8  }
0x2d0: {  	[tilespmem:$0xB370] =	vst v8  }
0x2d1: {  	[tilespmem:$0xB380] =	vst v8  }
0x2d2: {  	[tilespmem:$0xB390] =	vst v8  }
0x2d3: {  	[tilespmem:$0xB3A0] =	vst v8  }
0x2d4: {  	[tilespmem:$0xB3B0] =	vst v8  }
0x2d5: {  	[tilespmem:$0xB3C0] =	vst v8  }
0x2d6: {  	[tilespmem:$0xB3D0] =	vst v8  }
0x2d7: {  	[tilespmem:$0xB3E0] =	vst v8  }
0x2d8: {  	[tilespmem:$0xB3F0] =	vst v8  }
0x2d9: {  	[tilespmem:$0xB400] =	vst v8  }
0x2da: {  	[tilespmem:$0xB410] =	vst v8  }
0x2db: {  	[tilespmem:$0xB420] =	vst v8  }
0x2dc: {  	[tilespmem:$0xB430] =	vst v8  }
0x2dd: {  	[tilespmem:$0xB440] =	vst v8  }
0x2de: {  	[tilespmem:$0xB450] =	vst v8  }
0x2df: {  	[tilespmem:$0xB460] =	vst v8  }
0x2e0: {  	[tilespmem:$0xB470] =	vst v8  }
0x2e1: {  	[tilespmem:$0xB480] =	vst v8  }
0x2e2: {  	[tilespmem:$0xB490] =	vst v8  }
0x2e3: {  	[tilespmem:$0xB4A0] =	vst v8  }
0x2e4: {  	[tilespmem:$0xB4B0] =	vst v8  }
0x2e5: {  	[tilespmem:$0xB4C0] =	vst v8  }
0x2e6: {  	[tilespmem:$0xB4D0] =	vst v8  }
0x2e7: {  	[tilespmem:$0xB4E0] =	vst v8  }
0x2e8: {  	[tilespmem:$0xB4F0] =	vst v8  }
0x2e9: {  	[tilespmem:$0xB500] =	vst v8  }
0x2ea: {  	[tilespmem:$0xB510] =	vst v8  }
0x2eb: {  	[tilespmem:$0xB520] =	vst v8  }
0x2ec: {  	[tilespmem:$0xB530] =	vst v8  }
0x2ed: {  	[tilespmem:$0xB540] =	vst v8  }
0x2ee: {  	[tilespmem:$0xB550] =	vst v8  }
0x2ef: {  	[tilespmem:$0xB560] =	vst v8  }
0x2f0: {  	[tilespmem:$0xB570] =	vst v8  }
0x2f1: {  	[tilespmem:$0xB580] =	vst v8  }
0x2f2: {  	[tilespmem:$0xB590] =	vst v8  }
0x2f3: {  	[tilespmem:$0xB5A0] =	vst v8  }
0x2f4: {  	[tilespmem:$0xB5B0] =	vst v8  }
0x2f5: {  	[tilespmem:$0xB5C0] =	vst v8  }
0x2f6: {  	[tilespmem:$0xB5D0] =	vst v8  }
0x2f7: {  	[tilespmem:$0xB5E0] =	vst v8  }
0x2f8: {  	[tilespmem:$0xB5F0] =	vst v8  }
0x2f9: {  	[tilespmem:$0xB600] =	vst v8  }
0x2fa: {  	[tilespmem:$0xB610] =	vst v8  }
0x2fb: {  	[tilespmem:$0xB620] =	vst v8  }
0x2fc: {  	[tilespmem:$0xB630] =	vst v8  }
0x2fd: {  	[tilespmem:$0xB640] =	vst v8  }
0x2fe: {  	[tilespmem:$0xB650] =	vst v8  }
0x2ff: {  	[tilespmem:$0xB660] =	vst v8  }
0x300: {  	[tilespmem:$0xB670] =	vst v8  }
0x301: {  	[tilespmem:$0xB680] =	vst v8  }
0x302: {  	[tilespmem:$0xB690] =	vst v8  }
0x303: {  	[tilespmem:$0xB6A0] =	vst v8  }
0x304: {  	[tilespmem:$0xB6B0] =	vst v8  }
0x305: {  	[tilespmem:$0xB6C0] =	vst v8  }
0x306: {  	[tilespmem:$0xB6D0] =	vst v8  }
0x307: {  	[tilespmem:$0xB6E0] =	vst v8  }
0x308: {  	[tilespmem:$0xB6F0] =	vst v8  }
0x309: {  	[tilespmem:$0xB700] =	vst v8  }
0x30a: {  	[tilespmem:$0xB710] =	vst v8  }
0x30b: {  	[tilespmem:$0xB720] =	vst v8  }
0x30c: {  	[tilespmem:$0xB730] =	vst v8  }
0x30d: {  	[tilespmem:$0xB740] =	vst v8  }
0x30e: {  	[tilespmem:$0xB750] =	vst v8  }
0x30f: {  	[tilespmem:$0xB760] =	vst v8  }
0x310: {  	[tilespmem:$0xB770] =	vst v8  }
0x311: {  	[tilespmem:$0xB780] =	vst v8  }
0x312: {  	[tilespmem:$0xB790] =	vst v8  }
0x313: {  	[tilespmem:$0xB7A0] =	vst v8  }
0x314: {  	[tilespmem:$0xB7B0] =	vst v8  }
0x315: {  	[tilespmem:$0xB7C0] =	vst v8  }
0x316: {  	[tilespmem:$0xB7D0] =	vst v8  }
0x317: {  	[tilespmem:$0xB7E0] =	vst v8  }
0x318: {  	[tilespmem:$0xB7F0] =	vst v8  }
0x319: {  	[tilespmem:$0xB800] =	vst v8  }
0x31a: {  	[tilespmem:$0xB810] =	vst v8  }
0x31b: {  	[tilespmem:$0xB820] =	vst v8  }
0x31c: {  	[tilespmem:$0xB830] =	vst v8  }
0x31d: {  	[tilespmem:$0xB840] =	vst v8  }
0x31e: {  	[tilespmem:$0xB850] =	vst v8  }
0x31f: {  	[tilespmem:$0xB860] =	vst v8  }
0x320: {  	[tilespmem:$0xB870] =	vst v8  }
0x321: {  	[tilespmem:$0xB880] =	vst v8  }
0x322: {  	[tilespmem:$0xB890] =	vst v8  }
0x323: {  	[tilespmem:$0xB8A0] =	vst v8  }
0x324: {  	[tilespmem:$0xB8B0] =	vst v8  }
0x325: {  	[tilespmem:$0xB8C0] =	vst v8  }
0x326: {  	[tilespmem:$0xB8D0] =	vst v8  }
0x327: {  	[tilespmem:$0xB8E0] =	vst v8  }
0x328: {  	[tilespmem:$0xB8F0] =	vst v8  }
0x329: {  	[tilespmem:$0xB900] =	vst v8  }
0x32a: {  	[tilespmem:$0xB910] =	vst v8  }
0x32b: {  	[tilespmem:$0xB920] =	vst v8  }
0x32c: {  	[tilespmem:$0xB930] =	vst v8  }
0x32d: {  	[tilespmem:$0xB940] =	vst v8  }
0x32e: {  	[tilespmem:$0xB950] =	vst v8  }
0x32f: {  	[tilespmem:$0xB960] =	vst v8  }
0x330: {  	[tilespmem:$0xB970] =	vst v8  }
0x331: {  	[tilespmem:$0xB980] =	vst v8  }
0x332: {  	[tilespmem:$0xB990] =	vst v8  }
0x333: {  	[tilespmem:$0xB9A0] =	vst v8  }
0x334: {  	[tilespmem:$0xB9B0] =	vst v8  }
0x335: {  	[tilespmem:$0xB9C0] =	vst v8  }
0x336: {  	[tilespmem:$0xB9D0] =	vst v8  }
0x337: {  	[tilespmem:$0xB9E0] =	vst v8  }
0x338: {  	[tilespmem:$0xB9F0] =	vst v8  }
0x339: {  	[tilespmem:$0xBA00] =	vst v8  }
0x33a: {  	[tilespmem:$0xBA10] =	vst v8  }
0x33b: {  	[tilespmem:$0xBA20] =	vst v8  }
0x33c: {  	[tilespmem:$0xBA30] =	vst v8  }
0x33d: {  	[tilespmem:$0xBA40] =	vst v8  }
0x33e: {  	[tilespmem:$0xBA50] =	vst v8  }
0x33f: {  	[tilespmem:$0xBA60] =	vst v8  }
0x340: {  	[tilespmem:$0xBA70] =	vst v8  }
0x341: {  	[tilespmem:$0xBA80] =	vst v8  }
0x342: {  	[tilespmem:$0xBA90] =	vst v8  }
0x343: {  	[tilespmem:$0xBAA0] =	vst v8  }
0x344: {  	[tilespmem:$0xBAB0] =	vst v8  }
0x345: {  	[tilespmem:$0xBAC0] =	vst v8  }
0x346: {  	[tilespmem:$0xBAD0] =	vst v8  }
0x347: {  	[tilespmem:$0xBAE0] =	vst v8  }
0x348: {  	[tilespmem:$0xBAF0] =	vst v8  }
0x349: {  	[tilespmem:$0xBB00] =	vst v8  }
0x34a: {  	[tilespmem:$0xBB10] =	vst v8  }
0x34b: {  	[tilespmem:$0xBB20] =	vst v8  }
0x34c: {  	[tilespmem:$0xBB30] =	vst v8  }
0x34d: {  	[tilespmem:$0xBB40] =	vst v8  }
0x34e: {  	[tilespmem:$0xBB50] =	vst v8  }
0x34f: {  	[tilespmem:$0xBB60] =	vst v8  }
0x350: {  	[tilespmem:$0xBB70] =	vst v8  }
0x351: {  	[tilespmem:$0xBB80] =	vst v8  }
0x352: {  	[tilespmem:$0xBB90] =	vst v8  }
0x353: {  	[tilespmem:$0xBBA0] =	vst v8  }
0x354: {  	[tilespmem:$0xBBB0] =	vst v8  }
0x355: {  	[tilespmem:$0xBBC0] =	vst v8  }
0x356: {  	[tilespmem:$0xBBD0] =	vst v8  }
0x357: {  	[tilespmem:$0xBBE0] =	vst v8  }
0x358: {  	[tilespmem:$0xBBF0] =	vst v8  }
0x359: {  	[tilespmem:$0xBC00] =	vst v8  }
0x35a: {  	[tilespmem:$0xBC10] =	vst v8  }
0x35b: {  	[tilespmem:$0xBC20] =	vst v8  }
0x35c: {  	[tilespmem:$0xBC30] =	vst v8  }
0x35d: {  	[tilespmem:$0xBC40] =	vst v8  }
0x35e: {  	[tilespmem:$0xBC50] =	vst v8  }
0x35f: {  	[tilespmem:$0xBC60] =	vst v8  }
0x360: {  	[tilespmem:$0xBC70] =	vst v8  }
0x361: {  	[tilespmem:$0xBC80] =	vst v8  }
0x362: {  	[tilespmem:$0xBC90] =	vst v8  }
0x363: {  	[tilespmem:$0xBCA0] =	vst v8  }
0x364: {  	[tilespmem:$0xBCB0] =	vst v8  }
0x365: {  	[tilespmem:$0xBCC0] =	vst v8  }
0x366: {  	[tilespmem:$0xBCD0] =	vst v8  }
0x367: {  	[tilespmem:$0xBCE0] =	vst v8  }
0x368: {  	[tilespmem:$0xBCF0] =	vst v8  }
0x369: {  	[tilespmem:$0xBD00] =	vst v8  }
0x36a: {  	[tilespmem:$0xBD10] =	vst v8  }
0x36b: {  	[tilespmem:$0xBD20] =	vst v8  }
0x36c: {  	[tilespmem:$0xBD30] =	vst v8  }
0x36d: {  	[tilespmem:$0xBD40] =	vst v8  }
0x36e: {  	[tilespmem:$0xBD50] =	vst v8  }
0x36f: {  	[tilespmem:$0xBD60] =	vst v8  }
0x370: {  	[tilespmem:$0xBD70] =	vst v8  }
0x371: {  	[tilespmem:$0xBD80] =	vst v8  }
0x372: {  	[tilespmem:$0xBD90] =	vst v8  }
0x373: {  	[tilespmem:$0xBDA0] =	vst v8  }
0x374: {  	[tilespmem:$0xBDB0] =	vst v8  }
0x375: {  	[tilespmem:$0xBDC0] =	vst v8  }
0x376: {  	[tilespmem:$0xBDD0] =	vst v8  }
0x377: {  	[tilespmem:$0xBDE0] =	vst v8  }
0x378: {  	[tilespmem:$0xBDF0] =	vst v8  }
0x379: {  	[tilespmem:$0xBE00] =	vst v8  }
0x37a: {  	[tilespmem:$0xBE10] =	vst v8  }
0x37b: {  	[tilespmem:$0xBE20] =	vst v8  }
0x37c: {  	[tilespmem:$0xBE30] =	vst v8  }
0x37d: {  	[tilespmem:$0xBE40] =	vst v8  }
0x37e: {  	[tilespmem:$0xBE50] =	vst v8  }
0x37f: {  	[tilespmem:$0xBE60] =	vst v8  }
0x380: {  	[tilespmem:$0xBE70] =	vst v8  }
0x381: {  	[tilespmem:$0xBE80] =	vst v8  }
0x382: {  	[tilespmem:$0xBE90] =	vst v8  }
0x383: {  	[tilespmem:$0xBEA0] =	vst v8  }
0x384: {  	[tilespmem:$0xBEB0] =	vst v8  }
0x385: {  	[tilespmem:$0xBEC0] =	vst v8  }
0x386: {  	[tilespmem:$0xBED0] =	vst v8  }
0x387: {  	[tilespmem:$0xBEE0] =	vst v8  }
0x388: {  	[tilespmem:$0xBEF0] =	vst v8  }
0x389: {  	[tilespmem:$0xBF00] =	vst v8  }
0x38a: {  	[tilespmem:$0xBF10] =	vst v8  }
0x38b: {  	[tilespmem:$0xBF20] =	vst v8  }
0x38c: {  	[tilespmem:$0xBF30] =	vst v8  }
0x38d: {  	[tilespmem:$0xBF40] =	vst v8  }
0x38e: {  	[tilespmem:$0xBF50] =	vst v8  }
0x38f: {  	[tilespmem:$0xBF60] =	vst v8  }
0x390: {  	[tilespmem:$0xBF70] =	vst v8  }
0x391: {  	[tilespmem:$0xBF80] =	vst v8  }
0x392: {  	[tilespmem:$0xBF90] =	vst v8  }
0x393: {  	[tilespmem:$0xBFA0] =	vst v8  }
0x394: {  	[tilespmem:$0xBFB0] =	vst v8  }
0x395: {  	[tilespmem:$0xBFC0] =	vst v8  }
0x396: {  	[tilespmem:$0xBFD0] =	vst v8  }
0x397: {  	[tilespmem:$0xBFE0] =	vst v8  }
0x398: {  	[tilespmem:$0xBFF0] =	vst v8  }
0x399: {  	[tilespmem:$0xC000] =	vst v8  }
0x39a: {  	[tilespmem:$0xC010] =	vst v8  }
0x39b: {  	[tilespmem:$0xC020] =	vst v8  }
0x39c: {  	[tilespmem:$0xC030] =	vst v8  }
0x39d: {  	[tilespmem:$0xC040] =	vst v8  }
0x39e: {  	[tilespmem:$0xC050] =	vst v8  }
0x39f: {  	[tilespmem:$0xC060] =	vst v8  }
0x3a0: {  	[tilespmem:$0xC070] =	vst v8  }
0x3a1: {  	[tilespmem:$0xC080] =	vst v8  }
0x3a2: {  	[tilespmem:$0xC090] =	vst v8  }
0x3a3: {  	[tilespmem:$0xC0A0] =	vst v8  }
0x3a4: {  	[tilespmem:$0xC0B0] =	vst v8  }
0x3a5: {  	[tilespmem:$0xC0C0] =	vst v8  }
0x3a6: {  	[tilespmem:$0xC0D0] =	vst v8  }
0x3a7: {  	[tilespmem:$0xC0E0] =	vst v8  }
0x3a8: {  	[tilespmem:$0xC0F0] =	vst v8  }
0x3a9: {  	[tilespmem:$0xC100] =	vst v8  }
0x3aa: {  	[tilespmem:$0xC110] =	vst v8  }
0x3ab: {  	[tilespmem:$0xC120] =	vst v8  }
0x3ac: {  	[tilespmem:$0xC130] =	vst v8  }
0x3ad: {  	[tilespmem:$0xC140] =	vst v8  }
0x3ae: {  	[tilespmem:$0xC150] =	vst v8  }
0x3af: {  	[tilespmem:$0xC160] =	vst v8  }
0x3b0: {  	[tilespmem:$0xC170] =	vst v8  }
0x3b1: {  	p0 =	slt.s32 s3, $0x2;
	v24 =	vld.idx.msk [tilespmem:v24+s20+$0x0], $0xffff  }
.Ltmp25:
0x3b2: {  	_ = 	snop;
	(pc) =	sbr.rel @p0 .LBB2_37-.Ltmp25, $4  }
.Ltmp26:
0x3b3: {  	_ = 	snop;
	(pc) =	sbr.rel @!p0 .LBB2_32-.Ltmp26, $4  }
0x3b4: {  	_ = 	snop  }
0x3b5: {  	_ = 	snop  }
0x3b6: {  	s0 =	simm.s32 $0x1;
	[tilespmem:v25+s25+$0x0] =	vst.idx.msk $0xffff, v24  }
0x3b7: {  	_ = 	snop  }
.LBB2_36:
0x3b8: {  	s0 =	sadd.s32 $0x1, s0  }
0x3b9: {  	p0 =	sne.s32 s0, s3  }
.Ltmp27:
0x3ba: {  	_ = 	snop;
	(pc) =	sbr.rel @!p0 .LBB2_37-.Ltmp27, $1  }
0x3bb: {  	_ =	sdelay $0x3  }
.LBB2_32:
0x3bc: {  	v24 =	vmov s0;
	_ =	sdelay $0x4  }
0x3bd: {  	v25 =	vld.idx.msk [tilespmem:v24+s22+$0x0], $0xffff  }
.Ltmp28:
0x3be: {  	_ = 	snop;
	(pc) =	sbr.rel .LBB2_33-.Ltmp28, $2  }
0x3bf: {  	_ =	sdelay $0x2  }
0x3c0: {  	s1 =	simm.s32 $0x0;
	v25 =	vbroadcast v25, $0x0  }
.LBB2_35:
0x3c1: {  	s1 =	sadd.s32 $0x10, s1  }
0x3c2: {  	p0 =	sne.s32 s1, $0x200  }
.Ltmp29:
0x3c3: {  	_ = 	snop;
	(pc) =	sbr.rel @!p0 .LBB2_36-.Ltmp29, $1  }
0x3c4: {  	_ =	sdelay $0x3  }
.LBB2_33:
0x3c5: {  	v26 =	vor.u32 s1, v1;
	_ =	sdelay $0x4  }
0x3c6: {  	v27 =	vld.idx.msk [tilespmem:v26+s23+$0x0], $0xffff;
	_ =	sdelay $0x4  }
0x3c7: {  	v28 =	vshra.s32 v27, $0x10  }
0x3c8: {  	vm0 =	veq.s32 v28, v24  }
0x3c9: {  	v28 =	vsel vm0, $0x3F800000, v8  }
0x3ca: {  	(xrf0) =	vmax.scan.msk.f32 $0xffff, v28;
	_ =	sdelay $0x5  }
0x3cb: {  	v28, _, _ =	vpop (xrf0)  }
0x3cc: {  	(v2sf) =	vpush v28, $0xF;
	_ =	sdelay $0xe  }
0x3cd: {  	s2 =	spop (v2sf)  }
0x3ce: {  	p0 =	sgt.f32 s2, $0.0e+00  }
.Ltmp30:
0x3cf: {  	_ = 	snop;
	(pc) =	sbr.rel @!p0 .LBB2_35-.Ltmp30, $1  }
0x3d0: {  	_ =	sdelay $0x3  }
0x3d1: {  	v27 =	vand.u32 $0x1FF, v27  }
0x3d2: {  	v0 =	vld [tilespmem:$0x1FFB0]  }
0x3d3: {  	v28 =	vor.u32 $0x200, v27  }
0x3d4: {  	v29 =	vor.u32 $0x400, v27  }
0x3d5: {  	v49 =	vld.idx.msk [tilespmem:v26+s21+$0x0], $0xffff;
	v30 =	vor.u32 $0x600, v27  }
0x3d6: {  	v43 =	vmov s1;
	v31 =	vor.u32 $0x800, v27;
	v32 =	vld.idx.msk [tilespmem:v27+s24+$0x0], $0xffff  }
0x3d7: {  	v33 =	vor.u32 $0xA00, v27;
	v44 =	vor.u32 v0, v43;
	v0 =	vld [tilespmem:$0x1FFC0]  }
0x3d8: {  	v34 =	vor.u32 $0xC00, v27;
	v28 =	vld.idx.msk [tilespmem:v28+s24+$0x0], $0xffff  }
0x3d9: {  	v35 =	vor.u32 $0xE00, v27;
	v29 =	vld.idx.msk [tilespmem:v29+s24+$0x0], $0xffff  }
0x3da: {  	v36 =	vor.u32 $0x1000, v27;
	v30 =	vld.idx.msk [tilespmem:v30+s24+$0x0], $0xffff  }
0x3db: {  	v37 =	vor.u32 $0x1200, v27;
	v31 =	vld.idx.msk [tilespmem:v31+s24+$0x0], $0xffff  }
0x3dc: {  	v38 =	vor.u32 $0x1400, v27;
	v33 =	vld.idx.msk [tilespmem:v33+s24+$0x0], $0xffff  }
0x3dd: {  	v39 =	vor.u32 $0x1600, v27;
	v34 =	vld.idx.msk [tilespmem:v34+s24+$0x0], $0xffff  }
0x3de: {  	v40 =	vor.u32 $0x1800, v27;
	v35 =	vld.idx.msk [tilespmem:v35+s24+$0x0], $0xffff  }
0x3df: {  	v41 =	vor.u32 $0x1A00, v27;
	v36 =	vld.idx.msk [tilespmem:v36+s24+$0x0], $0xffff  }
0x3e0: {  	v42 =	vor.u32 $0x1C00, v27;
	v37 =	vld.idx.msk [tilespmem:v37+s24+$0x0], $0xffff  }
0x3e1: {  	v47 =	vor.u32 v12, v43;
	v38 =	vld.idx.msk [tilespmem:v38+s24+$0x0], $0xffff  }
0x3e2: {  	v48 =	vor.u32 v13, v43;
	v39 =	vld.idx.msk [tilespmem:v39+s24+$0x0], $0xffff  }
0x3e3: {  	v40 =	vld.idx.msk [tilespmem:v40+s24+$0x0], $0xffff  }
0x3e4: {  	v50 =	vor.u32 v14, v43;
	v41 =	vld.idx.msk [tilespmem:v41+s24+$0x0], $0xffff  }
0x3e5: {  	v52 =	vor.u32 v15, v43;
	v42 =	vld.idx.msk [tilespmem:v42+s24+$0x0], $0xffff  }
0x3e6: {  	v54 =	vor.u32 v16, v43;
	v57 =	vld.idx.msk [tilespmem:v47+s21+$0x0], $0xffff  }
0x3e7: {  	v56 =	vor.u32 v17, v43;
	v59 =	vld.idx.msk [tilespmem:v48+s21+$0x0], $0xffff  }
0x3e8: {  	v58 =	vor.u32 v18, v43;
	v45 =	vor.u32 v0, v43;
	v0 =	vld [tilespmem:$0x1FFD0]  }
0x3e9: {  	v60 =	vor.u32 v19, v43;
	v61 =	vld.idx.msk [tilespmem:v50+s21+$0x0], $0xffff  }
0x3ea: {  	v62 =	vor.u32 v20, v43;
	v63 =	vld.idx.msk [tilespmem:v52+s21+$0x0], $0xffff  }
0x3eb: {  	v2 =	vld.idx.msk [tilespmem:v54+s21+$0x0], $0xffff  }
0x3ec: {  	v3 =	vld.idx.msk [tilespmem:v56+s21+$0x0], $0xffff  }
0x3ed: {  	v5 =	vld.idx.msk [tilespmem:v58+s21+$0x0], $0xffff;
	v46 =	vor.u32 v0, v43  }
0x3ee: {  	v6 =	vor.u32 v22, v43;
	v4 =	vld.idx.msk [tilespmem:v60+s21+$0x0], $0xffff  }
0x3ef: {  	v27 =	vor.u32 $0x1E00, v27;
	v9 =	vld.idx.msk [tilespmem:v62+s21+$0x0], $0xffff  }
0x3f0: {  	v51 =	vld.idx.msk [tilespmem:v44+s21+$0x0], $0xffff;
	v0 =	vor.u32 v21, v43  }
0x3f1: {  	v53 =	vld.idx.msk [tilespmem:v45+s21+$0x0], $0xffff;
	v43 =	vor.u32 v23, v43  }
0x3f2: {  	v55 =	vld.idx.msk [tilespmem:v46+s21+$0x0], $0xffff  }
0x3f3: {  	v11 =	vld.idx.msk [tilespmem:v6+s21+$0x0], $0xffff  }
0x3f4: {  	v27 =	vld.idx.msk [tilespmem:v27+s24+$0x0], $0xffff;
	v32 =	vadd.f32 v49, v32  }
0x3f5: {  	v28 =	vadd.f32 v51, v28;
	v10 =	vld.idx.msk [tilespmem:v0+s21+$0x0], $0xffff  }
0x3f6: {  	v49 =	vld.idx.msk [tilespmem:v43+s21+$0x0], $0xffff;
	v29 =	vadd.f32 v53, v29;
	[tilespmem:v26+s24+$0x0] =	vst.idx.msk vm0, v32  }
0x3f7: {  	[tilespmem:v44+s24+$0x0] =	vst.idx.msk vm0, v28;
	v30 =	vadd.f32 v55, v30  }
0x3f8: {  	v31 =	vadd.f32 v57, v31;
	[tilespmem:v45+s24+$0x0] =	vst.idx.msk vm0, v29  }
0x3f9: {  	v33 =	vadd.f32 v59, v33;
	[tilespmem:v46+s24+$0x0] =	vst.idx.msk vm0, v30  }
0x3fa: {  	v34 =	vadd.f32 v61, v34;
	[tilespmem:v47+s24+$0x0] =	vst.idx.msk vm0, v31  }
0x3fb: {  	v35 =	vadd.f32 v63, v35;
	[tilespmem:v48+s24+$0x0] =	vst.idx.msk vm0, v33  }
0x3fc: {  	v2 =	vadd.f32 v2, v36;
	[tilespmem:v50+s24+$0x0] =	vst.idx.msk vm0, v34  }
0x3fd: {  	v3 =	vadd.f32 v3, v37;
	[tilespmem:v52+s24+$0x0] =	vst.idx.msk vm0, v35  }
0x3fe: {  	v5 =	vadd.f32 v5, v38;
	[tilespmem:v54+s24+$0x0] =	vst.idx.msk vm0, v2  }
0x3ff: {  	v4 =	vadd.f32 v4, v39;
	[tilespmem:v56+s24+$0x0] =	vst.idx.msk vm0, v3  }
0x400: {  	v9 =	vadd.f32 v9, v40;
	[tilespmem:v58+s24+$0x0] =	vst.idx.msk vm0, v5  }
0x401: {  	v10 =	vadd.f32 v10, v41;
	[tilespmem:v60+s24+$0x0] =	vst.idx.msk vm0, v4  }
0x402: {  	v11 =	vadd.f32 v11, v42;
	[tilespmem:v62+s24+$0x0] =	vst.idx.msk vm0, v9  }
0x403: {  	v27 =	vadd.f32 v49, v27;
	[tilespmem:v0+s24+$0x0] =	vst.idx.msk vm0, v10  }
0x404: {  	v32 =	vmul.f32 v32, v25;
	[tilespmem:v6+s24+$0x0] =	vst.idx.msk vm0, v11  }
0x405: {  	v28 =	vmul.f32 v28, v25;
	[tilespmem:v43+s24+$0x0] =	vst.idx.msk vm0, v27  }
0x406: {  	[tilespmem:v26+s25+$0x0] =	vst.idx.msk vm0, v32;
	v26 =	vmul.f32 v29, v25  }
0x407: {  	v59 =	vmul.f32 v30, v25;
	[tilespmem:v44+s25+$0x0] =	vst.idx.msk vm0, v28  }
0x408: {  	[tilespmem:v45+s25+$0x0] =	vst.idx.msk vm0, v26;
	v26 =	vmul.f32 v31, v25  }
0x409: {  	v61 =	vmul.f32 v33, v25;
	[tilespmem:v46+s25+$0x0] =	vst.idx.msk vm0, v59  }
0x40a: {  	[tilespmem:v47+s25+$0x0] =	vst.idx.msk vm0, v26;
	v26 =	vmul.f32 v34, v25  }
0x40b: {  	v63 =	vmul.f32 v35, v25;
	[tilespmem:v48+s25+$0x0] =	vst.idx.msk vm0, v61  }
0x40c: {  	v2 =	vmul.f32 v2, v25;
	[tilespmem:v50+s25+$0x0] =	vst.idx.msk vm0, v26  }
0x40d: {  	v3 =	vmul.f32 v3, v25;
	[tilespmem:v52+s25+$0x0] =	vst.idx.msk vm0, v63  }
0x40e: {  	[tilespmem:v54+s25+$0x0] =	vst.idx.msk vm0, v2;
	v2 =	vmul.f32 v5, v25  }
0x40f: {  	[tilespmem:v56+s25+$0x0] =	vst.idx.msk vm0, v3;
	v3 =	vmul.f32 v4, v25  }
0x410: {  	[tilespmem:v58+s25+$0x0] =	vst.idx.msk vm0, v2;
	v2 =	vmul.f32 v9, v25  }
.Ltmp31:
0x411: {  	[tilespmem:v60+s25+$0x0] =	vst.idx.msk vm0, v3;
	v3 =	vmul.f32 v10, v25;
	(pc) =	sbr.rel .LBB2_35-.Ltmp31, $4  }
0x412: {  	[tilespmem:v62+s25+$0x0] =	vst.idx.msk vm0, v2;
	v2 =	vmul.f32 v11, v25  }
0x413: {  	[tilespmem:v0+s25+$0x0] =	vst.idx.msk vm0, v3;
	v0 =	vmul.f32 v27, v25  }
0x414: {  	[tilespmem:v6+s25+$0x0] =	vst.idx.msk vm0, v2  }
0x415: {  	[tilespmem:v43+s25+$0x0] =	vst.idx.msk vm0, v0  }
.LBB2_14:
.Ltmp32:
0x416: {  	(pc) =	sbr.rel .LBB2_17-.Ltmp32, $2  }
0x417: {  	_ =	sdelay $0x2  }
0x418: {  	_ = 	snop  }
.LBB2_39:
0x419: {  	_ =	sfence.sel $0x180000  }
0x41a: {  	[bflag:$0x0] =	sbarrier.arrive $0xFFFF  }
0x41b: {  	_ =	strace $0x90000047  }
0x41c: {  	s0 =	stileid.u32;
	[bflag:$0x2] =	sbarrier.arrive $0xFFFF  }
0x41d: {  	p0 =	sne.s32 s0, $0x0;
	s0 =	rddreg [dreg:$0x6]  }
0x41e: {  	s0 =	sadd.s32 @!p0 $0x100000, s0  }
0x41f: {  	[sflag:s0] =	ssyncadd.tile.s32 @!p0 $0x1;
	_ =	shalt  }
.Lfunc_end2:
_tile_overlayer_lowered:
.L_overlay_start_2:
0x420: {  	(tag) =	ssettag $0x2  }
0x421: {  	s0 =	rddreg [dreg:$0x0];
	s2 =	stileid.u32  }
0x422: {  	s1 =	rddreg [dreg:$0x1];
	p0 =	sne.s32 s2, $0x0  }
0x423: {  	s3 =	rddreg [dreg:$0x2];
	[bflag:$0x3] =	sbarrier.arrive $0xFFFF;
	s2 =	simm.s32 @!p0 $0x1C01  }
0x424: {  	[timem:s3], [sflag:s2] =	dma.local @!p0 [hbm:s0], s1  }
0x425: {  	s0 =	simm.s32 @!p0 $0x1  }
0x426: {  	_ =	swait.ge @!p0 [sflag:s0], s1  }
0x427: {  	s1 =	ssub.s32 @!p0 $0x0, s1;
	[sflag:s0] =	ssyncset.done @!p0 $0x0  }
0x428: {  	[sflag:s0] =	ssyncadd.s32 @!p0 s1  }
0x429: {  	[bflag:$0x3] =	sbarrier.arrive $0xFFFF  }
0x42a: {  	_ =	shalt  }

</sc_bundles>
